<compile_context>
chip_gen: v7x
topology: tpu7x:2x2x1
jax: 0.10.2.dev20260603
libtpu: 0.0.44.dev20260713+nightly
codegen_flags: <defaults>
</compile_context>

<pallas_src>
import functools

import jax
import jax.numpy as jnp
from jax import lax
from jax.experimental import pallas as pl
from jax.experimental.pallas import tpu as pltpu
from jax.experimental.pallas import tpu_sc as plsc

_B = 4096
_F = 26
_V = 1000
_E = 64
_NUM = 13
_L = 3
_D = _F * _E + _NUM
_DP = 1792
_H1, _H2, _H3 = 1024, 512, 256

_NC = 2
_NS = 16
_NW = _NC * _NS
_NCH = 2
_BC = _B // _NCH
_P = _F // 2
_RC = _BC * _P
_RPW = _RC // _NW
_CHUNK = 208
_NCHUNK = _RPW // _CHUNK


@functools.lru_cache(maxsize=1)
def _make_sc_gather():
    mesh = plsc.VectorSubcoreMesh(core_axis_name="c", subcore_axis_name="s")

    @functools.partial(
        pl.kernel,
        mesh=mesh,
        out_type=jax.ShapeDtypeStruct((_RC, 128), jnp.float32),
        scratch_types=[
            pltpu.VMEM((_RPW,), jnp.int32),
            pltpu.VMEM((_RPW,), jnp.int32),
            pltpu.VMEM((_CHUNK, 128), jnp.float32),
            pltpu.VMEM((_CHUNK, 128), jnp.float32),
            pltpu.VMEM((_CHUNK, 128), jnp.float32),
            pltpu.VMEM((_CHUNK, 128), jnp.float32),
            pltpu.SemaphoreType.DMA,
            pltpu.SemaphoreType.DMA,
            pltpu.SemaphoreType.DMA,
            pltpu.SemaphoreType.DMA,
        ],
    )
    def _sc_gather(tab_hbm, idxa_hbm, idxb_hbm, out_hbm,
                   idxa_v, idxb_v, a0, b0, a1, b1, sem0, sem1, osem0, osem1):
        wid = lax.axis_index("s") * _NC + lax.axis_index("c")
        base = wid * _RPW
        pltpu.sync_copy(idxa_hbm.at[pl.ds(base, _RPW)], idxa_v)
        pltpu.sync_copy(idxb_hbm.at[pl.ds(base, _RPW)], idxb_v)
        abufs = (a0, a1)
        bbufs = (b0, b1)
        sems = (sem0, sem1)
        osems = (osem0, osem1)
        cps = [None, None]
        owr = [None, None]

        def start(c):
            slot = c % 2
            if owr[slot] is not None:
                owr[slot].wait()
            cpa = pltpu.async_copy(
                tab_hbm.at[idxa_v.at[pl.ds(c * _CHUNK, _CHUNK)]],
                abufs[slot], sems[slot])
            cpb = pltpu.async_copy(
                tab_hbm.at[idxb_v.at[pl.ds(c * _CHUNK, _CHUNK)]],
                bbufs[slot], sems[slot])
            cps[slot] = (cpa, cpb)

        start(0)
        for c in range(_NCHUNK):
            slot = c % 2
            if c + 1 < _NCHUNK:
                start(c + 1)
            cps[slot][0].wait()
            cps[slot][1].wait()
            ab = abufs[slot]
            bb = bbufs[slot]

            @pl.loop(0, _CHUNK, unroll=8)
            def _(r):
                for k in range(4):
                    ab[r, pl.ds(64 + 16 * k, 16)] = bb[r, pl.ds(16 * k, 16)]

            owr[slot] = pltpu.async_copy(
                ab, out_hbm.at[pl.ds(base + c * _CHUNK, _CHUNK)], osems[slot])
        owr[0].wait()
        owr[1].wait()

    return _sc_gather


_BM = 512


def _dense_block(emb_ref, num_ref, alph_ref, cbias_ref, w1_ref, b1_ref,
                 w2_ref, b2_ref, w3_ref, b3_ref, wct_ref, wcb_ref, bc_ref,
                 out_ref):
    slabs = [emb_ref[p] for p in range(_P)]
    x = jnp.concatenate(slabs + [num_ref[...]], axis=1)
    xb = x.astype(jnp.bfloat16)
    cross = x
    for l in range(_L):
        s = jnp.sum(cross * alph_ref[l][None, :], axis=1, keepdims=True)
        cross = cross * (1.0 + s) + cbias_ref[l][None, :]
    h = jnp.dot(xb, w1_ref[...], preferred_element_type=jnp.float32)
    h = jnp.maximum(h + b1_ref[...], 0.0)
    h = jnp.dot(h.astype(jnp.bfloat16), w2_ref[...],
                preferred_element_type=jnp.float32)
    h = jnp.maximum(h + b2_ref[...], 0.0)
    h = (jnp.dot(h.astype(jnp.bfloat16), w3_ref[...],
                 preferred_element_type=jnp.float32) + b3_ref[...])
    z = (jnp.dot(cross, wct_ref[...], preferred_element_type=jnp.float32)
         + jnp.dot(h, wcb_ref[...], preferred_element_type=jnp.float32)
         + bc_ref[0, 0])
    out_ref[...] = jax.nn.sigmoid(z)


def _dense_call(emb3, nump, alph, cbias, w1p, b1, w2, b2, w3, b3, wct, wcb, bc2):
    nblk = _BC // _BM
    full = lambda shape: pl.BlockSpec(shape, lambda i: (0,) * len(shape))
    return pl.pallas_call(
        _dense_block,
        grid=(nblk,),
        in_specs=[
            pl.BlockSpec((_P, _BM, 128), lambda i: (0, i, 0)),
            pl.BlockSpec((_BM, 128), lambda i: (i, 0)),
            full((_L, _DP)),
            full((_L, _DP)),
            full((_DP, _H1)),
            full((1, _H1)),
            full((_H1, _H2)),
            full((1, _H2)),
            full((_H2, _H3)),
            full((1, _H3)),
            full((_DP, 1)),
            full((_H3, 1)),
            full((1, 1)),
        ],
        out_specs=pl.BlockSpec((_BM, 1), lambda i: (i, 0)),
        out_shape=jax.ShapeDtypeStruct((_BC, 1), jnp.float32),
        compiler_params=pltpu.CompilerParams(
            dimension_semantics=("arbitrary",)),
    )(emb3, nump, alph, cbias, w1p, b1, w2, b2, w3, b3, wct, wcb, bc2)


def kernel(categorical_input, numerical_input, emb_tables, cross_alphas,
           cross_bias, W1, b1, W2, b2, W3, b3, Wc, bc):
    tabp = jnp.pad(emb_tables,
                   ((0, 0), (0, 0), (0, 128 - _E))).reshape(_F * _V, 128)
    offs = (jnp.arange(_F, dtype=jnp.int32) * _V)[:, None]
    idxT = categorical_input.astype(jnp.int32).T + offs
    idxA = idxT[0::2]
    idxB = idxT[1::2]

    pad = _DP - _D
    nump = jnp.pad(numerical_input, ((0, 0), (0, 128 - _NUM)))
    alph = jnp.pad(cross_alphas[:, :, 0], ((0, 0), (0, pad)))
    cbias = jnp.pad(cross_bias, ((0, 0), (0, pad)))
    w1p = jnp.pad(W1.astype(jnp.bfloat16), ((0, pad), (0, 0)))
    wct = jnp.pad(Wc[:_D], ((0, pad), (0, 0)))
    wcb = Wc[_D:]
    w2b = W2.astype(jnp.bfloat16)
    w3b = W3.astype(jnp.bfloat16)

    gather = _make_sc_gather()
    outs = []
    for c in range(_NCH):
        ia = idxA[:, c * _BC:(c + 1) * _BC].reshape(_RC)
        ib = idxB[:, c * _BC:(c + 1) * _BC].reshape(_RC)
        emb3 = gather(tabp, ia, ib).reshape(_P, _BC, 128)
        outs.append(_dense_call(
            emb3, lax.dynamic_slice_in_dim(nump, c * _BC, _BC, 0),
            alph, cbias, w1p, b1.reshape(1, _H1),
            w2b, b2.reshape(1, _H2), w3b, b3.reshape(1, _H3),
            wct, wcb, bc.reshape(1, 1)))
    return jnp.concatenate(outs, axis=0)

# --- scband reference (transcript-rebuilt; emitter-appended) ---
"""Pipeline reference for scband-dcn-89197880803724 (READ-ONLY COPY).

The authoritative reference and input builder live on the scoring server;
editing this copy changes nothing except your own understanding.
"""

import jax, jax.numpy as jnp
import numpy as np

B = 4096
F = 26
V = 1000
E = 64
NUM = 13
L = 3
D = F * E + NUM  # 1677
H1, H2, H3 = 1024, 512, 256


def _lin(k, fin, fout):
    lim = 1.0 / np.sqrt(fin)
    return jax.random.uniform(k, (fin, fout), minval=-lim, maxval=lim, dtype=jnp.float32)


def setup_inputs(seed: int = 0) -> dict:
    key = jax.random.key(seed)
    ks = jax.random.split(key, 12)
    categorical_input = jax.random.randint(ks[0], (B, F), 0, V)
    numerical_input = jax.random.normal(ks[1], (B, NUM), dtype=jnp.float32)
    emb_tables = jax.random.normal(ks[2], (F, V, E), dtype=jnp.float32) * 0.05
    stdv = 1.0 / np.sqrt(D)
    cross_alphas = jax.random.uniform(ks[3], (L, D, 1), minval=-stdv, maxval=stdv, dtype=jnp.float32)
    cross_bias = jnp.zeros((L, D), dtype=jnp.float32)
    W1 = _lin(ks[4], D, H1); b1 = jnp.zeros((H1,), dtype=jnp.float32)
    W2 = _lin(ks[5], H1, H2); b2 = jnp.zeros((H2,), dtype=jnp.float32)
    W3 = _lin(ks[6], H2, H3); b3 = jnp.zeros((H3,), dtype=jnp.float32)
    Wc = _lin(ks[7], D + H3, 1); bc = jnp.zeros((1,), dtype=jnp.float32)
    return {
        'categorical_input': categorical_input,
        'numerical_input': numerical_input,
        'emb_tables': emb_tables,
        'cross_alphas': cross_alphas,
        'cross_bias': cross_bias,
        'W1': W1, 'b1': b1, 'W2': W2, 'b2': b2, 'W3': W3, 'b3': b3,
        'Wc': Wc, 'bc': bc,
    }


def reference(categorical_input, numerical_input, emb_tables, cross_alphas, cross_bias,
              W1, b1, W2, b2, W3, b3, Wc, bc):
    # embedding lookups (gather)
    embedded = [jnp.take(emb_tables[i], categorical_input[:, i], axis=0) for i in range(F)]
    combined = jnp.concatenate(embedded + [numerical_input], axis=1)  # [B, D]
    # cross layers: val = (X X^T) alphas ; computed as X (X^T alphas) by associativity
    # (mathematically identical, avoids materializing the [B, D, D] outer product)
    cross = combined
    for i in range(L):
        bias = cross_bias[i] + cross
        Xe = cross[:, :, None]                                   # [B, D, 1]
        s = jnp.matmul(jnp.transpose(Xe, (0, 2, 1)), cross_alphas[i])  # [B, 1, 1]
        val = jnp.matmul(Xe, s)[:, :, 0]                         # [B, D]
        cross = val + bias
    # MLP (last ReLU popped in original)
    h = jax.nn.relu(jnp.matmul(combined, W1) + b1)
    h = jax.nn.relu(jnp.matmul(h, W2) + b2)
    h = jnp.matmul(h, W3) + b3
    X = jnp.concatenate([cross, h], axis=1)
    return jax.nn.sigmoid(jnp.matmul(X, Wc) + bc)

if __name__ == "__main__":
    import jax
    _d = setup_inputs()
    print(jax.jit(kernel)(*tuple(_d.values())))

</pallas_src>

<mosaic_0001>
#map = affine_map<(d0, d1) -> (0, 0)>
#map1 = affine_map<(d0, d1) -> (0)>
module attributes {stable_mosaic.version = 14 : i64} {
  func.func @_sc_gather(%arg0: i32, %arg1: i32, %arg2: memref<26000x128xf32, #tpu.memory_space<hbm>>, %arg3: memref<26624xi32, #tpu.memory_space<hbm>>, %arg4: memref<26624xi32, #tpu.memory_space<hbm>>, %arg5: memref<26624x128xf32, #tpu.memory_space<hbm>>, %arg6: memref<832xi32, #tpu.memory_space<vmem>>, %arg7: memref<832xi32, #tpu.memory_space<vmem>>, %arg8: memref<208x128xf32, #tpu.memory_space<vmem>>, %arg9: memref<208x128xf32, #tpu.memory_space<vmem>>, %arg10: memref<208x128xf32, #tpu.memory_space<vmem>>, %arg11: memref<208x128xf32, #tpu.memory_space<vmem>>, %arg12: memref<!tpu.dma_semaphore, #tpu.memory_space<semaphore_mem>>, %arg13: memref<!tpu.dma_semaphore, #tpu.memory_space<semaphore_mem>>, %arg14: memref<!tpu.dma_semaphore, #tpu.memory_space<semaphore_mem>>, %arg15: memref<!tpu.dma_semaphore, #tpu.memory_space<semaphore_mem>>) attributes {dimension_semantics = [#tpu.dimension_semantics<core_parallel>, #tpu.dimension_semantics<subcore_parallel>], iteration_bounds = array<i64: 2, 16>, scalar_prefetch = 0 : i64, scratch_operands = 10 : i64, tpu.core_type = #tpu.core_type<sc_vector_subcore>, window_params = [{transform_indices = #map}, {transform_indices = #map1}, {transform_indices = #map1}, {transform_indices = #map}]} {
    %mul3A = arith.constant 2 : i32
    %mul3A_0 = arith.muli %arg1, %mul3A : i32
    %add3A = arith.addi %mul3A_0, %arg0 : i32
    %mul3A_1 = arith.constant 832 : i32
    %mul3A_2 = arith.muli %add3A, %mul3A_1 : i32
    "tpu.region"() ({
      %run_scoped3A = tpu.sem_alloc : memref<!tpu.dma_semaphore, #tpu.memory_space<semaphore_mem>>
      %dma_start3A_140 = tpu.memref_slice %arg3[%mul3A_2] : memref<26624xi32, #tpu.memory_space<hbm>> -> memref<832xi32, #tpu.memory_space<hbm>>
      %dma_start3A_141 = tpu.memref_slice %arg3[%mul3A_2] : memref<26624xi32, #tpu.memory_space<hbm>> -> memref<832xi32, #tpu.memory_space<hbm>>
      tpu.enqueue_dma source(%dma_start3A_141 : memref<832xi32, #tpu.memory_space<hbm>>) target(%arg6 : memref<832xi32, #tpu.memory_space<vmem>>) target_semaphore(%run_scoped3A : memref<!tpu.dma_semaphore, #tpu.memory_space<semaphore_mem>>)
      %dma_wait3A_142 = tpu.memref_slice %arg3[%mul3A_2] : memref<26624xi32, #tpu.memory_space<hbm>> -> memref<832xi32, #tpu.memory_space<hbm>>
      %dma_wait3A_143 = tpu.memref_slice %arg3[%mul3A_2] : memref<26624xi32, #tpu.memory_space<hbm>> -> memref<832xi32, #tpu.memory_space<hbm>>
      tpu.wait_dma2 semaphore(%run_scoped3A : memref<!tpu.dma_semaphore, #tpu.memory_space<semaphore_mem>>) src(%dma_wait3A_143 : memref<832xi32, #tpu.memory_space<hbm>>) dst(%arg6 : memref<832xi32, #tpu.memory_space<vmem>>)
      tpu.yield
    }) : () -> ()
    "tpu.region"() ({
      %run_scoped3A = tpu.sem_alloc : memref<!tpu.dma_semaphore, #tpu.memory_space<semaphore_mem>>
      %dma_start3A_140 = tpu.memref_slice %arg4[%mul3A_2] : memref<26624xi32, #tpu.memory_space<hbm>> -> memref<832xi32, #tpu.memory_space<hbm>>
      %dma_start3A_141 = tpu.memref_slice %arg4[%mul3A_2] : memref<26624xi32, #tpu.memory_space<hbm>> -> memref<832xi32, #tpu.memory_space<hbm>>
      tpu.enqueue_dma source(%dma_start3A_141 : memref<832xi32, #tpu.memory_space<hbm>>) target(%arg7 : memref<832xi32, #tpu.memory_space<vmem>>) target_semaphore(%run_scoped3A : memref<!tpu.dma_semaphore, #tpu.memory_space<semaphore_mem>>)
      %dma_wait3A_142 = tpu.memref_slice %arg4[%mul3A_2] : memref<26624xi32, #tpu.memory_space<hbm>> -> memref<832xi32, #tpu.memory_space<hbm>>
      %dma_wait3A_143 = tpu.memref_slice %arg4[%mul3A_2] : memref<26624xi32, #tpu.memory_space<hbm>> -> memref<832xi32, #tpu.memory_space<hbm>>
      tpu.wait_dma2 semaphore(%run_scoped3A : memref<!tpu.dma_semaphore, #tpu.memory_space<semaphore_mem>>) src(%dma_wait3A_143 : memref<832xi32, #tpu.memory_space<hbm>>) dst(%arg7 : memref<832xi32, #tpu.memory_space<vmem>>)
      tpu.yield
    }) : () -> ()
    %dma_start3A = arith.constant 0 : i32
    %dma_start3A_3 = tpu.memref_slice %arg6[%dma_start3A] : memref<832xi32, #tpu.memory_space<vmem>> -> memref<208xi32, #tpu.memory_space<vmem>>
    %dma_start3A_4 = arith.constant 0 : i32
    %dma_start3A_5 = arith.constant 0 : i32
    %dma_start3A_6 = tpu.memref_slice %arg2[%dma_start3A_4, %dma_start3A_5] : memref<26000x128xf32, #tpu.memory_space<hbm>> -> memref<26000x128xf32, #tpu.memory_space<hbm>>
    tpu.enqueue_indirect_dma source(%dma_start3A_6 : memref<26000x128xf32, #tpu.memory_space<hbm>>) target(%arg8 : memref<208x128xf32, #tpu.memory_space<vmem>>) offsets(%dma_start3A_3 : memref<208xi32, #tpu.memory_space<vmem>>) semaphore(%arg12 : memref<!tpu.dma_semaphore, #tpu.memory_space<semaphore_mem>>)
    %dma_start3A_7 = arith.constant 0 : i32
    %dma_start3A_8 = tpu.memref_slice %arg7[%dma_start3A_7] : memref<832xi32, #tpu.memory_space<vmem>> -> memref<208xi32, #tpu.memory_space<vmem>>
    %dma_start3A_9 = arith.constant 0 : i32
    %dma_start3A_10 = arith.constant 0 : i32
    %dma_start3A_11 = tpu.memref_slice %arg2[%dma_start3A_9, %dma_start3A_10] : memref<26000x128xf32, #tpu.memory_space<hbm>> -> memref<26000x128xf32, #tpu.memory_space<hbm>>
    tpu.enqueue_indirect_dma source(%dma_start3A_11 : memref<26000x128xf32, #tpu.memory_space<hbm>>) target(%arg9 : memref<208x128xf32, #tpu.memory_space<vmem>>) offsets(%dma_start3A_8 : memref<208xi32, #tpu.memory_space<vmem>>) semaphore(%arg12 : memref<!tpu.dma_semaphore, #tpu.memory_space<semaphore_mem>>)
    %dma_start3A_12 = arith.constant 208 : i32
    %dma_start3A_13 = tpu.memref_slice %arg6[%dma_start3A_12] : memref<832xi32, #tpu.memory_space<vmem>> -> memref<208xi32, #tpu.memory_space<vmem>>
    %dma_start3A_14 = arith.constant 0 : i32
    %dma_start3A_15 = arith.constant 0 : i32
    %dma_start3A_16 = tpu.memref_slice %arg2[%dma_start3A_14, %dma_start3A_15] : memref<26000x128xf32, #tpu.memory_space<hbm>> -> memref<26000x128xf32, #tpu.memory_space<hbm>>
    tpu.enqueue_indirect_dma source(%dma_start3A_16 : memref<26000x128xf32, #tpu.memory_space<hbm>>) target(%arg10 : memref<208x128xf32, #tpu.memory_space<vmem>>) offsets(%dma_start3A_13 : memref<208xi32, #tpu.memory_space<vmem>>) semaphore(%arg13 : memref<!tpu.dma_semaphore, #tpu.memory_space<semaphore_mem>>)
    %dma_start3A_17 = arith.constant 208 : i32
    %dma_start3A_18 = tpu.memref_slice %arg7[%dma_start3A_17] : memref<832xi32, #tpu.memory_space<vmem>> -> memref<208xi32, #tpu.memory_space<vmem>>
    %dma_start3A_19 = arith.constant 0 : i32
    %dma_start3A_20 = arith.constant 0 : i32
    %dma_start3A_21 = tpu.memref_slice %arg2[%dma_start3A_19, %dma_start3A_20] : memref<26000x128xf32, #tpu.memory_space<hbm>> -> memref<26000x128xf32, #tpu.memory_space<hbm>>
    tpu.enqueue_indirect_dma source(%dma_start3A_21 : memref<26000x128xf32, #tpu.memory_space<hbm>>) target(%arg11 : memref<208x128xf32, #tpu.memory_space<vmem>>) offsets(%dma_start3A_18 : memref<208xi32, #tpu.memory_space<vmem>>) semaphore(%arg13 : memref<!tpu.dma_semaphore, #tpu.memory_space<semaphore_mem>>)
    %dma_wait3A = arith.constant 0 : i32
    %dma_wait3A_22 = tpu.memref_slice %arg6[%dma_wait3A] : memref<832xi32, #tpu.memory_space<vmem>> -> memref<208xi32, #tpu.memory_space<vmem>>
    %dma_wait3A_23 = arith.constant 0 : i32
    %dma_wait3A_24 = arith.constant 0 : i32
    %dma_wait3A_25 = tpu.memref_slice %arg2[%dma_wait3A_23, %dma_wait3A_24] : memref<26000x128xf32, #tpu.memory_space<hbm>> -> memref<26000x128xf32, #tpu.memory_space<hbm>>
    tpu.wait_indirect_dma semaphore(%arg12 : memref<!tpu.dma_semaphore, #tpu.memory_space<semaphore_mem>>) src(%dma_wait3A_25 : memref<26000x128xf32, #tpu.memory_space<hbm>>) dst(%arg8 : memref<208x128xf32, #tpu.memory_space<vmem>>)
    %dma_wait3A_26 = arith.constant 0 : i32
    %dma_wait3A_27 = tpu.memref_slice %arg7[%dma_wait3A_26] : memref<832xi32, #tpu.memory_space<vmem>> -> memref<208xi32, #tpu.memory_space<vmem>>
    %dma_wait3A_28 = arith.constant 0 : i32
    %dma_wait3A_29 = arith.constant 0 : i32
    %dma_wait3A_30 = tpu.memref_slice %arg2[%dma_wait3A_28, %dma_wait3A_29] : memref<26000x128xf32, #tpu.memory_space<hbm>> -> memref<26000x128xf32, #tpu.memory_space<hbm>>
    tpu.wait_indirect_dma semaphore(%arg12 : memref<!tpu.dma_semaphore, #tpu.memory_space<semaphore_mem>>) src(%dma_wait3A_30 : memref<26000x128xf32, #tpu.memory_space<hbm>>) dst(%arg9 : memref<208x128xf32, #tpu.memory_space<vmem>>)
    %scan3A = arith.constant 0 : i32
    %scan3A_31 = arith.constant 208 : i32
    %scan3A_32 = arith.addi %scan3A, %scan3A_31 : i32
    %scan3A_33 = arith.constant 8 : i32
    scf.for %scan3A_140 = %scan3A to %scan3A_32 step %scan3A_33  : i32 {
      %mul3A_141 = arith.constant 1 : i32
      %mul3A_142 = arith.muli %scan3A_140, %mul3A_141 : i32
      %add3A_143 = arith.constant 0 : i32
      %add3A_144 = arith.addi %add3A_143, %mul3A_142 : i32
      %get3A = arith.index_cast %add3A_144 : i32 to index
      %get3A_145 = arith.constant 0 : index
      %get3A_146 = tpu.vector_load %arg9[%get3A, %get3A_145] {strides = array<i32>} : memref<208x128xf32, #tpu.memory_space<vmem>>, vector<1x16xf32>,
      %get3A_147 = vector.shape_cast %get3A_146 : vector<1x16xf32> to vector<16xf32>
      %swap3A = arith.index_cast %add3A_144 : i32 to index
      %swap3A_148 = arith.constant 64 : index
      %swap3A_149 = tpu.vector_load %arg8[%swap3A, %swap3A_148] {strides = array<i32>} : memref<208x128xf32, #tpu.memory_space<vmem>>, vector<1x16xf32>,
      %swap3A_150 = vector.shape_cast %swap3A_149 : vector<1x16xf32> to vector<16xf32>
      %swap3A_151 = vector.shape_cast %get3A_147 : vector<16xf32> to vector<1x16xf32>
      tpu.vector_store %arg8[%swap3A, %swap3A_148], %swap3A_151 {strides = array<i32>} : memref<208x128xf32, #tpu.memory_space<vmem>>, vector<1x16xf32>,
      %get3A_152 = arith.index_cast %add3A_144 : i32 to index
      %get3A_153 = arith.constant 16 : index
      %get3A_154 = tpu.vector_load %arg9[%get3A_152, %get3A_153] {strides = array<i32>} : memref<208x128xf32, #tpu.memory_space<vmem>>, vector<1x16xf32>,
      %get3A_155 = vector.shape_cast %get3A_154 : vector<1x16xf32> to vector<16xf32>
      %swap3A_156 = arith.index_cast %add3A_144 : i32 to index
      %swap3A_157 = arith.constant 80 : index
      %swap3A_158 = tpu.vector_load %arg8[%swap3A_156, %swap3A_157] {strides = array<i32>} : memref<208x128xf32, #tpu.memory_space<vmem>>, vector<1x16xf32>,
      %swap3A_159 = vector.shape_cast %swap3A_158 : vector<1x16xf32> to vector<16xf32>
      %swap3A_160 = vector.shape_cast %get3A_155 : vector<16xf32> to vector<1x16xf32>
      tpu.vector_store %arg8[%swap3A_156, %swap3A_157], %swap3A_160 {strides = array<i32>} : memref<208x128xf32, #tpu.memory_space<vmem>>, vector<1x16xf32>,
      %get3A_161 = arith.index_cast %add3A_144 : i32 to index
      %get3A_162 = arith.constant 32 : index
      %get3A_163 = tpu.vector_load %arg9[%get3A_161, %get3A_162] {strides = array<i32>} : memref<208x128xf32, #tpu.memory_space<vmem>>, vector<1x16xf32>,
      %get3A_164 = vector.shape_cast %get3A_163 : vector<1x16xf32> to vector<16xf32>
      %swap3A_165 = arith.index_cast %add3A_144 : i32 to index
      %swap3A_166 = arith.constant 96 : index
      %swap3A_167 = tpu.vector_load %arg8[%swap3A_165, %swap3A_166] {strides = array<i32>} : memref<208x128xf32, #tpu.memory_space<vmem>>, vector<1x16xf32>,
      %swap3A_168 = vector.shape_cast %swap3A_167 : vector<1x16xf32> to vector<16xf32>
      %swap3A_169 = vector.shape_cast %get3A_164 : vector<16xf32> to vector<1x16xf32>
      tpu.vector_store %arg8[%swap3A_165, %swap3A_166], %swap3A_169 {strides = array<i32>} : memref<208x128xf32, #tpu.memory_space<vmem>>, vector<1x16xf32>,
      %get3A_170 = arith.index_cast %add3A_144 : i32 to index
      %get3A_171 = arith.constant 48 : index
      %get3A_172 = tpu.vector_load %arg9[%get3A_170, %get3A_171] {strides = array<i32>} : memref<208x128xf32, #tpu.memory_space<vmem>>, vector<1x16xf32>,
      %get3A_173 = vector.shape_cast %get3A_172 : vector<1x16xf32> to vector<16xf32>
      %swap3A_174 = arith.index_cast %add3A_144 : i32 to index
      %swap3A_175 = arith.constant 112 : index
      %swap3A_176 = tpu.vector_load %arg8[%swap3A_174, %swap3A_175] {strides = array<i32>} : memref<208x128xf32, #tpu.memory_space<vmem>>, vector<1x16xf32>,
      %swap3A_177 = vector.shape_cast %swap3A_176 : vector<1x16xf32> to vector<16xf32>
      %swap3A_178 = vector.shape_cast %get3A_173 : vector<16xf32> to vector<1x16xf32>
      tpu.vector_store %arg8[%swap3A_174, %swap3A_175], %swap3A_178 {strides = array<i32>} : memref<208x128xf32, #tpu.memory_space<vmem>>, vector<1x16xf32>,
      %scan3A_179 = arith.constant 1 : i32
      %scan3A_180 = arith.addi %scan3A_140, %scan3A_179 : i32
      %mul3A_181 = arith.constant 1 : i32
      %mul3A_182 = arith.muli %scan3A_180, %mul3A_181 : i32
      %add3A_183 = arith.constant 0 : i32
      %add3A_184 = arith.addi %add3A_183, %mul3A_182 : i32
      %get3A_185 = arith.index_cast %add3A_184 : i32 to index
      %get3A_186 = arith.constant 0 : index
      %get3A_187 = tpu.vector_load %arg9[%get3A_185, %get3A_186] {strides = array<i32>} : memref<208x128xf32, #tpu.memory_space<vmem>>, vector<1x16xf32>,
      %get3A_188 = vector.shape_cast %get3A_187 : vector<1x16xf32> to vector<16xf32>
      %swap3A_189 = arith.index_cast %add3A_184 : i32 to index
      %swap3A_190 = arith.constant 64 : index
      %swap3A_191 = tpu.vector_load %arg8[%swap3A_189, %swap3A_190] {strides = array<i32>} : memref<208x128xf32, #tpu.memory_space<vmem>>, vector<1x16xf32>,
      %swap3A_192 = vector.shape_cast %swap3A_191 : vector<1x16xf32> to vector<16xf32>
      %swap3A_193 = vector.shape_cast %get3A_188 : vector<16xf32> to vector<1x16xf32>
      tpu.vector_store %arg8[%swap3A_189, %swap3A_190], %swap3A_193 {strides = array<i32>} : memref<208x128xf32, #tpu.memory_space<vmem>>, vector<1x16xf32>,
      %get3A_194 = arith.index_cast %add3A_184 : i32 to index
      %get3A_195 = arith.constant 16 : index
      %get3A_196 = tpu.vector_load %arg9[%get3A_194, %get3A_195] {strides = array<i32>} : memref<208x128xf32, #tpu.memory_space<vmem>>, vector<1x16xf32>,
      %get3A_197 = vector.shape_cast %get3A_196 : vector<1x16xf32> to vector<16xf32>
      %swap3A_198 = arith.index_cast %add3A_184 : i32 to index
      %swap3A_199 = arith.constant 80 : index
      %swap3A_200 = tpu.vector_load %arg8[%swap3A_198, %swap3A_199] {strides = array<i32>} : memref<208x128xf32, #tpu.memory_space<vmem>>, vector<1x16xf32>,
      %swap3A_201 = vector.shape_cast %swap3A_200 : vector<1x16xf32> to vector<16xf32>
      %swap3A_202 = vector.shape_cast %get3A_197 : vector<16xf32> to vector<1x16xf32>
      tpu.vector_store %arg8[%swap3A_198, %swap3A_199], %swap3A_202 {strides = array<i32>} : memref<208x128xf32, #tpu.memory_space<vmem>>, vector<1x16xf32>,
      %get3A_203 = arith.index_cast %add3A_184 : i32 to index
      %get3A_204 = arith.constant 32 : index
      %get3A_205 = tpu.vector_load %arg9[%get3A_203, %get3A_204] {strides = array<i32>} : memref<208x128xf32, #tpu.memory_space<vmem>>, vector<1x16xf32>,
      %get3A_206 = vector.shape_cast %get3A_205 : vector<1x16xf32> to vector<16xf32>
      %swap3A_207 = arith.index_cast %add3A_184 : i32 to index
      %swap3A_208 = arith.constant 96 : index
      %swap3A_209 = tpu.vector_load %arg8[%swap3A_207, %swap3A_208] {strides = array<i32>} : memref<208x128xf32, #tpu.memory_space<vmem>>, vector<1x16xf32>,
      %swap3A_210 = vector.shape_cast %swap3A_209 : vector<1x16xf32> to vector<16xf32>
      %swap3A_211 = vector.shape_cast %get3A_206 : vector<16xf32> to vector<1x16xf32>
      tpu.vector_store %arg8[%swap3A_207, %swap3A_208], %swap3A_211 {strides = array<i32>} : memref<208x128xf32, #tpu.memory_space<vmem>>, vector<1x16xf32>,
      %get3A_212 = arith.index_cast %add3A_184 : i32 to index
      %get3A_213 = arith.constant 48 : index
      %get3A_214 = tpu.vector_load %arg9[%get3A_212, %get3A_213] {strides = array<i32>} : memref<208x128xf32, #tpu.memory_space<vmem>>, vector<1x16xf32>,
      %get3A_215 = vector.shape_cast %get3A_214 : vector<1x16xf32> to vector<16xf32>
      %swap3A_216 = arith.index_cast %add3A_184 : i32 to index
      %swap3A_217 = arith.constant 112 : index
      %swap3A_218 = tpu.vector_load %arg8[%swap3A_216, %swap3A_217] {strides = array<i32>} : memref<208x128xf32, #tpu.memory_space<vmem>>, vector<1x16xf32>,
      %swap3A_219 = vector.shape_cast %swap3A_218 : vector<1x16xf32> to vector<16xf32>
      %swap3A_220 = vector.shape_cast %get3A_215 : vector<16xf32> to vector<1x16xf32>
      tpu.vector_store %arg8[%swap3A_216, %swap3A_217], %swap3A_220 {strides = array<i32>} : memref<208x128xf32, #tpu.memory_space<vmem>>, vector<1x16xf32>,
      %scan3A_221 = arith.constant 2 : i32
      %scan3A_222 = arith.addi %scan3A_140, %scan3A_221 : i32
      %mul3A_223 = arith.constant 1 : i32
      %mul3A_224 = arith.muli %scan3A_222, %mul3A_223 : i32
      %add3A_225 = arith.constant 0 : i32
      %add3A_226 = arith.addi %add3A_225, %mul3A_224 : i32
      %get3A_227 = arith.index_cast %add3A_226 : i32 to index
      %get3A_228 = arith.constant 0 : index
      %get3A_229 = tpu.vector_load %arg9[%get3A_227, %get3A_228] {strides = array<i32>} : memref<208x128xf32, #tpu.memory_space<vmem>>, vector<1x16xf32>,
      %get3A_230 = vector.shape_cast %get3A_229 : vector<1x16xf32> to vector<16xf32>
      %swap3A_231 = arith.index_cast %add3A_226 : i32 to index
      %swap3A_232 = arith.constant 64 : index
      %swap3A_233 = tpu.vector_load %arg8[%swap3A_231, %swap3A_232] {strides = array<i32>} : memref<208x128xf32, #tpu.memory_space<vmem>>, vector<1x16xf32>,
      %swap3A_234 = vector.shape_cast %swap3A_233 : vector<1x16xf32> to vector<16xf32>
      %swap3A_235 = vector.shape_cast %get3A_230 : vector<16xf32> to vector<1x16xf32>
      tpu.vector_store %arg8[%swap3A_231, %swap3A_232], %swap3A_235 {strides = array<i32>} : memref<208x128xf32, #tpu.memory_space<vmem>>, vector<1x16xf32>,
      %get3A_236 = arith.index_cast %add3A_226 : i32 to index
      %get3A_237 = arith.constant 16 : index
      %get3A_238 = tpu.vector_load %arg9[%get3A_236, %get3A_237] {strides = array<i32>} : memref<208x128xf32, #tpu.memory_space<vmem>>, vector<1x16xf32>,
      %get3A_239 = vector.shape_cast %get3A_238 : vector<1x16xf32> to vector<16xf32>
      %swap3A_240 = arith.index_cast %add3A_226 : i32 to index
      %swap3A_241 = arith.constant 80 : index
      %swap3A_242 = tpu.vector_load %arg8[%swap3A_240, %swap3A_241] {strides = array<i32>} : memref<208x128xf32, #tpu.memory_space<vmem>>, vector<1x16xf32>,
      %swap3A_243 = vector.shape_cast %swap3A_242 : vector<1x16xf32> to vector<16xf32>
      %swap3A_244 = vector.shape_cast %get3A_239 : vector<16xf32> to vector<1x16xf32>
      tpu.vector_store %arg8[%swap3A_240, %swap3A_241], %swap3A_244 {strides = array<i32>} : memref<208x128xf32, #tpu.memory_space<vmem>>, vector<1x16xf32>,
      %get3A_245 = arith.index_cast %add3A_226 : i32 to index
      %get3A_246 = arith.constant 32 : index
      %get3A_247 = tpu.vector_load %arg9[%get3A_245, %get3A_246] {strides = array<i32>} : memref<208x128xf32, #tpu.memory_space<vmem>>, vector<1x16xf32>,
      %get3A_248 = vector.shape_cast %get3A_247 : vector<1x16xf32> to vector<16xf32>
      %swap3A_249 = arith.index_cast %add3A_226 : i32 to index
      %swap3A_250 = arith.constant 96 : index
      %swap3A_251 = tpu.vector_load %arg8[%swap3A_249, %swap3A_250] {strides = array<i32>} : memref<208x128xf32, #tpu.memory_space<vmem>>, vector<1x16xf32>,
      %swap3A_252 = vector.shape_cast %swap3A_251 : vector<1x16xf32> to vector<16xf32>
      %swap3A_253 = vector.shape_cast %get3A_248 : vector<16xf32> to vector<1x16xf32>
      tpu.vector_store %arg8[%swap3A_249, %swap3A_250], %swap3A_253 {strides = array<i32>} : memref<208x128xf32, #tpu.memory_space<vmem>>, vector<1x16xf32>,
      %get3A_254 = arith.index_cast %add3A_226 : i32 to index
      %get3A_255 = arith.constant 48 : index
      %get3A_256 = tpu.vector_load %arg9[%get3A_254, %get3A_255] {strides = array<i32>} : memref<208x128xf32, #tpu.memory_space<vmem>>, vector<1x16xf32>,
      %get3A_257 = vector.shape_cast %get3A_256 : vector<1x16xf32> to vector<16xf32>
      %swap3A_258 = arith.index_cast %add3A_226 : i32 to index
      %swap3A_259 = arith.constant 112 : index
      %swap3A_260 = tpu.vector_load %arg8[%swap3A_258, %swap3A_259] {strides = array<i32>} : memref<208x128xf32, #tpu.memory_space<vmem>>, vector<1x16xf32>,
      %swap3A_261 = vector.shape_cast %swap3A_260 : vector<1x16xf32> to vector<16xf32>
      %swap3A_262 = vector.shape_cast %get3A_257 : vector<16xf32> to vector<1x16xf32>
      tpu.vector_store %arg8[%swap3A_258, %swap3A_259], %swap3A_262 {strides = array<i32>} : memref<208x128xf32, #tpu.memory_space<vmem>>, vector<1x16xf32>,
      %scan3A_263 = arith.constant 3 : i32
      %scan3A_264 = arith.addi %scan3A_140, %scan3A_263 : i32
      %mul3A_265 = arith.constant 1 : i32
      %mul3A_266 = arith.muli %scan3A_264, %mul3A_265 : i32
      %add3A_267 = arith.constant 0 : i32
      %add3A_268 = arith.addi %add3A_267, %mul3A_266 : i32
      %get3A_269 = arith.index_cast %add3A_268 : i32 to index
      %get3A_270 = arith.constant 0 : index
      %get3A_271 = tpu.vector_load %arg9[%get3A_269, %get3A_270] {strides = array<i32>} : memref<208x128xf32, #tpu.memory_space<vmem>>, vector<1x16xf32>,
      %get3A_272 = vector.shape_cast %get3A_271 : vector<1x16xf32> to vector<16xf32>
      %swap3A_273 = arith.index_cast %add3A_268 : i32 to index
      %swap3A_274 = arith.constant 64 : index
      %swap3A_275 = tpu.vector_load %arg8[%swap3A_273, %swap3A_274] {strides = array<i32>} : memref<208x128xf32, #tpu.memory_space<vmem>>, vector<1x16xf32>,
      %swap3A_276 = vector.shape_cast %swap3A_275 : vector<1x16xf32> to vector<16xf32>
      %swap3A_277 = vector.shape_cast %get3A_272 : vector<16xf32> to vector<1x16xf32>
      tpu.vector_store %arg8[%swap3A_273, %swap3A_274], %swap3A_277 {strides = array<i32>} : memref<208x128xf32, #tpu.memory_space<vmem>>, vector<1x16xf32>,
      %get3A_278 = arith.index_cast %add3A_268 : i32 to index
      %get3A_279 = arith.constant 16 : index
      %get3A_280 = tpu.vector_load %arg9[%get3A_278, %get3A_279] {strides = array<i32>} : memref<208x128xf32, #tpu.memory_space<vmem>>, vector<1x16xf32>,
      %get3A_281 = vector.shape_cast %get3A_280 : vector<1x16xf32> to vector<16xf32>
      %swap3A_282 = arith.index_cast %add3A_268 : i32 to index
      %swap3A_283 = arith.constant 80 : index
      %swap3A_284 = tpu.vector_load %arg8[%swap3A_282, %swap3A_283] {strides = array<i32>} : memref<208x128xf32, #tpu.memory_space<vmem>>, vector<1x16xf32>,
      %swap3A_285 = vector.shape_cast %swap3A_284 : vector<1x16xf32> to vector<16xf32>
      %swap3A_286 = vector.shape_cast %get3A_281 : vector<16xf32> to vector<1x16xf32>
      tpu.vector_store %arg8[%swap3A_282, %swap3A_283], %swap3A_286 {strides = array<i32>} : memref<208x128xf32, #tpu.memory_space<vmem>>, vector<1x16xf32>,
      %get3A_287 = arith.index_cast %add3A_268 : i32 to index
      %get3A_288 = arith.constant 32 : index
      %get3A_289 = tpu.vector_load %arg9[%get3A_287, %get3A_288] {strides = array<i32>} : memref<208x128xf32, #tpu.memory_space<vmem>>, vector<1x16xf32>,
      %get3A_290 = vector.shape_cast %get3A_289 : vector<1x16xf32> to vector<16xf32>
      %swap3A_291 = arith.index_cast %add3A_268 : i32 to index
      %swap3A_292 = arith.constant 96 : index
      %swap3A_293 = tpu.vector_load %arg8[%swap3A_291, %swap3A_292] {strides = array<i32>} : memref<208x128xf32, #tpu.memory_space<vmem>>, vector<1x16xf32>,
      %swap3A_294 = vector.shape_cast %swap3A_293 : vector<1x16xf32> to vector<16xf32>
      %swap3A_295 = vector.shape_cast %get3A_290 : vector<16xf32> to vector<1x16xf32>
      tpu.vector_store %arg8[%swap3A_291, %swap3A_292], %swap3A_295 {strides = array<i32>} : memref<208x128xf32, #tpu.memory_space<vmem>>, vector<1x16xf32>,
      %get3A_296 = arith.index_cast %add3A_268 : i32 to index
      %get3A_297 = arith.constant 48 : index
      %get3A_298 = tpu.vector_load %arg9[%get3A_296, %get3A_297] {strides = array<i32>} : memref<208x128xf32, #tpu.memory_space<vmem>>, vector<1x16xf32>,
      %get3A_299 = vector.shape_cast %get3A_298 : vector<1x16xf32> to vector<16xf32>
      %swap3A_300 = arith.index_cast %add3A_268 : i32 to index
      %swap3A_301 = arith.constant 112 : index
      %swap3A_302 = tpu.vector_load %arg8[%swap3A_300, %swap3A_301] {strides = array<i32>} : memref<208x128xf32, #tpu.memory_space<vmem>>, vector<1x16xf32>,
      %swap3A_303 = vector.shape_cast %swap3A_302 : vector<1x16xf32> to vector<16xf32>
      %swap3A_304 = vector.shape_cast %get3A_299 : vector<16xf32> to vector<1x16xf32>
      tpu.vector_store %arg8[%swap3A_300, %swap3A_301], %swap3A_304 {strides = array<i32>} : memref<208x128xf32, #tpu.memory_space<vmem>>, vector<1x16xf32>,
      %scan3A_305 = arith.constant 4 : i32
      %scan3A_306 = arith.addi %scan3A_140, %scan3A_305 : i32
      %mul3A_307 = arith.constant 1 : i32
      %mul3A_308 = arith.muli %scan3A_306, %mul3A_307 : i32
      %add3A_309 = arith.constant 0 : i32
      %add3A_310 = arith.addi %add3A_309, %mul3A_308 : i32
      %get3A_311 = arith.index_cast %add3A_310 : i32 to index
      %get3A_312 = arith.constant 0 : index
      %get3A_313 = tpu.vector_load %arg9[%get3A_311, %get3A_312] {strides = array<i32>} : memref<208x128xf32, #tpu.memory_space<vmem>>, vector<1x16xf32>,
      %get3A_314 = vector.shape_cast %get3A_313 : vector<1x16xf32> to vector<16xf32>
      %swap3A_315 = arith.index_cast %add3A_310 : i32 to index
      %swap3A_316 = arith.constant 64 : index
      %swap3A_317 = tpu.vector_load %arg8[%swap3A_315, %swap3A_316] {strides = array<i32>} : memref<208x128xf32, #tpu.memory_space<vmem>>, vector<1x16xf32>,
      %swap3A_318 = vector.shape_cast %swap3A_317 : vector<1x16xf32> to vector<16xf32>
      %swap3A_319 = vector.shape_cast %get3A_314 : vector<16xf32> to vector<1x16xf32>
      tpu.vector_store %arg8[%swap3A_315, %swap3A_316], %swap3A_319 {strides = array<i32>} : memref<208x128xf32, #tpu.memory_space<vmem>>, vector<1x16xf32>,
      %get3A_320 = arith.index_cast %add3A_310 : i32 to index
      %get3A_321 = arith.constant 16 : index
      %get3A_322 = tpu.vector_load %arg9[%get3A_320, %get3A_321] {strides = array<i32>} : memref<208x128xf32, #tpu.memory_space<vmem>>, vector<1x16xf32>,
      %get3A_323 = vector.shape_cast %get3A_322 : vector<1x16xf32> to vector<16xf32>
      %swap3A_324 = arith.index_cast %add3A_310 : i32 to index
      %swap3A_325 = arith.constant 80 : index
      %swap3A_326 = tpu.vector_load %arg8[%swap3A_324, %swap3A_325] {strides = array<i32>} : memref<208x128xf32, #tpu.memory_space<vmem>>, vector<1x16xf32>,
      %swap3A_327 = vector.shape_cast %swap3A_326 : vector<1x16xf32> to vector<16xf32>
      %swap3A_328 = vector.shape_cast %get3A_323 : vector<16xf32> to vector<1x16xf32>
      tpu.vector_store %arg8[%swap3A_324, %swap3A_325], %swap3A_328 {strides = array<i32>} : memref<208x128xf32, #tpu.memory_space<vmem>>, vector<1x16xf32>,
      %get3A_329 = arith.index_cast %add3A_310 : i32 to index
      %get3A_330 = arith.constant 32 : index
      %get3A_331 = tpu.vector_load %arg9[%get3A_329, %get3A_330] {strides = array<i32>} : memref<208x128xf32, #tpu.memory_space<vmem>>, vector<1x16xf32>,
      %get3A_332 = vector.shape_cast %get3A_331 : vector<1x16xf32> to vector<16xf32>
      %swap3A_333 = arith.index_cast %add3A_310 : i32 to index
      %swap3A_334 = arith.constant 96 : index
      %swap3A_335 = tpu.vector_load %arg8[%swap3A_333, %swap3A_334] {strides = array<i32>} : memref<208x128xf32, #tpu.memory_space<vmem>>, vector<1x16xf32>,
      %swap3A_336 = vector.shape_cast %swap3A_335 : vector<1x16xf32> to vector<16xf32>
      %swap3A_337 = vector.shape_cast %get3A_332 : vector<16xf32> to vector<1x16xf32>
      tpu.vector_store %arg8[%swap3A_333, %swap3A_334], %swap3A_337 {strides = array<i32>} : memref<208x128xf32, #tpu.memory_space<vmem>>, vector<1x16xf32>,
      %get3A_338 = arith.index_cast %add3A_310 : i32 to index
      %get3A_339 = arith.constant 48 : index
      %get3A_340 = tpu.vector_load %arg9[%get3A_338, %get3A_339] {strides = array<i32>} : memref<208x128xf32, #tpu.memory_space<vmem>>, vector<1x16xf32>,
      %get3A_341 = vector.shape_cast %get3A_340 : vector<1x16xf32> to vector<16xf32>
      %swap3A_342 = arith.index_cast %add3A_310 : i32 to index
      %swap3A_343 = arith.constant 112 : index
      %swap3A_344 = tpu.vector_load %arg8[%swap3A_342, %swap3A_343] {strides = array<i32>} : memref<208x128xf32, #tpu.memory_space<vmem>>, vector<1x16xf32>,
      %swap3A_345 = vector.shape_cast %swap3A_344 : vector<1x16xf32> to vector<16xf32>
      %swap3A_346 = vector.shape_cast %get3A_341 : vector<16xf32> to vector<1x16xf32>
      tpu.vector_store %arg8[%swap3A_342, %swap3A_343], %swap3A_346 {strides = array<i32>} : memref<208x128xf32, #tpu.memory_space<vmem>>, vector<1x16xf32>,
      %scan3A_347 = arith.constant 5 : i32
      %scan3A_348 = arith.addi %scan3A_140, %scan3A_347 : i32
      %mul3A_349 = arith.constant 1 : i32
      %mul3A_350 = arith.muli %scan3A_348, %mul3A_349 : i32
      %add3A_351 = arith.constant 0 : i32
      %add3A_352 = arith.addi %add3A_351, %mul3A_350 : i32
      %get3A_353 = arith.index_cast %add3A_352 : i32 to index
      %get3A_354 = arith.constant 0 : index
      %get3A_355 = tpu.vector_load %arg9[%get3A_353, %get3A_354] {strides = array<i32>} : memref<208x128xf32, #tpu.memory_space<vmem>>, vector<1x16xf32>,
      %get3A_356 = vector.shape_cast %get3A_355 : vector<1x16xf32> to vector<16xf32>
      %swap3A_357 = arith.index_cast %add3A_352 : i32 to index
      %swap3A_358 = arith.constant 64 : index
      %swap3A_359 = tpu.vector_load %arg8[%swap3A_357, %swap3A_358] {strides = array<i32>} : memref<208x128xf32, #tpu.memory_space<vmem>>, vector<1x16xf32>,
      %swap3A_360 = vector.shape_cast %swap3A_359 : vector<1x16xf32> to vector<16xf32>
      %swap3A_361 = vector.shape_cast %get3A_356 : vector<16xf32> to vector<1x16xf32>
      tpu.vector_store %arg8[%swap3A_357, %swap3A_358], %swap3A_361 {strides = array<i32>} : memref<208x128xf32, #tpu.memory_space<vmem>>, vector<1x16xf32>,
      %get3A_362 = arith.index_cast %add3A_352 : i32 to index
      %get3A_363 = arith.constant 16 : index
      %get3A_364 = tpu.vector_load %arg9[%get3A_362, %get3A_363] {strides = array<i32>} : memref<208x128xf32, #tpu.memory_space<vmem>>, vector<1x16xf32>,
      %get3A_365 = vector.shape_cast %get3A_364 : vector<1x16xf32> to vector<16xf32>
      %swap3A_366 = arith.index_cast %add3A_352 : i32 to index
      %swap3A_367 = arith.constant 80 : index
      %swap3A_368 = tpu.vector_load %arg8[%swap3A_366, %swap3A_367] {strides = array<i32>} : memref<208x128xf32, #tpu.memory_space<vmem>>, vector<1x16xf32>,
      %swap3A_369 = vector.shape_cast %swap3A_368 : vector<1x16xf32> to vector<16xf32>
      %swap3A_370 = vector.shape_cast %get3A_365 : vector<16xf32> to vector<1x16xf32>
      tpu.vector_store %arg8[%swap3A_366, %swap3A_367], %swap3A_370 {strides = array<i32>} : memref<208x128xf32, #tpu.memory_space<vmem>>, vector<1x16xf32>,
      %get3A_371 = arith.index_cast %add3A_352 : i32 to index
      %get3A_372 = arith.constant 32 : index
      %get3A_373 = tpu.vector_load %arg9[%get3A_371, %get3A_372] {strides = array<i32>} : memref<208x128xf32, #tpu.memory_space<vmem>>, vector<1x16xf32>,
      %get3A_374 = vector.shape_cast %get3A_373 : vector<1x16xf32> to vector<16xf32>
      %swap3A_375 = arith.index_cast %add3A_352 : i32 to index
      %swap3A_376 = arith.constant 96 : index
      %swap3A_377 = tpu.vector_load %arg8[%swap3A_375, %swap3A_376] {strides = array<i32>} : memref<208x128xf32, #tpu.memory_space<vmem>>, vector<1x16xf32>,
      %swap3A_378 = vector.shape_cast %swap3A_377 : vector<1x16xf32> to vector<16xf32>
      %swap3A_379 = vector.shape_cast %get3A_374 : vector<16xf32> to vector<1x16xf32>
      tpu.vector_store %arg8[%swap3A_375, %swap3A_376], %swap3A_379 {strides = array<i32>} : memref<208x128xf32, #tpu.memory_space<vmem>>, vector<1x16xf32>,
      %get3A_380 = arith.index_cast %add3A_352 : i32 to index
      %get3A_381 = arith.constant 48 : index
      %get3A_382 = tpu.vector_load %arg9[%get3A_380, %get3A_381] {strides = array<i32>} : memref<208x128xf32, #tpu.memory_space<vmem>>, vector<1x16xf32>,
      %get3A_383 = vector.shape_cast %get3A_382 : vector<1x16xf32> to vector<16xf32>
      %swap3A_384 = arith.index_cast %add3A_352 : i32 to index
      %swap3A_385 = arith.constant 112 : index
      %swap3A_386 = tpu.vector_load %arg8[%swap3A_384, %swap3A_385] {strides = array<i32>} : memref<208x128xf32, #tpu.memory_space<vmem>>, vector<1x16xf32>,
      %swap3A_387 = vector.shape_cast %swap3A_386 : vector<1x16xf32> to vector<16xf32>
      %swap3A_388 = vector.shape_cast %get3A_383 : vector<16xf32> to vector<1x16xf32>
      tpu.vector_store %arg8[%swap3A_384, %swap3A_385], %swap3A_388 {strides = array<i32>} : memref<208x128xf32, #tpu.memory_space<vmem>>, vector<1x16xf32>,
      %scan3A_389 = arith.constant 6 : i32
      %scan3A_390 = arith.addi %scan3A_140, %scan3A_389 : i32
      %mul3A_391 = arith.constant 1 : i32
      %mul3A_392 = arith.muli %scan3A_390, %mul3A_391 : i32
      %add3A_393 = arith.constant 0 : i32
      %add3A_394 = arith.addi %add3A_393, %mul3A_392 : i32
      %get3A_395 = arith.index_cast %add3A_394 : i32 to index
      %get3A_396 = arith.constant 0 : index
      %get3A_397 = tpu.vector_load %arg9[%get3A_395, %get3A_396] {strides = array<i32>} : memref<208x128xf32, #tpu.memory_space<vmem>>, vector<1x16xf32>,
      %get3A_398 = vector.shape_cast %get3A_397 : vector<1x16xf32> to vector<16xf32>
      %swap3A_399 = arith.index_cast %add3A_394 : i32 to index
      %swap3A_400 = arith.constant 64 : index
      %swap3A_401 = tpu.vector_load %arg8[%swap3A_399, %swap3A_400] {strides = array<i32>} : memref<208x128xf32, #tpu.memory_space<vmem>>, vector<1x16xf32>,
      %swap3A_402 = vector.shape_cast %swap3A_401 : vector<1x16xf32> to vector<16xf32>
      %swap3A_403 = vector.shape_cast %get3A_398 : vector<16xf32> to vector<1x16xf32>
      tpu.vector_store %arg8[%swap3A_399, %swap3A_400], %swap3A_403 {strides = array<i32>} : memref<208x128xf32, #tpu.memory_space<vmem>>, vector<1x16xf32>,
      %get3A_404 = arith.index_cast %add3A_394 : i32 to index
      %get3A_405 = arith.constant 16 : index
      %get3A_406 = tpu.vector_load %arg9[%get3A_404, %get3A_405] {strides = array<i32>} : memref<208x128xf32, #tpu.memory_space<vmem>>, vector<1x16xf32>,
      %get3A_407 = vector.shape_cast %get3A_406 : vector<1x16xf32> to vector<16xf32>
      %swap3A_408 = arith.index_cast %add3A_394 : i32 to index
      %swap3A_409 = arith.constant 80 : index
      %swap3A_410 = tpu.vector_load %arg8[%swap3A_408, %swap3A_409] {strides = array<i32>} : memref<208x128xf32, #tpu.memory_space<vmem>>, vector<1x16xf32>,
      %swap3A_411 = vector.shape_cast %swap3A_410 : vector<1x16xf32> to vector<16xf32>
      %swap3A_412 = vector.shape_cast %get3A_407 : vector<16xf32> to vector<1x16xf32>
      tpu.vector_store %arg8[%swap3A_408, %swap3A_409], %swap3A_412 {strides = array<i32>} : memref<208x128xf32, #tpu.memory_space<vmem>>, vector<1x16xf32>,
      %get3A_413 = arith.index_cast %add3A_394 : i32 to index
      %get3A_414 = arith.constant 32 : index
      %get3A_415 = tpu.vector_load %arg9[%get3A_413, %get3A_414] {strides = array<i32>} : memref<208x128xf32, #tpu.memory_space<vmem>>, vector<1x16xf32>,
      %get3A_416 = vector.shape_cast %get3A_415 : vector<1x16xf32> to vector<16xf32>
      %swap3A_417 = arith.index_cast %add3A_394 : i32 to index
      %swap3A_418 = arith.constant 96 : index
      %swap3A_419 = tpu.vector_load %arg8[%swap3A_417, %swap3A_418] {strides = array<i32>} : memref<208x128xf32, #tpu.memory_space<vmem>>, vector<1x16xf32>,
      %swap3A_420 = vector.shape_cast %swap3A_419 : vector<1x16xf32> to vector<16xf32>
      %swap3A_421 = vector.shape_cast %get3A_416 : vector<16xf32> to vector<1x16xf32>
      tpu.vector_store %arg8[%swap3A_417, %swap3A_418], %swap3A_421 {strides = array<i32>} : memref<208x128xf32, #tpu.memory_space<vmem>>, vector<1x16xf32>,
      %get3A_422 = arith.index_cast %add3A_394 : i32 to index
      %get3A_423 = arith.constant 48 : index
      %get3A_424 = tpu.vector_load %arg9[%get3A_422, %get3A_423] {strides = array<i32>} : memref<208x128xf32, #tpu.memory_space<vmem>>, vector<1x16xf32>,
      %get3A_425 = vector.shape_cast %get3A_424 : vector<1x16xf32> to vector<16xf32>
      %swap3A_426 = arith.index_cast %add3A_394 : i32 to index
      %swap3A_427 = arith.constant 112 : index
      %swap3A_428 = tpu.vector_load %arg8[%swap3A_426, %swap3A_427] {strides = array<i32>} : memref<208x128xf32, #tpu.memory_space<vmem>>, vector<1x16xf32>,
      %swap3A_429 = vector.shape_cast %swap3A_428 : vector<1x16xf32> to vector<16xf32>
      %swap3A_430 = vector.shape_cast %get3A_425 : vector<16xf32> to vector<1x16xf32>
      tpu.vector_store %arg8[%swap3A_426, %swap3A_427], %swap3A_430 {strides = array<i32>} : memref<208x128xf32, #tpu.memory_space<vmem>>, vector<1x16xf32>,
      %scan3A_431 = arith.constant 7 : i32
      %scan3A_432 = arith.addi %scan3A_140, %scan3A_431 : i32
      %mul3A_433 = arith.constant 1 : i32
      %mul3A_434 = arith.muli %scan3A_432, %mul3A_433 : i32
      %add3A_435 = arith.constant 0 : i32
      %add3A_436 = arith.addi %add3A_435, %mul3A_434 : i32
      %get3A_437 = arith.index_cast %add3A_436 : i32 to index
      %get3A_438 = arith.constant 0 : index
      %get3A_439 = tpu.vector_load %arg9[%get3A_437, %get3A_438] {strides = array<i32>} : memref<208x128xf32, #tpu.memory_space<vmem>>, vector<1x16xf32>,
      %get3A_440 = vector.shape_cast %get3A_439 : vector<1x16xf32> to vector<16xf32>
      %swap3A_441 = arith.index_cast %add3A_436 : i32 to index
      %swap3A_442 = arith.constant 64 : index
      %swap3A_443 = tpu.vector_load %arg8[%swap3A_441, %swap3A_442] {strides = array<i32>} : memref<208x128xf32, #tpu.memory_space<vmem>>, vector<1x16xf32>,
      %swap3A_444 = vector.shape_cast %swap3A_443 : vector<1x16xf32> to vector<16xf32>
      %swap3A_445 = vector.shape_cast %get3A_440 : vector<16xf32> to vector<1x16xf32>
      tpu.vector_store %arg8[%swap3A_441, %swap3A_442], %swap3A_445 {strides = array<i32>} : memref<208x128xf32, #tpu.memory_space<vmem>>, vector<1x16xf32>,
      %get3A_446 = arith.index_cast %add3A_436 : i32 to index
      %get3A_447 = arith.constant 16 : index
      %get3A_448 = tpu.vector_load %arg9[%get3A_446, %get3A_447] {strides = array<i32>} : memref<208x128xf32, #tpu.memory_space<vmem>>, vector<1x16xf32>,
      %get3A_449 = vector.shape_cast %get3A_448 : vector<1x16xf32> to vector<16xf32>
      %swap3A_450 = arith.index_cast %add3A_436 : i32 to index
      %swap3A_451 = arith.constant 80 : index
      %swap3A_452 = tpu.vector_load %arg8[%swap3A_450, %swap3A_451] {strides = array<i32>} : memref<208x128xf32, #tpu.memory_space<vmem>>, vector<1x16xf32>,
      %swap3A_453 = vector.shape_cast %swap3A_452 : vector<1x16xf32> to vector<16xf32>
      %swap3A_454 = vector.shape_cast %get3A_449 : vector<16xf32> to vector<1x16xf32>
      tpu.vector_store %arg8[%swap3A_450, %swap3A_451], %swap3A_454 {strides = array<i32>} : memref<208x128xf32, #tpu.memory_space<vmem>>, vector<1x16xf32>,
      %get3A_455 = arith.index_cast %add3A_436 : i32 to index
      %get3A_456 = arith.constant 32 : index
      %get3A_457 = tpu.vector_load %arg9[%get3A_455, %get3A_456] {strides = array<i32>} : memref<208x128xf32, #tpu.memory_space<vmem>>, vector<1x16xf32>,
      %get3A_458 = vector.shape_cast %get3A_457 : vector<1x16xf32> to vector<16xf32>
      %swap3A_459 = arith.index_cast %add3A_436 : i32 to index
      %swap3A_460 = arith.constant 96 : index
      %swap3A_461 = tpu.vector_load %arg8[%swap3A_459, %swap3A_460] {strides = array<i32>} : memref<208x128xf32, #tpu.memory_space<vmem>>, vector<1x16xf32>,
      %swap3A_462 = vector.shape_cast %swap3A_461 : vector<1x16xf32> to vector<16xf32>
      %swap3A_463 = vector.shape_cast %get3A_458 : vector<16xf32> to vector<1x16xf32>
      tpu.vector_store %arg8[%swap3A_459, %swap3A_460], %swap3A_463 {strides = array<i32>} : memref<208x128xf32, #tpu.memory_space<vmem>>, vector<1x16xf32>,
      %get3A_464 = arith.index_cast %add3A_436 : i32 to index
      %get3A_465 = arith.constant 48 : index
      %get3A_466 = tpu.vector_load %arg9[%get3A_464, %get3A_465] {strides = array<i32>} : memref<208x128xf32, #tpu.memory_space<vmem>>, vector<1x16xf32>,
      %get3A_467 = vector.shape_cast %get3A_466 : vector<1x16xf32> to vector<16xf32>
      %swap3A_468 = arith.index_cast %add3A_436 : i32 to index
      %swap3A_469 = arith.constant 112 : index
      %swap3A_470 = tpu.vector_load %arg8[%swap3A_468, %swap3A_469] {strides = array<i32>} : memref<208x128xf32, #tpu.memory_space<vmem>>, vector<1x16xf32>,
      %swap3A_471 = vector.shape_cast %swap3A_470 : vector<1x16xf32> to vector<16xf32>
      %swap3A_472 = vector.shape_cast %get3A_467 : vector<16xf32> to vector<1x16xf32>
      tpu.vector_store %arg8[%swap3A_468, %swap3A_469], %swap3A_472 {strides = array<i32>} : memref<208x128xf32, #tpu.memory_space<vmem>>, vector<1x16xf32>,
    }
    %scan3A_34 = arith.constant 208 : i32
    %add3A_35 = arith.constant 0 : i32
    %add3A_36 = arith.addi %mul3A_2, %add3A_35 : i32
    %dma_start3A_37 = arith.constant 0 : i32
    %dma_start3A_38 = tpu.memref_slice %arg5[%add3A_36, %dma_start3A_37] : memref<26624x128xf32, #tpu.memory_space<hbm>> -> memref<208x128xf32, #tpu.memory_space<hbm>>
    %dma_start3A_39 = arith.constant 0 : i32
    %dma_start3A_40 = tpu.memref_slice %arg5[%add3A_36, %dma_start3A_39] : memref<26624x128xf32, #tpu.memory_space<hbm>> -> memref<208x128xf32, #tpu.memory_space<hbm>>
    tpu.enqueue_dma source(%arg8 : memref<208x128xf32, #tpu.memory_space<vmem>>) target(%dma_start3A_40 : memref<208x128xf32, #tpu.memory_space<hbm>>) target_semaphore(%arg14 : memref<!tpu.dma_semaphore, #tpu.memory_space<semaphore_mem>>)
    %dma_wait3A_41 = arith.constant 0 : i32
    %dma_wait3A_42 = tpu.memref_slice %arg5[%add3A_36, %dma_wait3A_41] : memref<26624x128xf32, #tpu.memory_space<hbm>> -> memref<208x128xf32, #tpu.memory_space<hbm>>
    %dma_wait3A_43 = arith.constant 0 : i32
    %dma_wait3A_44 = tpu.memref_slice %arg5[%add3A_36, %dma_wait3A_43] : memref<26624x128xf32, #tpu.memory_space<hbm>> -> memref<208x128xf32, #tpu.memory_space<hbm>>
    tpu.wait_dma2 semaphore(%arg14 : memref<!tpu.dma_semaphore, #tpu.memory_space<semaphore_mem>>) src(%arg8 : memref<208x128xf32, #tpu.memory_space<vmem>>) dst(%dma_wait3A_44 : memref<208x128xf32, #tpu.memory_space<hbm>>)
    %dma_start3A_45 = arith.constant 416 : i32
    %dma_start3A_46 = tpu.memref_slice %arg6[%dma_start3A_45] : memref<832xi32, #tpu.memory_space<vmem>> -> memref<208xi32, #tpu.memory_space<vmem>>
    %dma_start3A_47 = arith.constant 0 : i32
    %dma_start3A_48 = arith.constant 0 : i32
    %dma_start3A_49 = tpu.memref_slice %arg2[%dma_start3A_47, %dma_start3A_48] : memref<26000x128xf32, #tpu.memory_space<hbm>> -> memref<26000x128xf32, #tpu.memory_space<hbm>>
    tpu.enqueue_indirect_dma source(%dma_start3A_49 : memref<26000x128xf32, #tpu.memory_space<hbm>>) target(%arg8 : memref<208x128xf32, #tpu.memory_space<vmem>>) offsets(%dma_start3A_46 : memref<208xi32, #tpu.memory_space<vmem>>) semaphore(%arg12 : memref<!tpu.dma_semaphore, #tpu.memory_space<semaphore_mem>>)
    %dma_start3A_50 = arith.constant 416 : i32
    %dma_start3A_51 = tpu.memref_slice %arg7[%dma_start3A_50] : memref<832xi32, #tpu.memory_space<vmem>> -> memref<208xi32, #tpu.memory_space<vmem>>
    %dma_start3A_52 = arith.constant 0 : i32
    %dma_start3A_53 = arith.constant 0 : i32
    %dma_start3A_54 = tpu.memref_slice %arg2[%dma_start3A_52, %dma_start3A_53] : memref<26000x128xf32, #tpu.memory_space<hbm>> -> memref<26000x128xf32, #tpu.memory_space<hbm>>
    tpu.enqueue_indirect_dma source(%dma_start3A_54 : memref<26000x128xf32, #tpu.memory_space<hbm>>) target(%arg9 : memref<208x128xf32, #tpu.memory_space<vmem>>) offsets(%dma_start3A_51 : memref<208xi32, #tpu.memory_space<vmem>>) semaphore(%arg12 : memref<!tpu.dma_semaphore, #tpu.memory_space<semaphore_mem>>)
    %dma_wait3A_55 = arith.constant 208 : i32
    %dma_wait3A_56 = tpu.memref_slice %arg6[%dma_wait3A_55] : memref<832xi32, #tpu.memory_space<vmem>> -> memref<208xi32, #tpu.memory_space<vmem>>
    %dma_wait3A_57 = arith.constant 0 : i32
    %dma_wait3A_58 = arith.constant 0 : i32
    %dma_wait3A_59 = tpu.memref_slice %arg2[%dma_wait3A_57, %dma_wait3A_58] : memref<26000x128xf32, #tpu.memory_space<hbm>> -> memref<26000x128xf32, #tpu.memory_space<hbm>>
    tpu.wait_indirect_dma semaphore(%arg13 : memref<!tpu.dma_semaphore, #tpu.memory_space<semaphore_mem>>) src(%dma_wait3A_59 : memref<26000x128xf32, #tpu.memory_space<hbm>>) dst(%arg10 : memref<208x128xf32, #tpu.memory_space<vmem>>)
    %dma_wait3A_60 = arith.constant 208 : i32
    %dma_wait3A_61 = tpu.memref_slice %arg7[%dma_wait3A_60] : memref<832xi32, #tpu.memory_space<vmem>> -> memref<208xi32, #tpu.memory_space<vmem>>
    %dma_wait3A_62 = arith.constant 0 : i32
    %dma_wait3A_63 = arith.constant 0 : i32
    %dma_wait3A_64 = tpu.memref_slice %arg2[%dma_wait3A_62, %dma_wait3A_63] : memref<26000x128xf32, #tpu.memory_space<hbm>> -> memref<26000x128xf32, #tpu.memory_space<hbm>>
    tpu.wait_indirect_dma semaphore(%arg13 : memref<!tpu.dma_semaphore, #tpu.memory_space<semaphore_mem>>) src(%dma_wait3A_64 : memref<26000x128xf32, #tpu.memory_space<hbm>>) dst(%arg11 : memref<208x128xf32, #tpu.memory_space<vmem>>)
    %scan3A_65 = arith.constant 0 : i32
    %scan3A_66 = arith.constant 208 : i32
    %scan3A_67 = arith.addi %scan3A_65, %scan3A_66 : i32
    %scan3A_68 = arith.constant 8 : i32
    scf.for %scan3A_140 = %scan3A_65 to %scan3A_67 step %scan3A_68  : i32 {
      %mul3A_141 = arith.constant 1 : i32
      %mul3A_142 = arith.muli %scan3A_140, %mul3A_141 : i32
      %add3A_143 = arith.constant 0 : i32
      %add3A_144 = arith.addi %add3A_143, %mul3A_142 : i32
      %get3A = arith.index_cast %add3A_144 : i32 to index
      %get3A_145 = arith.constant 0 : index
      %get3A_146 = tpu.vector_load %arg11[%get3A, %get3A_145] {strides = array<i32>} : memref<208x128xf32, #tpu.memory_space<vmem>>, vector<1x16xf32>,
      %get3A_147 = vector.shape_cast %get3A_146 : vector<1x16xf32> to vector<16xf32>
      %swap3A = arith.index_cast %add3A_144 : i32 to index
      %swap3A_148 = arith.constant 64 : index
      %swap3A_149 = tpu.vector_load %arg10[%swap3A, %swap3A_148] {strides = array<i32>} : memref<208x128xf32, #tpu.memory_space<vmem>>, vector<1x16xf32>,
      %swap3A_150 = vector.shape_cast %swap3A_149 : vector<1x16xf32> to vector<16xf32>
      %swap3A_151 = vector.shape_cast %get3A_147 : vector<16xf32> to vector<1x16xf32>
      tpu.vector_store %arg10[%swap3A, %swap3A_148], %swap3A_151 {strides = array<i32>} : memref<208x128xf32, #tpu.memory_space<vmem>>, vector<1x16xf32>,
      %get3A_152 = arith.index_cast %add3A_144 : i32 to index
      %get3A_153 = arith.constant 16 : index
      %get3A_154 = tpu.vector_load %arg11[%get3A_152, %get3A_153] {strides = array<i32>} : memref<208x128xf32, #tpu.memory_space<vmem>>, vector<1x16xf32>,
      %get3A_155 = vector.shape_cast %get3A_154 : vector<1x16xf32> to vector<16xf32>
      %swap3A_156 = arith.index_cast %add3A_144 : i32 to index
      %swap3A_157 = arith.constant 80 : index
      %swap3A_158 = tpu.vector_load %arg10[%swap3A_156, %swap3A_157] {strides = array<i32>} : memref<208x128xf32, #tpu.memory_space<vmem>>, vector<1x16xf32>,
      %swap3A_159 = vector.shape_cast %swap3A_158 : vector<1x16xf32> to vector<16xf32>
      %swap3A_160 = vector.shape_cast %get3A_155 : vector<16xf32> to vector<1x16xf32>
      tpu.vector_store %arg10[%swap3A_156, %swap3A_157], %swap3A_160 {strides = array<i32>} : memref<208x128xf32, #tpu.memory_space<vmem>>, vector<1x16xf32>,
      %get3A_161 = arith.index_cast %add3A_144 : i32 to index
      %get3A_162 = arith.constant 32 : index
      %get3A_163 = tpu.vector_load %arg11[%get3A_161, %get3A_162] {strides = array<i32>} : memref<208x128xf32, #tpu.memory_space<vmem>>, vector<1x16xf32>,
      %get3A_164 = vector.shape_cast %get3A_163 : vector<1x16xf32> to vector<16xf32>
      %swap3A_165 = arith.index_cast %add3A_144 : i32 to index
      %swap3A_166 = arith.constant 96 : index
      %swap3A_167 = tpu.vector_load %arg10[%swap3A_165, %swap3A_166] {strides = array<i32>} : memref<208x128xf32, #tpu.memory_space<vmem>>, vector<1x16xf32>,
      %swap3A_168 = vector.shape_cast %swap3A_167 : vector<1x16xf32> to vector<16xf32>
      %swap3A_169 = vector.shape_cast %get3A_164 : vector<16xf32> to vector<1x16xf32>
      tpu.vector_store %arg10[%swap3A_165, %swap3A_166], %swap3A_169 {strides = array<i32>} : memref<208x128xf32, #tpu.memory_space<vmem>>, vector<1x16xf32>,
      %get3A_170 = arith.index_cast %add3A_144 : i32 to index
      %get3A_171 = arith.constant 48 : index
      %get3A_172 = tpu.vector_load %arg11[%get3A_170, %get3A_171] {strides = array<i32>} : memref<208x128xf32, #tpu.memory_space<vmem>>, vector<1x16xf32>,
      %get3A_173 = vector.shape_cast %get3A_172 : vector<1x16xf32> to vector<16xf32>
      %swap3A_174 = arith.index_cast %add3A_144 : i32 to index
      %swap3A_175 = arith.constant 112 : index
      %swap3A_176 = tpu.vector_load %arg10[%swap3A_174, %swap3A_175] {strides = array<i32>} : memref<208x128xf32, #tpu.memory_space<vmem>>, vector<1x16xf32>,
      %swap3A_177 = vector.shape_cast %swap3A_176 : vector<1x16xf32> to vector<16xf32>
      %swap3A_178 = vector.shape_cast %get3A_173 : vector<16xf32> to vector<1x16xf32>
      tpu.vector_store %arg10[%swap3A_174, %swap3A_175], %swap3A_178 {strides = array<i32>} : memref<208x128xf32, #tpu.memory_space<vmem>>, vector<1x16xf32>,
      %scan3A_179 = arith.constant 1 : i32
      %scan3A_180 = arith.addi %scan3A_140, %scan3A_179 : i32
      %mul3A_181 = arith.constant 1 : i32
      %mul3A_182 = arith.muli %scan3A_180, %mul3A_181 : i32
      %add3A_183 = arith.constant 0 : i32
      %add3A_184 = arith.addi %add3A_183, %mul3A_182 : i32
      %get3A_185 = arith.index_cast %add3A_184 : i32 to index
      %get3A_186 = arith.constant 0 : index
      %get3A_187 = tpu.vector_load %arg11[%get3A_185, %get3A_186] {strides = array<i32>} : memref<208x128xf32, #tpu.memory_space<vmem>>, vector<1x16xf32>,
      %get3A_188 = vector.shape_cast %get3A_187 : vector<1x16xf32> to vector<16xf32>
      %swap3A_189 = arith.index_cast %add3A_184 : i32 to index
      %swap3A_190 = arith.constant 64 : index
      %swap3A_191 = tpu.vector_load %arg10[%swap3A_189, %swap3A_190] {strides = array<i32>} : memref<208x128xf32, #tpu.memory_space<vmem>>, vector<1x16xf32>,
      %swap3A_192 = vector.shape_cast %swap3A_191 : vector<1x16xf32> to vector<16xf32>
      %swap3A_193 = vector.shape_cast %get3A_188 : vector<16xf32> to vector<1x16xf32>
      tpu.vector_store %arg10[%swap3A_189, %swap3A_190], %swap3A_193 {strides = array<i32>} : memref<208x128xf32, #tpu.memory_space<vmem>>, vector<1x16xf32>,
      %get3A_194 = arith.index_cast %add3A_184 : i32 to index
      %get3A_195 = arith.constant 16 : index
      %get3A_196 = tpu.vector_load %arg11[%get3A_194, %get3A_195] {strides = array<i32>} : memref<208x128xf32, #tpu.memory_space<vmem>>, vector<1x16xf32>,
      %get3A_197 = vector.shape_cast %get3A_196 : vector<1x16xf32> to vector<16xf32>
      %swap3A_198 = arith.index_cast %add3A_184 : i32 to index
      %swap3A_199 = arith.constant 80 : index
      %swap3A_200 = tpu.vector_load %arg10[%swap3A_198, %swap3A_199] {strides = array<i32>} : memref<208x128xf32, #tpu.memory_space<vmem>>, vector<1x16xf32>,
      %swap3A_201 = vector.shape_cast %swap3A_200 : vector<1x16xf32> to vector<16xf32>
      %swap3A_202 = vector.shape_cast %get3A_197 : vector<16xf32> to vector<1x16xf32>
      tpu.vector_store %arg10[%swap3A_198, %swap3A_199], %swap3A_202 {strides = array<i32>} : memref<208x128xf32, #tpu.memory_space<vmem>>, vector<1x16xf32>,
      %get3A_203 = arith.index_cast %add3A_184 : i32 to index
      %get3A_204 = arith.constant 32 : index
      %get3A_205 = tpu.vector_load %arg11[%get3A_203, %get3A_204] {strides = array<i32>} : memref<208x128xf32, #tpu.memory_space<vmem>>, vector<1x16xf32>,
      %get3A_206 = vector.shape_cast %get3A_205 : vector<1x16xf32> to vector<16xf32>
      %swap3A_207 = arith.index_cast %add3A_184 : i32 to index
      %swap3A_208 = arith.constant 96 : index
      %swap3A_209 = tpu.vector_load %arg10[%swap3A_207, %swap3A_208] {strides = array<i32>} : memref<208x128xf32, #tpu.memory_space<vmem>>, vector<1x16xf32>,
      %swap3A_210 = vector.shape_cast %swap3A_209 : vector<1x16xf32> to vector<16xf32>
      %swap3A_211 = vector.shape_cast %get3A_206 : vector<16xf32> to vector<1x16xf32>
      tpu.vector_store %arg10[%swap3A_207, %swap3A_208], %swap3A_211 {strides = array<i32>} : memref<208x128xf32, #tpu.memory_space<vmem>>, vector<1x16xf32>,
      %get3A_212 = arith.index_cast %add3A_184 : i32 to index
      %get3A_213 = arith.constant 48 : index
      %get3A_214 = tpu.vector_load %arg11[%get3A_212, %get3A_213] {strides = array<i32>} : memref<208x128xf32, #tpu.memory_space<vmem>>, vector<1x16xf32>,
      %get3A_215 = vector.shape_cast %get3A_214 : vector<1x16xf32> to vector<16xf32>
      %swap3A_216 = arith.index_cast %add3A_184 : i32 to index
      %swap3A_217 = arith.constant 112 : index
      %swap3A_218 = tpu.vector_load %arg10[%swap3A_216, %swap3A_217] {strides = array<i32>} : memref<208x128xf32, #tpu.memory_space<vmem>>, vector<1x16xf32>,
      %swap3A_219 = vector.shape_cast %swap3A_218 : vector<1x16xf32> to vector<16xf32>
      %swap3A_220 = vector.shape_cast %get3A_215 : vector<16xf32> to vector<1x16xf32>
      tpu.vector_store %arg10[%swap3A_216, %swap3A_217], %swap3A_220 {strides = array<i32>} : memref<208x128xf32, #tpu.memory_space<vmem>>, vector<1x16xf32>,
      %scan3A_221 = arith.constant 2 : i32
      %scan3A_222 = arith.addi %scan3A_140, %scan3A_221 : i32
      %mul3A_223 = arith.constant 1 : i32
      %mul3A_224 = arith.muli %scan3A_222, %mul3A_223 : i32
      %add3A_225 = arith.constant 0 : i32
      %add3A_226 = arith.addi %add3A_225, %mul3A_224 : i32
      %get3A_227 = arith.index_cast %add3A_226 : i32 to index
      %get3A_228 = arith.constant 0 : index
      %get3A_229 = tpu.vector_load %arg11[%get3A_227, %get3A_228] {strides = array<i32>} : memref<208x128xf32, #tpu.memory_space<vmem>>, vector<1x16xf32>,
      %get3A_230 = vector.shape_cast %get3A_229 : vector<1x16xf32> to vector<16xf32>
      %swap3A_231 = arith.index_cast %add3A_226 : i32 to index
      %swap3A_232 = arith.constant 64 : index
      %swap3A_233 = tpu.vector_load %arg10[%swap3A_231, %swap3A_232] {strides = array<i32>} : memref<208x128xf32, #tpu.memory_space<vmem>>, vector<1x16xf32>,
      %swap3A_234 = vector.shape_cast %swap3A_233 : vector<1x16xf32> to vector<16xf32>
      %swap3A_235 = vector.shape_cast %get3A_230 : vector<16xf32> to vector<1x16xf32>
      tpu.vector_store %arg10[%swap3A_231, %swap3A_232], %swap3A_235 {strides = array<i32>} : memref<208x128xf32, #tpu.memory_space<vmem>>, vector<1x16xf32>,
      %get3A_236 = arith.index_cast %add3A_226 : i32 to index
      %get3A_237 = arith.constant 16 : index
      %get3A_238 = tpu.vector_load %arg11[%get3A_236, %get3A_237] {strides = array<i32>} : memref<208x128xf32, #tpu.memory_space<vmem>>, vector<1x16xf32>,
      %get3A_239 = vector.shape_cast %get3A_238 : vector<1x16xf32> to vector<16xf32>
      %swap3A_240 = arith.index_cast %add3A_226 : i32 to index
      %swap3A_241 = arith.constant 80 : index
      %swap3A_242 = tpu.vector_load %arg10[%swap3A_240, %swap3A_241] {strides = array<i32>} : memref<208x128xf32, #tpu.memory_space<vmem>>, vector<1x16xf32>,
      %swap3A_243 = vector.shape_cast %swap3A_242 : vector<1x16xf32> to vector<16xf32>
      %swap3A_244 = vector.shape_cast %get3A_239 : vector<16xf32> to vector<1x16xf32>
      tpu.vector_store %arg10[%swap3A_240, %swap3A_241], %swap3A_244 {strides = array<i32>} : memref<208x128xf32, #tpu.memory_space<vmem>>, vector<1x16xf32>,
      %get3A_245 = arith.index_cast %add3A_226 : i32 to index
      %get3A_246 = arith.constant 32 : index
      %get3A_247 = tpu.vector_load %arg11[%get3A_245, %get3A_246] {strides = array<i32>} : memref<208x128xf32, #tpu.memory_space<vmem>>, vector<1x16xf32>,
      %get3A_248 = vector.shape_cast %get3A_247 : vector<1x16xf32> to vector<16xf32>
      %swap3A_249 = arith.index_cast %add3A_226 : i32 to index
      %swap3A_250 = arith.constant 96 : index
      %swap3A_251 = tpu.vector_load %arg10[%swap3A_249, %swap3A_250] {strides = array<i32>} : memref<208x128xf32, #tpu.memory_space<vmem>>, vector<1x16xf32>,
      %swap3A_252 = vector.shape_cast %swap3A_251 : vector<1x16xf32> to vector<16xf32>
      %swap3A_253 = vector.shape_cast %get3A_248 : vector<16xf32> to vector<1x16xf32>
      tpu.vector_store %arg10[%swap3A_249, %swap3A_250], %swap3A_253 {strides = array<i32>} : memref<208x128xf32, #tpu.memory_space<vmem>>, vector<1x16xf32>,
      %get3A_254 = arith.index_cast %add3A_226 : i32 to index
      %get3A_255 = arith.constant 48 : index
      %get3A_256 = tpu.vector_load %arg11[%get3A_254, %get3A_255] {strides = array<i32>} : memref<208x128xf32, #tpu.memory_space<vmem>>, vector<1x16xf32>,
      %get3A_257 = vector.shape_cast %get3A_256 : vector<1x16xf32> to vector<16xf32>
      %swap3A_258 = arith.index_cast %add3A_226 : i32 to index
      %swap3A_259 = arith.constant 112 : index
      %swap3A_260 = tpu.vector_load %arg10[%swap3A_258, %swap3A_259] {strides = array<i32>} : memref<208x128xf32, #tpu.memory_space<vmem>>, vector<1x16xf32>,
      %swap3A_261 = vector.shape_cast %swap3A_260 : vector<1x16xf32> to vector<16xf32>
      %swap3A_262 = vector.shape_cast %get3A_257 : vector<16xf32> to vector<1x16xf32>
      tpu.vector_store %arg10[%swap3A_258, %swap3A_259], %swap3A_262 {strides = array<i32>} : memref<208x128xf32, #tpu.memory_space<vmem>>, vector<1x16xf32>,
      %scan3A_263 = arith.constant 3 : i32
      %scan3A_264 = arith.addi %scan3A_140, %scan3A_263 : i32
      %mul3A_265 = arith.constant 1 : i32
      %mul3A_266 = arith.muli %scan3A_264, %mul3A_265 : i32
      %add3A_267 = arith.constant 0 : i32
      %add3A_268 = arith.addi %add3A_267, %mul3A_266 : i32
      %get3A_269 = arith.index_cast %add3A_268 : i32 to index
      %get3A_270 = arith.constant 0 : index
      %get3A_271 = tpu.vector_load %arg11[%get3A_269, %get3A_270] {strides = array<i32>} : memref<208x128xf32, #tpu.memory_space<vmem>>, vector<1x16xf32>,
      %get3A_272 = vector.shape_cast %get3A_271 : vector<1x16xf32> to vector<16xf32>
      %swap3A_273 = arith.index_cast %add3A_268 : i32 to index
      %swap3A_274 = arith.constant 64 : index
      %swap3A_275 = tpu.vector_load %arg10[%swap3A_273, %swap3A_274] {strides = array<i32>} : memref<208x128xf32, #tpu.memory_space<vmem>>, vector<1x16xf32>,
      %swap3A_276 = vector.shape_cast %swap3A_275 : vector<1x16xf32> to vector<16xf32>
      %swap3A_277 = vector.shape_cast %get3A_272 : vector<16xf32> to vector<1x16xf32>
      tpu.vector_store %arg10[%swap3A_273, %swap3A_274], %swap3A_277 {strides = array<i32>} : memref<208x128xf32, #tpu.memory_space<vmem>>, vector<1x16xf32>,
      %get3A_278 = arith.index_cast %add3A_268 : i32 to index
      %get3A_279 = arith.constant 16 : index
      %get3A_280 = tpu.vector_load %arg11[%get3A_278, %get3A_279] {strides = array<i32>} : memref<208x128xf32, #tpu.memory_space<vmem>>, vector<1x16xf32>,
      %get3A_281 = vector.shape_cast %get3A_280 : vector<1x16xf32> to vector<16xf32>
      %swap3A_282 = arith.index_cast %add3A_268 : i32 to index
      %swap3A_283 = arith.constant 80 : index
      %swap3A_284 = tpu.vector_load %arg10[%swap3A_282, %swap3A_283] {strides = array<i32>} : memref<208x128xf32, #tpu.memory_space<vmem>>, vector<1x16xf32>,
      %swap3A_285 = vector.shape_cast %swap3A_284 : vector<1x16xf32> to vector<16xf32>
      %swap3A_286 = vector.shape_cast %get3A_281 : vector<16xf32> to vector<1x16xf32>
      tpu.vector_store %arg10[%swap3A_282, %swap3A_283], %swap3A_286 {strides = array<i32>} : memref<208x128xf32, #tpu.memory_space<vmem>>, vector<1x16xf32>,
      %get3A_287 = arith.index_cast %add3A_268 : i32 to index
      %get3A_288 = arith.constant 32 : index
      %get3A_289 = tpu.vector_load %arg11[%get3A_287, %get3A_288] {strides = array<i32>} : memref<208x128xf32, #tpu.memory_space<vmem>>, vector<1x16xf32>,
      %get3A_290 = vector.shape_cast %get3A_289 : vector<1x16xf32> to vector<16xf32>
      %swap3A_291 = arith.index_cast %add3A_268 : i32 to index
      %swap3A_292 = arith.constant 96 : index
      %swap3A_293 = tpu.vector_load %arg10[%swap3A_291, %swap3A_292] {strides = array<i32>} : memref<208x128xf32, #tpu.memory_space<vmem>>, vector<1x16xf32>,
      %swap3A_294 = vector.shape_cast %swap3A_293 : vector<1x16xf32> to vector<16xf32>
      %swap3A_295 = vector.shape_cast %get3A_290 : vector<16xf32> to vector<1x16xf32>
      tpu.vector_store %arg10[%swap3A_291, %swap3A_292], %swap3A_295 {strides = array<i32>} : memref<208x128xf32, #tpu.memory_space<vmem>>, vector<1x16xf32>,
      %get3A_296 = arith.index_cast %add3A_268 : i32 to index
      %get3A_297 = arith.constant 48 : index
      %get3A_298 = tpu.vector_load %arg11[%get3A_296, %get3A_297] {strides = array<i32>} : memref<208x128xf32, #tpu.memory_space<vmem>>, vector<1x16xf32>,
      %get3A_299 = vector.shape_cast %get3A_298 : vector<1x16xf32> to vector<16xf32>
      %swap3A_300 = arith.index_cast %add3A_268 : i32 to index
      %swap3A_301 = arith.constant 112 : index
      %swap3A_302 = tpu.vector_load %arg10[%swap3A_300, %swap3A_301] {strides = array<i32>} : memref<208x128xf32, #tpu.memory_space<vmem>>, vector<1x16xf32>,
      %swap3A_303 = vector.shape_cast %swap3A_302 : vector<1x16xf32> to vector<16xf32>
      %swap3A_304 = vector.shape_cast %get3A_299 : vector<16xf32> to vector<1x16xf32>
      tpu.vector_store %arg10[%swap3A_300, %swap3A_301], %swap3A_304 {strides = array<i32>} : memref<208x128xf32, #tpu.memory_space<vmem>>, vector<1x16xf32>,
      %scan3A_305 = arith.constant 4 : i32
      %scan3A_306 = arith.addi %scan3A_140, %scan3A_305 : i32
      %mul3A_307 = arith.constant 1 : i32
      %mul3A_308 = arith.muli %scan3A_306, %mul3A_307 : i32
      %add3A_309 = arith.constant 0 : i32
      %add3A_310 = arith.addi %add3A_309, %mul3A_308 : i32
      %get3A_311 = arith.index_cast %add3A_310 : i32 to index
      %get3A_312 = arith.constant 0 : index
      %get3A_313 = tpu.vector_load %arg11[%get3A_311, %get3A_312] {strides = array<i32>} : memref<208x128xf32, #tpu.memory_space<vmem>>, vector<1x16xf32>,
      %get3A_314 = vector.shape_cast %get3A_313 : vector<1x16xf32> to vector<16xf32>
      %swap3A_315 = arith.index_cast %add3A_310 : i32 to index
      %swap3A_316 = arith.constant 64 : index
      %swap3A_317 = tpu.vector_load %arg10[%swap3A_315, %swap3A_316] {strides = array<i32>} : memref<208x128xf32, #tpu.memory_space<vmem>>, vector<1x16xf32>,
      %swap3A_318 = vector.shape_cast %swap3A_317 : vector<1x16xf32> to vector<16xf32>
      %swap3A_319 = vector.shape_cast %get3A_314 : vector<16xf32> to vector<1x16xf32>
      tpu.vector_store %arg10[%swap3A_315, %swap3A_316], %swap3A_319 {strides = array<i32>} : memref<208x128xf32, #tpu.memory_space<vmem>>, vector<1x16xf32>,
      %get3A_320 = arith.index_cast %add3A_310 : i32 to index
      %get3A_321 = arith.constant 16 : index
      %get3A_322 = tpu.vector_load %arg11[%get3A_320, %get3A_321] {strides = array<i32>} : memref<208x128xf32, #tpu.memory_space<vmem>>, vector<1x16xf32>,
      %get3A_323 = vector.shape_cast %get3A_322 : vector<1x16xf32> to vector<16xf32>
      %swap3A_324 = arith.index_cast %add3A_310 : i32 to index
      %swap3A_325 = arith.constant 80 : index
      %swap3A_326 = tpu.vector_load %arg10[%swap3A_324, %swap3A_325] {strides = array<i32>} : memref<208x128xf32, #tpu.memory_space<vmem>>, vector<1x16xf32>,
      %swap3A_327 = vector.shape_cast %swap3A_326 : vector<1x16xf32> to vector<16xf32>
      %swap3A_328 = vector.shape_cast %get3A_323 : vector<16xf32> to vector<1x16xf32>
      tpu.vector_store %arg10[%swap3A_324, %swap3A_325], %swap3A_328 {strides = array<i32>} : memref<208x128xf32, #tpu.memory_space<vmem>>, vector<1x16xf32>,
      %get3A_329 = arith.index_cast %add3A_310 : i32 to index
      %get3A_330 = arith.constant 32 : index
      %get3A_331 = tpu.vector_load %arg11[%get3A_329, %get3A_330] {strides = array<i32>} : memref<208x128xf32, #tpu.memory_space<vmem>>, vector<1x16xf32>,
      %get3A_332 = vector.shape_cast %get3A_331 : vector<1x16xf32> to vector<16xf32>
      %swap3A_333 = arith.index_cast %add3A_310 : i32 to index
      %swap3A_334 = arith.constant 96 : index
      %swap3A_335 = tpu.vector_load %arg10[%swap3A_333, %swap3A_334] {strides = array<i32>} : memref<208x128xf32, #tpu.memory_space<vmem>>, vector<1x16xf32>,
      %swap3A_336 = vector.shape_cast %swap3A_335 : vector<1x16xf32> to vector<16xf32>
      %swap3A_337 = vector.shape_cast %get3A_332 : vector<16xf32> to vector<1x16xf32>
      tpu.vector_store %arg10[%swap3A_333, %swap3A_334], %swap3A_337 {strides = array<i32>} : memref<208x128xf32, #tpu.memory_space<vmem>>, vector<1x16xf32>,
      %get3A_338 = arith.index_cast %add3A_310 : i32 to index
      %get3A_339 = arith.constant 48 : index
      %get3A_340 = tpu.vector_load %arg11[%get3A_338, %get3A_339] {strides = array<i32>} : memref<208x128xf32, #tpu.memory_space<vmem>>, vector<1x16xf32>,
      %get3A_341 = vector.shape_cast %get3A_340 : vector<1x16xf32> to vector<16xf32>
      %swap3A_342 = arith.index_cast %add3A_310 : i32 to index
      %swap3A_343 = arith.constant 112 : index
      %swap3A_344 = tpu.vector_load %arg10[%swap3A_342, %swap3A_343] {strides = array<i32>} : memref<208x128xf32, #tpu.memory_space<vmem>>, vector<1x16xf32>,
      %swap3A_345 = vector.shape_cast %swap3A_344 : vector<1x16xf32> to vector<16xf32>
      %swap3A_346 = vector.shape_cast %get3A_341 : vector<16xf32> to vector<1x16xf32>
      tpu.vector_store %arg10[%swap3A_342, %swap3A_343], %swap3A_346 {strides = array<i32>} : memref<208x128xf32, #tpu.memory_space<vmem>>, vector<1x16xf32>,
      %scan3A_347 = arith.constant 5 : i32
      %scan3A_348 = arith.addi %scan3A_140, %scan3A_347 : i32
      %mul3A_349 = arith.constant 1 : i32
      %mul3A_350 = arith.muli %scan3A_348, %mul3A_349 : i32
      %add3A_351 = arith.constant 0 : i32
      %add3A_352 = arith.addi %add3A_351, %mul3A_350 : i32
      %get3A_353 = arith.index_cast %add3A_352 : i32 to index
      %get3A_354 = arith.constant 0 : index
      %get3A_355 = tpu.vector_load %arg11[%get3A_353, %get3A_354] {strides = array<i32>} : memref<208x128xf32, #tpu.memory_space<vmem>>, vector<1x16xf32>,
      %get3A_356 = vector.shape_cast %get3A_355 : vector<1x16xf32> to vector<16xf32>
      %swap3A_357 = arith.index_cast %add3A_352 : i32 to index
      %swap3A_358 = arith.constant 64 : index
      %swap3A_359 = tpu.vector_load %arg10[%swap3A_357, %swap3A_358] {strides = array<i32>} : memref<208x128xf32, #tpu.memory_space<vmem>>, vector<1x16xf32>,
      %swap3A_360 = vector.shape_cast %swap3A_359 : vector<1x16xf32> to vector<16xf32>
      %swap3A_361 = vector.shape_cast %get3A_356 : vector<16xf32> to vector<1x16xf32>
      tpu.vector_store %arg10[%swap3A_357, %swap3A_358], %swap3A_361 {strides = array<i32>} : memref<208x128xf32, #tpu.memory_space<vmem>>, vector<1x16xf32>,
      %get3A_362 = arith.index_cast %add3A_352 : i32 to index
      %get3A_363 = arith.constant 16 : index
      %get3A_364 = tpu.vector_load %arg11[%get3A_362, %get3A_363] {strides = array<i32>} : memref<208x128xf32, #tpu.memory_space<vmem>>, vector<1x16xf32>,
      %get3A_365 = vector.shape_cast %get3A_364 : vector<1x16xf32> to vector<16xf32>
      %swap3A_366 = arith.index_cast %add3A_352 : i32 to index
      %swap3A_367 = arith.constant 80 : index
      %swap3A_368 = tpu.vector_load %arg10[%swap3A_366, %swap3A_367] {strides = array<i32>} : memref<208x128xf32, #tpu.memory_space<vmem>>, vector<1x16xf32>,
      %swap3A_369 = vector.shape_cast %swap3A_368 : vector<1x16xf32> to vector<16xf32>
      %swap3A_370 = vector.shape_cast %get3A_365 : vector<16xf32> to vector<1x16xf32>
      tpu.vector_store %arg10[%swap3A_366, %swap3A_367], %swap3A_370 {strides = array<i32>} : memref<208x128xf32, #tpu.memory_space<vmem>>, vector<1x16xf32>,
      %get3A_371 = arith.index_cast %add3A_352 : i32 to index
      %get3A_372 = arith.constant 32 : index
      %get3A_373 = tpu.vector_load %arg11[%get3A_371, %get3A_372] {strides = array<i32>} : memref<208x128xf32, #tpu.memory_space<vmem>>, vector<1x16xf32>,
      %get3A_374 = vector.shape_cast %get3A_373 : vector<1x16xf32> to vector<16xf32>
      %swap3A_375 = arith.index_cast %add3A_352 : i32 to index
      %swap3A_376 = arith.constant 96 : index
      %swap3A_377 = tpu.vector_load %arg10[%swap3A_375, %swap3A_376] {strides = array<i32>} : memref<208x128xf32, #tpu.memory_space<vmem>>, vector<1x16xf32>,
      %swap3A_378 = vector.shape_cast %swap3A_377 : vector<1x16xf32> to vector<16xf32>
      %swap3A_379 = vector.shape_cast %get3A_374 : vector<16xf32> to vector<1x16xf32>
      tpu.vector_store %arg10[%swap3A_375, %swap3A_376], %swap3A_379 {strides = array<i32>} : memref<208x128xf32, #tpu.memory_space<vmem>>, vector<1x16xf32>,
      %get3A_380 = arith.index_cast %add3A_352 : i32 to index
      %get3A_381 = arith.constant 48 : index
      %get3A_382 = tpu.vector_load %arg11[%get3A_380, %get3A_381] {strides = array<i32>} : memref<208x128xf32, #tpu.memory_space<vmem>>, vector<1x16xf32>,
      %get3A_383 = vector.shape_cast %get3A_382 : vector<1x16xf32> to vector<16xf32>
      %swap3A_384 = arith.index_cast %add3A_352 : i32 to index
      %swap3A_385 = arith.constant 112 : index
      %swap3A_386 = tpu.vector_load %arg10[%swap3A_384, %swap3A_385] {strides = array<i32>} : memref<208x128xf32, #tpu.memory_space<vmem>>, vector<1x16xf32>,
      %swap3A_387 = vector.shape_cast %swap3A_386 : vector<1x16xf32> to vector<16xf32>
      %swap3A_388 = vector.shape_cast %get3A_383 : vector<16xf32> to vector<1x16xf32>
      tpu.vector_store %arg10[%swap3A_384, %swap3A_385], %swap3A_388 {strides = array<i32>} : memref<208x128xf32, #tpu.memory_space<vmem>>, vector<1x16xf32>,
      %scan3A_389 = arith.constant 6 : i32
      %scan3A_390 = arith.addi %scan3A_140, %scan3A_389 : i32
      %mul3A_391 = arith.constant 1 : i32
      %mul3A_392 = arith.muli %scan3A_390, %mul3A_391 : i32
      %add3A_393 = arith.constant 0 : i32
      %add3A_394 = arith.addi %add3A_393, %mul3A_392 : i32
      %get3A_395 = arith.index_cast %add3A_394 : i32 to index
      %get3A_396 = arith.constant 0 : index
      %get3A_397 = tpu.vector_load %arg11[%get3A_395, %get3A_396] {strides = array<i32>} : memref<208x128xf32, #tpu.memory_space<vmem>>, vector<1x16xf32>,
      %get3A_398 = vector.shape_cast %get3A_397 : vector<1x16xf32> to vector<16xf32>
      %swap3A_399 = arith.index_cast %add3A_394 : i32 to index
      %swap3A_400 = arith.constant 64 : index
      %swap3A_401 = tpu.vector_load %arg10[%swap3A_399, %swap3A_400] {strides = array<i32>} : memref<208x128xf32, #tpu.memory_space<vmem>>, vector<1x16xf32>,
      %swap3A_402 = vector.shape_cast %swap3A_401 : vector<1x16xf32> to vector<16xf32>
      %swap3A_403 = vector.shape_cast %get3A_398 : vector<16xf32> to vector<1x16xf32>
      tpu.vector_store %arg10[%swap3A_399, %swap3A_400], %swap3A_403 {strides = array<i32>} : memref<208x128xf32, #tpu.memory_space<vmem>>, vector<1x16xf32>,
      %get3A_404 = arith.index_cast %add3A_394 : i32 to index
      %get3A_405 = arith.constant 16 : index
      %get3A_406 = tpu.vector_load %arg11[%get3A_404, %get3A_405] {strides = array<i32>} : memref<208x128xf32, #tpu.memory_space<vmem>>, vector<1x16xf32>,
      %get3A_407 = vector.shape_cast %get3A_406 : vector<1x16xf32> to vector<16xf32>
      %swap3A_408 = arith.index_cast %add3A_394 : i32 to index
      %swap3A_409 = arith.constant 80 : index
      %swap3A_410 = tpu.vector_load %arg10[%swap3A_408, %swap3A_409] {strides = array<i32>} : memref<208x128xf32, #tpu.memory_space<vmem>>, vector<1x16xf32>,
      %swap3A_411 = vector.shape_cast %swap3A_410 : vector<1x16xf32> to vector<16xf32>
      %swap3A_412 = vector.shape_cast %get3A_407 : vector<16xf32> to vector<1x16xf32>
      tpu.vector_store %arg10[%swap3A_408, %swap3A_409], %swap3A_412 {strides = array<i32>} : memref<208x128xf32, #tpu.memory_space<vmem>>, vector<1x16xf32>,
      %get3A_413 = arith.index_cast %add3A_394 : i32 to index
      %get3A_414 = arith.constant 32 : index
      %get3A_415 = tpu.vector_load %arg11[%get3A_413, %get3A_414] {strides = array<i32>} : memref<208x128xf32, #tpu.memory_space<vmem>>, vector<1x16xf32>,
      %get3A_416 = vector.shape_cast %get3A_415 : vector<1x16xf32> to vector<16xf32>
      %swap3A_417 = arith.index_cast %add3A_394 : i32 to index
      %swap3A_418 = arith.constant 96 : index
      %swap3A_419 = tpu.vector_load %arg10[%swap3A_417, %swap3A_418] {strides = array<i32>} : memref<208x128xf32, #tpu.memory_space<vmem>>, vector<1x16xf32>,
      %swap3A_420 = vector.shape_cast %swap3A_419 : vector<1x16xf32> to vector<16xf32>
      %swap3A_421 = vector.shape_cast %get3A_416 : vector<16xf32> to vector<1x16xf32>
      tpu.vector_store %arg10[%swap3A_417, %swap3A_418], %swap3A_421 {strides = array<i32>} : memref<208x128xf32, #tpu.memory_space<vmem>>, vector<1x16xf32>,
      %get3A_422 = arith.index_cast %add3A_394 : i32 to index
      %get3A_423 = arith.constant 48 : index
      %get3A_424 = tpu.vector_load %arg11[%get3A_422, %get3A_423] {strides = array<i32>} : memref<208x128xf32, #tpu.memory_space<vmem>>, vector<1x16xf32>,
      %get3A_425 = vector.shape_cast %get3A_424 : vector<1x16xf32> to vector<16xf32>
      %swap3A_426 = arith.index_cast %add3A_394 : i32 to index
      %swap3A_427 = arith.constant 112 : index
      %swap3A_428 = tpu.vector_load %arg10[%swap3A_426, %swap3A_427] {strides = array<i32>} : memref<208x128xf32, #tpu.memory_space<vmem>>, vector<1x16xf32>,
      %swap3A_429 = vector.shape_cast %swap3A_428 : vector<1x16xf32> to vector<16xf32>
      %swap3A_430 = vector.shape_cast %get3A_425 : vector<16xf32> to vector<1x16xf32>
      tpu.vector_store %arg10[%swap3A_426, %swap3A_427], %swap3A_430 {strides = array<i32>} : memref<208x128xf32, #tpu.memory_space<vmem>>, vector<1x16xf32>,
      %scan3A_431 = arith.constant 7 : i32
      %scan3A_432 = arith.addi %scan3A_140, %scan3A_431 : i32
      %mul3A_433 = arith.constant 1 : i32
      %mul3A_434 = arith.muli %scan3A_432, %mul3A_433 : i32
      %add3A_435 = arith.constant 0 : i32
      %add3A_436 = arith.addi %add3A_435, %mul3A_434 : i32
      %get3A_437 = arith.index_cast %add3A_436 : i32 to index
      %get3A_438 = arith.constant 0 : index
      %get3A_439 = tpu.vector_load %arg11[%get3A_437, %get3A_438] {strides = array<i32>} : memref<208x128xf32, #tpu.memory_space<vmem>>, vector<1x16xf32>,
      %get3A_440 = vector.shape_cast %get3A_439 : vector<1x16xf32> to vector<16xf32>
      %swap3A_441 = arith.index_cast %add3A_436 : i32 to index
      %swap3A_442 = arith.constant 64 : index
      %swap3A_443 = tpu.vector_load %arg10[%swap3A_441, %swap3A_442] {strides = array<i32>} : memref<208x128xf32, #tpu.memory_space<vmem>>, vector<1x16xf32>,
      %swap3A_444 = vector.shape_cast %swap3A_443 : vector<1x16xf32> to vector<16xf32>
      %swap3A_445 = vector.shape_cast %get3A_440 : vector<16xf32> to vector<1x16xf32>
      tpu.vector_store %arg10[%swap3A_441, %swap3A_442], %swap3A_445 {strides = array<i32>} : memref<208x128xf32, #tpu.memory_space<vmem>>, vector<1x16xf32>,
      %get3A_446 = arith.index_cast %add3A_436 : i32 to index
      %get3A_447 = arith.constant 16 : index
      %get3A_448 = tpu.vector_load %arg11[%get3A_446, %get3A_447] {strides = array<i32>} : memref<208x128xf32, #tpu.memory_space<vmem>>, vector<1x16xf32>,
      %get3A_449 = vector.shape_cast %get3A_448 : vector<1x16xf32> to vector<16xf32>
      %swap3A_450 = arith.index_cast %add3A_436 : i32 to index
      %swap3A_451 = arith.constant 80 : index
      %swap3A_452 = tpu.vector_load %arg10[%swap3A_450, %swap3A_451] {strides = array<i32>} : memref<208x128xf32, #tpu.memory_space<vmem>>, vector<1x16xf32>,
      %swap3A_453 = vector.shape_cast %swap3A_452 : vector<1x16xf32> to vector<16xf32>
      %swap3A_454 = vector.shape_cast %get3A_449 : vector<16xf32> to vector<1x16xf32>
      tpu.vector_store %arg10[%swap3A_450, %swap3A_451], %swap3A_454 {strides = array<i32>} : memref<208x128xf32, #tpu.memory_space<vmem>>, vector<1x16xf32>,
      %get3A_455 = arith.index_cast %add3A_436 : i32 to index
      %get3A_456 = arith.constant 32 : index
      %get3A_457 = tpu.vector_load %arg11[%get3A_455, %get3A_456] {strides = array<i32>} : memref<208x128xf32, #tpu.memory_space<vmem>>, vector<1x16xf32>,
      %get3A_458 = vector.shape_cast %get3A_457 : vector<1x16xf32> to vector<16xf32>
      %swap3A_459 = arith.index_cast %add3A_436 : i32 to index
      %swap3A_460 = arith.constant 96 : index
      %swap3A_461 = tpu.vector_load %arg10[%swap3A_459, %swap3A_460] {strides = array<i32>} : memref<208x128xf32, #tpu.memory_space<vmem>>, vector<1x16xf32>,
      %swap3A_462 = vector.shape_cast %swap3A_461 : vector<1x16xf32> to vector<16xf32>
      %swap3A_463 = vector.shape_cast %get3A_458 : vector<16xf32> to vector<1x16xf32>
      tpu.vector_store %arg10[%swap3A_459, %swap3A_460], %swap3A_463 {strides = array<i32>} : memref<208x128xf32, #tpu.memory_space<vmem>>, vector<1x16xf32>,
      %get3A_464 = arith.index_cast %add3A_436 : i32 to index
      %get3A_465 = arith.constant 48 : index
      %get3A_466 = tpu.vector_load %arg11[%get3A_464, %get3A_465] {strides = array<i32>} : memref<208x128xf32, #tpu.memory_space<vmem>>, vector<1x16xf32>,
      %get3A_467 = vector.shape_cast %get3A_466 : vector<1x16xf32> to vector<16xf32>
      %swap3A_468 = arith.index_cast %add3A_436 : i32 to index
      %swap3A_469 = arith.constant 112 : index
      %swap3A_470 = tpu.vector_load %arg10[%swap3A_468, %swap3A_469] {strides = array<i32>} : memref<208x128xf32, #tpu.memory_space<vmem>>, vector<1x16xf32>,
      %swap3A_471 = vector.shape_cast %swap3A_470 : vector<1x16xf32> to vector<16xf32>
      %swap3A_472 = vector.shape_cast %get3A_467 : vector<16xf32> to vector<1x16xf32>
      tpu.vector_store %arg10[%swap3A_468, %swap3A_469], %swap3A_472 {strides = array<i32>} : memref<208x128xf32, #tpu.memory_space<vmem>>, vector<1x16xf32>,
    }
    %scan3A_69 = arith.constant 208 : i32
    %add3A_70 = arith.constant 208 : i32
    %add3A_71 = arith.addi %mul3A_2, %add3A_70 : i32
    %dma_start3A_72 = arith.constant 0 : i32
    %dma_start3A_73 = tpu.memref_slice %arg5[%add3A_71, %dma_start3A_72] : memref<26624x128xf32, #tpu.memory_space<hbm>> -> memref<208x128xf32, #tpu.memory_space<hbm>>
    %dma_start3A_74 = arith.constant 0 : i32
    %dma_start3A_75 = tpu.memref_slice %arg5[%add3A_71, %dma_start3A_74] : memref<26624x128xf32, #tpu.memory_space<hbm>> -> memref<208x128xf32, #tpu.memory_space<hbm>>
    tpu.enqueue_dma source(%arg10 : memref<208x128xf32, #tpu.memory_space<vmem>>) target(%dma_start3A_75 : memref<208x128xf32, #tpu.memory_space<hbm>>) target_semaphore(%arg15 : memref<!tpu.dma_semaphore, #tpu.memory_space<semaphore_mem>>)
    %dma_wait3A_76 = arith.constant 0 : i32
    %dma_wait3A_77 = tpu.memref_slice %arg5[%add3A_71, %dma_wait3A_76] : memref<26624x128xf32, #tpu.memory_space<hbm>> -> memref<208x128xf32, #tpu.memory_space<hbm>>
    %dma_wait3A_78 = arith.constant 0 : i32
    %dma_wait3A_79 = tpu.memref_slice %arg5[%add3A_71, %dma_wait3A_78] : memref<26624x128xf32, #tpu.memory_space<hbm>> -> memref<208x128xf32, #tpu.memory_space<hbm>>
    tpu.wait_dma2 semaphore(%arg15 : memref<!tpu.dma_semaphore, #tpu.memory_space<semaphore_mem>>) src(%arg10 : memref<208x128xf32, #tpu.memory_space<vmem>>) dst(%dma_wait3A_79 : memref<208x128xf32, #tpu.memory_space<hbm>>)
    %dma_start3A_80 = arith.constant 624 : i32
    %dma_start3A_81 = tpu.memref_slice %arg6[%dma_start3A_80] : memref<832xi32, #tpu.memory_space<vmem>> -> memref<208xi32, #tpu.memory_space<vmem>>
    %dma_start3A_82 = arith.constant 0 : i32
    %dma_start3A_83 = arith.constant 0 : i32
    %dma_start3A_84 = tpu.memref_slice %arg2[%dma_start3A_82, %dma_start3A_83] : memref<26000x128xf32, #tpu.memory_space<hbm>> -> memref<26000x128xf32, #tpu.memory_space<hbm>>
    tpu.enqueue_indirect_dma source(%dma_start3A_84 : memref<26000x128xf32, #tpu.memory_space<hbm>>) target(%arg10 : memref<208x128xf32, #tpu.memory_space<vmem>>) offsets(%dma_start3A_81 : memref<208xi32, #tpu.memory_space<vmem>>) semaphore(%arg13 : memref<!tpu.dma_semaphore, #tpu.memory_space<semaphore_mem>>)
    %dma_start3A_85 = arith.constant 624 : i32
    %dma_start3A_86 = tpu.memref_slice %arg7[%dma_start3A_85] : memref<832xi32, #tpu.memory_space<vmem>> -> memref<208xi32, #tpu.memory_space<vmem>>
    %dma_start3A_87 = arith.constant 0 : i32
    %dma_start3A_88 = arith.constant 0 : i32
    %dma_start3A_89 = tpu.memref_slice %arg2[%dma_start3A_87, %dma_start3A_88] : memref<26000x128xf32, #tpu.memory_space<hbm>> -> memref<26000x128xf32, #tpu.memory_space<hbm>>
    tpu.enqueue_indirect_dma source(%dma_start3A_89 : memref<26000x128xf32, #tpu.memory_space<hbm>>) target(%arg11 : memref<208x128xf32, #tpu.memory_space<vmem>>) offsets(%dma_start3A_86 : memref<208xi32, #tpu.memory_space<vmem>>) semaphore(%arg13 : memref<!tpu.dma_semaphore, #tpu.memory_space<semaphore_mem>>)
    %dma_wait3A_90 = arith.constant 416 : i32
    %dma_wait3A_91 = tpu.memref_slice %arg6[%dma_wait3A_90] : memref<832xi32, #tpu.memory_space<vmem>> -> memref<208xi32, #tpu.memory_space<vmem>>
    %dma_wait3A_92 = arith.constant 0 : i32
    %dma_wait3A_93 = arith.constant 0 : i32
    %dma_wait3A_94 = tpu.memref_slice %arg2[%dma_wait3A_92, %dma_wait3A_93] : memref<26000x128xf32, #tpu.memory_space<hbm>> -> memref<26000x128xf32, #tpu.memory_space<hbm>>
    tpu.wait_indirect_dma semaphore(%arg12 : memref<!tpu.dma_semaphore, #tpu.memory_space<semaphore_mem>>) src(%dma_wait3A_94 : memref<26000x128xf32, #tpu.memory_space<hbm>>) dst(%arg8 : memref<208x128xf32, #tpu.memory_space<vmem>>)
    %dma_wait3A_95 = arith.constant 416 : i32
    %dma_wait3A_96 = tpu.memref_slice %arg7[%dma_wait3A_95] : memref<832xi32, #tpu.memory_space<vmem>> -> memref<208xi32, #tpu.memory_space<vmem>>
    %dma_wait3A_97 = arith.constant 0 : i32
    %dma_wait3A_98 = arith.constant 0 : i32
    %dma_wait3A_99 = tpu.memref_slice %arg2[%dma_wait3A_97, %dma_wait3A_98] : memref<26000x128xf32, #tpu.memory_space<hbm>> -> memref<26000x128xf32, #tpu.memory_space<hbm>>
    tpu.wait_indirect_dma semaphore(%arg12 : memref<!tpu.dma_semaphore, #tpu.memory_space<semaphore_mem>>) src(%dma_wait3A_99 : memref<26000x128xf32, #tpu.memory_space<hbm>>) dst(%arg9 : memref<208x128xf32, #tpu.memory_space<vmem>>)
    %scan3A_100 = arith.constant 0 : i32
    %scan3A_101 = arith.constant 208 : i32
    %scan3A_102 = arith.addi %scan3A_100, %scan3A_101 : i32
    %scan3A_103 = arith.constant 8 : i32
    scf.for %scan3A_140 = %scan3A_100 to %scan3A_102 step %scan3A_103  : i32 {
      %mul3A_141 = arith.constant 1 : i32
      %mul3A_142 = arith.muli %scan3A_140, %mul3A_141 : i32
      %add3A_143 = arith.constant 0 : i32
      %add3A_144 = arith.addi %add3A_143, %mul3A_142 : i32
      %get3A = arith.index_cast %add3A_144 : i32 to index
      %get3A_145 = arith.constant 0 : index
      %get3A_146 = tpu.vector_load %arg9[%get3A, %get3A_145] {strides = array<i32>} : memref<208x128xf32, #tpu.memory_space<vmem>>, vector<1x16xf32>,
      %get3A_147 = vector.shape_cast %get3A_146 : vector<1x16xf32> to vector<16xf32>
      %swap3A = arith.index_cast %add3A_144 : i32 to index
      %swap3A_148 = arith.constant 64 : index
      %swap3A_149 = tpu.vector_load %arg8[%swap3A, %swap3A_148] {strides = array<i32>} : memref<208x128xf32, #tpu.memory_space<vmem>>, vector<1x16xf32>,
      %swap3A_150 = vector.shape_cast %swap3A_149 : vector<1x16xf32> to vector<16xf32>
      %swap3A_151 = vector.shape_cast %get3A_147 : vector<16xf32> to vector<1x16xf32>
      tpu.vector_store %arg8[%swap3A, %swap3A_148], %swap3A_151 {strides = array<i32>} : memref<208x128xf32, #tpu.memory_space<vmem>>, vector<1x16xf32>,
      %get3A_152 = arith.index_cast %add3A_144 : i32 to index
      %get3A_153 = arith.constant 16 : index
      %get3A_154 = tpu.vector_load %arg9[%get3A_152, %get3A_153] {strides = array<i32>} : memref<208x128xf32, #tpu.memory_space<vmem>>, vector<1x16xf32>,
      %get3A_155 = vector.shape_cast %get3A_154 : vector<1x16xf32> to vector<16xf32>
      %swap3A_156 = arith.index_cast %add3A_144 : i32 to index
      %swap3A_157 = arith.constant 80 : index
      %swap3A_158 = tpu.vector_load %arg8[%swap3A_156, %swap3A_157] {strides = array<i32>} : memref<208x128xf32, #tpu.memory_space<vmem>>, vector<1x16xf32>,
      %swap3A_159 = vector.shape_cast %swap3A_158 : vector<1x16xf32> to vector<16xf32>
      %swap3A_160 = vector.shape_cast %get3A_155 : vector<16xf32> to vector<1x16xf32>
      tpu.vector_store %arg8[%swap3A_156, %swap3A_157], %swap3A_160 {strides = array<i32>} : memref<208x128xf32, #tpu.memory_space<vmem>>, vector<1x16xf32>,
      %get3A_161 = arith.index_cast %add3A_144 : i32 to index
      %get3A_162 = arith.constant 32 : index
      %get3A_163 = tpu.vector_load %arg9[%get3A_161, %get3A_162] {strides = array<i32>} : memref<208x128xf32, #tpu.memory_space<vmem>>, vector<1x16xf32>,
      %get3A_164 = vector.shape_cast %get3A_163 : vector<1x16xf32> to vector<16xf32>
      %swap3A_165 = arith.index_cast %add3A_144 : i32 to index
      %swap3A_166 = arith.constant 96 : index
      %swap3A_167 = tpu.vector_load %arg8[%swap3A_165, %swap3A_166] {strides = array<i32>} : memref<208x128xf32, #tpu.memory_space<vmem>>, vector<1x16xf32>,
      %swap3A_168 = vector.shape_cast %swap3A_167 : vector<1x16xf32> to vector<16xf32>
      %swap3A_169 = vector.shape_cast %get3A_164 : vector<16xf32> to vector<1x16xf32>
      tpu.vector_store %arg8[%swap3A_165, %swap3A_166], %swap3A_169 {strides = array<i32>} : memref<208x128xf32, #tpu.memory_space<vmem>>, vector<1x16xf32>,
      %get3A_170 = arith.index_cast %add3A_144 : i32 to index
      %get3A_171 = arith.constant 48 : index
      %get3A_172 = tpu.vector_load %arg9[%get3A_170, %get3A_171] {strides = array<i32>} : memref<208x128xf32, #tpu.memory_space<vmem>>, vector<1x16xf32>,
      %get3A_173 = vector.shape_cast %get3A_172 : vector<1x16xf32> to vector<16xf32>
      %swap3A_174 = arith.index_cast %add3A_144 : i32 to index
      %swap3A_175 = arith.constant 112 : index
      %swap3A_176 = tpu.vector_load %arg8[%swap3A_174, %swap3A_175] {strides = array<i32>} : memref<208x128xf32, #tpu.memory_space<vmem>>, vector<1x16xf32>,
      %swap3A_177 = vector.shape_cast %swap3A_176 : vector<1x16xf32> to vector<16xf32>
      %swap3A_178 = vector.shape_cast %get3A_173 : vector<16xf32> to vector<1x16xf32>
      tpu.vector_store %arg8[%swap3A_174, %swap3A_175], %swap3A_178 {strides = array<i32>} : memref<208x128xf32, #tpu.memory_space<vmem>>, vector<1x16xf32>,
      %scan3A_179 = arith.constant 1 : i32
      %scan3A_180 = arith.addi %scan3A_140, %scan3A_179 : i32
      %mul3A_181 = arith.constant 1 : i32
      %mul3A_182 = arith.muli %scan3A_180, %mul3A_181 : i32
      %add3A_183 = arith.constant 0 : i32
      %add3A_184 = arith.addi %add3A_183, %mul3A_182 : i32
      %get3A_185 = arith.index_cast %add3A_184 : i32 to index
      %get3A_186 = arith.constant 0 : index
      %get3A_187 = tpu.vector_load %arg9[%get3A_185, %get3A_186] {strides = array<i32>} : memref<208x128xf32, #tpu.memory_space<vmem>>, vector<1x16xf32>,
      %get3A_188 = vector.shape_cast %get3A_187 : vector<1x16xf32> to vector<16xf32>
      %swap3A_189 = arith.index_cast %add3A_184 : i32 to index
      %swap3A_190 = arith.constant 64 : index
      %swap3A_191 = tpu.vector_load %arg8[%swap3A_189, %swap3A_190] {strides = array<i32>} : memref<208x128xf32, #tpu.memory_space<vmem>>, vector<1x16xf32>,
      %swap3A_192 = vector.shape_cast %swap3A_191 : vector<1x16xf32> to vector<16xf32>
      %swap3A_193 = vector.shape_cast %get3A_188 : vector<16xf32> to vector<1x16xf32>
      tpu.vector_store %arg8[%swap3A_189, %swap3A_190], %swap3A_193 {strides = array<i32>} : memref<208x128xf32, #tpu.memory_space<vmem>>, vector<1x16xf32>,
      %get3A_194 = arith.index_cast %add3A_184 : i32 to index
      %get3A_195 = arith.constant 16 : index
      %get3A_196 = tpu.vector_load %arg9[%get3A_194, %get3A_195] {strides = array<i32>} : memref<208x128xf32, #tpu.memory_space<vmem>>, vector<1x16xf32>,
      %get3A_197 = vector.shape_cast %get3A_196 : vector<1x16xf32> to vector<16xf32>
      %swap3A_198 = arith.index_cast %add3A_184 : i32 to index
      %swap3A_199 = arith.constant 80 : index
      %swap3A_200 = tpu.vector_load %arg8[%swap3A_198, %swap3A_199] {strides = array<i32>} : memref<208x128xf32, #tpu.memory_space<vmem>>, vector<1x16xf32>,
      %swap3A_201 = vector.shape_cast %swap3A_200 : vector<1x16xf32> to vector<16xf32>
      %swap3A_202 = vector.shape_cast %get3A_197 : vector<16xf32> to vector<1x16xf32>
      tpu.vector_store %arg8[%swap3A_198, %swap3A_199], %swap3A_202 {strides = array<i32>} : memref<208x128xf32, #tpu.memory_space<vmem>>, vector<1x16xf32>,
      %get3A_203 = arith.index_cast %add3A_184 : i32 to index
      %get3A_204 = arith.constant 32 : index
      %get3A_205 = tpu.vector_load %arg9[%get3A_203, %get3A_204] {strides = array<i32>} : memref<208x128xf32, #tpu.memory_space<vmem>>, vector<1x16xf32>,
      %get3A_206 = vector.shape_cast %get3A_205 : vector<1x16xf32> to vector<16xf32>
      %swap3A_207 = arith.index_cast %add3A_184 : i32 to index
      %swap3A_208 = arith.constant 96 : index
      %swap3A_209 = tpu.vector_load %arg8[%swap3A_207, %swap3A_208] {strides = array<i32>} : memref<208x128xf32, #tpu.memory_space<vmem>>, vector<1x16xf32>,
      %swap3A_210 = vector.shape_cast %swap3A_209 : vector<1x16xf32> to vector<16xf32>
      %swap3A_211 = vector.shape_cast %get3A_206 : vector<16xf32> to vector<1x16xf32>
      tpu.vector_store %arg8[%swap3A_207, %swap3A_208], %swap3A_211 {strides = array<i32>} : memref<208x128xf32, #tpu.memory_space<vmem>>, vector<1x16xf32>,
      %get3A_212 = arith.index_cast %add3A_184 : i32 to index
      %get3A_213 = arith.constant 48 : index
      %get3A_214 = tpu.vector_load %arg9[%get3A_212, %get3A_213] {strides = array<i32>} : memref<208x128xf32, #tpu.memory_space<vmem>>, vector<1x16xf32>,
      %get3A_215 = vector.shape_cast %get3A_214 : vector<1x16xf32> to vector<16xf32>
      %swap3A_216 = arith.index_cast %add3A_184 : i32 to index
      %swap3A_217 = arith.constant 112 : index
      %swap3A_218 = tpu.vector_load %arg8[%swap3A_216, %swap3A_217] {strides = array<i32>} : memref<208x128xf32, #tpu.memory_space<vmem>>, vector<1x16xf32>,
      %swap3A_219 = vector.shape_cast %swap3A_218 : vector<1x16xf32> to vector<16xf32>
      %swap3A_220 = vector.shape_cast %get3A_215 : vector<16xf32> to vector<1x16xf32>
      tpu.vector_store %arg8[%swap3A_216, %swap3A_217], %swap3A_220 {strides = array<i32>} : memref<208x128xf32, #tpu.memory_space<vmem>>, vector<1x16xf32>,
      %scan3A_221 = arith.constant 2 : i32
      %scan3A_222 = arith.addi %scan3A_140, %scan3A_221 : i32
      %mul3A_223 = arith.constant 1 : i32
      %mul3A_224 = arith.muli %scan3A_222, %mul3A_223 : i32
      %add3A_225 = arith.constant 0 : i32
      %add3A_226 = arith.addi %add3A_225, %mul3A_224 : i32
      %get3A_227 = arith.index_cast %add3A_226 : i32 to index
      %get3A_228 = arith.constant 0 : index
      %get3A_229 = tpu.vector_load %arg9[%get3A_227, %get3A_228] {strides = array<i32>} : memref<208x128xf32, #tpu.memory_space<vmem>>, vector<1x16xf32>,
      %get3A_230 = vector.shape_cast %get3A_229 : vector<1x16xf32> to vector<16xf32>
      %swap3A_231 = arith.index_cast %add3A_226 : i32 to index
      %swap3A_232 = arith.constant 64 : index
      %swap3A_233 = tpu.vector_load %arg8[%swap3A_231, %swap3A_232] {strides = array<i32>} : memref<208x128xf32, #tpu.memory_space<vmem>>, vector<1x16xf32>,
      %swap3A_234 = vector.shape_cast %swap3A_233 : vector<1x16xf32> to vector<16xf32>
      %swap3A_235 = vector.shape_cast %get3A_230 : vector<16xf32> to vector<1x16xf32>
      tpu.vector_store %arg8[%swap3A_231, %swap3A_232], %swap3A_235 {strides = array<i32>} : memref<208x128xf32, #tpu.memory_space<vmem>>, vector<1x16xf32>,
      %get3A_236 = arith.index_cast %add3A_226 : i32 to index
      %get3A_237 = arith.constant 16 : index
      %get3A_238 = tpu.vector_load %arg9[%get3A_236, %get3A_237] {strides = array<i32>} : memref<208x128xf32, #tpu.memory_space<vmem>>, vector<1x16xf32>,
      %get3A_239 = vector.shape_cast %get3A_238 : vector<1x16xf32> to vector<16xf32>
      %swap3A_240 = arith.index_cast %add3A_226 : i32 to index
      %swap3A_241 = arith.constant 80 : index
      %swap3A_242 = tpu.vector_load %arg8[%swap3A_240, %swap3A_241] {strides = array<i32>} : memref<208x128xf32, #tpu.memory_space<vmem>>, vector<1x16xf32>,
      %swap3A_243 = vector.shape_cast %swap3A_242 : vector<1x16xf32> to vector<16xf32>
      %swap3A_244 = vector.shape_cast %get3A_239 : vector<16xf32> to vector<1x16xf32>
      tpu.vector_store %arg8[%swap3A_240, %swap3A_241], %swap3A_244 {strides = array<i32>} : memref<208x128xf32, #tpu.memory_space<vmem>>, vector<1x16xf32>,
      %get3A_245 = arith.index_cast %add3A_226 : i32 to index
      %get3A_246 = arith.constant 32 : index
      %get3A_247 = tpu.vector_load %arg9[%get3A_245, %get3A_246] {strides = array<i32>} : memref<208x128xf32, #tpu.memory_space<vmem>>, vector<1x16xf32>,
      %get3A_248 = vector.shape_cast %get3A_247 : vector<1x16xf32> to vector<16xf32>
      %swap3A_249 = arith.index_cast %add3A_226 : i32 to index
      %swap3A_250 = arith.constant 96 : index
      %swap3A_251 = tpu.vector_load %arg8[%swap3A_249, %swap3A_250] {strides = array<i32>} : memref<208x128xf32, #tpu.memory_space<vmem>>, vector<1x16xf32>,
      %swap3A_252 = vector.shape_cast %swap3A_251 : vector<1x16xf32> to vector<16xf32>
      %swap3A_253 = vector.shape_cast %get3A_248 : vector<16xf32> to vector<1x16xf32>
      tpu.vector_store %arg8[%swap3A_249, %swap3A_250], %swap3A_253 {strides = array<i32>} : memref<208x128xf32, #tpu.memory_space<vmem>>, vector<1x16xf32>,
      %get3A_254 = arith.index_cast %add3A_226 : i32 to index
      %get3A_255 = arith.constant 48 : index
      %get3A_256 = tpu.vector_load %arg9[%get3A_254, %get3A_255] {strides = array<i32>} : memref<208x128xf32, #tpu.memory_space<vmem>>, vector<1x16xf32>,
      %get3A_257 = vector.shape_cast %get3A_256 : vector<1x16xf32> to vector<16xf32>
      %swap3A_258 = arith.index_cast %add3A_226 : i32 to index
      %swap3A_259 = arith.constant 112 : index
      %swap3A_260 = tpu.vector_load %arg8[%swap3A_258, %swap3A_259] {strides = array<i32>} : memref<208x128xf32, #tpu.memory_space<vmem>>, vector<1x16xf32>,
      %swap3A_261 = vector.shape_cast %swap3A_260 : vector<1x16xf32> to vector<16xf32>
      %swap3A_262 = vector.shape_cast %get3A_257 : vector<16xf32> to vector<1x16xf32>
      tpu.vector_store %arg8[%swap3A_258, %swap3A_259], %swap3A_262 {strides = array<i32>} : memref<208x128xf32, #tpu.memory_space<vmem>>, vector<1x16xf32>,
      %scan3A_263 = arith.constant 3 : i32
      %scan3A_264 = arith.addi %scan3A_140, %scan3A_263 : i32
      %mul3A_265 = arith.constant 1 : i32
      %mul3A_266 = arith.muli %scan3A_264, %mul3A_265 : i32
      %add3A_267 = arith.constant 0 : i32
      %add3A_268 = arith.addi %add3A_267, %mul3A_266 : i32
      %get3A_269 = arith.index_cast %add3A_268 : i32 to index
      %get3A_270 = arith.constant 0 : index
      %get3A_271 = tpu.vector_load %arg9[%get3A_269, %get3A_270] {strides = array<i32>} : memref<208x128xf32, #tpu.memory_space<vmem>>, vector<1x16xf32>,
      %get3A_272 = vector.shape_cast %get3A_271 : vector<1x16xf32> to vector<16xf32>
      %swap3A_273 = arith.index_cast %add3A_268 : i32 to index
      %swap3A_274 = arith.constant 64 : index
      %swap3A_275 = tpu.vector_load %arg8[%swap3A_273, %swap3A_274] {strides = array<i32>} : memref<208x128xf32, #tpu.memory_space<vmem>>, vector<1x16xf32>,
      %swap3A_276 = vector.shape_cast %swap3A_275 : vector<1x16xf32> to vector<16xf32>
      %swap3A_277 = vector.shape_cast %get3A_272 : vector<16xf32> to vector<1x16xf32>
      tpu.vector_store %arg8[%swap3A_273, %swap3A_274], %swap3A_277 {strides = array<i32>} : memref<208x128xf32, #tpu.memory_space<vmem>>, vector<1x16xf32>,
      %get3A_278 = arith.index_cast %add3A_268 : i32 to index
      %get3A_279 = arith.constant 16 : index
      %get3A_280 = tpu.vector_load %arg9[%get3A_278, %get3A_279] {strides = array<i32>} : memref<208x128xf32, #tpu.memory_space<vmem>>, vector<1x16xf32>,
      %get3A_281 = vector.shape_cast %get3A_280 : vector<1x16xf32> to vector<16xf32>
      %swap3A_282 = arith.index_cast %add3A_268 : i32 to index
      %swap3A_283 = arith.constant 80 : index
      %swap3A_284 = tpu.vector_load %arg8[%swap3A_282, %swap3A_283] {strides = array<i32>} : memref<208x128xf32, #tpu.memory_space<vmem>>, vector<1x16xf32>,
      %swap3A_285 = vector.shape_cast %swap3A_284 : vector<1x16xf32> to vector<16xf32>
      %swap3A_286 = vector.shape_cast %get3A_281 : vector<16xf32> to vector<1x16xf32>
      tpu.vector_store %arg8[%swap3A_282, %swap3A_283], %swap3A_286 {strides = array<i32>} : memref<208x128xf32, #tpu.memory_space<vmem>>, vector<1x16xf32>,
      %get3A_287 = arith.index_cast %add3A_268 : i32 to index
      %get3A_288 = arith.constant 32 : index
      %get3A_289 = tpu.vector_load %arg9[%get3A_287, %get3A_288] {strides = array<i32>} : memref<208x128xf32, #tpu.memory_space<vmem>>, vector<1x16xf32>,
      %get3A_290 = vector.shape_cast %get3A_289 : vector<1x16xf32> to vector<16xf32>
      %swap3A_291 = arith.index_cast %add3A_268 : i32 to index
      %swap3A_292 = arith.constant 96 : index
      %swap3A_293 = tpu.vector_load %arg8[%swap3A_291, %swap3A_292] {strides = array<i32>} : memref<208x128xf32, #tpu.memory_space<vmem>>, vector<1x16xf32>,
      %swap3A_294 = vector.shape_cast %swap3A_293 : vector<1x16xf32> to vector<16xf32>
      %swap3A_295 = vector.shape_cast %get3A_290 : vector<16xf32> to vector<1x16xf32>
      tpu.vector_store %arg8[%swap3A_291, %swap3A_292], %swap3A_295 {strides = array<i32>} : memref<208x128xf32, #tpu.memory_space<vmem>>, vector<1x16xf32>,
      %get3A_296 = arith.index_cast %add3A_268 : i32 to index
      %get3A_297 = arith.constant 48 : index
      %get3A_298 = tpu.vector_load %arg9[%get3A_296, %get3A_297] {strides = array<i32>} : memref<208x128xf32, #tpu.memory_space<vmem>>, vector<1x16xf32>,
      %get3A_299 = vector.shape_cast %get3A_298 : vector<1x16xf32> to vector<16xf32>
      %swap3A_300 = arith.index_cast %add3A_268 : i32 to index
      %swap3A_301 = arith.constant 112 : index
      %swap3A_302 = tpu.vector_load %arg8[%swap3A_300, %swap3A_301] {strides = array<i32>} : memref<208x128xf32, #tpu.memory_space<vmem>>, vector<1x16xf32>,
      %swap3A_303 = vector.shape_cast %swap3A_302 : vector<1x16xf32> to vector<16xf32>
      %swap3A_304 = vector.shape_cast %get3A_299 : vector<16xf32> to vector<1x16xf32>
      tpu.vector_store %arg8[%swap3A_300, %swap3A_301], %swap3A_304 {strides = array<i32>} : memref<208x128xf32, #tpu.memory_space<vmem>>, vector<1x16xf32>,
      %scan3A_305 = arith.constant 4 : i32
      %scan3A_306 = arith.addi %scan3A_140, %scan3A_305 : i32
      %mul3A_307 = arith.constant 1 : i32
      %mul3A_308 = arith.muli %scan3A_306, %mul3A_307 : i32
      %add3A_309 = arith.constant 0 : i32
      %add3A_310 = arith.addi %add3A_309, %mul3A_308 : i32
      %get3A_311 = arith.index_cast %add3A_310 : i32 to index
      %get3A_312 = arith.constant 0 : index
      %get3A_313 = tpu.vector_load %arg9[%get3A_311, %get3A_312] {strides = array<i32>} : memref<208x128xf32, #tpu.memory_space<vmem>>, vector<1x16xf32>,
      %get3A_314 = vector.shape_cast %get3A_313 : vector<1x16xf32> to vector<16xf32>
      %swap3A_315 = arith.index_cast %add3A_310 : i32 to index
      %swap3A_316 = arith.constant 64 : index
      %swap3A_317 = tpu.vector_load %arg8[%swap3A_315, %swap3A_316] {strides = array<i32>} : memref<208x128xf32, #tpu.memory_space<vmem>>, vector<1x16xf32>,
      %swap3A_318 = vector.shape_cast %swap3A_317 : vector<1x16xf32> to vector<16xf32>
      %swap3A_319 = vector.shape_cast %get3A_314 : vector<16xf32> to vector<1x16xf32>
      tpu.vector_store %arg8[%swap3A_315, %swap3A_316], %swap3A_319 {strides = array<i32>} : memref<208x128xf32, #tpu.memory_space<vmem>>, vector<1x16xf32>,
      %get3A_320 = arith.index_cast %add3A_310 : i32 to index
      %get3A_321 = arith.constant 16 : index
      %get3A_322 = tpu.vector_load %arg9[%get3A_320, %get3A_321] {strides = array<i32>} : memref<208x128xf32, #tpu.memory_space<vmem>>, vector<1x16xf32>,
      %get3A_323 = vector.shape_cast %get3A_322 : vector<1x16xf32> to vector<16xf32>
      %swap3A_324 = arith.index_cast %add3A_310 : i32 to index
      %swap3A_325 = arith.constant 80 : index
      %swap3A_326 = tpu.vector_load %arg8[%swap3A_324, %swap3A_325] {strides = array<i32>} : memref<208x128xf32, #tpu.memory_space<vmem>>, vector<1x16xf32>,
      %swap3A_327 = vector.shape_cast %swap3A_326 : vector<1x16xf32> to vector<16xf32>
      %swap3A_328 = vector.shape_cast %get3A_323 : vector<16xf32> to vector<1x16xf32>
      tpu.vector_store %arg8[%swap3A_324, %swap3A_325], %swap3A_328 {strides = array<i32>} : memref<208x128xf32, #tpu.memory_space<vmem>>, vector<1x16xf32>,
      %get3A_329 = arith.index_cast %add3A_310 : i32 to index
      %get3A_330 = arith.constant 32 : index
      %get3A_331 = tpu.vector_load %arg9[%get3A_329, %get3A_330] {strides = array<i32>} : memref<208x128xf32, #tpu.memory_space<vmem>>, vector<1x16xf32>,
      %get3A_332 = vector.shape_cast %get3A_331 : vector<1x16xf32> to vector<16xf32>
      %swap3A_333 = arith.index_cast %add3A_310 : i32 to index
      %swap3A_334 = arith.constant 96 : index
      %swap3A_335 = tpu.vector_load %arg8[%swap3A_333, %swap3A_334] {strides = array<i32>} : memref<208x128xf32, #tpu.memory_space<vmem>>, vector<1x16xf32>,
      %swap3A_336 = vector.shape_cast %swap3A_335 : vector<1x16xf32> to vector<16xf32>
      %swap3A_337 = vector.shape_cast %get3A_332 : vector<16xf32> to vector<1x16xf32>
      tpu.vector_store %arg8[%swap3A_333, %swap3A_334], %swap3A_337 {strides = array<i32>} : memref<208x128xf32, #tpu.memory_space<vmem>>, vector<1x16xf32>,
      %get3A_338 = arith.index_cast %add3A_310 : i32 to index
      %get3A_339 = arith.constant 48 : index
      %get3A_340 = tpu.vector_load %arg9[%get3A_338, %get3A_339] {strides = array<i32>} : memref<208x128xf32, #tpu.memory_space<vmem>>, vector<1x16xf32>,
      %get3A_341 = vector.shape_cast %get3A_340 : vector<1x16xf32> to vector<16xf32>
      %swap3A_342 = arith.index_cast %add3A_310 : i32 to index
      %swap3A_343 = arith.constant 112 : index
      %swap3A_344 = tpu.vector_load %arg8[%swap3A_342, %swap3A_343] {strides = array<i32>} : memref<208x128xf32, #tpu.memory_space<vmem>>, vector<1x16xf32>,
      %swap3A_345 = vector.shape_cast %swap3A_344 : vector<1x16xf32> to vector<16xf32>
      %swap3A_346 = vector.shape_cast %get3A_341 : vector<16xf32> to vector<1x16xf32>
      tpu.vector_store %arg8[%swap3A_342, %swap3A_343], %swap3A_346 {strides = array<i32>} : memref<208x128xf32, #tpu.memory_space<vmem>>, vector<1x16xf32>,
      %scan3A_347 = arith.constant 5 : i32
      %scan3A_348 = arith.addi %scan3A_140, %scan3A_347 : i32
      %mul3A_349 = arith.constant 1 : i32
      %mul3A_350 = arith.muli %scan3A_348, %mul3A_349 : i32
      %add3A_351 = arith.constant 0 : i32
      %add3A_352 = arith.addi %add3A_351, %mul3A_350 : i32
      %get3A_353 = arith.index_cast %add3A_352 : i32 to index
      %get3A_354 = arith.constant 0 : index
      %get3A_355 = tpu.vector_load %arg9[%get3A_353, %get3A_354] {strides = array<i32>} : memref<208x128xf32, #tpu.memory_space<vmem>>, vector<1x16xf32>,
      %get3A_356 = vector.shape_cast %get3A_355 : vector<1x16xf32> to vector<16xf32>
      %swap3A_357 = arith.index_cast %add3A_352 : i32 to index
      %swap3A_358 = arith.constant 64 : index
      %swap3A_359 = tpu.vector_load %arg8[%swap3A_357, %swap3A_358] {strides = array<i32>} : memref<208x128xf32, #tpu.memory_space<vmem>>, vector<1x16xf32>,
      %swap3A_360 = vector.shape_cast %swap3A_359 : vector<1x16xf32> to vector<16xf32>
      %swap3A_361 = vector.shape_cast %get3A_356 : vector<16xf32> to vector<1x16xf32>
      tpu.vector_store %arg8[%swap3A_357, %swap3A_358], %swap3A_361 {strides = array<i32>} : memref<208x128xf32, #tpu.memory_space<vmem>>, vector<1x16xf32>,
      %get3A_362 = arith.index_cast %add3A_352 : i32 to index
      %get3A_363 = arith.constant 16 : index
      %get3A_364 = tpu.vector_load %arg9[%get3A_362, %get3A_363] {strides = array<i32>} : memref<208x128xf32, #tpu.memory_space<vmem>>, vector<1x16xf32>,
      %get3A_365 = vector.shape_cast %get3A_364 : vector<1x16xf32> to vector<16xf32>
      %swap3A_366 = arith.index_cast %add3A_352 : i32 to index
      %swap3A_367 = arith.constant 80 : index
      %swap3A_368 = tpu.vector_load %arg8[%swap3A_366, %swap3A_367] {strides = array<i32>} : memref<208x128xf32, #tpu.memory_space<vmem>>, vector<1x16xf32>,
      %swap3A_369 = vector.shape_cast %swap3A_368 : vector<1x16xf32> to vector<16xf32>
      %swap3A_370 = vector.shape_cast %get3A_365 : vector<16xf32> to vector<1x16xf32>
      tpu.vector_store %arg8[%swap3A_366, %swap3A_367], %swap3A_370 {strides = array<i32>} : memref<208x128xf32, #tpu.memory_space<vmem>>, vector<1x16xf32>,
      %get3A_371 = arith.index_cast %add3A_352 : i32 to index
      %get3A_372 = arith.constant 32 : index
      %get3A_373 = tpu.vector_load %arg9[%get3A_371, %get3A_372] {strides = array<i32>} : memref<208x128xf32, #tpu.memory_space<vmem>>, vector<1x16xf32>,
      %get3A_374 = vector.shape_cast %get3A_373 : vector<1x16xf32> to vector<16xf32>
      %swap3A_375 = arith.index_cast %add3A_352 : i32 to index
      %swap3A_376 = arith.constant 96 : index
      %swap3A_377 = tpu.vector_load %arg8[%swap3A_375, %swap3A_376] {strides = array<i32>} : memref<208x128xf32, #tpu.memory_space<vmem>>, vector<1x16xf32>,
      %swap3A_378 = vector.shape_cast %swap3A_377 : vector<1x16xf32> to vector<16xf32>
      %swap3A_379 = vector.shape_cast %get3A_374 : vector<16xf32> to vector<1x16xf32>
      tpu.vector_store %arg8[%swap3A_375, %swap3A_376], %swap3A_379 {strides = array<i32>} : memref<208x128xf32, #tpu.memory_space<vmem>>, vector<1x16xf32>,
      %get3A_380 = arith.index_cast %add3A_352 : i32 to index
      %get3A_381 = arith.constant 48 : index
      %get3A_382 = tpu.vector_load %arg9[%get3A_380, %get3A_381] {strides = array<i32>} : memref<208x128xf32, #tpu.memory_space<vmem>>, vector<1x16xf32>,
      %get3A_383 = vector.shape_cast %get3A_382 : vector<1x16xf32> to vector<16xf32>
      %swap3A_384 = arith.index_cast %add3A_352 : i32 to index
      %swap3A_385 = arith.constant 112 : index
      %swap3A_386 = tpu.vector_load %arg8[%swap3A_384, %swap3A_385] {strides = array<i32>} : memref<208x128xf32, #tpu.memory_space<vmem>>, vector<1x16xf32>,
      %swap3A_387 = vector.shape_cast %swap3A_386 : vector<1x16xf32> to vector<16xf32>
      %swap3A_388 = vector.shape_cast %get3A_383 : vector<16xf32> to vector<1x16xf32>
      tpu.vector_store %arg8[%swap3A_384, %swap3A_385], %swap3A_388 {strides = array<i32>} : memref<208x128xf32, #tpu.memory_space<vmem>>, vector<1x16xf32>,
      %scan3A_389 = arith.constant 6 : i32
      %scan3A_390 = arith.addi %scan3A_140, %scan3A_389 : i32
      %mul3A_391 = arith.constant 1 : i32
      %mul3A_392 = arith.muli %scan3A_390, %mul3A_391 : i32
      %add3A_393 = arith.constant 0 : i32
      %add3A_394 = arith.addi %add3A_393, %mul3A_392 : i32
      %get3A_395 = arith.index_cast %add3A_394 : i32 to index
      %get3A_396 = arith.constant 0 : index
      %get3A_397 = tpu.vector_load %arg9[%get3A_395, %get3A_396] {strides = array<i32>} : memref<208x128xf32, #tpu.memory_space<vmem>>, vector<1x16xf32>,
      %get3A_398 = vector.shape_cast %get3A_397 : vector<1x16xf32> to vector<16xf32>
      %swap3A_399 = arith.index_cast %add3A_394 : i32 to index
      %swap3A_400 = arith.constant 64 : index
      %swap3A_401 = tpu.vector_load %arg8[%swap3A_399, %swap3A_400] {strides = array<i32>} : memref<208x128xf32, #tpu.memory_space<vmem>>, vector<1x16xf32>,
      %swap3A_402 = vector.shape_cast %swap3A_401 : vector<1x16xf32> to vector<16xf32>
      %swap3A_403 = vector.shape_cast %get3A_398 : vector<16xf32> to vector<1x16xf32>
      tpu.vector_store %arg8[%swap3A_399, %swap3A_400], %swap3A_403 {strides = array<i32>} : memref<208x128xf32, #tpu.memory_space<vmem>>, vector<1x16xf32>,
      %get3A_404 = arith.index_cast %add3A_394 : i32 to index
      %get3A_405 = arith.constant 16 : index
      %get3A_406 = tpu.vector_load %arg9[%get3A_404, %get3A_405] {strides = array<i32>} : memref<208x128xf32, #tpu.memory_space<vmem>>, vector<1x16xf32>,
      %get3A_407 = vector.shape_cast %get3A_406 : vector<1x16xf32> to vector<16xf32>
      %swap3A_408 = arith.index_cast %add3A_394 : i32 to index
      %swap3A_409 = arith.constant 80 : index
      %swap3A_410 = tpu.vector_load %arg8[%swap3A_408, %swap3A_409] {strides = array<i32>} : memref<208x128xf32, #tpu.memory_space<vmem>>, vector<1x16xf32>,
      %swap3A_411 = vector.shape_cast %swap3A_410 : vector<1x16xf32> to vector<16xf32>
      %swap3A_412 = vector.shape_cast %get3A_407 : vector<16xf32> to vector<1x16xf32>
      tpu.vector_store %arg8[%swap3A_408, %swap3A_409], %swap3A_412 {strides = array<i32>} : memref<208x128xf32, #tpu.memory_space<vmem>>, vector<1x16xf32>,
      %get3A_413 = arith.index_cast %add3A_394 : i32 to index
      %get3A_414 = arith.constant 32 : index
      %get3A_415 = tpu.vector_load %arg9[%get3A_413, %get3A_414] {strides = array<i32>} : memref<208x128xf32, #tpu.memory_space<vmem>>, vector<1x16xf32>,
      %get3A_416 = vector.shape_cast %get3A_415 : vector<1x16xf32> to vector<16xf32>
      %swap3A_417 = arith.index_cast %add3A_394 : i32 to index
      %swap3A_418 = arith.constant 96 : index
      %swap3A_419 = tpu.vector_load %arg8[%swap3A_417, %swap3A_418] {strides = array<i32>} : memref<208x128xf32, #tpu.memory_space<vmem>>, vector<1x16xf32>,
      %swap3A_420 = vector.shape_cast %swap3A_419 : vector<1x16xf32> to vector<16xf32>
      %swap3A_421 = vector.shape_cast %get3A_416 : vector<16xf32> to vector<1x16xf32>
      tpu.vector_store %arg8[%swap3A_417, %swap3A_418], %swap3A_421 {strides = array<i32>} : memref<208x128xf32, #tpu.memory_space<vmem>>, vector<1x16xf32>,
      %get3A_422 = arith.index_cast %add3A_394 : i32 to index
      %get3A_423 = arith.constant 48 : index
      %get3A_424 = tpu.vector_load %arg9[%get3A_422, %get3A_423] {strides = array<i32>} : memref<208x128xf32, #tpu.memory_space<vmem>>, vector<1x16xf32>,
      %get3A_425 = vector.shape_cast %get3A_424 : vector<1x16xf32> to vector<16xf32>
      %swap3A_426 = arith.index_cast %add3A_394 : i32 to index
      %swap3A_427 = arith.constant 112 : index
      %swap3A_428 = tpu.vector_load %arg8[%swap3A_426, %swap3A_427] {strides = array<i32>} : memref<208x128xf32, #tpu.memory_space<vmem>>, vector<1x16xf32>,
      %swap3A_429 = vector.shape_cast %swap3A_428 : vector<1x16xf32> to vector<16xf32>
      %swap3A_430 = vector.shape_cast %get3A_425 : vector<16xf32> to vector<1x16xf32>
      tpu.vector_store %arg8[%swap3A_426, %swap3A_427], %swap3A_430 {strides = array<i32>} : memref<208x128xf32, #tpu.memory_space<vmem>>, vector<1x16xf32>,
      %scan3A_431 = arith.constant 7 : i32
      %scan3A_432 = arith.addi %scan3A_140, %scan3A_431 : i32
      %mul3A_433 = arith.constant 1 : i32
      %mul3A_434 = arith.muli %scan3A_432, %mul3A_433 : i32
      %add3A_435 = arith.constant 0 : i32
      %add3A_436 = arith.addi %add3A_435, %mul3A_434 : i32
      %get3A_437 = arith.index_cast %add3A_436 : i32 to index
      %get3A_438 = arith.constant 0 : index
      %get3A_439 = tpu.vector_load %arg9[%get3A_437, %get3A_438] {strides = array<i32>} : memref<208x128xf32, #tpu.memory_space<vmem>>, vector<1x16xf32>,
      %get3A_440 = vector.shape_cast %get3A_439 : vector<1x16xf32> to vector<16xf32>
      %swap3A_441 = arith.index_cast %add3A_436 : i32 to index
      %swap3A_442 = arith.constant 64 : index
      %swap3A_443 = tpu.vector_load %arg8[%swap3A_441, %swap3A_442] {strides = array<i32>} : memref<208x128xf32, #tpu.memory_space<vmem>>, vector<1x16xf32>,
      %swap3A_444 = vector.shape_cast %swap3A_443 : vector<1x16xf32> to vector<16xf32>
      %swap3A_445 = vector.shape_cast %get3A_440 : vector<16xf32> to vector<1x16xf32>
      tpu.vector_store %arg8[%swap3A_441, %swap3A_442], %swap3A_445 {strides = array<i32>} : memref<208x128xf32, #tpu.memory_space<vmem>>, vector<1x16xf32>,
      %get3A_446 = arith.index_cast %add3A_436 : i32 to index
      %get3A_447 = arith.constant 16 : index
      %get3A_448 = tpu.vector_load %arg9[%get3A_446, %get3A_447] {strides = array<i32>} : memref<208x128xf32, #tpu.memory_space<vmem>>, vector<1x16xf32>,
      %get3A_449 = vector.shape_cast %get3A_448 : vector<1x16xf32> to vector<16xf32>
      %swap3A_450 = arith.index_cast %add3A_436 : i32 to index
      %swap3A_451 = arith.constant 80 : index
      %swap3A_452 = tpu.vector_load %arg8[%swap3A_450, %swap3A_451] {strides = array<i32>} : memref<208x128xf32, #tpu.memory_space<vmem>>, vector<1x16xf32>,
      %swap3A_453 = vector.shape_cast %swap3A_452 : vector<1x16xf32> to vector<16xf32>
      %swap3A_454 = vector.shape_cast %get3A_449 : vector<16xf32> to vector<1x16xf32>
      tpu.vector_store %arg8[%swap3A_450, %swap3A_451], %swap3A_454 {strides = array<i32>} : memref<208x128xf32, #tpu.memory_space<vmem>>, vector<1x16xf32>,
      %get3A_455 = arith.index_cast %add3A_436 : i32 to index
      %get3A_456 = arith.constant 32 : index
      %get3A_457 = tpu.vector_load %arg9[%get3A_455, %get3A_456] {strides = array<i32>} : memref<208x128xf32, #tpu.memory_space<vmem>>, vector<1x16xf32>,
      %get3A_458 = vector.shape_cast %get3A_457 : vector<1x16xf32> to vector<16xf32>
      %swap3A_459 = arith.index_cast %add3A_436 : i32 to index
      %swap3A_460 = arith.constant 96 : index
      %swap3A_461 = tpu.vector_load %arg8[%swap3A_459, %swap3A_460] {strides = array<i32>} : memref<208x128xf32, #tpu.memory_space<vmem>>, vector<1x16xf32>,
      %swap3A_462 = vector.shape_cast %swap3A_461 : vector<1x16xf32> to vector<16xf32>
      %swap3A_463 = vector.shape_cast %get3A_458 : vector<16xf32> to vector<1x16xf32>
      tpu.vector_store %arg8[%swap3A_459, %swap3A_460], %swap3A_463 {strides = array<i32>} : memref<208x128xf32, #tpu.memory_space<vmem>>, vector<1x16xf32>,
      %get3A_464 = arith.index_cast %add3A_436 : i32 to index
      %get3A_465 = arith.constant 48 : index
      %get3A_466 = tpu.vector_load %arg9[%get3A_464, %get3A_465] {strides = array<i32>} : memref<208x128xf32, #tpu.memory_space<vmem>>, vector<1x16xf32>,
      %get3A_467 = vector.shape_cast %get3A_466 : vector<1x16xf32> to vector<16xf32>
      %swap3A_468 = arith.index_cast %add3A_436 : i32 to index
      %swap3A_469 = arith.constant 112 : index
      %swap3A_470 = tpu.vector_load %arg8[%swap3A_468, %swap3A_469] {strides = array<i32>} : memref<208x128xf32, #tpu.memory_space<vmem>>, vector<1x16xf32>,
      %swap3A_471 = vector.shape_cast %swap3A_470 : vector<1x16xf32> to vector<16xf32>
      %swap3A_472 = vector.shape_cast %get3A_467 : vector<16xf32> to vector<1x16xf32>
      tpu.vector_store %arg8[%swap3A_468, %swap3A_469], %swap3A_472 {strides = array<i32>} : memref<208x128xf32, #tpu.memory_space<vmem>>, vector<1x16xf32>,
    }
    %scan3A_104 = arith.constant 208 : i32
    %add3A_105 = arith.constant 416 : i32
    %add3A_106 = arith.addi %mul3A_2, %add3A_105 : i32
    %dma_start3A_107 = arith.constant 0 : i32
    %dma_start3A_108 = tpu.memref_slice %arg5[%add3A_106, %dma_start3A_107] : memref<26624x128xf32, #tpu.memory_space<hbm>> -> memref<208x128xf32, #tpu.memory_space<hbm>>
    %dma_start3A_109 = arith.constant 0 : i32
    %dma_start3A_110 = tpu.memref_slice %arg5[%add3A_106, %dma_start3A_109] : memref<26624x128xf32, #tpu.memory_space<hbm>> -> memref<208x128xf32, #tpu.memory_space<hbm>>
    tpu.enqueue_dma source(%arg8 : memref<208x128xf32, #tpu.memory_space<vmem>>) target(%dma_start3A_110 : memref<208x128xf32, #tpu.memory_space<hbm>>) target_semaphore(%arg14 : memref<!tpu.dma_semaphore, #tpu.memory_space<semaphore_mem>>)
    %dma_wait3A_111 = arith.constant 624 : i32
    %dma_wait3A_112 = tpu.memref_slice %arg6[%dma_wait3A_111] : memref<832xi32, #tpu.memory_space<vmem>> -> memref<208xi32, #tpu.memory_space<vmem>>
    %dma_wait3A_113 = arith.constant 0 : i32
    %dma_wait3A_114 = arith.constant 0 : i32
    %dma_wait3A_115 = tpu.memref_slice %arg2[%dma_wait3A_113, %dma_wait3A_114] : memref<26000x128xf32, #tpu.memory_space<hbm>> -> memref<26000x128xf32, #tpu.memory_space<hbm>>
    tpu.wait_indirect_dma semaphore(%arg13 : memref<!tpu.dma_semaphore, #tpu.memory_space<semaphore_mem>>) src(%dma_wait3A_115 : memref<26000x128xf32, #tpu.memory_space<hbm>>) dst(%arg10 : memref<208x128xf32, #tpu.memory_space<vmem>>)
    %dma_wait3A_116 = arith.constant 624 : i32
    %dma_wait3A_117 = tpu.memref_slice %arg7[%dma_wait3A_116] : memref<832xi32, #tpu.memory_space<vmem>> -> memref<208xi32, #tpu.memory_space<vmem>>
    %dma_wait3A_118 = arith.constant 0 : i32
    %dma_wait3A_119 = arith.constant 0 : i32
    %dma_wait3A_120 = tpu.memref_slice %arg2[%dma_wait3A_118, %dma_wait3A_119] : memref<26000x128xf32, #tpu.memory_space<hbm>> -> memref<26000x128xf32, #tpu.memory_space<hbm>>
    tpu.wait_indirect_dma semaphore(%arg13 : memref<!tpu.dma_semaphore, #tpu.memory_space<semaphore_mem>>) src(%dma_wait3A_120 : memref<26000x128xf32, #tpu.memory_space<hbm>>) dst(%arg11 : memref<208x128xf32, #tpu.memory_space<vmem>>)
    %scan3A_121 = arith.constant 0 : i32
    %scan3A_122 = arith.constant 208 : i32
    %scan3A_123 = arith.addi %scan3A_121, %scan3A_122 : i32
    %scan3A_124 = arith.constant 8 : i32
    scf.for %scan3A_140 = %scan3A_121 to %scan3A_123 step %scan3A_124  : i32 {
      %mul3A_141 = arith.constant 1 : i32
      %mul3A_142 = arith.muli %scan3A_140, %mul3A_141 : i32
      %add3A_143 = arith.constant 0 : i32
      %add3A_144 = arith.addi %add3A_143, %mul3A_142 : i32
      %get3A = arith.index_cast %add3A_144 : i32 to index
      %get3A_145 = arith.constant 0 : index
      %get3A_146 = tpu.vector_load %arg11[%get3A, %get3A_145] {strides = array<i32>} : memref<208x128xf32, #tpu.memory_space<vmem>>, vector<1x16xf32>,
      %get3A_147 = vector.shape_cast %get3A_146 : vector<1x16xf32> to vector<16xf32>
      %swap3A = arith.index_cast %add3A_144 : i32 to index
      %swap3A_148 = arith.constant 64 : index
      %swap3A_149 = tpu.vector_load %arg10[%swap3A, %swap3A_148] {strides = array<i32>} : memref<208x128xf32, #tpu.memory_space<vmem>>, vector<1x16xf32>,
      %swap3A_150 = vector.shape_cast %swap3A_149 : vector<1x16xf32> to vector<16xf32>
      %swap3A_151 = vector.shape_cast %get3A_147 : vector<16xf32> to vector<1x16xf32>
      tpu.vector_store %arg10[%swap3A, %swap3A_148], %swap3A_151 {strides = array<i32>} : memref<208x128xf32, #tpu.memory_space<vmem>>, vector<1x16xf32>,
      %get3A_152 = arith.index_cast %add3A_144 : i32 to index
      %get3A_153 = arith.constant 16 : index
      %get3A_154 = tpu.vector_load %arg11[%get3A_152, %get3A_153] {strides = array<i32>} : memref<208x128xf32, #tpu.memory_space<vmem>>, vector<1x16xf32>,
      %get3A_155 = vector.shape_cast %get3A_154 : vector<1x16xf32> to vector<16xf32>
      %swap3A_156 = arith.index_cast %add3A_144 : i32 to index
      %swap3A_157 = arith.constant 80 : index
      %swap3A_158 = tpu.vector_load %arg10[%swap3A_156, %swap3A_157] {strides = array<i32>} : memref<208x128xf32, #tpu.memory_space<vmem>>, vector<1x16xf32>,
      %swap3A_159 = vector.shape_cast %swap3A_158 : vector<1x16xf32> to vector<16xf32>
      %swap3A_160 = vector.shape_cast %get3A_155 : vector<16xf32> to vector<1x16xf32>
      tpu.vector_store %arg10[%swap3A_156, %swap3A_157], %swap3A_160 {strides = array<i32>} : memref<208x128xf32, #tpu.memory_space<vmem>>, vector<1x16xf32>,
      %get3A_161 = arith.index_cast %add3A_144 : i32 to index
      %get3A_162 = arith.constant 32 : index
      %get3A_163 = tpu.vector_load %arg11[%get3A_161, %get3A_162] {strides = array<i32>} : memref<208x128xf32, #tpu.memory_space<vmem>>, vector<1x16xf32>,
      %get3A_164 = vector.shape_cast %get3A_163 : vector<1x16xf32> to vector<16xf32>
      %swap3A_165 = arith.index_cast %add3A_144 : i32 to index
      %swap3A_166 = arith.constant 96 : index
      %swap3A_167 = tpu.vector_load %arg10[%swap3A_165, %swap3A_166] {strides = array<i32>} : memref<208x128xf32, #tpu.memory_space<vmem>>, vector<1x16xf32>,
      %swap3A_168 = vector.shape_cast %swap3A_167 : vector<1x16xf32> to vector<16xf32>
      %swap3A_169 = vector.shape_cast %get3A_164 : vector<16xf32> to vector<1x16xf32>
      tpu.vector_store %arg10[%swap3A_165, %swap3A_166], %swap3A_169 {strides = array<i32>} : memref<208x128xf32, #tpu.memory_space<vmem>>, vector<1x16xf32>,
      %get3A_170 = arith.index_cast %add3A_144 : i32 to index
      %get3A_171 = arith.constant 48 : index
      %get3A_172 = tpu.vector_load %arg11[%get3A_170, %get3A_171] {strides = array<i32>} : memref<208x128xf32, #tpu.memory_space<vmem>>, vector<1x16xf32>,
      %get3A_173 = vector.shape_cast %get3A_172 : vector<1x16xf32> to vector<16xf32>
      %swap3A_174 = arith.index_cast %add3A_144 : i32 to index
      %swap3A_175 = arith.constant 112 : index
      %swap3A_176 = tpu.vector_load %arg10[%swap3A_174, %swap3A_175] {strides = array<i32>} : memref<208x128xf32, #tpu.memory_space<vmem>>, vector<1x16xf32>,
      %swap3A_177 = vector.shape_cast %swap3A_176 : vector<1x16xf32> to vector<16xf32>
      %swap3A_178 = vector.shape_cast %get3A_173 : vector<16xf32> to vector<1x16xf32>
      tpu.vector_store %arg10[%swap3A_174, %swap3A_175], %swap3A_178 {strides = array<i32>} : memref<208x128xf32, #tpu.memory_space<vmem>>, vector<1x16xf32>,
      %scan3A_179 = arith.constant 1 : i32
      %scan3A_180 = arith.addi %scan3A_140, %scan3A_179 : i32
      %mul3A_181 = arith.constant 1 : i32
      %mul3A_182 = arith.muli %scan3A_180, %mul3A_181 : i32
      %add3A_183 = arith.constant 0 : i32
      %add3A_184 = arith.addi %add3A_183, %mul3A_182 : i32
      %get3A_185 = arith.index_cast %add3A_184 : i32 to index
      %get3A_186 = arith.constant 0 : index
      %get3A_187 = tpu.vector_load %arg11[%get3A_185, %get3A_186] {strides = array<i32>} : memref<208x128xf32, #tpu.memory_space<vmem>>, vector<1x16xf32>,
      %get3A_188 = vector.shape_cast %get3A_187 : vector<1x16xf32> to vector<16xf32>
      %swap3A_189 = arith.index_cast %add3A_184 : i32 to index
      %swap3A_190 = arith.constant 64 : index
      %swap3A_191 = tpu.vector_load %arg10[%swap3A_189, %swap3A_190] {strides = array<i32>} : memref<208x128xf32, #tpu.memory_space<vmem>>, vector<1x16xf32>,
      %swap3A_192 = vector.shape_cast %swap3A_191 : vector<1x16xf32> to vector<16xf32>
      %swap3A_193 = vector.shape_cast %get3A_188 : vector<16xf32> to vector<1x16xf32>
      tpu.vector_store %arg10[%swap3A_189, %swap3A_190], %swap3A_193 {strides = array<i32>} : memref<208x128xf32, #tpu.memory_space<vmem>>, vector<1x16xf32>,
      %get3A_194 = arith.index_cast %add3A_184 : i32 to index
      %get3A_195 = arith.constant 16 : index
      %get3A_196 = tpu.vector_load %arg11[%get3A_194, %get3A_195] {strides = array<i32>} : memref<208x128xf32, #tpu.memory_space<vmem>>, vector<1x16xf32>,
      %get3A_197 = vector.shape_cast %get3A_196 : vector<1x16xf32> to vector<16xf32>
      %swap3A_198 = arith.index_cast %add3A_184 : i32 to index
      %swap3A_199 = arith.constant 80 : index
      %swap3A_200 = tpu.vector_load %arg10[%swap3A_198, %swap3A_199] {strides = array<i32>} : memref<208x128xf32, #tpu.memory_space<vmem>>, vector<1x16xf32>,
      %swap3A_201 = vector.shape_cast %swap3A_200 : vector<1x16xf32> to vector<16xf32>
      %swap3A_202 = vector.shape_cast %get3A_197 : vector<16xf32> to vector<1x16xf32>
      tpu.vector_store %arg10[%swap3A_198, %swap3A_199], %swap3A_202 {strides = array<i32>} : memref<208x128xf32, #tpu.memory_space<vmem>>, vector<1x16xf32>,
      %get3A_203 = arith.index_cast %add3A_184 : i32 to index
      %get3A_204 = arith.constant 32 : index
      %get3A_205 = tpu.vector_load %arg11[%get3A_203, %get3A_204] {strides = array<i32>} : memref<208x128xf32, #tpu.memory_space<vmem>>, vector<1x16xf32>,
      %get3A_206 = vector.shape_cast %get3A_205 : vector<1x16xf32> to vector<16xf32>
      %swap3A_207 = arith.index_cast %add3A_184 : i32 to index
      %swap3A_208 = arith.constant 96 : index
      %swap3A_209 = tpu.vector_load %arg10[%swap3A_207, %swap3A_208] {strides = array<i32>} : memref<208x128xf32, #tpu.memory_space<vmem>>, vector<1x16xf32>,
      %swap3A_210 = vector.shape_cast %swap3A_209 : vector<1x16xf32> to vector<16xf32>
      %swap3A_211 = vector.shape_cast %get3A_206 : vector<16xf32> to vector<1x16xf32>
      tpu.vector_store %arg10[%swap3A_207, %swap3A_208], %swap3A_211 {strides = array<i32>} : memref<208x128xf32, #tpu.memory_space<vmem>>, vector<1x16xf32>,
      %get3A_212 = arith.index_cast %add3A_184 : i32 to index
      %get3A_213 = arith.constant 48 : index
      %get3A_214 = tpu.vector_load %arg11[%get3A_212, %get3A_213] {strides = array<i32>} : memref<208x128xf32, #tpu.memory_space<vmem>>, vector<1x16xf32>,
      %get3A_215 = vector.shape_cast %get3A_214 : vector<1x16xf32> to vector<16xf32>
      %swap3A_216 = arith.index_cast %add3A_184 : i32 to index
      %swap3A_217 = arith.constant 112 : index
      %swap3A_218 = tpu.vector_load %arg10[%swap3A_216, %swap3A_217] {strides = array<i32>} : memref<208x128xf32, #tpu.memory_space<vmem>>, vector<1x16xf32>,
      %swap3A_219 = vector.shape_cast %swap3A_218 : vector<1x16xf32> to vector<16xf32>
      %swap3A_220 = vector.shape_cast %get3A_215 : vector<16xf32> to vector<1x16xf32>
      tpu.vector_store %arg10[%swap3A_216, %swap3A_217], %swap3A_220 {strides = array<i32>} : memref<208x128xf32, #tpu.memory_space<vmem>>, vector<1x16xf32>,
      %scan3A_221 = arith.constant 2 : i32
      %scan3A_222 = arith.addi %scan3A_140, %scan3A_221 : i32
      %mul3A_223 = arith.constant 1 : i32
      %mul3A_224 = arith.muli %scan3A_222, %mul3A_223 : i32
      %add3A_225 = arith.constant 0 : i32
      %add3A_226 = arith.addi %add3A_225, %mul3A_224 : i32
      %get3A_227 = arith.index_cast %add3A_226 : i32 to index
      %get3A_228 = arith.constant 0 : index
      %get3A_229 = tpu.vector_load %arg11[%get3A_227, %get3A_228] {strides = array<i32>} : memref<208x128xf32, #tpu.memory_space<vmem>>, vector<1x16xf32>,
      %get3A_230 = vector.shape_cast %get3A_229 : vector<1x16xf32> to vector<16xf32>
      %swap3A_231 = arith.index_cast %add3A_226 : i32 to index
      %swap3A_232 = arith.constant 64 : index
      %swap3A_233 = tpu.vector_load %arg10[%swap3A_231, %swap3A_232] {strides = array<i32>} : memref<208x128xf32, #tpu.memory_space<vmem>>, vector<1x16xf32>,
      %swap3A_234 = vector.shape_cast %swap3A_233 : vector<1x16xf32> to vector<16xf32>
      %swap3A_235 = vector.shape_cast %get3A_230 : vector<16xf32> to vector<1x16xf32>
      tpu.vector_store %arg10[%swap3A_231, %swap3A_232], %swap3A_235 {strides = array<i32>} : memref<208x128xf32, #tpu.memory_space<vmem>>, vector<1x16xf32>,
      %get3A_236 = arith.index_cast %add3A_226 : i32 to index
      %get3A_237 = arith.constant 16 : index
      %get3A_238 = tpu.vector_load %arg11[%get3A_236, %get3A_237] {strides = array<i32>} : memref<208x128xf32, #tpu.memory_space<vmem>>, vector<1x16xf32>,
      %get3A_239 = vector.shape_cast %get3A_238 : vector<1x16xf32> to vector<16xf32>
      %swap3A_240 = arith.index_cast %add3A_226 : i32 to index
      %swap3A_241 = arith.constant 80 : index
      %swap3A_242 = tpu.vector_load %arg10[%swap3A_240, %swap3A_241] {strides = array<i32>} : memref<208x128xf32, #tpu.memory_space<vmem>>, vector<1x16xf32>,
      %swap3A_243 = vector.shape_cast %swap3A_242 : vector<1x16xf32> to vector<16xf32>
      %swap3A_244 = vector.shape_cast %get3A_239 : vector<16xf32> to vector<1x16xf32>
      tpu.vector_store %arg10[%swap3A_240, %swap3A_241], %swap3A_244 {strides = array<i32>} : memref<208x128xf32, #tpu.memory_space<vmem>>, vector<1x16xf32>,
      %get3A_245 = arith.index_cast %add3A_226 : i32 to index
      %get3A_246 = arith.constant 32 : index
      %get3A_247 = tpu.vector_load %arg11[%get3A_245, %get3A_246] {strides = array<i32>} : memref<208x128xf32, #tpu.memory_space<vmem>>, vector<1x16xf32>,
      %get3A_248 = vector.shape_cast %get3A_247 : vector<1x16xf32> to vector<16xf32>
      %swap3A_249 = arith.index_cast %add3A_226 : i32 to index
      %swap3A_250 = arith.constant 96 : index
      %swap3A_251 = tpu.vector_load %arg10[%swap3A_249, %swap3A_250] {strides = array<i32>} : memref<208x128xf32, #tpu.memory_space<vmem>>, vector<1x16xf32>,
      %swap3A_252 = vector.shape_cast %swap3A_251 : vector<1x16xf32> to vector<16xf32>
      %swap3A_253 = vector.shape_cast %get3A_248 : vector<16xf32> to vector<1x16xf32>
      tpu.vector_store %arg10[%swap3A_249, %swap3A_250], %swap3A_253 {strides = array<i32>} : memref<208x128xf32, #tpu.memory_space<vmem>>, vector<1x16xf32>,
      %get3A_254 = arith.index_cast %add3A_226 : i32 to index
      %get3A_255 = arith.constant 48 : index
      %get3A_256 = tpu.vector_load %arg11[%get3A_254, %get3A_255] {strides = array<i32>} : memref<208x128xf32, #tpu.memory_space<vmem>>, vector<1x16xf32>,
      %get3A_257 = vector.shape_cast %get3A_256 : vector<1x16xf32> to vector<16xf32>
      %swap3A_258 = arith.index_cast %add3A_226 : i32 to index
      %swap3A_259 = arith.constant 112 : index
      %swap3A_260 = tpu.vector_load %arg10[%swap3A_258, %swap3A_259] {strides = array<i32>} : memref<208x128xf32, #tpu.memory_space<vmem>>, vector<1x16xf32>,
      %swap3A_261 = vector.shape_cast %swap3A_260 : vector<1x16xf32> to vector<16xf32>
      %swap3A_262 = vector.shape_cast %get3A_257 : vector<16xf32> to vector<1x16xf32>
      tpu.vector_store %arg10[%swap3A_258, %swap3A_259], %swap3A_262 {strides = array<i32>} : memref<208x128xf32, #tpu.memory_space<vmem>>, vector<1x16xf32>,
      %scan3A_263 = arith.constant 3 : i32
      %scan3A_264 = arith.addi %scan3A_140, %scan3A_263 : i32
      %mul3A_265 = arith.constant 1 : i32
      %mul3A_266 = arith.muli %scan3A_264, %mul3A_265 : i32
      %add3A_267 = arith.constant 0 : i32
      %add3A_268 = arith.addi %add3A_267, %mul3A_266 : i32
      %get3A_269 = arith.index_cast %add3A_268 : i32 to index
      %get3A_270 = arith.constant 0 : index
      %get3A_271 = tpu.vector_load %arg11[%get3A_269, %get3A_270] {strides = array<i32>} : memref<208x128xf32, #tpu.memory_space<vmem>>, vector<1x16xf32>,
      %get3A_272 = vector.shape_cast %get3A_271 : vector<1x16xf32> to vector<16xf32>
      %swap3A_273 = arith.index_cast %add3A_268 : i32 to index
      %swap3A_274 = arith.constant 64 : index
      %swap3A_275 = tpu.vector_load %arg10[%swap3A_273, %swap3A_274] {strides = array<i32>} : memref<208x128xf32, #tpu.memory_space<vmem>>, vector<1x16xf32>,
      %swap3A_276 = vector.shape_cast %swap3A_275 : vector<1x16xf32> to vector<16xf32>
      %swap3A_277 = vector.shape_cast %get3A_272 : vector<16xf32> to vector<1x16xf32>
      tpu.vector_store %arg10[%swap3A_273, %swap3A_274], %swap3A_277 {strides = array<i32>} : memref<208x128xf32, #tpu.memory_space<vmem>>, vector<1x16xf32>,
      %get3A_278 = arith.index_cast %add3A_268 : i32 to index
      %get3A_279 = arith.constant 16 : index
      %get3A_280 = tpu.vector_load %arg11[%get3A_278, %get3A_279] {strides = array<i32>} : memref<208x128xf32, #tpu.memory_space<vmem>>, vector<1x16xf32>,
      %get3A_281 = vector.shape_cast %get3A_280 : vector<1x16xf32> to vector<16xf32>
      %swap3A_282 = arith.index_cast %add3A_268 : i32 to index
      %swap3A_283 = arith.constant 80 : index
      %swap3A_284 = tpu.vector_load %arg10[%swap3A_282, %swap3A_283] {strides = array<i32>} : memref<208x128xf32, #tpu.memory_space<vmem>>, vector<1x16xf32>,
      %swap3A_285 = vector.shape_cast %swap3A_284 : vector<1x16xf32> to vector<16xf32>
      %swap3A_286 = vector.shape_cast %get3A_281 : vector<16xf32> to vector<1x16xf32>
      tpu.vector_store %arg10[%swap3A_282, %swap3A_283], %swap3A_286 {strides = array<i32>} : memref<208x128xf32, #tpu.memory_space<vmem>>, vector<1x16xf32>,
      %get3A_287 = arith.index_cast %add3A_268 : i32 to index
      %get3A_288 = arith.constant 32 : index
      %get3A_289 = tpu.vector_load %arg11[%get3A_287, %get3A_288] {strides = array<i32>} : memref<208x128xf32, #tpu.memory_space<vmem>>, vector<1x16xf32>,
      %get3A_290 = vector.shape_cast %get3A_289 : vector<1x16xf32> to vector<16xf32>
      %swap3A_291 = arith.index_cast %add3A_268 : i32 to index
      %swap3A_292 = arith.constant 96 : index
      %swap3A_293 = tpu.vector_load %arg10[%swap3A_291, %swap3A_292] {strides = array<i32>} : memref<208x128xf32, #tpu.memory_space<vmem>>, vector<1x16xf32>,
      %swap3A_294 = vector.shape_cast %swap3A_293 : vector<1x16xf32> to vector<16xf32>
      %swap3A_295 = vector.shape_cast %get3A_290 : vector<16xf32> to vector<1x16xf32>
      tpu.vector_store %arg10[%swap3A_291, %swap3A_292], %swap3A_295 {strides = array<i32>} : memref<208x128xf32, #tpu.memory_space<vmem>>, vector<1x16xf32>,
      %get3A_296 = arith.index_cast %add3A_268 : i32 to index
      %get3A_297 = arith.constant 48 : index
      %get3A_298 = tpu.vector_load %arg11[%get3A_296, %get3A_297] {strides = array<i32>} : memref<208x128xf32, #tpu.memory_space<vmem>>, vector<1x16xf32>,
      %get3A_299 = vector.shape_cast %get3A_298 : vector<1x16xf32> to vector<16xf32>
      %swap3A_300 = arith.index_cast %add3A_268 : i32 to index
      %swap3A_301 = arith.constant 112 : index
      %swap3A_302 = tpu.vector_load %arg10[%swap3A_300, %swap3A_301] {strides = array<i32>} : memref<208x128xf32, #tpu.memory_space<vmem>>, vector<1x16xf32>,
      %swap3A_303 = vector.shape_cast %swap3A_302 : vector<1x16xf32> to vector<16xf32>
      %swap3A_304 = vector.shape_cast %get3A_299 : vector<16xf32> to vector<1x16xf32>
      tpu.vector_store %arg10[%swap3A_300, %swap3A_301], %swap3A_304 {strides = array<i32>} : memref<208x128xf32, #tpu.memory_space<vmem>>, vector<1x16xf32>,
      %scan3A_305 = arith.constant 4 : i32
      %scan3A_306 = arith.addi %scan3A_140, %scan3A_305 : i32
      %mul3A_307 = arith.constant 1 : i32
      %mul3A_308 = arith.muli %scan3A_306, %mul3A_307 : i32
      %add3A_309 = arith.constant 0 : i32
      %add3A_310 = arith.addi %add3A_309, %mul3A_308 : i32
      %get3A_311 = arith.index_cast %add3A_310 : i32 to index
      %get3A_312 = arith.constant 0 : index
      %get3A_313 = tpu.vector_load %arg11[%get3A_311, %get3A_312] {strides = array<i32>} : memref<208x128xf32, #tpu.memory_space<vmem>>, vector<1x16xf32>,
      %get3A_314 = vector.shape_cast %get3A_313 : vector<1x16xf32> to vector<16xf32>
      %swap3A_315 = arith.index_cast %add3A_310 : i32 to index
      %swap3A_316 = arith.constant 64 : index
      %swap3A_317 = tpu.vector_load %arg10[%swap3A_315, %swap3A_316] {strides = array<i32>} : memref<208x128xf32, #tpu.memory_space<vmem>>, vector<1x16xf32>,
      %swap3A_318 = vector.shape_cast %swap3A_317 : vector<1x16xf32> to vector<16xf32>
      %swap3A_319 = vector.shape_cast %get3A_314 : vector<16xf32> to vector<1x16xf32>
      tpu.vector_store %arg10[%swap3A_315, %swap3A_316], %swap3A_319 {strides = array<i32>} : memref<208x128xf32, #tpu.memory_space<vmem>>, vector<1x16xf32>,
      %get3A_320 = arith.index_cast %add3A_310 : i32 to index
      %get3A_321 = arith.constant 16 : index
      %get3A_322 = tpu.vector_load %arg11[%get3A_320, %get3A_321] {strides = array<i32>} : memref<208x128xf32, #tpu.memory_space<vmem>>, vector<1x16xf32>,
      %get3A_323 = vector.shape_cast %get3A_322 : vector<1x16xf32> to vector<16xf32>
      %swap3A_324 = arith.index_cast %add3A_310 : i32 to index
      %swap3A_325 = arith.constant 80 : index
      %swap3A_326 = tpu.vector_load %arg10[%swap3A_324, %swap3A_325] {strides = array<i32>} : memref<208x128xf32, #tpu.memory_space<vmem>>, vector<1x16xf32>,
      %swap3A_327 = vector.shape_cast %swap3A_326 : vector<1x16xf32> to vector<16xf32>
      %swap3A_328 = vector.shape_cast %get3A_323 : vector<16xf32> to vector<1x16xf32>
      tpu.vector_store %arg10[%swap3A_324, %swap3A_325], %swap3A_328 {strides = array<i32>} : memref<208x128xf32, #tpu.memory_space<vmem>>, vector<1x16xf32>,
      %get3A_329 = arith.index_cast %add3A_310 : i32 to index
      %get3A_330 = arith.constant 32 : index
      %get3A_331 = tpu.vector_load %arg11[%get3A_329, %get3A_330] {strides = array<i32>} : memref<208x128xf32, #tpu.memory_space<vmem>>, vector<1x16xf32>,
      %get3A_332 = vector.shape_cast %get3A_331 : vector<1x16xf32> to vector<16xf32>
      %swap3A_333 = arith.index_cast %add3A_310 : i32 to index
      %swap3A_334 = arith.constant 96 : index
      %swap3A_335 = tpu.vector_load %arg10[%swap3A_333, %swap3A_334] {strides = array<i32>} : memref<208x128xf32, #tpu.memory_space<vmem>>, vector<1x16xf32>,
      %swap3A_336 = vector.shape_cast %swap3A_335 : vector<1x16xf32> to vector<16xf32>
      %swap3A_337 = vector.shape_cast %get3A_332 : vector<16xf32> to vector<1x16xf32>
      tpu.vector_store %arg10[%swap3A_333, %swap3A_334], %swap3A_337 {strides = array<i32>} : memref<208x128xf32, #tpu.memory_space<vmem>>, vector<1x16xf32>,
      %get3A_338 = arith.index_cast %add3A_310 : i32 to index
      %get3A_339 = arith.constant 48 : index
      %get3A_340 = tpu.vector_load %arg11[%get3A_338, %get3A_339] {strides = array<i32>} : memref<208x128xf32, #tpu.memory_space<vmem>>, vector<1x16xf32>,
      %get3A_341 = vector.shape_cast %get3A_340 : vector<1x16xf32> to vector<16xf32>
      %swap3A_342 = arith.index_cast %add3A_310 : i32 to index
      %swap3A_343 = arith.constant 112 : index
      %swap3A_344 = tpu.vector_load %arg10[%swap3A_342, %swap3A_343] {strides = array<i32>} : memref<208x128xf32, #tpu.memory_space<vmem>>, vector<1x16xf32>,
      %swap3A_345 = vector.shape_cast %swap3A_344 : vector<1x16xf32> to vector<16xf32>
      %swap3A_346 = vector.shape_cast %get3A_341 : vector<16xf32> to vector<1x16xf32>
      tpu.vector_store %arg10[%swap3A_342, %swap3A_343], %swap3A_346 {strides = array<i32>} : memref<208x128xf32, #tpu.memory_space<vmem>>, vector<1x16xf32>,
      %scan3A_347 = arith.constant 5 : i32
      %scan3A_348 = arith.addi %scan3A_140, %scan3A_347 : i32
      %mul3A_349 = arith.constant 1 : i32
      %mul3A_350 = arith.muli %scan3A_348, %mul3A_349 : i32
      %add3A_351 = arith.constant 0 : i32
      %add3A_352 = arith.addi %add3A_351, %mul3A_350 : i32
      %get3A_353 = arith.index_cast %add3A_352 : i32 to index
      %get3A_354 = arith.constant 0 : index
      %get3A_355 = tpu.vector_load %arg11[%get3A_353, %get3A_354] {strides = array<i32>} : memref<208x128xf32, #tpu.memory_space<vmem>>, vector<1x16xf32>,
      %get3A_356 = vector.shape_cast %get3A_355 : vector<1x16xf32> to vector<16xf32>
      %swap3A_357 = arith.index_cast %add3A_352 : i32 to index
      %swap3A_358 = arith.constant 64 : index
      %swap3A_359 = tpu.vector_load %arg10[%swap3A_357, %swap3A_358] {strides = array<i32>} : memref<208x128xf32, #tpu.memory_space<vmem>>, vector<1x16xf32>,
      %swap3A_360 = vector.shape_cast %swap3A_359 : vector<1x16xf32> to vector<16xf32>
      %swap3A_361 = vector.shape_cast %get3A_356 : vector<16xf32> to vector<1x16xf32>
      tpu.vector_store %arg10[%swap3A_357, %swap3A_358], %swap3A_361 {strides = array<i32>} : memref<208x128xf32, #tpu.memory_space<vmem>>, vector<1x16xf32>,
      %get3A_362 = arith.index_cast %add3A_352 : i32 to index
      %get3A_363 = arith.constant 16 : index
      %get3A_364 = tpu.vector_load %arg11[%get3A_362, %get3A_363] {strides = array<i32>} : memref<208x128xf32, #tpu.memory_space<vmem>>, vector<1x16xf32>,
      %get3A_365 = vector.shape_cast %get3A_364 : vector<1x16xf32> to vector<16xf32>
      %swap3A_366 = arith.index_cast %add3A_352 : i32 to index
      %swap3A_367 = arith.constant 80 : index
      %swap3A_368 = tpu.vector_load %arg10[%swap3A_366, %swap3A_367] {strides = array<i32>} : memref<208x128xf32, #tpu.memory_space<vmem>>, vector<1x16xf32>,
      %swap3A_369 = vector.shape_cast %swap3A_368 : vector<1x16xf32> to vector<16xf32>
      %swap3A_370 = vector.shape_cast %get3A_365 : vector<16xf32> to vector<1x16xf32>
      tpu.vector_store %arg10[%swap3A_366, %swap3A_367], %swap3A_370 {strides = array<i32>} : memref<208x128xf32, #tpu.memory_space<vmem>>, vector<1x16xf32>,
      %get3A_371 = arith.index_cast %add3A_352 : i32 to index
      %get3A_372 = arith.constant 32 : index
      %get3A_373 = tpu.vector_load %arg11[%get3A_371, %get3A_372] {strides = array<i32>} : memref<208x128xf32, #tpu.memory_space<vmem>>, vector<1x16xf32>,
      %get3A_374 = vector.shape_cast %get3A_373 : vector<1x16xf32> to vector<16xf32>
      %swap3A_375 = arith.index_cast %add3A_352 : i32 to index
      %swap3A_376 = arith.constant 96 : index
      %swap3A_377 = tpu.vector_load %arg10[%swap3A_375, %swap3A_376] {strides = array<i32>} : memref<208x128xf32, #tpu.memory_space<vmem>>, vector<1x16xf32>,
      %swap3A_378 = vector.shape_cast %swap3A_377 : vector<1x16xf32> to vector<16xf32>
      %swap3A_379 = vector.shape_cast %get3A_374 : vector<16xf32> to vector<1x16xf32>
      tpu.vector_store %arg10[%swap3A_375, %swap3A_376], %swap3A_379 {strides = array<i32>} : memref<208x128xf32, #tpu.memory_space<vmem>>, vector<1x16xf32>,
      %get3A_380 = arith.index_cast %add3A_352 : i32 to index
      %get3A_381 = arith.constant 48 : index
      %get3A_382 = tpu.vector_load %arg11[%get3A_380, %get3A_381] {strides = array<i32>} : memref<208x128xf32, #tpu.memory_space<vmem>>, vector<1x16xf32>,
      %get3A_383 = vector.shape_cast %get3A_382 : vector<1x16xf32> to vector<16xf32>
      %swap3A_384 = arith.index_cast %add3A_352 : i32 to index
      %swap3A_385 = arith.constant 112 : index
      %swap3A_386 = tpu.vector_load %arg10[%swap3A_384, %swap3A_385] {strides = array<i32>} : memref<208x128xf32, #tpu.memory_space<vmem>>, vector<1x16xf32>,
      %swap3A_387 = vector.shape_cast %swap3A_386 : vector<1x16xf32> to vector<16xf32>
      %swap3A_388 = vector.shape_cast %get3A_383 : vector<16xf32> to vector<1x16xf32>
      tpu.vector_store %arg10[%swap3A_384, %swap3A_385], %swap3A_388 {strides = array<i32>} : memref<208x128xf32, #tpu.memory_space<vmem>>, vector<1x16xf32>,
      %scan3A_389 = arith.constant 6 : i32
      %scan3A_390 = arith.addi %scan3A_140, %scan3A_389 : i32
      %mul3A_391 = arith.constant 1 : i32
      %mul3A_392 = arith.muli %scan3A_390, %mul3A_391 : i32
      %add3A_393 = arith.constant 0 : i32
      %add3A_394 = arith.addi %add3A_393, %mul3A_392 : i32
      %get3A_395 = arith.index_cast %add3A_394 : i32 to index
      %get3A_396 = arith.constant 0 : index
      %get3A_397 = tpu.vector_load %arg11[%get3A_395, %get3A_396] {strides = array<i32>} : memref<208x128xf32, #tpu.memory_space<vmem>>, vector<1x16xf32>,
      %get3A_398 = vector.shape_cast %get3A_397 : vector<1x16xf32> to vector<16xf32>
      %swap3A_399 = arith.index_cast %add3A_394 : i32 to index
      %swap3A_400 = arith.constant 64 : index
      %swap3A_401 = tpu.vector_load %arg10[%swap3A_399, %swap3A_400] {strides = array<i32>} : memref<208x128xf32, #tpu.memory_space<vmem>>, vector<1x16xf32>,
      %swap3A_402 = vector.shape_cast %swap3A_401 : vector<1x16xf32> to vector<16xf32>
      %swap3A_403 = vector.shape_cast %get3A_398 : vector<16xf32> to vector<1x16xf32>
      tpu.vector_store %arg10[%swap3A_399, %swap3A_400], %swap3A_403 {strides = array<i32>} : memref<208x128xf32, #tpu.memory_space<vmem>>, vector<1x16xf32>,
      %get3A_404 = arith.index_cast %add3A_394 : i32 to index
      %get3A_405 = arith.constant 16 : index
      %get3A_406 = tpu.vector_load %arg11[%get3A_404, %get3A_405] {strides = array<i32>} : memref<208x128xf32, #tpu.memory_space<vmem>>, vector<1x16xf32>,
      %get3A_407 = vector.shape_cast %get3A_406 : vector<1x16xf32> to vector<16xf32>
      %swap3A_408 = arith.index_cast %add3A_394 : i32 to index
      %swap3A_409 = arith.constant 80 : index
      %swap3A_410 = tpu.vector_load %arg10[%swap3A_408, %swap3A_409] {strides = array<i32>} : memref<208x128xf32, #tpu.memory_space<vmem>>, vector<1x16xf32>,
      %swap3A_411 = vector.shape_cast %swap3A_410 : vector<1x16xf32> to vector<16xf32>
      %swap3A_412 = vector.shape_cast %get3A_407 : vector<16xf32> to vector<1x16xf32>
      tpu.vector_store %arg10[%swap3A_408, %swap3A_409], %swap3A_412 {strides = array<i32>} : memref<208x128xf32, #tpu.memory_space<vmem>>, vector<1x16xf32>,
      %get3A_413 = arith.index_cast %add3A_394 : i32 to index
      %get3A_414 = arith.constant 32 : index
      %get3A_415 = tpu.vector_load %arg11[%get3A_413, %get3A_414] {strides = array<i32>} : memref<208x128xf32, #tpu.memory_space<vmem>>, vector<1x16xf32>,
      %get3A_416 = vector.shape_cast %get3A_415 : vector<1x16xf32> to vector<16xf32>
      %swap3A_417 = arith.index_cast %add3A_394 : i32 to index
      %swap3A_418 = arith.constant 96 : index
      %swap3A_419 = tpu.vector_load %arg10[%swap3A_417, %swap3A_418] {strides = array<i32>} : memref<208x128xf32, #tpu.memory_space<vmem>>, vector<1x16xf32>,
      %swap3A_420 = vector.shape_cast %swap3A_419 : vector<1x16xf32> to vector<16xf32>
      %swap3A_421 = vector.shape_cast %get3A_416 : vector<16xf32> to vector<1x16xf32>
      tpu.vector_store %arg10[%swap3A_417, %swap3A_418], %swap3A_421 {strides = array<i32>} : memref<208x128xf32, #tpu.memory_space<vmem>>, vector<1x16xf32>,
      %get3A_422 = arith.index_cast %add3A_394 : i32 to index
      %get3A_423 = arith.constant 48 : index
      %get3A_424 = tpu.vector_load %arg11[%get3A_422, %get3A_423] {strides = array<i32>} : memref<208x128xf32, #tpu.memory_space<vmem>>, vector<1x16xf32>,
      %get3A_425 = vector.shape_cast %get3A_424 : vector<1x16xf32> to vector<16xf32>
      %swap3A_426 = arith.index_cast %add3A_394 : i32 to index
      %swap3A_427 = arith.constant 112 : index
      %swap3A_428 = tpu.vector_load %arg10[%swap3A_426, %swap3A_427] {strides = array<i32>} : memref<208x128xf32, #tpu.memory_space<vmem>>, vector<1x16xf32>,
      %swap3A_429 = vector.shape_cast %swap3A_428 : vector<1x16xf32> to vector<16xf32>
      %swap3A_430 = vector.shape_cast %get3A_425 : vector<16xf32> to vector<1x16xf32>
      tpu.vector_store %arg10[%swap3A_426, %swap3A_427], %swap3A_430 {strides = array<i32>} : memref<208x128xf32, #tpu.memory_space<vmem>>, vector<1x16xf32>,
      %scan3A_431 = arith.constant 7 : i32
      %scan3A_432 = arith.addi %scan3A_140, %scan3A_431 : i32
      %mul3A_433 = arith.constant 1 : i32
      %mul3A_434 = arith.muli %scan3A_432, %mul3A_433 : i32
      %add3A_435 = arith.constant 0 : i32
      %add3A_436 = arith.addi %add3A_435, %mul3A_434 : i32
      %get3A_437 = arith.index_cast %add3A_436 : i32 to index
      %get3A_438 = arith.constant 0 : index
      %get3A_439 = tpu.vector_load %arg11[%get3A_437, %get3A_438] {strides = array<i32>} : memref<208x128xf32, #tpu.memory_space<vmem>>, vector<1x16xf32>,
      %get3A_440 = vector.shape_cast %get3A_439 : vector<1x16xf32> to vector<16xf32>
      %swap3A_441 = arith.index_cast %add3A_436 : i32 to index
      %swap3A_442 = arith.constant 64 : index
      %swap3A_443 = tpu.vector_load %arg10[%swap3A_441, %swap3A_442] {strides = array<i32>} : memref<208x128xf32, #tpu.memory_space<vmem>>, vector<1x16xf32>,
      %swap3A_444 = vector.shape_cast %swap3A_443 : vector<1x16xf32> to vector<16xf32>
      %swap3A_445 = vector.shape_cast %get3A_440 : vector<16xf32> to vector<1x16xf32>
      tpu.vector_store %arg10[%swap3A_441, %swap3A_442], %swap3A_445 {strides = array<i32>} : memref<208x128xf32, #tpu.memory_space<vmem>>, vector<1x16xf32>,
      %get3A_446 = arith.index_cast %add3A_436 : i32 to index
      %get3A_447 = arith.constant 16 : index
      %get3A_448 = tpu.vector_load %arg11[%get3A_446, %get3A_447] {strides = array<i32>} : memref<208x128xf32, #tpu.memory_space<vmem>>, vector<1x16xf32>,
      %get3A_449 = vector.shape_cast %get3A_448 : vector<1x16xf32> to vector<16xf32>
      %swap3A_450 = arith.index_cast %add3A_436 : i32 to index
      %swap3A_451 = arith.constant 80 : index
      %swap3A_452 = tpu.vector_load %arg10[%swap3A_450, %swap3A_451] {strides = array<i32>} : memref<208x128xf32, #tpu.memory_space<vmem>>, vector<1x16xf32>,
      %swap3A_453 = vector.shape_cast %swap3A_452 : vector<1x16xf32> to vector<16xf32>
      %swap3A_454 = vector.shape_cast %get3A_449 : vector<16xf32> to vector<1x16xf32>
      tpu.vector_store %arg10[%swap3A_450, %swap3A_451], %swap3A_454 {strides = array<i32>} : memref<208x128xf32, #tpu.memory_space<vmem>>, vector<1x16xf32>,
      %get3A_455 = arith.index_cast %add3A_436 : i32 to index
      %get3A_456 = arith.constant 32 : index
      %get3A_457 = tpu.vector_load %arg11[%get3A_455, %get3A_456] {strides = array<i32>} : memref<208x128xf32, #tpu.memory_space<vmem>>, vector<1x16xf32>,
      %get3A_458 = vector.shape_cast %get3A_457 : vector<1x16xf32> to vector<16xf32>
      %swap3A_459 = arith.index_cast %add3A_436 : i32 to index
      %swap3A_460 = arith.constant 96 : index
      %swap3A_461 = tpu.vector_load %arg10[%swap3A_459, %swap3A_460] {strides = array<i32>} : memref<208x128xf32, #tpu.memory_space<vmem>>, vector<1x16xf32>,
      %swap3A_462 = vector.shape_cast %swap3A_461 : vector<1x16xf32> to vector<16xf32>
      %swap3A_463 = vector.shape_cast %get3A_458 : vector<16xf32> to vector<1x16xf32>
      tpu.vector_store %arg10[%swap3A_459, %swap3A_460], %swap3A_463 {strides = array<i32>} : memref<208x128xf32, #tpu.memory_space<vmem>>, vector<1x16xf32>,
      %get3A_464 = arith.index_cast %add3A_436 : i32 to index
      %get3A_465 = arith.constant 48 : index
      %get3A_466 = tpu.vector_load %arg11[%get3A_464, %get3A_465] {strides = array<i32>} : memref<208x128xf32, #tpu.memory_space<vmem>>, vector<1x16xf32>,
      %get3A_467 = vector.shape_cast %get3A_466 : vector<1x16xf32> to vector<16xf32>
      %swap3A_468 = arith.index_cast %add3A_436 : i32 to index
      %swap3A_469 = arith.constant 112 : index
      %swap3A_470 = tpu.vector_load %arg10[%swap3A_468, %swap3A_469] {strides = array<i32>} : memref<208x128xf32, #tpu.memory_space<vmem>>, vector<1x16xf32>,
      %swap3A_471 = vector.shape_cast %swap3A_470 : vector<1x16xf32> to vector<16xf32>
      %swap3A_472 = vector.shape_cast %get3A_467 : vector<16xf32> to vector<1x16xf32>
      tpu.vector_store %arg10[%swap3A_468, %swap3A_469], %swap3A_472 {strides = array<i32>} : memref<208x128xf32, #tpu.memory_space<vmem>>, vector<1x16xf32>,
    }
    %scan3A_125 = arith.constant 208 : i32
    %add3A_126 = arith.constant 624 : i32
    %add3A_127 = arith.addi %mul3A_2, %add3A_126 : i32
    %dma_start3A_128 = arith.constant 0 : i32
    %dma_start3A_129 = tpu.memref_slice %arg5[%add3A_127, %dma_start3A_128] : memref<26624x128xf32, #tpu.memory_space<hbm>> -> memref<208x128xf32, #tpu.memory_space<hbm>>
    %dma_start3A_130 = arith.constant 0 : i32
    %dma_start3A_131 = tpu.memref_slice %arg5[%add3A_127, %dma_start3A_130] : memref<26624x128xf32, #tpu.memory_space<hbm>> -> memref<208x128xf32, #tpu.memory_space<hbm>>
    tpu.enqueue_dma source(%arg10 : memref<208x128xf32, #tpu.memory_space<vmem>>) target(%dma_start3A_131 : memref<208x128xf32, #tpu.memory_space<hbm>>) target_semaphore(%arg15 : memref<!tpu.dma_semaphore, #tpu.memory_space<semaphore_mem>>)
    %dma_wait3A_132 = arith.constant 0 : i32
    %dma_wait3A_133 = tpu.memref_slice %arg5[%add3A_106, %dma_wait3A_132] : memref<26624x128xf32, #tpu.memory_space<hbm>> -> memref<208x128xf32, #tpu.memory_space<hbm>>
    %dma_wait3A_134 = arith.constant 0 : i32
    %dma_wait3A_135 = tpu.memref_slice %arg5[%add3A_106, %dma_wait3A_134] : memref<26624x128xf32, #tpu.memory_space<hbm>> -> memref<208x128xf32, #tpu.memory_space<hbm>>
    tpu.wait_dma2 semaphore(%arg14 : memref<!tpu.dma_semaphore, #tpu.memory_space<semaphore_mem>>) src(%arg8 : memref<208x128xf32, #tpu.memory_space<vmem>>) dst(%dma_wait3A_135 : memref<208x128xf32, #tpu.memory_space<hbm>>)
    %dma_wait3A_136 = arith.constant 0 : i32
    %dma_wait3A_137 = tpu.memref_slice %arg5[%add3A_127, %dma_wait3A_136] : memref<26624x128xf32, #tpu.memory_space<hbm>> -> memref<208x128xf32, #tpu.memory_space<hbm>>
    %dma_wait3A_138 = arith.constant 0 : i32
    %dma_wait3A_139 = tpu.memref_slice %arg5[%add3A_127, %dma_wait3A_138] : memref<26624x128xf32, #tpu.memory_space<hbm>> -> memref<208x128xf32, #tpu.memory_space<hbm>>
    tpu.wait_dma2 semaphore(%arg15 : memref<!tpu.dma_semaphore, #tpu.memory_space<semaphore_mem>>) src(%arg10 : memref<208x128xf32, #tpu.memory_space<vmem>>) dst(%dma_wait3A_139 : memref<208x128xf32, #tpu.memory_space<hbm>>)
    return
  }
}

#map = affine_map<(d0, d1) -> (0, 0)>
#map1 = affine_map<(d0, d1) -> (0)>
module attributes {stable_mosaic.version = 14 : i64} {
  func.func @_sc_gather(%arg0: i32, %arg1: i32, %arg2: memref<26000x128xf32, #tpu.memory_space<hbm>>, %arg3: memref<26624xi32, #tpu.memory_space<hbm>>, %arg4: memref<26624xi32, #tpu.memory_space<hbm>>, %arg5: memref<26624x128xf32, #tpu.memory_space<hbm>>, %arg6: memref<832xi32, #tpu.memory_space<vmem>>, %arg7: memref<832xi32, #tpu.memory_space<vmem>>, %arg8: memref<208x128xf32, #tpu.memory_space<vmem>>, %arg9: memref<208x128xf32, #tpu.memory_space<vmem>>, %arg10: memref<208x128xf32, #tpu.memory_space<vmem>>, %arg11: memref<208x128xf32, #tpu.memory_space<vmem>>, %arg12: memref<!tpu.dma_semaphore, #tpu.memory_space<semaphore_mem>>, %arg13: memref<!tpu.dma_semaphore, #tpu.memory_space<semaphore_mem>>, %arg14: memref<!tpu.dma_semaphore, #tpu.memory_space<semaphore_mem>>, %arg15: memref<!tpu.dma_semaphore, #tpu.memory_space<semaphore_mem>>) attributes {dimension_semantics = [#tpu.dimension_semantics<core_parallel>, #tpu.dimension_semantics<subcore_parallel>], iteration_bounds = array<i64: 2, 16>, scalar_prefetch = 0 : i64, scratch_operands = 10 : i64, tpu.core_type = #tpu.core_type<sc_vector_subcore>, window_params = [{transform_indices = #map}, {transform_indices = #map1}, {transform_indices = #map1}, {transform_indices = #map}]} {
    %mul3A = arith.constant 2 : i32
    %mul3A_0 = arith.muli %arg1, %mul3A : i32
    %add3A = arith.addi %mul3A_0, %arg0 : i32
    %mul3A_1 = arith.constant 832 : i32
    %mul3A_2 = arith.muli %add3A, %mul3A_1 : i32
    "tpu.region"() ({
      %run_scoped3A = tpu.sem_alloc : memref<!tpu.dma_semaphore, #tpu.memory_space<semaphore_mem>>
      %dma_start3A_140 = tpu.memref_slice %arg3[%mul3A_2] : memref<26624xi32, #tpu.memory_space<hbm>> -> memref<832xi32, #tpu.memory_space<hbm>>
      %dma_start3A_141 = tpu.memref_slice %arg3[%mul3A_2] : memref<26624xi32, #tpu.memory_space<hbm>> -> memref<832xi32, #tpu.memory_space<hbm>>
      tpu.enqueue_dma source(%dma_start3A_141 : memref<832xi32, #tpu.memory_space<hbm>>) target(%arg6 : memref<832xi32, #tpu.memory_space<vmem>>) target_semaphore(%run_scoped3A : memref<!tpu.dma_semaphore, #tpu.memory_space<semaphore_mem>>)
      %dma_wait3A_142 = tpu.memref_slice %arg3[%mul3A_2] : memref<26624xi32, #tpu.memory_space<hbm>> -> memref<832xi32, #tpu.memory_space<hbm>>
      %dma_wait3A_143 = tpu.memref_slice %arg3[%mul3A_2] : memref<26624xi32, #tpu.memory_space<hbm>> -> memref<832xi32, #tpu.memory_space<hbm>>
      tpu.wait_dma2 semaphore(%run_scoped3A : memref<!tpu.dma_semaphore, #tpu.memory_space<semaphore_mem>>) src(%dma_wait3A_143 : memref<832xi32, #tpu.memory_space<hbm>>) dst(%arg6 : memref<832xi32, #tpu.memory_space<vmem>>)
      tpu.yield
    }) : () -> ()
    "tpu.region"() ({
      %run_scoped3A = tpu.sem_alloc : memref<!tpu.dma_semaphore, #tpu.memory_space<semaphore_mem>>
      %dma_start3A_140 = tpu.memref_slice %arg4[%mul3A_2] : memref<26624xi32, #tpu.memory_space<hbm>> -> memref<832xi32, #tpu.memory_space<hbm>>
      %dma_start3A_141 = tpu.memref_slice %arg4[%mul3A_2] : memref<26624xi32, #tpu.memory_space<hbm>> -> memref<832xi32, #tpu.memory_space<hbm>>
      tpu.enqueue_dma source(%dma_start3A_141 : memref<832xi32, #tpu.memory_space<hbm>>) target(%arg7 : memref<832xi32, #tpu.memory_space<vmem>>) target_semaphore(%run_scoped3A : memref<!tpu.dma_semaphore, #tpu.memory_space<semaphore_mem>>)
      %dma_wait3A_142 = tpu.memref_slice %arg4[%mul3A_2] : memref<26624xi32, #tpu.memory_space<hbm>> -> memref<832xi32, #tpu.memory_space<hbm>>
      %dma_wait3A_143 = tpu.memref_slice %arg4[%mul3A_2] : memref<26624xi32, #tpu.memory_space<hbm>> -> memref<832xi32, #tpu.memory_space<hbm>>
      tpu.wait_dma2 semaphore(%run_scoped3A : memref<!tpu.dma_semaphore, #tpu.memory_space<semaphore_mem>>) src(%dma_wait3A_143 : memref<832xi32, #tpu.memory_space<hbm>>) dst(%arg7 : memref<832xi32, #tpu.memory_space<vmem>>)
      tpu.yield
    }) : () -> ()
    %dma_start3A = arith.constant 0 : i32
    %dma_start3A_3 = tpu.memref_slice %arg6[%dma_start3A] : memref<832xi32, #tpu.memory_space<vmem>> -> memref<208xi32, #tpu.memory_space<vmem>>
    %dma_start3A_4 = arith.constant 0 : i32
    %dma_start3A_5 = arith.constant 0 : i32
    %dma_start3A_6 = tpu.memref_slice %arg2[%dma_start3A_4, %dma_start3A_5] : memref<26000x128xf32, #tpu.memory_space<hbm>> -> memref<26000x128xf32, #tpu.memory_space<hbm>>
    tpu.enqueue_indirect_dma source(%dma_start3A_6 : memref<26000x128xf32, #tpu.memory_space<hbm>>) target(%arg8 : memref<208x128xf32, #tpu.memory_space<vmem>>) offsets(%dma_start3A_3 : memref<208xi32, #tpu.memory_space<vmem>>) semaphore(%arg12 : memref<!tpu.dma_semaphore, #tpu.memory_space<semaphore_mem>>)
    %dma_start3A_7 = arith.constant 0 : i32
    %dma_start3A_8 = tpu.memref_slice %arg7[%dma_start3A_7] : memref<832xi32, #tpu.memory_space<vmem>> -> memref<208xi32, #tpu.memory_space<vmem>>
    %dma_start3A_9 = arith.constant 0 : i32
    %dma_start3A_10 = arith.constant 0 : i32
    %dma_start3A_11 = tpu.memref_slice %arg2[%dma_start3A_9, %dma_start3A_10] : memref<26000x128xf32, #tpu.memory_space<hbm>> -> memref<26000x128xf32, #tpu.memory_space<hbm>>
    tpu.enqueue_indirect_dma source(%dma_start3A_11 : memref<26000x128xf32, #tpu.memory_space<hbm>>) target(%arg9 : memref<208x128xf32, #tpu.memory_space<vmem>>) offsets(%dma_start3A_8 : memref<208xi32, #tpu.memory_space<vmem>>) semaphore(%arg12 : memref<!tpu.dma_semaphore, #tpu.memory_space<semaphore_mem>>)
    %dma_start3A_12 = arith.constant 208 : i32
    %dma_start3A_13 = tpu.memref_slice %arg6[%dma_start3A_12] : memref<832xi32, #tpu.memory_space<vmem>> -> memref<208xi32, #tpu.memory_space<vmem>>
    %dma_start3A_14 = arith.constant 0 : i32
    %dma_start3A_15 = arith.constant 0 : i32
    %dma_start3A_16 = tpu.memref_slice %arg2[%dma_start3A_14, %dma_start3A_15] : memref<26000x128xf32, #tpu.memory_space<hbm>> -> memref<26000x128xf32, #tpu.memory_space<hbm>>
    tpu.enqueue_indirect_dma source(%dma_start3A_16 : memref<26000x128xf32, #tpu.memory_space<hbm>>) target(%arg10 : memref<208x128xf32, #tpu.memory_space<vmem>>) offsets(%dma_start3A_13 : memref<208xi32, #tpu.memory_space<vmem>>) semaphore(%arg13 : memref<!tpu.dma_semaphore, #tpu.memory_space<semaphore_mem>>)
    %dma_start3A_17 = arith.constant 208 : i32
    %dma_start3A_18 = tpu.memref_slice %arg7[%dma_start3A_17] : memref<832xi32, #tpu.memory_space<vmem>> -> memref<208xi32, #tpu.memory_space<vmem>>
    %dma_start3A_19 = arith.constant 0 : i32
    %dma_start3A_20 = arith.constant 0 : i32
    %dma_start3A_21 = tpu.memref_slice %arg2[%dma_start3A_19, %dma_start3A_20] : memref<26000x128xf32, #tpu.memory_space<hbm>> -> memref<26000x128xf32, #tpu.memory_space<hbm>>
    tpu.enqueue_indirect_dma source(%dma_start3A_21 : memref<26000x128xf32, #tpu.memory_space<hbm>>) target(%arg11 : memref<208x128xf32, #tpu.memory_space<vmem>>) offsets(%dma_start3A_18 : memref<208xi32, #tpu.memory_space<vmem>>) semaphore(%arg13 : memref<!tpu.dma_semaphore, #tpu.memory_space<semaphore_mem>>)
    %dma_wait3A = arith.constant 0 : i32
    %dma_wait3A_22 = tpu.memref_slice %arg6[%dma_wait3A] : memref<832xi32, #tpu.memory_space<vmem>> -> memref<208xi32, #tpu.memory_space<vmem>>
    %dma_wait3A_23 = arith.constant 0 : i32
    %dma_wait3A_24 = arith.constant 0 : i32
    %dma_wait3A_25 = tpu.memref_slice %arg2[%dma_wait3A_23, %dma_wait3A_24] : memref<26000x128xf32, #tpu.memory_space<hbm>> -> memref<26000x128xf32, #tpu.memory_space<hbm>>
    tpu.wait_indirect_dma semaphore(%arg12 : memref<!tpu.dma_semaphore, #tpu.memory_space<semaphore_mem>>) src(%dma_wait3A_25 : memref<26000x128xf32, #tpu.memory_space<hbm>>) dst(%arg8 : memref<208x128xf32, #tpu.memory_space<vmem>>)
    %dma_wait3A_26 = arith.constant 0 : i32
    %dma_wait3A_27 = tpu.memref_slice %arg7[%dma_wait3A_26] : memref<832xi32, #tpu.memory_space<vmem>> -> memref<208xi32, #tpu.memory_space<vmem>>
    %dma_wait3A_28 = arith.constant 0 : i32
    %dma_wait3A_29 = arith.constant 0 : i32
    %dma_wait3A_30 = tpu.memref_slice %arg2[%dma_wait3A_28, %dma_wait3A_29] : memref<26000x128xf32, #tpu.memory_space<hbm>> -> memref<26000x128xf32, #tpu.memory_space<hbm>>
    tpu.wait_indirect_dma semaphore(%arg12 : memref<!tpu.dma_semaphore, #tpu.memory_space<semaphore_mem>>) src(%dma_wait3A_30 : memref<26000x128xf32, #tpu.memory_space<hbm>>) dst(%arg9 : memref<208x128xf32, #tpu.memory_space<vmem>>)
    %scan3A = arith.constant 0 : i32
    %scan3A_31 = arith.constant 208 : i32
    %scan3A_32 = arith.addi %scan3A, %scan3A_31 : i32
    %scan3A_33 = arith.constant 8 : i32
    scf.for %scan3A_140 = %scan3A to %scan3A_32 step %scan3A_33  : i32 {
      %mul3A_141 = arith.constant 1 : i32
      %mul3A_142 = arith.muli %scan3A_140, %mul3A_141 : i32
      %add3A_143 = arith.constant 0 : i32
      %add3A_144 = arith.addi %add3A_143, %mul3A_142 : i32
      %get3A = arith.index_cast %add3A_144 : i32 to index
      %get3A_145 = arith.constant 0 : index
      %get3A_146 = tpu.vector_load %arg9[%get3A, %get3A_145] {strides = array<i32>} : memref<208x128xf32, #tpu.memory_space<vmem>>, vector<1x16xf32>,
      %get3A_147 = vector.shape_cast %get3A_146 : vector<1x16xf32> to vector<16xf32>
      %swap3A = arith.index_cast %add3A_144 : i32 to index
      %swap3A_148 = arith.constant 64 : index
      %swap3A_149 = tpu.vector_load %arg8[%swap3A, %swap3A_148] {strides = array<i32>} : memref<208x128xf32, #tpu.memory_space<vmem>>, vector<1x16xf32>,
      %swap3A_150 = vector.shape_cast %swap3A_149 : vector<1x16xf32> to vector<16xf32>
      %swap3A_151 = vector.shape_cast %get3A_147 : vector<16xf32> to vector<1x16xf32>
      tpu.vector_store %arg8[%swap3A, %swap3A_148], %swap3A_151 {strides = array<i32>} : memref<208x128xf32, #tpu.memory_space<vmem>>, vector<1x16xf32>,
      %get3A_152 = arith.index_cast %add3A_144 : i32 to index
      %get3A_153 = arith.constant 16 : index
      %get3A_154 = tpu.vector_load %arg9[%get3A_152, %get3A_153] {strides = array<i32>} : memref<208x128xf32, #tpu.memory_space<vmem>>, vector<1x16xf32>,
      %get3A_155 = vector.shape_cast %get3A_154 : vector<1x16xf32> to vector<16xf32>
      %swap3A_156 = arith.index_cast %add3A_144 : i32 to index
      %swap3A_157 = arith.constant 80 : index
      %swap3A_158 = tpu.vector_load %arg8[%swap3A_156, %swap3A_157] {strides = array<i32>} : memref<208x128xf32, #tpu.memory_space<vmem>>, vector<1x16xf32>,
      %swap3A_159 = vector.shape_cast %swap3A_158 : vector<1x16xf32> to vector<16xf32>
      %swap3A_160 = vector.shape_cast %get3A_155 : vector<16xf32> to vector<1x16xf32>
      tpu.vector_store %arg8[%swap3A_156, %swap3A_157], %swap3A_160 {strides = array<i32>} : memref<208x128xf32, #tpu.memory_space<vmem>>, vector<1x16xf32>,
      %get3A_161 = arith.index_cast %add3A_144 : i32 to index
      %get3A_162 = arith.constant 32 : index
      %get3A_163 = tpu.vector_load %arg9[%get3A_161, %get3A_162] {strides = array<i32>} : memref<208x128xf32, #tpu.memory_space<vmem>>, vector<1x16xf32>,
      %get3A_164 = vector.shape_cast %get3A_163 : vector<1x16xf32> to vector<16xf32>
      %swap3A_165 = arith.index_cast %add3A_144 : i32 to index
      %swap3A_166 = arith.constant 96 : index
      %swap3A_167 = tpu.vector_load %arg8[%swap3A_165, %swap3A_166] {strides = array<i32>} : memref<208x128xf32, #tpu.memory_space<vmem>>, vector<1x16xf32>,
      %swap3A_168 = vector.shape_cast %swap3A_167 : vector<1x16xf32> to vector<16xf32>
      %swap3A_169 = vector.shape_cast %get3A_164 : vector<16xf32> to vector<1x16xf32>
      tpu.vector_store %arg8[%swap3A_165, %swap3A_166], %swap3A_169 {strides = array<i32>} : memref<208x128xf32, #tpu.memory_space<vmem>>, vector<1x16xf32>,
      %get3A_170 = arith.index_cast %add3A_144 : i32 to index
      %get3A_171 = arith.constant 48 : index
      %get3A_172 = tpu.vector_load %arg9[%get3A_170, %get3A_171] {strides = array<i32>} : memref<208x128xf32, #tpu.memory_space<vmem>>, vector<1x16xf32>,
      %get3A_173 = vector.shape_cast %get3A_172 : vector<1x16xf32> to vector<16xf32>
      %swap3A_174 = arith.index_cast %add3A_144 : i32 to index
      %swap3A_175 = arith.constant 112 : index
      %swap3A_176 = tpu.vector_load %arg8[%swap3A_174, %swap3A_175] {strides = array<i32>} : memref<208x128xf32, #tpu.memory_space<vmem>>, vector<1x16xf32>,
      %swap3A_177 = vector.shape_cast %swap3A_176 : vector<1x16xf32> to vector<16xf32>
      %swap3A_178 = vector.shape_cast %get3A_173 : vector<16xf32> to vector<1x16xf32>
      tpu.vector_store %arg8[%swap3A_174, %swap3A_175], %swap3A_178 {strides = array<i32>} : memref<208x128xf32, #tpu.memory_space<vmem>>, vector<1x16xf32>,
      %scan3A_179 = arith.constant 1 : i32
      %scan3A_180 = arith.addi %scan3A_140, %scan3A_179 : i32
      %mul3A_181 = arith.constant 1 : i32
      %mul3A_182 = arith.muli %scan3A_180, %mul3A_181 : i32
      %add3A_183 = arith.constant 0 : i32
      %add3A_184 = arith.addi %add3A_183, %mul3A_182 : i32
      %get3A_185 = arith.index_cast %add3A_184 : i32 to index
      %get3A_186 = arith.constant 0 : index
      %get3A_187 = tpu.vector_load %arg9[%get3A_185, %get3A_186] {strides = array<i32>} : memref<208x128xf32, #tpu.memory_space<vmem>>, vector<1x16xf32>,
      %get3A_188 = vector.shape_cast %get3A_187 : vector<1x16xf32> to vector<16xf32>
      %swap3A_189 = arith.index_cast %add3A_184 : i32 to index
      %swap3A_190 = arith.constant 64 : index
      %swap3A_191 = tpu.vector_load %arg8[%swap3A_189, %swap3A_190] {strides = array<i32>} : memref<208x128xf32, #tpu.memory_space<vmem>>, vector<1x16xf32>,
      %swap3A_192 = vector.shape_cast %swap3A_191 : vector<1x16xf32> to vector<16xf32>
      %swap3A_193 = vector.shape_cast %get3A_188 : vector<16xf32> to vector<1x16xf32>
      tpu.vector_store %arg8[%swap3A_189, %swap3A_190], %swap3A_193 {strides = array<i32>} : memref<208x128xf32, #tpu.memory_space<vmem>>, vector<1x16xf32>,
      %get3A_194 = arith.index_cast %add3A_184 : i32 to index
      %get3A_195 = arith.constant 16 : index
      %get3A_196 = tpu.vector_load %arg9[%get3A_194, %get3A_195] {strides = array<i32>} : memref<208x128xf32, #tpu.memory_space<vmem>>, vector<1x16xf32>,
      %get3A_197 = vector.shape_cast %get3A_196 : vector<1x16xf32> to vector<16xf32>
      %swap3A_198 = arith.index_cast %add3A_184 : i32 to index
      %swap3A_199 = arith.constant 80 : index
      %swap3A_200 = tpu.vector_load %arg8[%swap3A_198, %swap3A_199] {strides = array<i32>} : memref<208x128xf32, #tpu.memory_space<vmem>>, vector<1x16xf32>,
      %swap3A_201 = vector.shape_cast %swap3A_200 : vector<1x16xf32> to vector<16xf32>
      %swap3A_202 = vector.shape_cast %get3A_197 : vector<16xf32> to vector<1x16xf32>
      tpu.vector_store %arg8[%swap3A_198, %swap3A_199], %swap3A_202 {strides = array<i32>} : memref<208x128xf32, #tpu.memory_space<vmem>>, vector<1x16xf32>,
      %get3A_203 = arith.index_cast %add3A_184 : i32 to index
      %get3A_204 = arith.constant 32 : index
      %get3A_205 = tpu.vector_load %arg9[%get3A_203, %get3A_204] {strides = array<i32>} : memref<208x128xf32, #tpu.memory_space<vmem>>, vector<1x16xf32>,
      %get3A_206 = vector.shape_cast %get3A_205 : vector<1x16xf32> to vector<16xf32>
      %swap3A_207 = arith.index_cast %add3A_184 : i32 to index
      %swap3A_208 = arith.constant 96 : index
      %swap3A_209 = tpu.vector_load %arg8[%swap3A_207, %swap3A_208] {strides = array<i32>} : memref<208x128xf32, #tpu.memory_space<vmem>>, vector<1x16xf32>,
      %swap3A_210 = vector.shape_cast %swap3A_209 : vector<1x16xf32> to vector<16xf32>
      %swap3A_211 = vector.shape_cast %get3A_206 : vector<16xf32> to vector<1x16xf32>
      tpu.vector_store %arg8[%swap3A_207, %swap3A_208], %swap3A_211 {strides = array<i32>} : memref<208x128xf32, #tpu.memory_space<vmem>>, vector<1x16xf32>,
      %get3A_212 = arith.index_cast %add3A_184 : i32 to index
      %get3A_213 = arith.constant 48 : index
      %get3A_214 = tpu.vector_load %arg9[%get3A_212, %get3A_213] {strides = array<i32>} : memref<208x128xf32, #tpu.memory_space<vmem>>, vector<1x16xf32>,
      %get3A_215 = vector.shape_cast %get3A_214 : vector<1x16xf32> to vector<16xf32>
      %swap3A_216 = arith.index_cast %add3A_184 : i32 to index
      %swap3A_217 = arith.constant 112 : index
      %swap3A_218 = tpu.vector_load %arg8[%swap3A_216, %swap3A_217] {strides = array<i32>} : memref<208x128xf32, #tpu.memory_space<vmem>>, vector<1x16xf32>,
      %swap3A_219 = vector.shape_cast %swap3A_218 : vector<1x16xf32> to vector<16xf32>
      %swap3A_220 = vector.shape_cast %get3A_215 : vector<16xf32> to vector<1x16xf32>
      tpu.vector_store %arg8[%swap3A_216, %swap3A_217], %swap3A_220 {strides = array<i32>} : memref<208x128xf32, #tpu.memory_space<vmem>>, vector<1x16xf32>,
      %scan3A_221 = arith.constant 2 : i32
      %scan3A_222 = arith.addi %scan3A_140, %scan3A_221 : i32
      %mul3A_223 = arith.constant 1 : i32
      %mul3A_224 = arith.muli %scan3A_222, %mul3A_223 : i32
      %add3A_225 = arith.constant 0 : i32
      %add3A_226 = arith.addi %add3A_225, %mul3A_224 : i32
      %get3A_227 = arith.index_cast %add3A_226 : i32 to index
      %get3A_228 = arith.constant 0 : index
      %get3A_229 = tpu.vector_load %arg9[%get3A_227, %get3A_228] {strides = array<i32>} : memref<208x128xf32, #tpu.memory_space<vmem>>, vector<1x16xf32>,
      %get3A_230 = vector.shape_cast %get3A_229 : vector<1x16xf32> to vector<16xf32>
      %swap3A_231 = arith.index_cast %add3A_226 : i32 to index
      %swap3A_232 = arith.constant 64 : index
      %swap3A_233 = tpu.vector_load %arg8[%swap3A_231, %swap3A_232] {strides = array<i32>} : memref<208x128xf32, #tpu.memory_space<vmem>>, vector<1x16xf32>,
      %swap3A_234 = vector.shape_cast %swap3A_233 : vector<1x16xf32> to vector<16xf32>
      %swap3A_235 = vector.shape_cast %get3A_230 : vector<16xf32> to vector<1x16xf32>
      tpu.vector_store %arg8[%swap3A_231, %swap3A_232], %swap3A_235 {strides = array<i32>} : memref<208x128xf32, #tpu.memory_space<vmem>>, vector<1x16xf32>,
      %get3A_236 = arith.index_cast %add3A_226 : i32 to index
      %get3A_237 = arith.constant 16 : index
      %get3A_238 = tpu.vector_load %arg9[%get3A_236, %get3A_237] {strides = array<i32>} : memref<208x128xf32, #tpu.memory_space<vmem>>, vector<1x16xf32>,
      %get3A_239 = vector.shape_cast %get3A_238 : vector<1x16xf32> to vector<16xf32>
      %swap3A_240 = arith.index_cast %add3A_226 : i32 to index
      %swap3A_241 = arith.constant 80 : index
      %swap3A_242 = tpu.vector_load %arg8[%swap3A_240, %swap3A_241] {strides = array<i32>} : memref<208x128xf32, #tpu.memory_space<vmem>>, vector<1x16xf32>,
      %swap3A_243 = vector.shape_cast %swap3A_242 : vector<1x16xf32> to vector<16xf32>
      %swap3A_244 = vector.shape_cast %get3A_239 : vector<16xf32> to vector<1x16xf32>
      tpu.vector_store %arg8[%swap3A_240, %swap3A_241], %swap3A_244 {strides = array<i32>} : memref<208x128xf32, #tpu.memory_space<vmem>>, vector<1x16xf32>,
      %get3A_245 = arith.index_cast %add3A_226 : i32 to index
      %get3A_246 = arith.constant 32 : index
      %get3A_247 = tpu.vector_load %arg9[%get3A_245, %get3A_246] {strides = array<i32>} : memref<208x128xf32, #tpu.memory_space<vmem>>, vector<1x16xf32>,
      %get3A_248 = vector.shape_cast %get3A_247 : vector<1x16xf32> to vector<16xf32>
      %swap3A_249 = arith.index_cast %add3A_226 : i32 to index
      %swap3A_250 = arith.constant 96 : index
      %swap3A_251 = tpu.vector_load %arg8[%swap3A_249, %swap3A_250] {strides = array<i32>} : memref<208x128xf32, #tpu.memory_space<vmem>>, vector<1x16xf32>,
      %swap3A_252 = vector.shape_cast %swap3A_251 : vector<1x16xf32> to vector<16xf32>
      %swap3A_253 = vector.shape_cast %get3A_248 : vector<16xf32> to vector<1x16xf32>
      tpu.vector_store %arg8[%swap3A_249, %swap3A_250], %swap3A_253 {strides = array<i32>} : memref<208x128xf32, #tpu.memory_space<vmem>>, vector<1x16xf32>,
      %get3A_254 = arith.index_cast %add3A_226 : i32 to index
      %get3A_255 = arith.constant 48 : index
      %get3A_256 = tpu.vector_load %arg9[%get3A_254, %get3A_255] {strides = array<i32>} : memref<208x128xf32, #tpu.memory_space<vmem>>, vector<1x16xf32>,
      %get3A_257 = vector.shape_cast %get3A_256 : vector<1x16xf32> to vector<16xf32>
      %swap3A_258 = arith.index_cast %add3A_226 : i32 to index
      %swap3A_259 = arith.constant 112 : index
      %swap3A_260 = tpu.vector_load %arg8[%swap3A_258, %swap3A_259] {strides = array<i32>} : memref<208x128xf32, #tpu.memory_space<vmem>>, vector<1x16xf32>,
      %swap3A_261 = vector.shape_cast %swap3A_260 : vector<1x16xf32> to vector<16xf32>
      %swap3A_262 = vector.shape_cast %get3A_257 : vector<16xf32> to vector<1x16xf32>
      tpu.vector_store %arg8[%swap3A_258, %swap3A_259], %swap3A_262 {strides = array<i32>} : memref<208x128xf32, #tpu.memory_space<vmem>>, vector<1x16xf32>,
      %scan3A_263 = arith.constant 3 : i32
      %scan3A_264 = arith.addi %scan3A_140, %scan3A_263 : i32
      %mul3A_265 = arith.constant 1 : i32
      %mul3A_266 = arith.muli %scan3A_264, %mul3A_265 : i32
      %add3A_267 = arith.constant 0 : i32
      %add3A_268 = arith.addi %add3A_267, %mul3A_266 : i32
      %get3A_269 = arith.index_cast %add3A_268 : i32 to index
      %get3A_270 = arith.constant 0 : index
      %get3A_271 = tpu.vector_load %arg9[%get3A_269, %get3A_270] {strides = array<i32>} : memref<208x128xf32, #tpu.memory_space<vmem>>, vector<1x16xf32>,
      %get3A_272 = vector.shape_cast %get3A_271 : vector<1x16xf32> to vector<16xf32>
      %swap3A_273 = arith.index_cast %add3A_268 : i32 to index
      %swap3A_274 = arith.constant 64 : index
      %swap3A_275 = tpu.vector_load %arg8[%swap3A_273, %swap3A_274] {strides = array<i32>} : memref<208x128xf32, #tpu.memory_space<vmem>>, vector<1x16xf32>,
      %swap3A_276 = vector.shape_cast %swap3A_275 : vector<1x16xf32> to vector<16xf32>
      %swap3A_277 = vector.shape_cast %get3A_272 : vector<16xf32> to vector<1x16xf32>
      tpu.vector_store %arg8[%swap3A_273, %swap3A_274], %swap3A_277 {strides = array<i32>} : memref<208x128xf32, #tpu.memory_space<vmem>>, vector<1x16xf32>,
      %get3A_278 = arith.index_cast %add3A_268 : i32 to index
      %get3A_279 = arith.constant 16 : index
      %get3A_280 = tpu.vector_load %arg9[%get3A_278, %get3A_279] {strides = array<i32>} : memref<208x128xf32, #tpu.memory_space<vmem>>, vector<1x16xf32>,
      %get3A_281 = vector.shape_cast %get3A_280 : vector<1x16xf32> to vector<16xf32>
      %swap3A_282 = arith.index_cast %add3A_268 : i32 to index
      %swap3A_283 = arith.constant 80 : index
      %swap3A_284 = tpu.vector_load %arg8[%swap3A_282, %swap3A_283] {strides = array<i32>} : memref<208x128xf32, #tpu.memory_space<vmem>>, vector<1x16xf32>,
      %swap3A_285 = vector.shape_cast %swap3A_284 : vector<1x16xf32> to vector<16xf32>
      %swap3A_286 = vector.shape_cast %get3A_281 : vector<16xf32> to vector<1x16xf32>
      tpu.vector_store %arg8[%swap3A_282, %swap3A_283], %swap3A_286 {strides = array<i32>} : memref<208x128xf32, #tpu.memory_space<vmem>>, vector<1x16xf32>,
      %get3A_287 = arith.index_cast %add3A_268 : i32 to index
      %get3A_288 = arith.constant 32 : index
      %get3A_289 = tpu.vector_load %arg9[%get3A_287, %get3A_288] {strides = array<i32>} : memref<208x128xf32, #tpu.memory_space<vmem>>, vector<1x16xf32>,
      %get3A_290 = vector.shape_cast %get3A_289 : vector<1x16xf32> to vector<16xf32>
      %swap3A_291 = arith.index_cast %add3A_268 : i32 to index
      %swap3A_292 = arith.constant 96 : index
      %swap3A_293 = tpu.vector_load %arg8[%swap3A_291, %swap3A_292] {strides = array<i32>} : memref<208x128xf32, #tpu.memory_space<vmem>>, vector<1x16xf32>,
      %swap3A_294 = vector.shape_cast %swap3A_293 : vector<1x16xf32> to vector<16xf32>
      %swap3A_295 = vector.shape_cast %get3A_290 : vector<16xf32> to vector<1x16xf32>
      tpu.vector_store %arg8[%swap3A_291, %swap3A_292], %swap3A_295 {strides = array<i32>} : memref<208x128xf32, #tpu.memory_space<vmem>>, vector<1x16xf32>,
      %get3A_296 = arith.index_cast %add3A_268 : i32 to index
      %get3A_297 = arith.constant 48 : index
      %get3A_298 = tpu.vector_load %arg9[%get3A_296, %get3A_297] {strides = array<i32>} : memref<208x128xf32, #tpu.memory_space<vmem>>, vector<1x16xf32>,
      %get3A_299 = vector.shape_cast %get3A_298 : vector<1x16xf32> to vector<16xf32>
      %swap3A_300 = arith.index_cast %add3A_268 : i32 to index
      %swap3A_301 = arith.constant 112 : index
      %swap3A_302 = tpu.vector_load %arg8[%swap3A_300, %swap3A_301] {strides = array<i32>} : memref<208x128xf32, #tpu.memory_space<vmem>>, vector<1x16xf32>,
      %swap3A_303 = vector.shape_cast %swap3A_302 : vector<1x16xf32> to vector<16xf32>
      %swap3A_304 = vector.shape_cast %get3A_299 : vector<16xf32> to vector<1x16xf32>
      tpu.vector_store %arg8[%swap3A_300, %swap3A_301], %swap3A_304 {strides = array<i32>} : memref<208x128xf32, #tpu.memory_space<vmem>>, vector<1x16xf32>,
      %scan3A_305 = arith.constant 4 : i32
      %scan3A_306 = arith.addi %scan3A_140, %scan3A_305 : i32
      %mul3A_307 = arith.constant 1 : i32
      %mul3A_308 = arith.muli %scan3A_306, %mul3A_307 : i32
      %add3A_309 = arith.constant 0 : i32
      %add3A_310 = arith.addi %add3A_309, %mul3A_308 : i32
      %get3A_311 = arith.index_cast %add3A_310 : i32 to index
      %get3A_312 = arith.constant 0 : index
      %get3A_313 = tpu.vector_load %arg9[%get3A_311, %get3A_312] {strides = array<i32>} : memref<208x128xf32, #tpu.memory_space<vmem>>, vector<1x16xf32>,
      %get3A_314 = vector.shape_cast %get3A_313 : vector<1x16xf32> to vector<16xf32>
      %swap3A_315 = arith.index_cast %add3A_310 : i32 to index
      %swap3A_316 = arith.constant 64 : index
      %swap3A_317 = tpu.vector_load %arg8[%swap3A_315, %swap3A_316] {strides = array<i32>} : memref<208x128xf32, #tpu.memory_space<vmem>>, vector<1x16xf32>,
      %swap3A_318 = vector.shape_cast %swap3A_317 : vector<1x16xf32> to vector<16xf32>
      %swap3A_319 = vector.shape_cast %get3A_314 : vector<16xf32> to vector<1x16xf32>
      tpu.vector_store %arg8[%swap3A_315, %swap3A_316], %swap3A_319 {strides = array<i32>} : memref<208x128xf32, #tpu.memory_space<vmem>>, vector<1x16xf32>,
      %get3A_320 = arith.index_cast %add3A_310 : i32 to index
      %get3A_321 = arith.constant 16 : index
      %get3A_322 = tpu.vector_load %arg9[%get3A_320, %get3A_321] {strides = array<i32>} : memref<208x128xf32, #tpu.memory_space<vmem>>, vector<1x16xf32>,
      %get3A_323 = vector.shape_cast %get3A_322 : vector<1x16xf32> to vector<16xf32>
      %swap3A_324 = arith.index_cast %add3A_310 : i32 to index
      %swap3A_325 = arith.constant 80 : index
      %swap3A_326 = tpu.vector_load %arg8[%swap3A_324, %swap3A_325] {strides = array<i32>} : memref<208x128xf32, #tpu.memory_space<vmem>>, vector<1x16xf32>,
      %swap3A_327 = vector.shape_cast %swap3A_326 : vector<1x16xf32> to vector<16xf32>
      %swap3A_328 = vector.shape_cast %get3A_323 : vector<16xf32> to vector<1x16xf32>
      tpu.vector_store %arg8[%swap3A_324, %swap3A_325], %swap3A_328 {strides = array<i32>} : memref<208x128xf32, #tpu.memory_space<vmem>>, vector<1x16xf32>,
      %get3A_329 = arith.index_cast %add3A_310 : i32 to index
      %get3A_330 = arith.constant 32 : index
      %get3A_331 = tpu.vector_load %arg9[%get3A_329, %get3A_330] {strides = array<i32>} : memref<208x128xf32, #tpu.memory_space<vmem>>, vector<1x16xf32>,
      %get3A_332 = vector.shape_cast %get3A_331 : vector<1x16xf32> to vector<16xf32>
      %swap3A_333 = arith.index_cast %add3A_310 : i32 to index
      %swap3A_334 = arith.constant 96 : index
      %swap3A_335 = tpu.vector_load %arg8[%swap3A_333, %swap3A_334] {strides = array<i32>} : memref<208x128xf32, #tpu.memory_space<vmem>>, vector<1x16xf32>,
      %swap3A_336 = vector.shape_cast %swap3A_335 : vector<1x16xf32> to vector<16xf32>
      %swap3A_337 = vector.shape_cast %get3A_332 : vector<16xf32> to vector<1x16xf32>
      tpu.vector_store %arg8[%swap3A_333, %swap3A_334], %swap3A_337 {strides = array<i32>} : memref<208x128xf32, #tpu.memory_space<vmem>>, vector<1x16xf32>,
      %get3A_338 = arith.index_cast %add3A_310 : i32 to index
      %get3A_339 = arith.constant 48 : index
      %get3A_340 = tpu.vector_load %arg9[%get3A_338, %get3A_339] {strides = array<i32>} : memref<208x128xf32, #tpu.memory_space<vmem>>, vector<1x16xf32>,
      %get3A_341 = vector.shape_cast %get3A_340 : vector<1x16xf32> to vector<16xf32>
      %swap3A_342 = arith.index_cast %add3A_310 : i32 to index
      %swap3A_343 = arith.constant 112 : index
      %swap3A_344 = tpu.vector_load %arg8[%swap3A_342, %swap3A_343] {strides = array<i32>} : memref<208x128xf32, #tpu.memory_space<vmem>>, vector<1x16xf32>,
      %swap3A_345 = vector.shape_cast %swap3A_344 : vector<1x16xf32> to vector<16xf32>
      %swap3A_346 = vector.shape_cast %get3A_341 : vector<16xf32> to vector<1x16xf32>
      tpu.vector_store %arg8[%swap3A_342, %swap3A_343], %swap3A_346 {strides = array<i32>} : memref<208x128xf32, #tpu.memory_space<vmem>>, vector<1x16xf32>,
      %scan3A_347 = arith.constant 5 : i32
      %scan3A_348 = arith.addi %scan3A_140, %scan3A_347 : i32
      %mul3A_349 = arith.constant 1 : i32
      %mul3A_350 = arith.muli %scan3A_348, %mul3A_349 : i32
      %add3A_351 = arith.constant 0 : i32
      %add3A_352 = arith.addi %add3A_351, %mul3A_350 : i32
      %get3A_353 = arith.index_cast %add3A_352 : i32 to index
      %get3A_354 = arith.constant 0 : index
      %get3A_355 = tpu.vector_load %arg9[%get3A_353, %get3A_354] {strides = array<i32>} : memref<208x128xf32, #tpu.memory_space<vmem>>, vector<1x16xf32>,
      %get3A_356 = vector.shape_cast %get3A_355 : vector<1x16xf32> to vector<16xf32>
      %swap3A_357 = arith.index_cast %add3A_352 : i32 to index
      %swap3A_358 = arith.constant 64 : index
      %swap3A_359 = tpu.vector_load %arg8[%swap3A_357, %swap3A_358] {strides = array<i32>} : memref<208x128xf32, #tpu.memory_space<vmem>>, vector<1x16xf32>,
      %swap3A_360 = vector.shape_cast %swap3A_359 : vector<1x16xf32> to vector<16xf32>
      %swap3A_361 = vector.shape_cast %get3A_356 : vector<16xf32> to vector<1x16xf32>
      tpu.vector_store %arg8[%swap3A_357, %swap3A_358], %swap3A_361 {strides = array<i32>} : memref<208x128xf32, #tpu.memory_space<vmem>>, vector<1x16xf32>,
      %get3A_362 = arith.index_cast %add3A_352 : i32 to index
      %get3A_363 = arith.constant 16 : index
      %get3A_364 = tpu.vector_load %arg9[%get3A_362, %get3A_363] {strides = array<i32>} : memref<208x128xf32, #tpu.memory_space<vmem>>, vector<1x16xf32>,
      %get3A_365 = vector.shape_cast %get3A_364 : vector<1x16xf32> to vector<16xf32>
      %swap3A_366 = arith.index_cast %add3A_352 : i32 to index
      %swap3A_367 = arith.constant 80 : index
      %swap3A_368 = tpu.vector_load %arg8[%swap3A_366, %swap3A_367] {strides = array<i32>} : memref<208x128xf32, #tpu.memory_space<vmem>>, vector<1x16xf32>,
      %swap3A_369 = vector.shape_cast %swap3A_368 : vector<1x16xf32> to vector<16xf32>
      %swap3A_370 = vector.shape_cast %get3A_365 : vector<16xf32> to vector<1x16xf32>
      tpu.vector_store %arg8[%swap3A_366, %swap3A_367], %swap3A_370 {strides = array<i32>} : memref<208x128xf32, #tpu.memory_space<vmem>>, vector<1x16xf32>,
      %get3A_371 = arith.index_cast %add3A_352 : i32 to index
      %get3A_372 = arith.constant 32 : index
      %get3A_373 = tpu.vector_load %arg9[%get3A_371, %get3A_372] {strides = array<i32>} : memref<208x128xf32, #tpu.memory_space<vmem>>, vector<1x16xf32>,
      %get3A_374 = vector.shape_cast %get3A_373 : vector<1x16xf32> to vector<16xf32>
      %swap3A_375 = arith.index_cast %add3A_352 : i32 to index
      %swap3A_376 = arith.constant 96 : index
      %swap3A_377 = tpu.vector_load %arg8[%swap3A_375, %swap3A_376] {strides = array<i32>} : memref<208x128xf32, #tpu.memory_space<vmem>>, vector<1x16xf32>,
      %swap3A_378 = vector.shape_cast %swap3A_377 : vector<1x16xf32> to vector<16xf32>
      %swap3A_379 = vector.shape_cast %get3A_374 : vector<16xf32> to vector<1x16xf32>
      tpu.vector_store %arg8[%swap3A_375, %swap3A_376], %swap3A_379 {strides = array<i32>} : memref<208x128xf32, #tpu.memory_space<vmem>>, vector<1x16xf32>,
      %get3A_380 = arith.index_cast %add3A_352 : i32 to index
      %get3A_381 = arith.constant 48 : index
      %get3A_382 = tpu.vector_load %arg9[%get3A_380, %get3A_381] {strides = array<i32>} : memref<208x128xf32, #tpu.memory_space<vmem>>, vector<1x16xf32>,
      %get3A_383 = vector.shape_cast %get3A_382 : vector<1x16xf32> to vector<16xf32>
      %swap3A_384 = arith.index_cast %add3A_352 : i32 to index
      %swap3A_385 = arith.constant 112 : index
      %swap3A_386 = tpu.vector_load %arg8[%swap3A_384, %swap3A_385] {strides = array<i32>} : memref<208x128xf32, #tpu.memory_space<vmem>>, vector<1x16xf32>,
      %swap3A_387 = vector.shape_cast %swap3A_386 : vector<1x16xf32> to vector<16xf32>
      %swap3A_388 = vector.shape_cast %get3A_383 : vector<16xf32> to vector<1x16xf32>
      tpu.vector_store %arg8[%swap3A_384, %swap3A_385], %swap3A_388 {strides = array<i32>} : memref<208x128xf32, #tpu.memory_space<vmem>>, vector<1x16xf32>,
      %scan3A_389 = arith.constant 6 : i32
      %scan3A_390 = arith.addi %scan3A_140, %scan3A_389 : i32
      %mul3A_391 = arith.constant 1 : i32
      %mul3A_392 = arith.muli %scan3A_390, %mul3A_391 : i32
      %add3A_393 = arith.constant 0 : i32
      %add3A_394 = arith.addi %add3A_393, %mul3A_392 : i32
      %get3A_395 = arith.index_cast %add3A_394 : i32 to index
      %get3A_396 = arith.constant 0 : index
      %get3A_397 = tpu.vector_load %arg9[%get3A_395, %get3A_396] {strides = array<i32>} : memref<208x128xf32, #tpu.memory_space<vmem>>, vector<1x16xf32>,
      %get3A_398 = vector.shape_cast %get3A_397 : vector<1x16xf32> to vector<16xf32>
      %swap3A_399 = arith.index_cast %add3A_394 : i32 to index
      %swap3A_400 = arith.constant 64 : index
      %swap3A_401 = tpu.vector_load %arg8[%swap3A_399, %swap3A_400] {strides = array<i32>} : memref<208x128xf32, #tpu.memory_space<vmem>>, vector<1x16xf32>,
      %swap3A_402 = vector.shape_cast %swap3A_401 : vector<1x16xf32> to vector<16xf32>
      %swap3A_403 = vector.shape_cast %get3A_398 : vector<16xf32> to vector<1x16xf32>
      tpu.vector_store %arg8[%swap3A_399, %swap3A_400], %swap3A_403 {strides = array<i32>} : memref<208x128xf32, #tpu.memory_space<vmem>>, vector<1x16xf32>,
      %get3A_404 = arith.index_cast %add3A_394 : i32 to index
      %get3A_405 = arith.constant 16 : index
      %get3A_406 = tpu.vector_load %arg9[%get3A_404, %get3A_405] {strides = array<i32>} : memref<208x128xf32, #tpu.memory_space<vmem>>, vector<1x16xf32>,
      %get3A_407 = vector.shape_cast %get3A_406 : vector<1x16xf32> to vector<16xf32>
      %swap3A_408 = arith.index_cast %add3A_394 : i32 to index
      %swap3A_409 = arith.constant 80 : index
      %swap3A_410 = tpu.vector_load %arg8[%swap3A_408, %swap3A_409] {strides = array<i32>} : memref<208x128xf32, #tpu.memory_space<vmem>>, vector<1x16xf32>,
      %swap3A_411 = vector.shape_cast %swap3A_410 : vector<1x16xf32> to vector<16xf32>
      %swap3A_412 = vector.shape_cast %get3A_407 : vector<16xf32> to vector<1x16xf32>
      tpu.vector_store %arg8[%swap3A_408, %swap3A_409], %swap3A_412 {strides = array<i32>} : memref<208x128xf32, #tpu.memory_space<vmem>>, vector<1x16xf32>,
      %get3A_413 = arith.index_cast %add3A_394 : i32 to index
      %get3A_414 = arith.constant 32 : index
      %get3A_415 = tpu.vector_load %arg9[%get3A_413, %get3A_414] {strides = array<i32>} : memref<208x128xf32, #tpu.memory_space<vmem>>, vector<1x16xf32>,
      %get3A_416 = vector.shape_cast %get3A_415 : vector<1x16xf32> to vector<16xf32>
      %swap3A_417 = arith.index_cast %add3A_394 : i32 to index
      %swap3A_418 = arith.constant 96 : index
      %swap3A_419 = tpu.vector_load %arg8[%swap3A_417, %swap3A_418] {strides = array<i32>} : memref<208x128xf32, #tpu.memory_space<vmem>>, vector<1x16xf32>,
      %swap3A_420 = vector.shape_cast %swap3A_419 : vector<1x16xf32> to vector<16xf32>
      %swap3A_421 = vector.shape_cast %get3A_416 : vector<16xf32> to vector<1x16xf32>
      tpu.vector_store %arg8[%swap3A_417, %swap3A_418], %swap3A_421 {strides = array<i32>} : memref<208x128xf32, #tpu.memory_space<vmem>>, vector<1x16xf32>,
      %get3A_422 = arith.index_cast %add3A_394 : i32 to index
      %get3A_423 = arith.constant 48 : index
      %get3A_424 = tpu.vector_load %arg9[%get3A_422, %get3A_423] {strides = array<i32>} : memref<208x128xf32, #tpu.memory_space<vmem>>, vector<1x16xf32>,
      %get3A_425 = vector.shape_cast %get3A_424 : vector<1x16xf32> to vector<16xf32>
      %swap3A_426 = arith.index_cast %add3A_394 : i32 to index
      %swap3A_427 = arith.constant 112 : index
      %swap3A_428 = tpu.vector_load %arg8[%swap3A_426, %swap3A_427] {strides = array<i32>} : memref<208x128xf32, #tpu.memory_space<vmem>>, vector<1x16xf32>,
      %swap3A_429 = vector.shape_cast %swap3A_428 : vector<1x16xf32> to vector<16xf32>
      %swap3A_430 = vector.shape_cast %get3A_425 : vector<16xf32> to vector<1x16xf32>
      tpu.vector_store %arg8[%swap3A_426, %swap3A_427], %swap3A_430 {strides = array<i32>} : memref<208x128xf32, #tpu.memory_space<vmem>>, vector<1x16xf32>,
      %scan3A_431 = arith.constant 7 : i32
      %scan3A_432 = arith.addi %scan3A_140, %scan3A_431 : i32
      %mul3A_433 = arith.constant 1 : i32
      %mul3A_434 = arith.muli %scan3A_432, %mul3A_433 : i32
      %add3A_435 = arith.constant 0 : i32
      %add3A_436 = arith.addi %add3A_435, %mul3A_434 : i32
      %get3A_437 = arith.index_cast %add3A_436 : i32 to index
      %get3A_438 = arith.constant 0 : index
      %get3A_439 = tpu.vector_load %arg9[%get3A_437, %get3A_438] {strides = array<i32>} : memref<208x128xf32, #tpu.memory_space<vmem>>, vector<1x16xf32>,
      %get3A_440 = vector.shape_cast %get3A_439 : vector<1x16xf32> to vector<16xf32>
      %swap3A_441 = arith.index_cast %add3A_436 : i32 to index
      %swap3A_442 = arith.constant 64 : index
      %swap3A_443 = tpu.vector_load %arg8[%swap3A_441, %swap3A_442] {strides = array<i32>} : memref<208x128xf32, #tpu.memory_space<vmem>>, vector<1x16xf32>,
      %swap3A_444 = vector.shape_cast %swap3A_443 : vector<1x16xf32> to vector<16xf32>
      %swap3A_445 = vector.shape_cast %get3A_440 : vector<16xf32> to vector<1x16xf32>
      tpu.vector_store %arg8[%swap3A_441, %swap3A_442], %swap3A_445 {strides = array<i32>} : memref<208x128xf32, #tpu.memory_space<vmem>>, vector<1x16xf32>,
      %get3A_446 = arith.index_cast %add3A_436 : i32 to index
      %get3A_447 = arith.constant 16 : index
      %get3A_448 = tpu.vector_load %arg9[%get3A_446, %get3A_447] {strides = array<i32>} : memref<208x128xf32, #tpu.memory_space<vmem>>, vector<1x16xf32>,
      %get3A_449 = vector.shape_cast %get3A_448 : vector<1x16xf32> to vector<16xf32>
      %swap3A_450 = arith.index_cast %add3A_436 : i32 to index
      %swap3A_451 = arith.constant 80 : index
      %swap3A_452 = tpu.vector_load %arg8[%swap3A_450, %swap3A_451] {strides = array<i32>} : memref<208x128xf32, #tpu.memory_space<vmem>>, vector<1x16xf32>,
      %swap3A_453 = vector.shape_cast %swap3A_452 : vector<1x16xf32> to vector<16xf32>
      %swap3A_454 = vector.shape_cast %get3A_449 : vector<16xf32> to vector<1x16xf32>
      tpu.vector_store %arg8[%swap3A_450, %swap3A_451], %swap3A_454 {strides = array<i32>} : memref<208x128xf32, #tpu.memory_space<vmem>>, vector<1x16xf32>,
      %get3A_455 = arith.index_cast %add3A_436 : i32 to index
      %get3A_456 = arith.constant 32 : index
      %get3A_457 = tpu.vector_load %arg9[%get3A_455, %get3A_456] {strides = array<i32>} : memref<208x128xf32, #tpu.memory_space<vmem>>, vector<1x16xf32>,
      %get3A_458 = vector.shape_cast %get3A_457 : vector<1x16xf32> to vector<16xf32>
      %swap3A_459 = arith.index_cast %add3A_436 : i32 to index
      %swap3A_460 = arith.constant 96 : index
      %swap3A_461 = tpu.vector_load %arg8[%swap3A_459, %swap3A_460] {strides = array<i32>} : memref<208x128xf32, #tpu.memory_space<vmem>>, vector<1x16xf32>,
      %swap3A_462 = vector.shape_cast %swap3A_461 : vector<1x16xf32> to vector<16xf32>
      %swap3A_463 = vector.shape_cast %get3A_458 : vector<16xf32> to vector<1x16xf32>
      tpu.vector_store %arg8[%swap3A_459, %swap3A_460], %swap3A_463 {strides = array<i32>} : memref<208x128xf32, #tpu.memory_space<vmem>>, vector<1x16xf32>,
      %get3A_464 = arith.index_cast %add3A_436 : i32 to index
      %get3A_465 = arith.constant 48 : index
      %get3A_466 = tpu.vector_load %arg9[%get3A_464, %get3A_465] {strides = array<i32>} : memref<208x128xf32, #tpu.memory_space<vmem>>, vector<1x16xf32>,
      %get3A_467 = vector.shape_cast %get3A_466 : vector<1x16xf32> to vector<16xf32>
      %swap3A_468 = arith.index_cast %add3A_436 : i32 to index
      %swap3A_469 = arith.constant 112 : index
      %swap3A_470 = tpu.vector_load %arg8[%swap3A_468, %swap3A_469] {strides = array<i32>} : memref<208x128xf32, #tpu.memory_space<vmem>>, vector<1x16xf32>,
      %swap3A_471 = vector.shape_cast %swap3A_470 : vector<1x16xf32> to vector<16xf32>
      %swap3A_472 = vector.shape_cast %get3A_467 : vector<16xf32> to vector<1x16xf32>
      tpu.vector_store %arg8[%swap3A_468, %swap3A_469], %swap3A_472 {strides = array<i32>} : memref<208x128xf32, #tpu.memory_space<vmem>>, vector<1x16xf32>,
    }
    %scan3A_34 = arith.constant 208 : i32
    %add3A_35 = arith.constant 0 : i32
    %add3A_36 = arith.addi %mul3A_2, %add3A_35 : i32
    %dma_start3A_37 = arith.constant 0 : i32
    %dma_start3A_38 = tpu.memref_slice %arg5[%add3A_36, %dma_start3A_37] : memref<26624x128xf32, #tpu.memory_space<hbm>> -> memref<208x128xf32, #tpu.memory_space<hbm>>
    %dma_start3A_39 = arith.constant 0 : i32
    %dma_start3A_40 = tpu.memref_slice %arg5[%add3A_36, %dma_start3A_39] : memref<26624x128xf32, #tpu.memory_space<hbm>> -> memref<208x128xf32, #tpu.memory_space<hbm>>
    tpu.enqueue_dma source(%arg8 : memref<208x128xf32, #tpu.memory_space<vmem>>) target(%dma_start3A_40 : memref<208x128xf32, #tpu.memory_space<hbm>>) target_semaphore(%arg14 : memref<!tpu.dma_semaphore, #tpu.memory_space<semaphore_mem>>)
    %dma_wait3A_41 = arith.constant 0 : i32
    %dma_wait3A_42 = tpu.memref_slice %arg5[%add3A_36, %dma_wait3A_41] : memref<26624x128xf32, #tpu.memory_space<hbm>> -> memref<208x128xf32, #tpu.memory_space<hbm>>
    %dma_wait3A_43 = arith.constant 0 : i32
    %dma_wait3A_44 = tpu.memref_slice %arg5[%add3A_36, %dma_wait3A_43] : memref<26624x128xf32, #tpu.memory_space<hbm>> -> memref<208x128xf32, #tpu.memory_space<hbm>>
    tpu.wait_dma2 semaphore(%arg14 : memref<!tpu.dma_semaphore, #tpu.memory_space<semaphore_mem>>) src(%arg8 : memref<208x128xf32, #tpu.memory_space<vmem>>) dst(%dma_wait3A_44 : memref<208x128xf32, #tpu.memory_space<hbm>>)
    %dma_start3A_45 = arith.constant 416 : i32
    %dma_start3A_46 = tpu.memref_slice %arg6[%dma_start3A_45] : memref<832xi32, #tpu.memory_space<vmem>> -> memref<208xi32, #tpu.memory_space<vmem>>
    %dma_start3A_47 = arith.constant 0 : i32
    %dma_start3A_48 = arith.constant 0 : i32
    %dma_start3A_49 = tpu.memref_slice %arg2[%dma_start3A_47, %dma_start3A_48] : memref<26000x128xf32, #tpu.memory_space<hbm>> -> memref<26000x128xf32, #tpu.memory_space<hbm>>
    tpu.enqueue_indirect_dma source(%dma_start3A_49 : memref<26000x128xf32, #tpu.memory_space<hbm>>) target(%arg8 : memref<208x128xf32, #tpu.memory_space<vmem>>) offsets(%dma_start3A_46 : memref<208xi32, #tpu.memory_space<vmem>>) semaphore(%arg12 : memref<!tpu.dma_semaphore, #tpu.memory_space<semaphore_mem>>)
    %dma_start3A_50 = arith.constant 416 : i32
    %dma_start3A_51 = tpu.memref_slice %arg7[%dma_start3A_50] : memref<832xi32, #tpu.memory_space<vmem>> -> memref<208xi32, #tpu.memory_space<vmem>>
    %dma_start3A_52 = arith.constant 0 : i32
    %dma_start3A_53 = arith.constant 0 : i32
    %dma_start3A_54 = tpu.memref_slice %arg2[%dma_start3A_52, %dma_start3A_53] : memref<26000x128xf32, #tpu.memory_space<hbm>> -> memref<26000x128xf32, #tpu.memory_space<hbm>>
    tpu.enqueue_indirect_dma source(%dma_start3A_54 : memref<26000x128xf32, #tpu.memory_space<hbm>>) target(%arg9 : memref<208x128xf32, #tpu.memory_space<vmem>>) offsets(%dma_start3A_51 : memref<208xi32, #tpu.memory_space<vmem>>) semaphore(%arg12 : memref<!tpu.dma_semaphore, #tpu.memory_space<semaphore_mem>>)
    %dma_wait3A_55 = arith.constant 208 : i32
    %dma_wait3A_56 = tpu.memref_slice %arg6[%dma_wait3A_55] : memref<832xi32, #tpu.memory_space<vmem>> -> memref<208xi32, #tpu.memory_space<vmem>>
    %dma_wait3A_57 = arith.constant 0 : i32
    %dma_wait3A_58 = arith.constant 0 : i32
    %dma_wait3A_59 = tpu.memref_slice %arg2[%dma_wait3A_57, %dma_wait3A_58] : memref<26000x128xf32, #tpu.memory_space<hbm>> -> memref<26000x128xf32, #tpu.memory_space<hbm>>
    tpu.wait_indirect_dma semaphore(%arg13 : memref<!tpu.dma_semaphore, #tpu.memory_space<semaphore_mem>>) src(%dma_wait3A_59 : memref<26000x128xf32, #tpu.memory_space<hbm>>) dst(%arg10 : memref<208x128xf32, #tpu.memory_space<vmem>>)
    %dma_wait3A_60 = arith.constant 208 : i32
    %dma_wait3A_61 = tpu.memref_slice %arg7[%dma_wait3A_60] : memref<832xi32, #tpu.memory_space<vmem>> -> memref<208xi32, #tpu.memory_space<vmem>>
    %dma_wait3A_62 = arith.constant 0 : i32
    %dma_wait3A_63 = arith.constant 0 : i32
    %dma_wait3A_64 = tpu.memref_slice %arg2[%dma_wait3A_62, %dma_wait3A_63] : memref<26000x128xf32, #tpu.memory_space<hbm>> -> memref<26000x128xf32, #tpu.memory_space<hbm>>
    tpu.wait_indirect_dma semaphore(%arg13 : memref<!tpu.dma_semaphore, #tpu.memory_space<semaphore_mem>>) src(%dma_wait3A_64 : memref<26000x128xf32, #tpu.memory_space<hbm>>) dst(%arg11 : memref<208x128xf32, #tpu.memory_space<vmem>>)
    %scan3A_65 = arith.constant 0 : i32
    %scan3A_66 = arith.constant 208 : i32
    %scan3A_67 = arith.addi %scan3A_65, %scan3A_66 : i32
    %scan3A_68 = arith.constant 8 : i32
    scf.for %scan3A_140 = %scan3A_65 to %scan3A_67 step %scan3A_68  : i32 {
      %mul3A_141 = arith.constant 1 : i32
      %mul3A_142 = arith.muli %scan3A_140, %mul3A_141 : i32
      %add3A_143 = arith.constant 0 : i32
      %add3A_144 = arith.addi %add3A_143, %mul3A_142 : i32
      %get3A = arith.index_cast %add3A_144 : i32 to index
      %get3A_145 = arith.constant 0 : index
      %get3A_146 = tpu.vector_load %arg11[%get3A, %get3A_145] {strides = array<i32>} : memref<208x128xf32, #tpu.memory_space<vmem>>, vector<1x16xf32>,
      %get3A_147 = vector.shape_cast %get3A_146 : vector<1x16xf32> to vector<16xf32>
      %swap3A = arith.index_cast %add3A_144 : i32 to index
      %swap3A_148 = arith.constant 64 : index
      %swap3A_149 = tpu.vector_load %arg10[%swap3A, %swap3A_148] {strides = array<i32>} : memref<208x128xf32, #tpu.memory_space<vmem>>, vector<1x16xf32>,
      %swap3A_150 = vector.shape_cast %swap3A_149 : vector<1x16xf32> to vector<16xf32>
      %swap3A_151 = vector.shape_cast %get3A_147 : vector<16xf32> to vector<1x16xf32>
      tpu.vector_store %arg10[%swap3A, %swap3A_148], %swap3A_151 {strides = array<i32>} : memref<208x128xf32, #tpu.memory_space<vmem>>, vector<1x16xf32>,
      %get3A_152 = arith.index_cast %add3A_144 : i32 to index
      %get3A_153 = arith.constant 16 : index
      %get3A_154 = tpu.vector_load %arg11[%get3A_152, %get3A_153] {strides = array<i32>} : memref<208x128xf32, #tpu.memory_space<vmem>>, vector<1x16xf32>,
      %get3A_155 = vector.shape_cast %get3A_154 : vector<1x16xf32> to vector<16xf32>
      %swap3A_156 = arith.index_cast %add3A_144 : i32 to index
      %swap3A_157 = arith.constant 80 : index
      %swap3A_158 = tpu.vector_load %arg10[%swap3A_156, %swap3A_157] {strides = array<i32>} : memref<208x128xf32, #tpu.memory_space<vmem>>, vector<1x16xf32>,
      %swap3A_159 = vector.shape_cast %swap3A_158 : vector<1x16xf32> to vector<16xf32>
      %swap3A_160 = vector.shape_cast %get3A_155 : vector<16xf32> to vector<1x16xf32>
      tpu.vector_store %arg10[%swap3A_156, %swap3A_157], %swap3A_160 {strides = array<i32>} : memref<208x128xf32, #tpu.memory_space<vmem>>, vector<1x16xf32>,
      %get3A_161 = arith.index_cast %add3A_144 : i32 to index
      %get3A_162 = arith.constant 32 : index
      %get3A_163 = tpu.vector_load %arg11[%get3A_161, %get3A_162] {strides = array<i32>} : memref<208x128xf32, #tpu.memory_space<vmem>>, vector<1x16xf32>,
      %get3A_164 = vector.shape_cast %get3A_163 : vector<1x16xf32> to vector<16xf32>
      %swap3A_165 = arith.index_cast %add3A_144 : i32 to index
      %swap3A_166 = arith.constant 96 : index
      %swap3A_167 = tpu.vector_load %arg10[%swap3A_165, %swap3A_166] {strides = array<i32>} : memref<208x128xf32, #tpu.memory_space<vmem>>, vector<1x16xf32>,
      %swap3A_168 = vector.shape_cast %swap3A_167 : vector<1x16xf32> to vector<16xf32>
      %swap3A_169 = vector.shape_cast %get3A_164 : vector<16xf32> to vector<1x16xf32>
      tpu.vector_store %arg10[%swap3A_165, %swap3A_166], %swap3A_169 {strides = array<i32>} : memref<208x128xf32, #tpu.memory_space<vmem>>, vector<1x16xf32>,
      %get3A_170 = arith.index_cast %add3A_144 : i32 to index
      %get3A_171 = arith.constant 48 : index
      %get3A_172 = tpu.vector_load %arg11[%get3A_170, %get3A_171] {strides = array<i32>} : memref<208x128xf32, #tpu.memory_space<vmem>>, vector<1x16xf32>,
      %get3A_173 = vector.shape_cast %get3A_172 : vector<1x16xf32> to vector<16xf32>
      %swap3A_174 = arith.index_cast %add3A_144 : i32 to index
      %swap3A_175 = arith.constant 112 : index
      %swap3A_176 = tpu.vector_load %arg10[%swap3A_174, %swap3A_175] {strides = array<i32>} : memref<208x128xf32, #tpu.memory_space<vmem>>, vector<1x16xf32>,
      %swap3A_177 = vector.shape_cast %swap3A_176 : vector<1x16xf32> to vector<16xf32>
      %swap3A_178 = vector.shape_cast %get3A_173 : vector<16xf32> to vector<1x16xf32>
      tpu.vector_store %arg10[%swap3A_174, %swap3A_175], %swap3A_178 {strides = array<i32>} : memref<208x128xf32, #tpu.memory_space<vmem>>, vector<1x16xf32>,
      %scan3A_179 = arith.constant 1 : i32
      %scan3A_180 = arith.addi %scan3A_140, %scan3A_179 : i32
      %mul3A_181 = arith.constant 1 : i32
      %mul3A_182 = arith.muli %scan3A_180, %mul3A_181 : i32
      %add3A_183 = arith.constant 0 : i32
      %add3A_184 = arith.addi %add3A_183, %mul3A_182 : i32
      %get3A_185 = arith.index_cast %add3A_184 : i32 to index
      %get3A_186 = arith.constant 0 : index
      %get3A_187 = tpu.vector_load %arg11[%get3A_185, %get3A_186] {strides = array<i32>} : memref<208x128xf32, #tpu.memory_space<vmem>>, vector<1x16xf32>,
      %get3A_188 = vector.shape_cast %get3A_187 : vector<1x16xf32> to vector<16xf32>
      %swap3A_189 = arith.index_cast %add3A_184 : i32 to index
      %swap3A_190 = arith.constant 64 : index
      %swap3A_191 = tpu.vector_load %arg10[%swap3A_189, %swap3A_190] {strides = array<i32>} : memref<208x128xf32, #tpu.memory_space<vmem>>, vector<1x16xf32>,
      %swap3A_192 = vector.shape_cast %swap3A_191 : vector<1x16xf32> to vector<16xf32>
      %swap3A_193 = vector.shape_cast %get3A_188 : vector<16xf32> to vector<1x16xf32>
      tpu.vector_store %arg10[%swap3A_189, %swap3A_190], %swap3A_193 {strides = array<i32>} : memref<208x128xf32, #tpu.memory_space<vmem>>, vector<1x16xf32>,
      %get3A_194 = arith.index_cast %add3A_184 : i32 to index
      %get3A_195 = arith.constant 16 : index
      %get3A_196 = tpu.vector_load %arg11[%get3A_194, %get3A_195] {strides = array<i32>} : memref<208x128xf32, #tpu.memory_space<vmem>>, vector<1x16xf32>,
      %get3A_197 = vector.shape_cast %get3A_196 : vector<1x16xf32> to vector<16xf32>
      %swap3A_198 = arith.index_cast %add3A_184 : i32 to index
      %swap3A_199 = arith.constant 80 : index
      %swap3A_200 = tpu.vector_load %arg10[%swap3A_198, %swap3A_199] {strides = array<i32>} : memref<208x128xf32, #tpu.memory_space<vmem>>, vector<1x16xf32>,
      %swap3A_201 = vector.shape_cast %swap3A_200 : vector<1x16xf32> to vector<16xf32>
      %swap3A_202 = vector.shape_cast %get3A_197 : vector<16xf32> to vector<1x16xf32>
      tpu.vector_store %arg10[%swap3A_198, %swap3A_199], %swap3A_202 {strides = array<i32>} : memref<208x128xf32, #tpu.memory_space<vmem>>, vector<1x16xf32>,
      %get3A_203 = arith.index_cast %add3A_184 : i32 to index
      %get3A_204 = arith.constant 32 : index
      %get3A_205 = tpu.vector_load %arg11[%get3A_203, %get3A_204] {strides = array<i32>} : memref<208x128xf32, #tpu.memory_space<vmem>>, vector<1x16xf32>,
      %get3A_206 = vector.shape_cast %get3A_205 : vector<1x16xf32> to vector<16xf32>
      %swap3A_207 = arith.index_cast %add3A_184 : i32 to index
      %swap3A_208 = arith.constant 96 : index
      %swap3A_209 = tpu.vector_load %arg10[%swap3A_207, %swap3A_208] {strides = array<i32>} : memref<208x128xf32, #tpu.memory_space<vmem>>, vector<1x16xf32>,
      %swap3A_210 = vector.shape_cast %swap3A_209 : vector<1x16xf32> to vector<16xf32>
      %swap3A_211 = vector.shape_cast %get3A_206 : vector<16xf32> to vector<1x16xf32>
      tpu.vector_store %arg10[%swap3A_207, %swap3A_208], %swap3A_211 {strides = array<i32>} : memref<208x128xf32, #tpu.memory_space<vmem>>, vector<1x16xf32>,
      %get3A_212 = arith.index_cast %add3A_184 : i32 to index
      %get3A_213 = arith.constant 48 : index
      %get3A_214 = tpu.vector_load %arg11[%get3A_212, %get3A_213] {strides = array<i32>} : memref<208x128xf32, #tpu.memory_space<vmem>>, vector<1x16xf32>,
      %get3A_215 = vector.shape_cast %get3A_214 : vector<1x16xf32> to vector<16xf32>
      %swap3A_216 = arith.index_cast %add3A_184 : i32 to index
      %swap3A_217 = arith.constant 112 : index
      %swap3A_218 = tpu.vector_load %arg10[%swap3A_216, %swap3A_217] {strides = array<i32>} : memref<208x128xf32, #tpu.memory_space<vmem>>, vector<1x16xf32>,
      %swap3A_219 = vector.shape_cast %swap3A_218 : vector<1x16xf32> to vector<16xf32>
      %swap3A_220 = vector.shape_cast %get3A_215 : vector<16xf32> to vector<1x16xf32>
      tpu.vector_store %arg10[%swap3A_216, %swap3A_217], %swap3A_220 {strides = array<i32>} : memref<208x128xf32, #tpu.memory_space<vmem>>, vector<1x16xf32>,
      %scan3A_221 = arith.constant 2 : i32
      %scan3A_222 = arith.addi %scan3A_140, %scan3A_221 : i32
      %mul3A_223 = arith.constant 1 : i32
      %mul3A_224 = arith.muli %scan3A_222, %mul3A_223 : i32
      %add3A_225 = arith.constant 0 : i32
      %add3A_226 = arith.addi %add3A_225, %mul3A_224 : i32
      %get3A_227 = arith.index_cast %add3A_226 : i32 to index
      %get3A_228 = arith.constant 0 : index
      %get3A_229 = tpu.vector_load %arg11[%get3A_227, %get3A_228] {strides = array<i32>} : memref<208x128xf32, #tpu.memory_space<vmem>>, vector<1x16xf32>,
      %get3A_230 = vector.shape_cast %get3A_229 : vector<1x16xf32> to vector<16xf32>
      %swap3A_231 = arith.index_cast %add3A_226 : i32 to index
      %swap3A_232 = arith.constant 64 : index
      %swap3A_233 = tpu.vector_load %arg10[%swap3A_231, %swap3A_232] {strides = array<i32>} : memref<208x128xf32, #tpu.memory_space<vmem>>, vector<1x16xf32>,
      %swap3A_234 = vector.shape_cast %swap3A_233 : vector<1x16xf32> to vector<16xf32>
      %swap3A_235 = vector.shape_cast %get3A_230 : vector<16xf32> to vector<1x16xf32>
      tpu.vector_store %arg10[%swap3A_231, %swap3A_232], %swap3A_235 {strides = array<i32>} : memref<208x128xf32, #tpu.memory_space<vmem>>, vector<1x16xf32>,
      %get3A_236 = arith.index_cast %add3A_226 : i32 to index
      %get3A_237 = arith.constant 16 : index
      %get3A_238 = tpu.vector_load %arg11[%get3A_236, %get3A_237] {strides = array<i32>} : memref<208x128xf32, #tpu.memory_space<vmem>>, vector<1x16xf32>,
      %get3A_239 = vector.shape_cast %get3A_238 : vector<1x16xf32> to vector<16xf32>
      %swap3A_240 = arith.index_cast %add3A_226 : i32 to index
      %swap3A_241 = arith.constant 80 : index
      %swap3A_242 = tpu.vector_load %arg10[%swap3A_240, %swap3A_241] {strides = array<i32>} : memref<208x128xf32, #tpu.memory_space<vmem>>, vector<1x16xf32>,
      %swap3A_243 = vector.shape_cast %swap3A_242 : vector<1x16xf32> to vector<16xf32>
      %swap3A_244 = vector.shape_cast %get3A_239 : vector<16xf32> to vector<1x16xf32>
      tpu.vector_store %arg10[%swap3A_240, %swap3A_241], %swap3A_244 {strides = array<i32>} : memref<208x128xf32, #tpu.memory_space<vmem>>, vector<1x16xf32>,
      %get3A_245 = arith.index_cast %add3A_226 : i32 to index
      %get3A_246 = arith.constant 32 : index
      %get3A_247 = tpu.vector_load %arg11[%get3A_245, %get3A_246] {strides = array<i32>} : memref<208x128xf32, #tpu.memory_space<vmem>>, vector<1x16xf32>,
      %get3A_248 = vector.shape_cast %get3A_247 : vector<1x16xf32> to vector<16xf32>
      %swap3A_249 = arith.index_cast %add3A_226 : i32 to index
      %swap3A_250 = arith.constant 96 : index
      %swap3A_251 = tpu.vector_load %arg10[%swap3A_249, %swap3A_250] {strides = array<i32>} : memref<208x128xf32, #tpu.memory_space<vmem>>, vector<1x16xf32>,
      %swap3A_252 = vector.shape_cast %swap3A_251 : vector<1x16xf32> to vector<16xf32>
      %swap3A_253 = vector.shape_cast %get3A_248 : vector<16xf32> to vector<1x16xf32>
      tpu.vector_store %arg10[%swap3A_249, %swap3A_250], %swap3A_253 {strides = array<i32>} : memref<208x128xf32, #tpu.memory_space<vmem>>, vector<1x16xf32>,
      %get3A_254 = arith.index_cast %add3A_226 : i32 to index
      %get3A_255 = arith.constant 48 : index
      %get3A_256 = tpu.vector_load %arg11[%get3A_254, %get3A_255] {strides = array<i32>} : memref<208x128xf32, #tpu.memory_space<vmem>>, vector<1x16xf32>,
      %get3A_257 = vector.shape_cast %get3A_256 : vector<1x16xf32> to vector<16xf32>
      %swap3A_258 = arith.index_cast %add3A_226 : i32 to index
      %swap3A_259 = arith.constant 112 : index
      %swap3A_260 = tpu.vector_load %arg10[%swap3A_258, %swap3A_259] {strides = array<i32>} : memref<208x128xf32, #tpu.memory_space<vmem>>, vector<1x16xf32>,
      %swap3A_261 = vector.shape_cast %swap3A_260 : vector<1x16xf32> to vector<16xf32>
      %swap3A_262 = vector.shape_cast %get3A_257 : vector<16xf32> to vector<1x16xf32>
      tpu.vector_store %arg10[%swap3A_258, %swap3A_259], %swap3A_262 {strides = array<i32>} : memref<208x128xf32, #tpu.memory_space<vmem>>, vector<1x16xf32>,
      %scan3A_263 = arith.constant 3 : i32
      %scan3A_264 = arith.addi %scan3A_140, %scan3A_263 : i32
      %mul3A_265 = arith.constant 1 : i32
      %mul3A_266 = arith.muli %scan3A_264, %mul3A_265 : i32
      %add3A_267 = arith.constant 0 : i32
      %add3A_268 = arith.addi %add3A_267, %mul3A_266 : i32
      %get3A_269 = arith.index_cast %add3A_268 : i32 to index
      %get3A_270 = arith.constant 0 : index
      %get3A_271 = tpu.vector_load %arg11[%get3A_269, %get3A_270] {strides = array<i32>} : memref<208x128xf32, #tpu.memory_space<vmem>>, vector<1x16xf32>,
      %get3A_272 = vector.shape_cast %get3A_271 : vector<1x16xf32> to vector<16xf32>
      %swap3A_273 = arith.index_cast %add3A_268 : i32 to index
      %swap3A_274 = arith.constant 64 : index
      %swap3A_275 = tpu.vector_load %arg10[%swap3A_273, %swap3A_274] {strides = array<i32>} : memref<208x128xf32, #tpu.memory_space<vmem>>, vector<1x16xf32>,
      %swap3A_276 = vector.shape_cast %swap3A_275 : vector<1x16xf32> to vector<16xf32>
      %swap3A_277 = vector.shape_cast %get3A_272 : vector<16xf32> to vector<1x16xf32>
      tpu.vector_store %arg10[%swap3A_273, %swap3A_274], %swap3A_277 {strides = array<i32>} : memref<208x128xf32, #tpu.memory_space<vmem>>, vector<1x16xf32>,
      %get3A_278 = arith.index_cast %add3A_268 : i32 to index
      %get3A_279 = arith.constant 16 : index
      %get3A_280 = tpu.vector_load %arg11[%get3A_278, %get3A_279] {strides = array<i32>} : memref<208x128xf32, #tpu.memory_space<vmem>>, vector<1x16xf32>,
      %get3A_281 = vector.shape_cast %get3A_280 : vector<1x16xf32> to vector<16xf32>
      %swap3A_282 = arith.index_cast %add3A_268 : i32 to index
      %swap3A_283 = arith.constant 80 : index
      %swap3A_284 = tpu.vector_load %arg10[%swap3A_282, %swap3A_283] {strides = array<i32>} : memref<208x128xf32, #tpu.memory_space<vmem>>, vector<1x16xf32>,
      %swap3A_285 = vector.shape_cast %swap3A_284 : vector<1x16xf32> to vector<16xf32>
      %swap3A_286 = vector.shape_cast %get3A_281 : vector<16xf32> to vector<1x16xf32>
      tpu.vector_store %arg10[%swap3A_282, %swap3A_283], %swap3A_286 {strides = array<i32>} : memref<208x128xf32, #tpu.memory_space<vmem>>, vector<1x16xf32>,
      %get3A_287 = arith.index_cast %add3A_268 : i32 to index
      %get3A_288 = arith.constant 32 : index
      %get3A_289 = tpu.vector_load %arg11[%get3A_287, %get3A_288] {strides = array<i32>} : memref<208x128xf32, #tpu.memory_space<vmem>>, vector<1x16xf32>,
      %get3A_290 = vector.shape_cast %get3A_289 : vector<1x16xf32> to vector<16xf32>
      %swap3A_291 = arith.index_cast %add3A_268 : i32 to index
      %swap3A_292 = arith.constant 96 : index
      %swap3A_293 = tpu.vector_load %arg10[%swap3A_291, %swap3A_292] {strides = array<i32>} : memref<208x128xf32, #tpu.memory_space<vmem>>, vector<1x16xf32>,
      %swap3A_294 = vector.shape_cast %swap3A_293 : vector<1x16xf32> to vector<16xf32>
      %swap3A_295 = vector.shape_cast %get3A_290 : vector<16xf32> to vector<1x16xf32>
      tpu.vector_store %arg10[%swap3A_291, %swap3A_292], %swap3A_295 {strides = array<i32>} : memref<208x128xf32, #tpu.memory_space<vmem>>, vector<1x16xf32>,
      %get3A_296 = arith.index_cast %add3A_268 : i32 to index
      %get3A_297 = arith.constant 48 : index
      %get3A_298 = tpu.vector_load %arg11[%get3A_296, %get3A_297] {strides = array<i32>} : memref<208x128xf32, #tpu.memory_space<vmem>>, vector<1x16xf32>,
      %get3A_299 = vector.shape_cast %get3A_298 : vector<1x16xf32> to vector<16xf32>
      %swap3A_300 = arith.index_cast %add3A_268 : i32 to index
      %swap3A_301 = arith.constant 112 : index
      %swap3A_302 = tpu.vector_load %arg10[%swap3A_300, %swap3A_301] {strides = array<i32>} : memref<208x128xf32, #tpu.memory_space<vmem>>, vector<1x16xf32>,
      %swap3A_303 = vector.shape_cast %swap3A_302 : vector<1x16xf32> to vector<16xf32>
      %swap3A_304 = vector.shape_cast %get3A_299 : vector<16xf32> to vector<1x16xf32>
      tpu.vector_store %arg10[%swap3A_300, %swap3A_301], %swap3A_304 {strides = array<i32>} : memref<208x128xf32, #tpu.memory_space<vmem>>, vector<1x16xf32>,
      %scan3A_305 = arith.constant 4 : i32
      %scan3A_306 = arith.addi %scan3A_140, %scan3A_305 : i32
      %mul3A_307 = arith.constant 1 : i32
      %mul3A_308 = arith.muli %scan3A_306, %mul3A_307 : i32
      %add3A_309 = arith.constant 0 : i32
      %add3A_310 = arith.addi %add3A_309, %mul3A_308 : i32
      %get3A_311 = arith.index_cast %add3A_310 : i32 to index
      %get3A_312 = arith.constant 0 : index
      %get3A_313 = tpu.vector_load %arg11[%get3A_311, %get3A_312] {strides = array<i32>} : memref<208x128xf32, #tpu.memory_space<vmem>>, vector<1x16xf32>,
      %get3A_314 = vector.shape_cast %get3A_313 : vector<1x16xf32> to vector<16xf32>
      %swap3A_315 = arith.index_cast %add3A_310 : i32 to index
      %swap3A_316 = arith.constant 64 : index
      %swap3A_317 = tpu.vector_load %arg10[%swap3A_315, %swap3A_316] {strides = array<i32>} : memref<208x128xf32, #tpu.memory_space<vmem>>, vector<1x16xf32>,
      %swap3A_318 = vector.shape_cast %swap3A_317 : vector<1x16xf32> to vector<16xf32>
      %swap3A_319 = vector.shape_cast %get3A_314 : vector<16xf32> to vector<1x16xf32>
      tpu.vector_store %arg10[%swap3A_315, %swap3A_316], %swap3A_319 {strides = array<i32>} : memref<208x128xf32, #tpu.memory_space<vmem>>, vector<1x16xf32>,
      %get3A_320 = arith.index_cast %add3A_310 : i32 to index
      %get3A_321 = arith.constant 16 : index
      %get3A_322 = tpu.vector_load %arg11[%get3A_320, %get3A_321] {strides = array<i32>} : memref<208x128xf32, #tpu.memory_space<vmem>>, vector<1x16xf32>,
      %get3A_323 = vector.shape_cast %get3A_322 : vector<1x16xf32> to vector<16xf32>
      %swap3A_324 = arith.index_cast %add3A_310 : i32 to index
      %swap3A_325 = arith.constant 80 : index
      %swap3A_326 = tpu.vector_load %arg10[%swap3A_324, %swap3A_325] {strides = array<i32>} : memref<208x128xf32, #tpu.memory_space<vmem>>, vector<1x16xf32>,
      %swap3A_327 = vector.shape_cast %swap3A_326 : vector<1x16xf32> to vector<16xf32>
      %swap3A_328 = vector.shape_cast %get3A_323 : vector<16xf32> to vector<1x16xf32>
      tpu.vector_store %arg10[%swap3A_324, %swap3A_325], %swap3A_328 {strides = array<i32>} : memref<208x128xf32, #tpu.memory_space<vmem>>, vector<1x16xf32>,
      %get3A_329 = arith.index_cast %add3A_310 : i32 to index
      %get3A_330 = arith.constant 32 : index
      %get3A_331 = tpu.vector_load %arg11[%get3A_329, %get3A_330] {strides = array<i32>} : memref<208x128xf32, #tpu.memory_space<vmem>>, vector<1x16xf32>,
      %get3A_332 = vector.shape_cast %get3A_331 : vector<1x16xf32> to vector<16xf32>
      %swap3A_333 = arith.index_cast %add3A_310 : i32 to index
      %swap3A_334 = arith.constant 96 : index
      %swap3A_335 = tpu.vector_load %arg10[%swap3A_333, %swap3A_334] {strides = array<i32>} : memref<208x128xf32, #tpu.memory_space<vmem>>, vector<1x16xf32>,
      %swap3A_336 = vector.shape_cast %swap3A_335 : vector<1x16xf32> to vector<16xf32>
      %swap3A_337 = vector.shape_cast %get3A_332 : vector<16xf32> to vector<1x16xf32>
      tpu.vector_store %arg10[%swap3A_333, %swap3A_334], %swap3A_337 {strides = array<i32>} : memref<208x128xf32, #tpu.memory_space<vmem>>, vector<1x16xf32>,
      %get3A_338 = arith.index_cast %add3A_310 : i32 to index
      %get3A_339 = arith.constant 48 : index
      %get3A_340 = tpu.vector_load %arg11[%get3A_338, %get3A_339] {strides = array<i32>} : memref<208x128xf32, #tpu.memory_space<vmem>>, vector<1x16xf32>,
      %get3A_341 = vector.shape_cast %get3A_340 : vector<1x16xf32> to vector<16xf32>
      %swap3A_342 = arith.index_cast %add3A_310 : i32 to index
      %swap3A_343 = arith.constant 112 : index
      %swap3A_344 = tpu.vector_load %arg10[%swap3A_342, %swap3A_343] {strides = array<i32>} : memref<208x128xf32, #tpu.memory_space<vmem>>, vector<1x16xf32>,
      %swap3A_345 = vector.shape_cast %swap3A_344 : vector<1x16xf32> to vector<16xf32>
      %swap3A_346 = vector.shape_cast %get3A_341 : vector<16xf32> to vector<1x16xf32>
      tpu.vector_store %arg10[%swap3A_342, %swap3A_343], %swap3A_346 {strides = array<i32>} : memref<208x128xf32, #tpu.memory_space<vmem>>, vector<1x16xf32>,
      %scan3A_347 = arith.constant 5 : i32
      %scan3A_348 = arith.addi %scan3A_140, %scan3A_347 : i32
      %mul3A_349 = arith.constant 1 : i32
      %mul3A_350 = arith.muli %scan3A_348, %mul3A_349 : i32
      %add3A_351 = arith.constant 0 : i32
      %add3A_352 = arith.addi %add3A_351, %mul3A_350 : i32
      %get3A_353 = arith.index_cast %add3A_352 : i32 to index
      %get3A_354 = arith.constant 0 : index
      %get3A_355 = tpu.vector_load %arg11[%get3A_353, %get3A_354] {strides = array<i32>} : memref<208x128xf32, #tpu.memory_space<vmem>>, vector<1x16xf32>,
      %get3A_356 = vector.shape_cast %get3A_355 : vector<1x16xf32> to vector<16xf32>
      %swap3A_357 = arith.index_cast %add3A_352 : i32 to index
      %swap3A_358 = arith.constant 64 : index
      %swap3A_359 = tpu.vector_load %arg10[%swap3A_357, %swap3A_358] {strides = array<i32>} : memref<208x128xf32, #tpu.memory_space<vmem>>, vector<1x16xf32>,
      %swap3A_360 = vector.shape_cast %swap3A_359 : vector<1x16xf32> to vector<16xf32>
      %swap3A_361 = vector.shape_cast %get3A_356 : vector<16xf32> to vector<1x16xf32>
      tpu.vector_store %arg10[%swap3A_357, %swap3A_358], %swap3A_361 {strides = array<i32>} : memref<208x128xf32, #tpu.memory_space<vmem>>, vector<1x16xf32>,
      %get3A_362 = arith.index_cast %add3A_352 : i32 to index
      %get3A_363 = arith.constant 16 : index
      %get3A_364 = tpu.vector_load %arg11[%get3A_362, %get3A_363] {strides = array<i32>} : memref<208x128xf32, #tpu.memory_space<vmem>>, vector<1x16xf32>,
      %get3A_365 = vector.shape_cast %get3A_364 : vector<1x16xf32> to vector<16xf32>
      %swap3A_366 = arith.index_cast %add3A_352 : i32 to index
      %swap3A_367 = arith.constant 80 : index
      %swap3A_368 = tpu.vector_load %arg10[%swap3A_366, %swap3A_367] {strides = array<i32>} : memref<208x128xf32, #tpu.memory_space<vmem>>, vector<1x16xf32>,
      %swap3A_369 = vector.shape_cast %swap3A_368 : vector<1x16xf32> to vector<16xf32>
      %swap3A_370 = vector.shape_cast %get3A_365 : vector<16xf32> to vector<1x16xf32>
      tpu.vector_store %arg10[%swap3A_366, %swap3A_367], %swap3A_370 {strides = array<i32>} : memref<208x128xf32, #tpu.memory_space<vmem>>, vector<1x16xf32>,
      %get3A_371 = arith.index_cast %add3A_352 : i32 to index
      %get3A_372 = arith.constant 32 : index
      %get3A_373 = tpu.vector_load %arg11[%get3A_371, %get3A_372] {strides = array<i32>} : memref<208x128xf32, #tpu.memory_space<vmem>>, vector<1x16xf32>,
      %get3A_374 = vector.shape_cast %get3A_373 : vector<1x16xf32> to vector<16xf32>
      %swap3A_375 = arith.index_cast %add3A_352 : i32 to index
      %swap3A_376 = arith.constant 96 : index
      %swap3A_377 = tpu.vector_load %arg10[%swap3A_375, %swap3A_376] {strides = array<i32>} : memref<208x128xf32, #tpu.memory_space<vmem>>, vector<1x16xf32>,
      %swap3A_378 = vector.shape_cast %swap3A_377 : vector<1x16xf32> to vector<16xf32>
      %swap3A_379 = vector.shape_cast %get3A_374 : vector<16xf32> to vector<1x16xf32>
      tpu.vector_store %arg10[%swap3A_375, %swap3A_376], %swap3A_379 {strides = array<i32>} : memref<208x128xf32, #tpu.memory_space<vmem>>, vector<1x16xf32>,
      %get3A_380 = arith.index_cast %add3A_352 : i32 to index
      %get3A_381 = arith.constant 48 : index
      %get3A_382 = tpu.vector_load %arg11[%get3A_380, %get3A_381] {strides = array<i32>} : memref<208x128xf32, #tpu.memory_space<vmem>>, vector<1x16xf32>,
      %get3A_383 = vector.shape_cast %get3A_382 : vector<1x16xf32> to vector<16xf32>
      %swap3A_384 = arith.index_cast %add3A_352 : i32 to index
      %swap3A_385 = arith.constant 112 : index
      %swap3A_386 = tpu.vector_load %arg10[%swap3A_384, %swap3A_385] {strides = array<i32>} : memref<208x128xf32, #tpu.memory_space<vmem>>, vector<1x16xf32>,
      %swap3A_387 = vector.shape_cast %swap3A_386 : vector<1x16xf32> to vector<16xf32>
      %swap3A_388 = vector.shape_cast %get3A_383 : vector<16xf32> to vector<1x16xf32>
      tpu.vector_store %arg10[%swap3A_384, %swap3A_385], %swap3A_388 {strides = array<i32>} : memref<208x128xf32, #tpu.memory_space<vmem>>, vector<1x16xf32>,
      %scan3A_389 = arith.constant 6 : i32
      %scan3A_390 = arith.addi %scan3A_140, %scan3A_389 : i32
      %mul3A_391 = arith.constant 1 : i32
      %mul3A_392 = arith.muli %scan3A_390, %mul3A_391 : i32
      %add3A_393 = arith.constant 0 : i32
      %add3A_394 = arith.addi %add3A_393, %mul3A_392 : i32
      %get3A_395 = arith.index_cast %add3A_394 : i32 to index
      %get3A_396 = arith.constant 0 : index
      %get3A_397 = tpu.vector_load %arg11[%get3A_395, %get3A_396] {strides = array<i32>} : memref<208x128xf32, #tpu.memory_space<vmem>>, vector<1x16xf32>,
      %get3A_398 = vector.shape_cast %get3A_397 : vector<1x16xf32> to vector<16xf32>
      %swap3A_399 = arith.index_cast %add3A_394 : i32 to index
      %swap3A_400 = arith.constant 64 : index
      %swap3A_401 = tpu.vector_load %arg10[%swap3A_399, %swap3A_400] {strides = array<i32>} : memref<208x128xf32, #tpu.memory_space<vmem>>, vector<1x16xf32>,
      %swap3A_402 = vector.shape_cast %swap3A_401 : vector<1x16xf32> to vector<16xf32>
      %swap3A_403 = vector.shape_cast %get3A_398 : vector<16xf32> to vector<1x16xf32>
      tpu.vector_store %arg10[%swap3A_399, %swap3A_400], %swap3A_403 {strides = array<i32>} : memref<208x128xf32, #tpu.memory_space<vmem>>, vector<1x16xf32>,
      %get3A_404 = arith.index_cast %add3A_394 : i32 to index
      %get3A_405 = arith.constant 16 : index
      %get3A_406 = tpu.vector_load %arg11[%get3A_404, %get3A_405] {strides = array<i32>} : memref<208x128xf32, #tpu.memory_space<vmem>>, vector<1x16xf32>,
      %get3A_407 = vector.shape_cast %get3A_406 : vector<1x16xf32> to vector<16xf32>
      %swap3A_408 = arith.index_cast %add3A_394 : i32 to index
      %swap3A_409 = arith.constant 80 : index
      %swap3A_410 = tpu.vector_load %arg10[%swap3A_408, %swap3A_409] {strides = array<i32>} : memref<208x128xf32, #tpu.memory_space<vmem>>, vector<1x16xf32>,
      %swap3A_411 = vector.shape_cast %swap3A_410 : vector<1x16xf32> to vector<16xf32>
      %swap3A_412 = vector.shape_cast %get3A_407 : vector<16xf32> to vector<1x16xf32>
      tpu.vector_store %arg10[%swap3A_408, %swap3A_409], %swap3A_412 {strides = array<i32>} : memref<208x128xf32, #tpu.memory_space<vmem>>, vector<1x16xf32>,
      %get3A_413 = arith.index_cast %add3A_394 : i32 to index
      %get3A_414 = arith.constant 32 : index
      %get3A_415 = tpu.vector_load %arg11[%get3A_413, %get3A_414] {strides = array<i32>} : memref<208x128xf32, #tpu.memory_space<vmem>>, vector<1x16xf32>,
      %get3A_416 = vector.shape_cast %get3A_415 : vector<1x16xf32> to vector<16xf32>
      %swap3A_417 = arith.index_cast %add3A_394 : i32 to index
      %swap3A_418 = arith.constant 96 : index
      %swap3A_419 = tpu.vector_load %arg10[%swap3A_417, %swap3A_418] {strides = array<i32>} : memref<208x128xf32, #tpu.memory_space<vmem>>, vector<1x16xf32>,
      %swap3A_420 = vector.shape_cast %swap3A_419 : vector<1x16xf32> to vector<16xf32>
      %swap3A_421 = vector.shape_cast %get3A_416 : vector<16xf32> to vector<1x16xf32>
      tpu.vector_store %arg10[%swap3A_417, %swap3A_418], %swap3A_421 {strides = array<i32>} : memref<208x128xf32, #tpu.memory_space<vmem>>, vector<1x16xf32>,
      %get3A_422 = arith.index_cast %add3A_394 : i32 to index
      %get3A_423 = arith.constant 48 : index
      %get3A_424 = tpu.vector_load %arg11[%get3A_422, %get3A_423] {strides = array<i32>} : memref<208x128xf32, #tpu.memory_space<vmem>>, vector<1x16xf32>,
      %get3A_425 = vector.shape_cast %get3A_424 : vector<1x16xf32> to vector<16xf32>
      %swap3A_426 = arith.index_cast %add3A_394 : i32 to index
      %swap3A_427 = arith.constant 112 : index
      %swap3A_428 = tpu.vector_load %arg10[%swap3A_426, %swap3A_427] {strides = array<i32>} : memref<208x128xf32, #tpu.memory_space<vmem>>, vector<1x16xf32>,
      %swap3A_429 = vector.shape_cast %swap3A_428 : vector<1x16xf32> to vector<16xf32>
      %swap3A_430 = vector.shape_cast %get3A_425 : vector<16xf32> to vector<1x16xf32>
      tpu.vector_store %arg10[%swap3A_426, %swap3A_427], %swap3A_430 {strides = array<i32>} : memref<208x128xf32, #tpu.memory_space<vmem>>, vector<1x16xf32>,
      %scan3A_431 = arith.constant 7 : i32
      %scan3A_432 = arith.addi %scan3A_140, %scan3A_431 : i32
      %mul3A_433 = arith.constant 1 : i32
      %mul3A_434 = arith.muli %scan3A_432, %mul3A_433 : i32
      %add3A_435 = arith.constant 0 : i32
      %add3A_436 = arith.addi %add3A_435, %mul3A_434 : i32
      %get3A_437 = arith.index_cast %add3A_436 : i32 to index
      %get3A_438 = arith.constant 0 : index
      %get3A_439 = tpu.vector_load %arg11[%get3A_437, %get3A_438] {strides = array<i32>} : memref<208x128xf32, #tpu.memory_space<vmem>>, vector<1x16xf32>,
      %get3A_440 = vector.shape_cast %get3A_439 : vector<1x16xf32> to vector<16xf32>
      %swap3A_441 = arith.index_cast %add3A_436 : i32 to index
      %swap3A_442 = arith.constant 64 : index
      %swap3A_443 = tpu.vector_load %arg10[%swap3A_441, %swap3A_442] {strides = array<i32>} : memref<208x128xf32, #tpu.memory_space<vmem>>, vector<1x16xf32>,
      %swap3A_444 = vector.shape_cast %swap3A_443 : vector<1x16xf32> to vector<16xf32>
      %swap3A_445 = vector.shape_cast %get3A_440 : vector<16xf32> to vector<1x16xf32>
      tpu.vector_store %arg10[%swap3A_441, %swap3A_442], %swap3A_445 {strides = array<i32>} : memref<208x128xf32, #tpu.memory_space<vmem>>, vector<1x16xf32>,
      %get3A_446 = arith.index_cast %add3A_436 : i32 to index
      %get3A_447 = arith.constant 16 : index
      %get3A_448 = tpu.vector_load %arg11[%get3A_446, %get3A_447] {strides = array<i32>} : memref<208x128xf32, #tpu.memory_space<vmem>>, vector<1x16xf32>,
      %get3A_449 = vector.shape_cast %get3A_448 : vector<1x16xf32> to vector<16xf32>
      %swap3A_450 = arith.index_cast %add3A_436 : i32 to index
      %swap3A_451 = arith.constant 80 : index
      %swap3A_452 = tpu.vector_load %arg10[%swap3A_450, %swap3A_451] {strides = array<i32>} : memref<208x128xf32, #tpu.memory_space<vmem>>, vector<1x16xf32>,
      %swap3A_453 = vector.shape_cast %swap3A_452 : vector<1x16xf32> to vector<16xf32>
      %swap3A_454 = vector.shape_cast %get3A_449 : vector<16xf32> to vector<1x16xf32>
      tpu.vector_store %arg10[%swap3A_450, %swap3A_451], %swap3A_454 {strides = array<i32>} : memref<208x128xf32, #tpu.memory_space<vmem>>, vector<1x16xf32>,
      %get3A_455 = arith.index_cast %add3A_436 : i32 to index
      %get3A_456 = arith.constant 32 : index
      %get3A_457 = tpu.vector_load %arg11[%get3A_455, %get3A_456] {strides = array<i32>} : memref<208x128xf32, #tpu.memory_space<vmem>>, vector<1x16xf32>,
      %get3A_458 = vector.shape_cast %get3A_457 : vector<1x16xf32> to vector<16xf32>
      %swap3A_459 = arith.index_cast %add3A_436 : i32 to index
      %swap3A_460 = arith.constant 96 : index
      %swap3A_461 = tpu.vector_load %arg10[%swap3A_459, %swap3A_460] {strides = array<i32>} : memref<208x128xf32, #tpu.memory_space<vmem>>, vector<1x16xf32>,
      %swap3A_462 = vector.shape_cast %swap3A_461 : vector<1x16xf32> to vector<16xf32>
      %swap3A_463 = vector.shape_cast %get3A_458 : vector<16xf32> to vector<1x16xf32>
      tpu.vector_store %arg10[%swap3A_459, %swap3A_460], %swap3A_463 {strides = array<i32>} : memref<208x128xf32, #tpu.memory_space<vmem>>, vector<1x16xf32>,
      %get3A_464 = arith.index_cast %add3A_436 : i32 to index
      %get3A_465 = arith.constant 48 : index
      %get3A_466 = tpu.vector_load %arg11[%get3A_464, %get3A_465] {strides = array<i32>} : memref<208x128xf32, #tpu.memory_space<vmem>>, vector<1x16xf32>,
      %get3A_467 = vector.shape_cast %get3A_466 : vector<1x16xf32> to vector<16xf32>
      %swap3A_468 = arith.index_cast %add3A_436 : i32 to index
      %swap3A_469 = arith.constant 112 : index
      %swap3A_470 = tpu.vector_load %arg10[%swap3A_468, %swap3A_469] {strides = array<i32>} : memref<208x128xf32, #tpu.memory_space<vmem>>, vector<1x16xf32>,
      %swap3A_471 = vector.shape_cast %swap3A_470 : vector<1x16xf32> to vector<16xf32>
      %swap3A_472 = vector.shape_cast %get3A_467 : vector<16xf32> to vector<1x16xf32>
      tpu.vector_store %arg10[%swap3A_468, %swap3A_469], %swap3A_472 {strides = array<i32>} : memref<208x128xf32, #tpu.memory_space<vmem>>, vector<1x16xf32>,
    }
    %scan3A_69 = arith.constant 208 : i32
    %add3A_70 = arith.constant 208 : i32
    %add3A_71 = arith.addi %mul3A_2, %add3A_70 : i32
    %dma_start3A_72 = arith.constant 0 : i32
    %dma_start3A_73 = tpu.memref_slice %arg5[%add3A_71, %dma_start3A_72] : memref<26624x128xf32, #tpu.memory_space<hbm>> -> memref<208x128xf32, #tpu.memory_space<hbm>>
    %dma_start3A_74 = arith.constant 0 : i32
    %dma_start3A_75 = tpu.memref_slice %arg5[%add3A_71, %dma_start3A_74] : memref<26624x128xf32, #tpu.memory_space<hbm>> -> memref<208x128xf32, #tpu.memory_space<hbm>>
    tpu.enqueue_dma source(%arg10 : memref<208x128xf32, #tpu.memory_space<vmem>>) target(%dma_start3A_75 : memref<208x128xf32, #tpu.memory_space<hbm>>) target_semaphore(%arg15 : memref<!tpu.dma_semaphore, #tpu.memory_space<semaphore_mem>>)
    %dma_wait3A_76 = arith.constant 0 : i32
    %dma_wait3A_77 = tpu.memref_slice %arg5[%add3A_71, %dma_wait3A_76] : memref<26624x128xf32, #tpu.memory_space<hbm>> -> memref<208x128xf32, #tpu.memory_space<hbm>>
    %dma_wait3A_78 = arith.constant 0 : i32
    %dma_wait3A_79 = tpu.memref_slice %arg5[%add3A_71, %dma_wait3A_78] : memref<26624x128xf32, #tpu.memory_space<hbm>> -> memref<208x128xf32, #tpu.memory_space<hbm>>
    tpu.wait_dma2 semaphore(%arg15 : memref<!tpu.dma_semaphore, #tpu.memory_space<semaphore_mem>>) src(%arg10 : memref<208x128xf32, #tpu.memory_space<vmem>>) dst(%dma_wait3A_79 : memref<208x128xf32, #tpu.memory_space<hbm>>)
    %dma_start3A_80 = arith.constant 624 : i32
    %dma_start3A_81 = tpu.memref_slice %arg6[%dma_start3A_80] : memref<832xi32, #tpu.memory_space<vmem>> -> memref<208xi32, #tpu.memory_space<vmem>>
    %dma_start3A_82 = arith.constant 0 : i32
    %dma_start3A_83 = arith.constant 0 : i32
    %dma_start3A_84 = tpu.memref_slice %arg2[%dma_start3A_82, %dma_start3A_83] : memref<26000x128xf32, #tpu.memory_space<hbm>> -> memref<26000x128xf32, #tpu.memory_space<hbm>>
    tpu.enqueue_indirect_dma source(%dma_start3A_84 : memref<26000x128xf32, #tpu.memory_space<hbm>>) target(%arg10 : memref<208x128xf32, #tpu.memory_space<vmem>>) offsets(%dma_start3A_81 : memref<208xi32, #tpu.memory_space<vmem>>) semaphore(%arg13 : memref<!tpu.dma_semaphore, #tpu.memory_space<semaphore_mem>>)
    %dma_start3A_85 = arith.constant 624 : i32
    %dma_start3A_86 = tpu.memref_slice %arg7[%dma_start3A_85] : memref<832xi32, #tpu.memory_space<vmem>> -> memref<208xi32, #tpu.memory_space<vmem>>
    %dma_start3A_87 = arith.constant 0 : i32
    %dma_start3A_88 = arith.constant 0 : i32
    %dma_start3A_89 = tpu.memref_slice %arg2[%dma_start3A_87, %dma_start3A_88] : memref<26000x128xf32, #tpu.memory_space<hbm>> -> memref<26000x128xf32, #tpu.memory_space<hbm>>
    tpu.enqueue_indirect_dma source(%dma_start3A_89 : memref<26000x128xf32, #tpu.memory_space<hbm>>) target(%arg11 : memref<208x128xf32, #tpu.memory_space<vmem>>) offsets(%dma_start3A_86 : memref<208xi32, #tpu.memory_space<vmem>>) semaphore(%arg13 : memref<!tpu.dma_semaphore, #tpu.memory_space<semaphore_mem>>)
    %dma_wait3A_90 = arith.constant 416 : i32
    %dma_wait3A_91 = tpu.memref_slice %arg6[%dma_wait3A_90] : memref<832xi32, #tpu.memory_space<vmem>> -> memref<208xi32, #tpu.memory_space<vmem>>
    %dma_wait3A_92 = arith.constant 0 : i32
    %dma_wait3A_93 = arith.constant 0 : i32
    %dma_wait3A_94 = tpu.memref_slice %arg2[%dma_wait3A_92, %dma_wait3A_93] : memref<26000x128xf32, #tpu.memory_space<hbm>> -> memref<26000x128xf32, #tpu.memory_space<hbm>>
    tpu.wait_indirect_dma semaphore(%arg12 : memref<!tpu.dma_semaphore, #tpu.memory_space<semaphore_mem>>) src(%dma_wait3A_94 : memref<26000x128xf32, #tpu.memory_space<hbm>>) dst(%arg8 : memref<208x128xf32, #tpu.memory_space<vmem>>)
    %dma_wait3A_95 = arith.constant 416 : i32
    %dma_wait3A_96 = tpu.memref_slice %arg7[%dma_wait3A_95] : memref<832xi32, #tpu.memory_space<vmem>> -> memref<208xi32, #tpu.memory_space<vmem>>
    %dma_wait3A_97 = arith.constant 0 : i32
    %dma_wait3A_98 = arith.constant 0 : i32
    %dma_wait3A_99 = tpu.memref_slice %arg2[%dma_wait3A_97, %dma_wait3A_98] : memref<26000x128xf32, #tpu.memory_space<hbm>> -> memref<26000x128xf32, #tpu.memory_space<hbm>>
    tpu.wait_indirect_dma semaphore(%arg12 : memref<!tpu.dma_semaphore, #tpu.memory_space<semaphore_mem>>) src(%dma_wait3A_99 : memref<26000x128xf32, #tpu.memory_space<hbm>>) dst(%arg9 : memref<208x128xf32, #tpu.memory_space<vmem>>)
    %scan3A_100 = arith.constant 0 : i32
    %scan3A_101 = arith.constant 208 : i32
    %scan3A_102 = arith.addi %scan3A_100, %scan3A_101 : i32
    %scan3A_103 = arith.constant 8 : i32
    scf.for %scan3A_140 = %scan3A_100 to %scan3A_102 step %scan3A_103  : i32 {
      %mul3A_141 = arith.constant 1 : i32
      %mul3A_142 = arith.muli %scan3A_140, %mul3A_141 : i32
      %add3A_143 = arith.constant 0 : i32
      %add3A_144 = arith.addi %add3A_143, %mul3A_142 : i32
      %get3A = arith.index_cast %add3A_144 : i32 to index
      %get3A_145 = arith.constant 0 : index
      %get3A_146 = tpu.vector_load %arg9[%get3A, %get3A_145] {strides = array<i32>} : memref<208x128xf32, #tpu.memory_space<vmem>>, vector<1x16xf32>,
      %get3A_147 = vector.shape_cast %get3A_146 : vector<1x16xf32> to vector<16xf32>
      %swap3A = arith.index_cast %add3A_144 : i32 to index
      %swap3A_148 = arith.constant 64 : index
      %swap3A_149 = tpu.vector_load %arg8[%swap3A, %swap3A_148] {strides = array<i32>} : memref<208x128xf32, #tpu.memory_space<vmem>>, vector<1x16xf32>,
      %swap3A_150 = vector.shape_cast %swap3A_149 : vector<1x16xf32> to vector<16xf32>
      %swap3A_151 = vector.shape_cast %get3A_147 : vector<16xf32> to vector<1x16xf32>
      tpu.vector_store %arg8[%swap3A, %swap3A_148], %swap3A_151 {strides = array<i32>} : memref<208x128xf32, #tpu.memory_space<vmem>>, vector<1x16xf32>,
      %get3A_152 = arith.index_cast %add3A_144 : i32 to index
      %get3A_153 = arith.constant 16 : index
      %get3A_154 = tpu.vector_load %arg9[%get3A_152, %get3A_153] {strides = array<i32>} : memref<208x128xf32, #tpu.memory_space<vmem>>, vector<1x16xf32>,
      %get3A_155 = vector.shape_cast %get3A_154 : vector<1x16xf32> to vector<16xf32>
      %swap3A_156 = arith.index_cast %add3A_144 : i32 to index
      %swap3A_157 = arith.constant 80 : index
      %swap3A_158 = tpu.vector_load %arg8[%swap3A_156, %swap3A_157] {strides = array<i32>} : memref<208x128xf32, #tpu.memory_space<vmem>>, vector<1x16xf32>,
      %swap3A_159 = vector.shape_cast %swap3A_158 : vector<1x16xf32> to vector<16xf32>
      %swap3A_160 = vector.shape_cast %get3A_155 : vector<16xf32> to vector<1x16xf32>
      tpu.vector_store %arg8[%swap3A_156, %swap3A_157], %swap3A_160 {strides = array<i32>} : memref<208x128xf32, #tpu.memory_space<vmem>>, vector<1x16xf32>,
      %get3A_161 = arith.index_cast %add3A_144 : i32 to index
      %get3A_162 = arith.constant 32 : index
      %get3A_163 = tpu.vector_load %arg9[%get3A_161, %get3A_162] {strides = array<i32>} : memref<208x128xf32, #tpu.memory_space<vmem>>, vector<1x16xf32>,
      %get3A_164 = vector.shape_cast %get3A_163 : vector<1x16xf32> to vector<16xf32>
      %swap3A_165 = arith.index_cast %add3A_144 : i32 to index
      %swap3A_166 = arith.constant 96 : index
      %swap3A_167 = tpu.vector_load %arg8[%swap3A_165, %swap3A_166] {strides = array<i32>} : memref<208x128xf32, #tpu.memory_space<vmem>>, vector<1x16xf32>,
      %swap3A_168 = vector.shape_cast %swap3A_167 : vector<1x16xf32> to vector<16xf32>
      %swap3A_169 = vector.shape_cast %get3A_164 : vector<16xf32> to vector<1x16xf32>
      tpu.vector_store %arg8[%swap3A_165, %swap3A_166], %swap3A_169 {strides = array<i32>} : memref<208x128xf32, #tpu.memory_space<vmem>>, vector<1x16xf32>,
      %get3A_170 = arith.index_cast %add3A_144 : i32 to index
      %get3A_171 = arith.constant 48 : index
      %get3A_172 = tpu.vector_load %arg9[%get3A_170, %get3A_171] {strides = array<i32>} : memref<208x128xf32, #tpu.memory_space<vmem>>, vector<1x16xf32>,
      %get3A_173 = vector.shape_cast %get3A_172 : vector<1x16xf32> to vector<16xf32>
      %swap3A_174 = arith.index_cast %add3A_144 : i32 to index
      %swap3A_175 = arith.constant 112 : index
      %swap3A_176 = tpu.vector_load %arg8[%swap3A_174, %swap3A_175] {strides = array<i32>} : memref<208x128xf32, #tpu.memory_space<vmem>>, vector<1x16xf32>,
      %swap3A_177 = vector.shape_cast %swap3A_176 : vector<1x16xf32> to vector<16xf32>
      %swap3A_178 = vector.shape_cast %get3A_173 : vector<16xf32> to vector<1x16xf32>
      tpu.vector_store %arg8[%swap3A_174, %swap3A_175], %swap3A_178 {strides = array<i32>} : memref<208x128xf32, #tpu.memory_space<vmem>>, vector<1x16xf32>,
      %scan3A_179 = arith.constant 1 : i32
      %scan3A_180 = arith.addi %scan3A_140, %scan3A_179 : i32
      %mul3A_181 = arith.constant 1 : i32
      %mul3A_182 = arith.muli %scan3A_180, %mul3A_181 : i32
      %add3A_183 = arith.constant 0 : i32
      %add3A_184 = arith.addi %add3A_183, %mul3A_182 : i32
      %get3A_185 = arith.index_cast %add3A_184 : i32 to index
      %get3A_186 = arith.constant 0 : index
      %get3A_187 = tpu.vector_load %arg9[%get3A_185, %get3A_186] {strides = array<i32>} : memref<208x128xf32, #tpu.memory_space<vmem>>, vector<1x16xf32>,
      %get3A_188 = vector.shape_cast %get3A_187 : vector<1x16xf32> to vector<16xf32>
      %swap3A_189 = arith.index_cast %add3A_184 : i32 to index
      %swap3A_190 = arith.constant 64 : index
      %swap3A_191 = tpu.vector_load %arg8[%swap3A_189, %swap3A_190] {strides = array<i32>} : memref<208x128xf32, #tpu.memory_space<vmem>>, vector<1x16xf32>,
      %swap3A_192 = vector.shape_cast %swap3A_191 : vector<1x16xf32> to vector<16xf32>
      %swap3A_193 = vector.shape_cast %get3A_188 : vector<16xf32> to vector<1x16xf32>
      tpu.vector_store %arg8[%swap3A_189, %swap3A_190], %swap3A_193 {strides = array<i32>} : memref<208x128xf32, #tpu.memory_space<vmem>>, vector<1x16xf32>,
      %get3A_194 = arith.index_cast %add3A_184 : i32 to index
      %get3A_195 = arith.constant 16 : index
      %get3A_196 = tpu.vector_load %arg9[%get3A_194, %get3A_195] {strides = array<i32>} : memref<208x128xf32, #tpu.memory_space<vmem>>, vector<1x16xf32>,
      %get3A_197 = vector.shape_cast %get3A_196 : vector<1x16xf32> to vector<16xf32>
      %swap3A_198 = arith.index_cast %add3A_184 : i32 to index
      %swap3A_199 = arith.constant 80 : index
      %swap3A_200 = tpu.vector_load %arg8[%swap3A_198, %swap3A_199] {strides = array<i32>} : memref<208x128xf32, #tpu.memory_space<vmem>>, vector<1x16xf32>,
      %swap3A_201 = vector.shape_cast %swap3A_200 : vector<1x16xf32> to vector<16xf32>
      %swap3A_202 = vector.shape_cast %get3A_197 : vector<16xf32> to vector<1x16xf32>
      tpu.vector_store %arg8[%swap3A_198, %swap3A_199], %swap3A_202 {strides = array<i32>} : memref<208x128xf32, #tpu.memory_space<vmem>>, vector<1x16xf32>,
      %get3A_203 = arith.index_cast %add3A_184 : i32 to index
      %get3A_204 = arith.constant 32 : index
      %get3A_205 = tpu.vector_load %arg9[%get3A_203, %get3A_204] {strides = array<i32>} : memref<208x128xf32, #tpu.memory_space<vmem>>, vector<1x16xf32>,
      %get3A_206 = vector.shape_cast %get3A_205 : vector<1x16xf32> to vector<16xf32>
      %swap3A_207 = arith.index_cast %add3A_184 : i32 to index
      %swap3A_208 = arith.constant 96 : index
      %swap3A_209 = tpu.vector_load %arg8[%swap3A_207, %swap3A_208] {strides = array<i32>} : memref<208x128xf32, #tpu.memory_space<vmem>>, vector<1x16xf32>,
      %swap3A_210 = vector.shape_cast %swap3A_209 : vector<1x16xf32> to vector<16xf32>
      %swap3A_211 = vector.shape_cast %get3A_206 : vector<16xf32> to vector<1x16xf32>
      tpu.vector_store %arg8[%swap3A_207, %swap3A_208], %swap3A_211 {strides = array<i32>} : memref<208x128xf32, #tpu.memory_space<vmem>>, vector<1x16xf32>,
      %get3A_212 = arith.index_cast %add3A_184 : i32 to index
      %get3A_213 = arith.constant 48 : index
      %get3A_214 = tpu.vector_load %arg9[%get3A_212, %get3A_213] {strides = array<i32>} : memref<208x128xf32, #tpu.memory_space<vmem>>, vector<1x16xf32>,
      %get3A_215 = vector.shape_cast %get3A_214 : vector<1x16xf32> to vector<16xf32>
      %swap3A_216 = arith.index_cast %add3A_184 : i32 to index
      %swap3A_217 = arith.constant 112 : index
      %swap3A_218 = tpu.vector_load %arg8[%swap3A_216, %swap3A_217] {strides = array<i32>} : memref<208x128xf32, #tpu.memory_space<vmem>>, vector<1x16xf32>,
      %swap3A_219 = vector.shape_cast %swap3A_218 : vector<1x16xf32> to vector<16xf32>
      %swap3A_220 = vector.shape_cast %get3A_215 : vector<16xf32> to vector<1x16xf32>
      tpu.vector_store %arg8[%swap3A_216, %swap3A_217], %swap3A_220 {strides = array<i32>} : memref<208x128xf32, #tpu.memory_space<vmem>>, vector<1x16xf32>,
      %scan3A_221 = arith.constant 2 : i32
      %scan3A_222 = arith.addi %scan3A_140, %scan3A_221 : i32
      %mul3A_223 = arith.constant 1 : i32
      %mul3A_224 = arith.muli %scan3A_222, %mul3A_223 : i32
      %add3A_225 = arith.constant 0 : i32
      %add3A_226 = arith.addi %add3A_225, %mul3A_224 : i32
      %get3A_227 = arith.index_cast %add3A_226 : i32 to index
      %get3A_228 = arith.constant 0 : index
      %get3A_229 = tpu.vector_load %arg9[%get3A_227, %get3A_228] {strides = array<i32>} : memref<208x128xf32, #tpu.memory_space<vmem>>, vector<1x16xf32>,
      %get3A_230 = vector.shape_cast %get3A_229 : vector<1x16xf32> to vector<16xf32>
      %swap3A_231 = arith.index_cast %add3A_226 : i32 to index
      %swap3A_232 = arith.constant 64 : index
      %swap3A_233 = tpu.vector_load %arg8[%swap3A_231, %swap3A_232] {strides = array<i32>} : memref<208x128xf32, #tpu.memory_space<vmem>>, vector<1x16xf32>,
      %swap3A_234 = vector.shape_cast %swap3A_233 : vector<1x16xf32> to vector<16xf32>
      %swap3A_235 = vector.shape_cast %get3A_230 : vector<16xf32> to vector<1x16xf32>
      tpu.vector_store %arg8[%swap3A_231, %swap3A_232], %swap3A_235 {strides = array<i32>} : memref<208x128xf32, #tpu.memory_space<vmem>>, vector<1x16xf32>,
      %get3A_236 = arith.index_cast %add3A_226 : i32 to index
      %get3A_237 = arith.constant 16 : index
      %get3A_238 = tpu.vector_load %arg9[%get3A_236, %get3A_237] {strides = array<i32>} : memref<208x128xf32, #tpu.memory_space<vmem>>, vector<1x16xf32>,
      %get3A_239 = vector.shape_cast %get3A_238 : vector<1x16xf32> to vector<16xf32>
      %swap3A_240 = arith.index_cast %add3A_226 : i32 to index
      %swap3A_241 = arith.constant 80 : index
      %swap3A_242 = tpu.vector_load %arg8[%swap3A_240, %swap3A_241] {strides = array<i32>} : memref<208x128xf32, #tpu.memory_space<vmem>>, vector<1x16xf32>,
      %swap3A_243 = vector.shape_cast %swap3A_242 : vector<1x16xf32> to vector<16xf32>
      %swap3A_244 = vector.shape_cast %get3A_239 : vector<16xf32> to vector<1x16xf32>
      tpu.vector_store %arg8[%swap3A_240, %swap3A_241], %swap3A_244 {strides = array<i32>} : memref<208x128xf32, #tpu.memory_space<vmem>>, vector<1x16xf32>,
      %get3A_245 = arith.index_cast %add3A_226 : i32 to index
      %get3A_246 = arith.constant 32 : index
      %get3A_247 = tpu.vector_load %arg9[%get3A_245, %get3A_246] {strides = array<i32>} : memref<208x128xf32, #tpu.memory_space<vmem>>, vector<1x16xf32>,
      %get3A_248 = vector.shape_cast %get3A_247 : vector<1x16xf32> to vector<16xf32>
      %swap3A_249 = arith.index_cast %add3A_226 : i32 to index
      %swap3A_250 = arith.constant 96 : index
      %swap3A_251 = tpu.vector_load %arg8[%swap3A_249, %swap3A_250] {strides = array<i32>} : memref<208x128xf32, #tpu.memory_space<vmem>>, vector<1x16xf32>,
      %swap3A_252 = vector.shape_cast %swap3A_251 : vector<1x16xf32> to vector<16xf32>
      %swap3A_253 = vector.shape_cast %get3A_248 : vector<16xf32> to vector<1x16xf32>
      tpu.vector_store %arg8[%swap3A_249, %swap3A_250], %swap3A_253 {strides = array<i32>} : memref<208x128xf32, #tpu.memory_space<vmem>>, vector<1x16xf32>,
      %get3A_254 = arith.index_cast %add3A_226 : i32 to index
      %get3A_255 = arith.constant 48 : index
      %get3A_256 = tpu.vector_load %arg9[%get3A_254, %get3A_255] {strides = array<i32>} : memref<208x128xf32, #tpu.memory_space<vmem>>, vector<1x16xf32>,
      %get3A_257 = vector.shape_cast %get3A_256 : vector<1x16xf32> to vector<16xf32>
      %swap3A_258 = arith.index_cast %add3A_226 : i32 to index
      %swap3A_259 = arith.constant 112 : index
      %swap3A_260 = tpu.vector_load %arg8[%swap3A_258, %swap3A_259] {strides = array<i32>} : memref<208x128xf32, #tpu.memory_space<vmem>>, vector<1x16xf32>,
      %swap3A_261 = vector.shape_cast %swap3A_260 : vector<1x16xf32> to vector<16xf32>
      %swap3A_262 = vector.shape_cast %get3A_257 : vector<16xf32> to vector<1x16xf32>
      tpu.vector_store %arg8[%swap3A_258, %swap3A_259], %swap3A_262 {strides = array<i32>} : memref<208x128xf32, #tpu.memory_space<vmem>>, vector<1x16xf32>,
      %scan3A_263 = arith.constant 3 : i32
      %scan3A_264 = arith.addi %scan3A_140, %scan3A_263 : i32
      %mul3A_265 = arith.constant 1 : i32
      %mul3A_266 = arith.muli %scan3A_264, %mul3A_265 : i32
      %add3A_267 = arith.constant 0 : i32
      %add3A_268 = arith.addi %add3A_267, %mul3A_266 : i32
      %get3A_269 = arith.index_cast %add3A_268 : i32 to index
      %get3A_270 = arith.constant 0 : index
      %get3A_271 = tpu.vector_load %arg9[%get3A_269, %get3A_270] {strides = array<i32>} : memref<208x128xf32, #tpu.memory_space<vmem>>, vector<1x16xf32>,
      %get3A_272 = vector.shape_cast %get3A_271 : vector<1x16xf32> to vector<16xf32>
      %swap3A_273 = arith.index_cast %add3A_268 : i32 to index
      %swap3A_274 = arith.constant 64 : index
      %swap3A_275 = tpu.vector_load %arg8[%swap3A_273, %swap3A_274] {strides = array<i32>} : memref<208x128xf32, #tpu.memory_space<vmem>>, vector<1x16xf32>,
      %swap3A_276 = vector.shape_cast %swap3A_275 : vector<1x16xf32> to vector<16xf32>
      %swap3A_277 = vector.shape_cast %get3A_272 : vector<16xf32> to vector<1x16xf32>
      tpu.vector_store %arg8[%swap3A_273, %swap3A_274], %swap3A_277 {strides = array<i32>} : memref<208x128xf32, #tpu.memory_space<vmem>>, vector<1x16xf32>,
      %get3A_278 = arith.index_cast %add3A_268 : i32 to index
      %get3A_279 = arith.constant 16 : index
      %get3A_280 = tpu.vector_load %arg9[%get3A_278, %get3A_279] {strides = array<i32>} : memref<208x128xf32, #tpu.memory_space<vmem>>, vector<1x16xf32>,
      %get3A_281 = vector.shape_cast %get3A_280 : vector<1x16xf32> to vector<16xf32>
      %swap3A_282 = arith.index_cast %add3A_268 : i32 to index
      %swap3A_283 = arith.constant 80 : index
      %swap3A_284 = tpu.vector_load %arg8[%swap3A_282, %swap3A_283] {strides = array<i32>} : memref<208x128xf32, #tpu.memory_space<vmem>>, vector<1x16xf32>,
      %swap3A_285 = vector.shape_cast %swap3A_284 : vector<1x16xf32> to vector<16xf32>
      %swap3A_286 = vector.shape_cast %get3A_281 : vector<16xf32> to vector<1x16xf32>
      tpu.vector_store %arg8[%swap3A_282, %swap3A_283], %swap3A_286 {strides = array<i32>} : memref<208x128xf32, #tpu.memory_space<vmem>>, vector<1x16xf32>,
      %get3A_287 = arith.index_cast %add3A_268 : i32 to index
      %get3A_288 = arith.constant 32 : index
      %get3A_289 = tpu.vector_load %arg9[%get3A_287, %get3A_288] {strides = array<i32>} : memref<208x128xf32, #tpu.memory_space<vmem>>, vector<1x16xf32>,
      %get3A_290 = vector.shape_cast %get3A_289 : vector<1x16xf32> to vector<16xf32>
      %swap3A_291 = arith.index_cast %add3A_268 : i32 to index
      %swap3A_292 = arith.constant 96 : index
      %swap3A_293 = tpu.vector_load %arg8[%swap3A_291, %swap3A_292] {strides = array<i32>} : memref<208x128xf32, #tpu.memory_space<vmem>>, vector<1x16xf32>,
      %swap3A_294 = vector.shape_cast %swap3A_293 : vector<1x16xf32> to vector<16xf32>
      %swap3A_295 = vector.shape_cast %get3A_290 : vector<16xf32> to vector<1x16xf32>
      tpu.vector_store %arg8[%swap3A_291, %swap3A_292], %swap3A_295 {strides = array<i32>} : memref<208x128xf32, #tpu.memory_space<vmem>>, vector<1x16xf32>,
      %get3A_296 = arith.index_cast %add3A_268 : i32 to index
      %get3A_297 = arith.constant 48 : index
      %get3A_298 = tpu.vector_load %arg9[%get3A_296, %get3A_297] {strides = array<i32>} : memref<208x128xf32, #tpu.memory_space<vmem>>, vector<1x16xf32>,
      %get3A_299 = vector.shape_cast %get3A_298 : vector<1x16xf32> to vector<16xf32>
      %swap3A_300 = arith.index_cast %add3A_268 : i32 to index
      %swap3A_301 = arith.constant 112 : index
      %swap3A_302 = tpu.vector_load %arg8[%swap3A_300, %swap3A_301] {strides = array<i32>} : memref<208x128xf32, #tpu.memory_space<vmem>>, vector<1x16xf32>,
      %swap3A_303 = vector.shape_cast %swap3A_302 : vector<1x16xf32> to vector<16xf32>
      %swap3A_304 = vector.shape_cast %get3A_299 : vector<16xf32> to vector<1x16xf32>
      tpu.vector_store %arg8[%swap3A_300, %swap3A_301], %swap3A_304 {strides = array<i32>} : memref<208x128xf32, #tpu.memory_space<vmem>>, vector<1x16xf32>,
      %scan3A_305 = arith.constant 4 : i32
      %scan3A_306 = arith.addi %scan3A_140, %scan3A_305 : i32
      %mul3A_307 = arith.constant 1 : i32
      %mul3A_308 = arith.muli %scan3A_306, %mul3A_307 : i32
      %add3A_309 = arith.constant 0 : i32
      %add3A_310 = arith.addi %add3A_309, %mul3A_308 : i32
      %get3A_311 = arith.index_cast %add3A_310 : i32 to index
      %get3A_312 = arith.constant 0 : index
      %get3A_313 = tpu.vector_load %arg9[%get3A_311, %get3A_312] {strides = array<i32>} : memref<208x128xf32, #tpu.memory_space<vmem>>, vector<1x16xf32>,
      %get3A_314 = vector.shape_cast %get3A_313 : vector<1x16xf32> to vector<16xf32>
      %swap3A_315 = arith.index_cast %add3A_310 : i32 to index
      %swap3A_316 = arith.constant 64 : index
      %swap3A_317 = tpu.vector_load %arg8[%swap3A_315, %swap3A_316] {strides = array<i32>} : memref<208x128xf32, #tpu.memory_space<vmem>>, vector<1x16xf32>,
      %swap3A_318 = vector.shape_cast %swap3A_317 : vector<1x16xf32> to vector<16xf32>
      %swap3A_319 = vector.shape_cast %get3A_314 : vector<16xf32> to vector<1x16xf32>
      tpu.vector_store %arg8[%swap3A_315, %swap3A_316], %swap3A_319 {strides = array<i32>} : memref<208x128xf32, #tpu.memory_space<vmem>>, vector<1x16xf32>,
      %get3A_320 = arith.index_cast %add3A_310 : i32 to index
      %get3A_321 = arith.constant 16 : index
      %get3A_322 = tpu.vector_load %arg9[%get3A_320, %get3A_321] {strides = array<i32>} : memref<208x128xf32, #tpu.memory_space<vmem>>, vector<1x16xf32>,
      %get3A_323 = vector.shape_cast %get3A_322 : vector<1x16xf32> to vector<16xf32>
      %swap3A_324 = arith.index_cast %add3A_310 : i32 to index
      %swap3A_325 = arith.constant 80 : index
      %swap3A_326 = tpu.vector_load %arg8[%swap3A_324, %swap3A_325] {strides = array<i32>} : memref<208x128xf32, #tpu.memory_space<vmem>>, vector<1x16xf32>,
      %swap3A_327 = vector.shape_cast %swap3A_326 : vector<1x16xf32> to vector<16xf32>
      %swap3A_328 = vector.shape_cast %get3A_323 : vector<16xf32> to vector<1x16xf32>
      tpu.vector_store %arg8[%swap3A_324, %swap3A_325], %swap3A_328 {strides = array<i32>} : memref<208x128xf32, #tpu.memory_space<vmem>>, vector<1x16xf32>,
      %get3A_329 = arith.index_cast %add3A_310 : i32 to index
      %get3A_330 = arith.constant 32 : index
      %get3A_331 = tpu.vector_load %arg9[%get3A_329, %get3A_330] {strides = array<i32>} : memref<208x128xf32, #tpu.memory_space<vmem>>, vector<1x16xf32>,
      %get3A_332 = vector.shape_cast %get3A_331 : vector<1x16xf32> to vector<16xf32>
      %swap3A_333 = arith.index_cast %add3A_310 : i32 to index
      %swap3A_334 = arith.constant 96 : index
      %swap3A_335 = tpu.vector_load %arg8[%swap3A_333, %swap3A_334] {strides = array<i32>} : memref<208x128xf32, #tpu.memory_space<vmem>>, vector<1x16xf32>,
      %swap3A_336 = vector.shape_cast %swap3A_335 : vector<1x16xf32> to vector<16xf32>
      %swap3A_337 = vector.shape_cast %get3A_332 : vector<16xf32> to vector<1x16xf32>
      tpu.vector_store %arg8[%swap3A_333, %swap3A_334], %swap3A_337 {strides = array<i32>} : memref<208x128xf32, #tpu.memory_space<vmem>>, vector<1x16xf32>,
      %get3A_338 = arith.index_cast %add3A_310 : i32 to index
      %get3A_339 = arith.constant 48 : index
      %get3A_340 = tpu.vector_load %arg9[%get3A_338, %get3A_339] {strides = array<i32>} : memref<208x128xf32, #tpu.memory_space<vmem>>, vector<1x16xf32>,
      %get3A_341 = vector.shape_cast %get3A_340 : vector<1x16xf32> to vector<16xf32>
      %swap3A_342 = arith.index_cast %add3A_310 : i32 to index
      %swap3A_343 = arith.constant 112 : index
      %swap3A_344 = tpu.vector_load %arg8[%swap3A_342, %swap3A_343] {strides = array<i32>} : memref<208x128xf32, #tpu.memory_space<vmem>>, vector<1x16xf32>,
      %swap3A_345 = vector.shape_cast %swap3A_344 : vector<1x16xf32> to vector<16xf32>
      %swap3A_346 = vector.shape_cast %get3A_341 : vector<16xf32> to vector<1x16xf32>
      tpu.vector_store %arg8[%swap3A_342, %swap3A_343], %swap3A_346 {strides = array<i32>} : memref<208x128xf32, #tpu.memory_space<vmem>>, vector<1x16xf32>,
      %scan3A_347 = arith.constant 5 : i32
      %scan3A_348 = arith.addi %scan3A_140, %scan3A_347 : i32
      %mul3A_349 = arith.constant 1 : i32
      %mul3A_350 = arith.muli %scan3A_348, %mul3A_349 : i32
      %add3A_351 = arith.constant 0 : i32
      %add3A_352 = arith.addi %add3A_351, %mul3A_350 : i32
      %get3A_353 = arith.index_cast %add3A_352 : i32 to index
      %get3A_354 = arith.constant 0 : index
      %get3A_355 = tpu.vector_load %arg9[%get3A_353, %get3A_354] {strides = array<i32>} : memref<208x128xf32, #tpu.memory_space<vmem>>, vector<1x16xf32>,
      %get3A_356 = vector.shape_cast %get3A_355 : vector<1x16xf32> to vector<16xf32>
      %swap3A_357 = arith.index_cast %add3A_352 : i32 to index
      %swap3A_358 = arith.constant 64 : index
      %swap3A_359 = tpu.vector_load %arg8[%swap3A_357, %swap3A_358] {strides = array<i32>} : memref<208x128xf32, #tpu.memory_space<vmem>>, vector<1x16xf32>,
      %swap3A_360 = vector.shape_cast %swap3A_359 : vector<1x16xf32> to vector<16xf32>
      %swap3A_361 = vector.shape_cast %get3A_356 : vector<16xf32> to vector<1x16xf32>
      tpu.vector_store %arg8[%swap3A_357, %swap3A_358], %swap3A_361 {strides = array<i32>} : memref<208x128xf32, #tpu.memory_space<vmem>>, vector<1x16xf32>,
      %get3A_362 = arith.index_cast %add3A_352 : i32 to index
      %get3A_363 = arith.constant 16 : index
      %get3A_364 = tpu.vector_load %arg9[%get3A_362, %get3A_363] {strides = array<i32>} : memref<208x128xf32, #tpu.memory_space<vmem>>, vector<1x16xf32>,
      %get3A_365 = vector.shape_cast %get3A_364 : vector<1x16xf32> to vector<16xf32>
      %swap3A_366 = arith.index_cast %add3A_352 : i32 to index
      %swap3A_367 = arith.constant 80 : index
      %swap3A_368 = tpu.vector_load %arg8[%swap3A_366, %swap3A_367] {strides = array<i32>} : memref<208x128xf32, #tpu.memory_space<vmem>>, vector<1x16xf32>,
      %swap3A_369 = vector.shape_cast %swap3A_368 : vector<1x16xf32> to vector<16xf32>
      %swap3A_370 = vector.shape_cast %get3A_365 : vector<16xf32> to vector<1x16xf32>
      tpu.vector_store %arg8[%swap3A_366, %swap3A_367], %swap3A_370 {strides = array<i32>} : memref<208x128xf32, #tpu.memory_space<vmem>>, vector<1x16xf32>,
      %get3A_371 = arith.index_cast %add3A_352 : i32 to index
      %get3A_372 = arith.constant 32 : index
      %get3A_373 = tpu.vector_load %arg9[%get3A_371, %get3A_372] {strides = array<i32>} : memref<208x128xf32, #tpu.memory_space<vmem>>, vector<1x16xf32>,
      %get3A_374 = vector.shape_cast %get3A_373 : vector<1x16xf32> to vector<16xf32>
      %swap3A_375 = arith.index_cast %add3A_352 : i32 to index
      %swap3A_376 = arith.constant 96 : index
      %swap3A_377 = tpu.vector_load %arg8[%swap3A_375, %swap3A_376] {strides = array<i32>} : memref<208x128xf32, #tpu.memory_space<vmem>>, vector<1x16xf32>,
      %swap3A_378 = vector.shape_cast %swap3A_377 : vector<1x16xf32> to vector<16xf32>
      %swap3A_379 = vector.shape_cast %get3A_374 : vector<16xf32> to vector<1x16xf32>
      tpu.vector_store %arg8[%swap3A_375, %swap3A_376], %swap3A_379 {strides = array<i32>} : memref<208x128xf32, #tpu.memory_space<vmem>>, vector<1x16xf32>,
      %get3A_380 = arith.index_cast %add3A_352 : i32 to index
      %get3A_381 = arith.constant 48 : index
      %get3A_382 = tpu.vector_load %arg9[%get3A_380, %get3A_381] {strides = array<i32>} : memref<208x128xf32, #tpu.memory_space<vmem>>, vector<1x16xf32>,
      %get3A_383 = vector.shape_cast %get3A_382 : vector<1x16xf32> to vector<16xf32>
      %swap3A_384 = arith.index_cast %add3A_352 : i32 to index
      %swap3A_385 = arith.constant 112 : index
      %swap3A_386 = tpu.vector_load %arg8[%swap3A_384, %swap3A_385] {strides = array<i32>} : memref<208x128xf32, #tpu.memory_space<vmem>>, vector<1x16xf32>,
      %swap3A_387 = vector.shape_cast %swap3A_386 : vector<1x16xf32> to vector<16xf32>
      %swap3A_388 = vector.shape_cast %get3A_383 : vector<16xf32> to vector<1x16xf32>
      tpu.vector_store %arg8[%swap3A_384, %swap3A_385], %swap3A_388 {strides = array<i32>} : memref<208x128xf32, #tpu.memory_space<vmem>>, vector<1x16xf32>,
      %scan3A_389 = arith.constant 6 : i32
      %scan3A_390 = arith.addi %scan3A_140, %scan3A_389 : i32
      %mul3A_391 = arith.constant 1 : i32
      %mul3A_392 = arith.muli %scan3A_390, %mul3A_391 : i32
      %add3A_393 = arith.constant 0 : i32
      %add3A_394 = arith.addi %add3A_393, %mul3A_392 : i32
      %get3A_395 = arith.index_cast %add3A_394 : i32 to index
      %get3A_396 = arith.constant 0 : index
      %get3A_397 = tpu.vector_load %arg9[%get3A_395, %get3A_396] {strides = array<i32>} : memref<208x128xf32, #tpu.memory_space<vmem>>, vector<1x16xf32>,
      %get3A_398 = vector.shape_cast %get3A_397 : vector<1x16xf32> to vector<16xf32>
      %swap3A_399 = arith.index_cast %add3A_394 : i32 to index
      %swap3A_400 = arith.constant 64 : index
      %swap3A_401 = tpu.vector_load %arg8[%swap3A_399, %swap3A_400] {strides = array<i32>} : memref<208x128xf32, #tpu.memory_space<vmem>>, vector<1x16xf32>,
      %swap3A_402 = vector.shape_cast %swap3A_401 : vector<1x16xf32> to vector<16xf32>
      %swap3A_403 = vector.shape_cast %get3A_398 : vector<16xf32> to vector<1x16xf32>
      tpu.vector_store %arg8[%swap3A_399, %swap3A_400], %swap3A_403 {strides = array<i32>} : memref<208x128xf32, #tpu.memory_space<vmem>>, vector<1x16xf32>,
      %get3A_404 = arith.index_cast %add3A_394 : i32 to index
      %get3A_405 = arith.constant 16 : index
      %get3A_406 = tpu.vector_load %arg9[%get3A_404, %get3A_405] {strides = array<i32>} : memref<208x128xf32, #tpu.memory_space<vmem>>, vector<1x16xf32>,
      %get3A_407 = vector.shape_cast %get3A_406 : vector<1x16xf32> to vector<16xf32>
      %swap3A_408 = arith.index_cast %add3A_394 : i32 to index
      %swap3A_409 = arith.constant 80 : index
      %swap3A_410 = tpu.vector_load %arg8[%swap3A_408, %swap3A_409] {strides = array<i32>} : memref<208x128xf32, #tpu.memory_space<vmem>>, vector<1x16xf32>,
      %swap3A_411 = vector.shape_cast %swap3A_410 : vector<1x16xf32> to vector<16xf32>
      %swap3A_412 = vector.shape_cast %get3A_407 : vector<16xf32> to vector<1x16xf32>
      tpu.vector_store %arg8[%swap3A_408, %swap3A_409], %swap3A_412 {strides = array<i32>} : memref<208x128xf32, #tpu.memory_space<vmem>>, vector<1x16xf32>,
      %get3A_413 = arith.index_cast %add3A_394 : i32 to index
      %get3A_414 = arith.constant 32 : index
      %get3A_415 = tpu.vector_load %arg9[%get3A_413, %get3A_414] {strides = array<i32>} : memref<208x128xf32, #tpu.memory_space<vmem>>, vector<1x16xf32>,
      %get3A_416 = vector.shape_cast %get3A_415 : vector<1x16xf32> to vector<16xf32>
      %swap3A_417 = arith.index_cast %add3A_394 : i32 to index
      %swap3A_418 = arith.constant 96 : index
      %swap3A_419 = tpu.vector_load %arg8[%swap3A_417, %swap3A_418] {strides = array<i32>} : memref<208x128xf32, #tpu.memory_space<vmem>>, vector<1x16xf32>,
      %swap3A_420 = vector.shape_cast %swap3A_419 : vector<1x16xf32> to vector<16xf32>
      %swap3A_421 = vector.shape_cast %get3A_416 : vector<16xf32> to vector<1x16xf32>
      tpu.vector_store %arg8[%swap3A_417, %swap3A_418], %swap3A_421 {strides = array<i32>} : memref<208x128xf32, #tpu.memory_space<vmem>>, vector<1x16xf32>,
      %get3A_422 = arith.index_cast %add3A_394 : i32 to index
      %get3A_423 = arith.constant 48 : index
      %get3A_424 = tpu.vector_load %arg9[%get3A_422, %get3A_423] {strides = array<i32>} : memref<208x128xf32, #tpu.memory_space<vmem>>, vector<1x16xf32>,
      %get3A_425 = vector.shape_cast %get3A_424 : vector<1x16xf32> to vector<16xf32>
      %swap3A_426 = arith.index_cast %add3A_394 : i32 to index
      %swap3A_427 = arith.constant 112 : index
      %swap3A_428 = tpu.vector_load %arg8[%swap3A_426, %swap3A_427] {strides = array<i32>} : memref<208x128xf32, #tpu.memory_space<vmem>>, vector<1x16xf32>,
      %swap3A_429 = vector.shape_cast %swap3A_428 : vector<1x16xf32> to vector<16xf32>
      %swap3A_430 = vector.shape_cast %get3A_425 : vector<16xf32> to vector<1x16xf32>
      tpu.vector_store %arg8[%swap3A_426, %swap3A_427], %swap3A_430 {strides = array<i32>} : memref<208x128xf32, #tpu.memory_space<vmem>>, vector<1x16xf32>,
      %scan3A_431 = arith.constant 7 : i32
      %scan3A_432 = arith.addi %scan3A_140, %scan3A_431 : i32
      %mul3A_433 = arith.constant 1 : i32
      %mul3A_434 = arith.muli %scan3A_432, %mul3A_433 : i32
      %add3A_435 = arith.constant 0 : i32
      %add3A_436 = arith.addi %add3A_435, %mul3A_434 : i32
      %get3A_437 = arith.index_cast %add3A_436 : i32 to index
      %get3A_438 = arith.constant 0 : index
      %get3A_439 = tpu.vector_load %arg9[%get3A_437, %get3A_438] {strides = array<i32>} : memref<208x128xf32, #tpu.memory_space<vmem>>, vector<1x16xf32>,
      %get3A_440 = vector.shape_cast %get3A_439 : vector<1x16xf32> to vector<16xf32>
      %swap3A_441 = arith.index_cast %add3A_436 : i32 to index
      %swap3A_442 = arith.constant 64 : index
      %swap3A_443 = tpu.vector_load %arg8[%swap3A_441, %swap3A_442] {strides = array<i32>} : memref<208x128xf32, #tpu.memory_space<vmem>>, vector<1x16xf32>,
      %swap3A_444 = vector.shape_cast %swap3A_443 : vector<1x16xf32> to vector<16xf32>
      %swap3A_445 = vector.shape_cast %get3A_440 : vector<16xf32> to vector<1x16xf32>
      tpu.vector_store %arg8[%swap3A_441, %swap3A_442], %swap3A_445 {strides = array<i32>} : memref<208x128xf32, #tpu.memory_space<vmem>>, vector<1x16xf32>,
      %get3A_446 = arith.index_cast %add3A_436 : i32 to index
      %get3A_447 = arith.constant 16 : index
      %get3A_448 = tpu.vector_load %arg9[%get3A_446, %get3A_447] {strides = array<i32>} : memref<208x128xf32, #tpu.memory_space<vmem>>, vector<1x16xf32>,
      %get3A_449 = vector.shape_cast %get3A_448 : vector<1x16xf32> to vector<16xf32>
      %swap3A_450 = arith.index_cast %add3A_436 : i32 to index
      %swap3A_451 = arith.constant 80 : index
      %swap3A_452 = tpu.vector_load %arg8[%swap3A_450, %swap3A_451] {strides = array<i32>} : memref<208x128xf32, #tpu.memory_space<vmem>>, vector<1x16xf32>,
      %swap3A_453 = vector.shape_cast %swap3A_452 : vector<1x16xf32> to vector<16xf32>
      %swap3A_454 = vector.shape_cast %get3A_449 : vector<16xf32> to vector<1x16xf32>
      tpu.vector_store %arg8[%swap3A_450, %swap3A_451], %swap3A_454 {strides = array<i32>} : memref<208x128xf32, #tpu.memory_space<vmem>>, vector<1x16xf32>,
      %get3A_455 = arith.index_cast %add3A_436 : i32 to index
      %get3A_456 = arith.constant 32 : index
      %get3A_457 = tpu.vector_load %arg9[%get3A_455, %get3A_456] {strides = array<i32>} : memref<208x128xf32, #tpu.memory_space<vmem>>, vector<1x16xf32>,
      %get3A_458 = vector.shape_cast %get3A_457 : vector<1x16xf32> to vector<16xf32>
      %swap3A_459 = arith.index_cast %add3A_436 : i32 to index
      %swap3A_460 = arith.constant 96 : index
      %swap3A_461 = tpu.vector_load %arg8[%swap3A_459, %swap3A_460] {strides = array<i32>} : memref<208x128xf32, #tpu.memory_space<vmem>>, vector<1x16xf32>,
      %swap3A_462 = vector.shape_cast %swap3A_461 : vector<1x16xf32> to vector<16xf32>
      %swap3A_463 = vector.shape_cast %get3A_458 : vector<16xf32> to vector<1x16xf32>
      tpu.vector_store %arg8[%swap3A_459, %swap3A_460], %swap3A_463 {strides = array<i32>} : memref<208x128xf32, #tpu.memory_space<vmem>>, vector<1x16xf32>,
      %get3A_464 = arith.index_cast %add3A_436 : i32 to index
      %get3A_465 = arith.constant 48 : index
      %get3A_466 = tpu.vector_load %arg9[%get3A_464, %get3A_465] {strides = array<i32>} : memref<208x128xf32, #tpu.memory_space<vmem>>, vector<1x16xf32>,
      %get3A_467 = vector.shape_cast %get3A_466 : vector<1x16xf32> to vector<16xf32>
      %swap3A_468 = arith.index_cast %add3A_436 : i32 to index
      %swap3A_469 = arith.constant 112 : index
      %swap3A_470 = tpu.vector_load %arg8[%swap3A_468, %swap3A_469] {strides = array<i32>} : memref<208x128xf32, #tpu.memory_space<vmem>>, vector<1x16xf32>,
      %swap3A_471 = vector.shape_cast %swap3A_470 : vector<1x16xf32> to vector<16xf32>
      %swap3A_472 = vector.shape_cast %get3A_467 : vector<16xf32> to vector<1x16xf32>
      tpu.vector_store %arg8[%swap3A_468, %swap3A_469], %swap3A_472 {strides = array<i32>} : memref<208x128xf32, #tpu.memory_space<vmem>>, vector<1x16xf32>,
    }
    %scan3A_104 = arith.constant 208 : i32
    %add3A_105 = arith.constant 416 : i32
    %add3A_106 = arith.addi %mul3A_2, %add3A_105 : i32
    %dma_start3A_107 = arith.constant 0 : i32
    %dma_start3A_108 = tpu.memref_slice %arg5[%add3A_106, %dma_start3A_107] : memref<26624x128xf32, #tpu.memory_space<hbm>> -> memref<208x128xf32, #tpu.memory_space<hbm>>
    %dma_start3A_109 = arith.constant 0 : i32
    %dma_start3A_110 = tpu.memref_slice %arg5[%add3A_106, %dma_start3A_109] : memref<26624x128xf32, #tpu.memory_space<hbm>> -> memref<208x128xf32, #tpu.memory_space<hbm>>
    tpu.enqueue_dma source(%arg8 : memref<208x128xf32, #tpu.memory_space<vmem>>) target(%dma_start3A_110 : memref<208x128xf32, #tpu.memory_space<hbm>>) target_semaphore(%arg14 : memref<!tpu.dma_semaphore, #tpu.memory_space<semaphore_mem>>)
    %dma_wait3A_111 = arith.constant 624 : i32
    %dma_wait3A_112 = tpu.memref_slice %arg6[%dma_wait3A_111] : memref<832xi32, #tpu.memory_space<vmem>> -> memref<208xi32, #tpu.memory_space<vmem>>
    %dma_wait3A_113 = arith.constant 0 : i32
    %dma_wait3A_114 = arith.constant 0 : i32
    %dma_wait3A_115 = tpu.memref_slice %arg2[%dma_wait3A_113, %dma_wait3A_114] : memref<26000x128xf32, #tpu.memory_space<hbm>> -> memref<26000x128xf32, #tpu.memory_space<hbm>>
    tpu.wait_indirect_dma semaphore(%arg13 : memref<!tpu.dma_semaphore, #tpu.memory_space<semaphore_mem>>) src(%dma_wait3A_115 : memref<26000x128xf32, #tpu.memory_space<hbm>>) dst(%arg10 : memref<208x128xf32, #tpu.memory_space<vmem>>)
    %dma_wait3A_116 = arith.constant 624 : i32
    %dma_wait3A_117 = tpu.memref_slice %arg7[%dma_wait3A_116] : memref<832xi32, #tpu.memory_space<vmem>> -> memref<208xi32, #tpu.memory_space<vmem>>
    %dma_wait3A_118 = arith.constant 0 : i32
    %dma_wait3A_119 = arith.constant 0 : i32
    %dma_wait3A_120 = tpu.memref_slice %arg2[%dma_wait3A_118, %dma_wait3A_119] : memref<26000x128xf32, #tpu.memory_space<hbm>> -> memref<26000x128xf32, #tpu.memory_space<hbm>>
    tpu.wait_indirect_dma semaphore(%arg13 : memref<!tpu.dma_semaphore, #tpu.memory_space<semaphore_mem>>) src(%dma_wait3A_120 : memref<26000x128xf32, #tpu.memory_space<hbm>>) dst(%arg11 : memref<208x128xf32, #tpu.memory_space<vmem>>)
    %scan3A_121 = arith.constant 0 : i32
    %scan3A_122 = arith.constant 208 : i32
    %scan3A_123 = arith.addi %scan3A_121, %scan3A_122 : i32
    %scan3A_124 = arith.constant 8 : i32
    scf.for %scan3A_140 = %scan3A_121 to %scan3A_123 step %scan3A_124  : i32 {
      %mul3A_141 = arith.constant 1 : i32
      %mul3A_142 = arith.muli %scan3A_140, %mul3A_141 : i32
      %add3A_143 = arith.constant 0 : i32
      %add3A_144 = arith.addi %add3A_143, %mul3A_142 : i32
      %get3A = arith.index_cast %add3A_144 : i32 to index
      %get3A_145 = arith.constant 0 : index
      %get3A_146 = tpu.vector_load %arg11[%get3A, %get3A_145] {strides = array<i32>} : memref<208x128xf32, #tpu.memory_space<vmem>>, vector<1x16xf32>,
      %get3A_147 = vector.shape_cast %get3A_146 : vector<1x16xf32> to vector<16xf32>
      %swap3A = arith.index_cast %add3A_144 : i32 to index
      %swap3A_148 = arith.constant 64 : index
      %swap3A_149 = tpu.vector_load %arg10[%swap3A, %swap3A_148] {strides = array<i32>} : memref<208x128xf32, #tpu.memory_space<vmem>>, vector<1x16xf32>,
      %swap3A_150 = vector.shape_cast %swap3A_149 : vector<1x16xf32> to vector<16xf32>
      %swap3A_151 = vector.shape_cast %get3A_147 : vector<16xf32> to vector<1x16xf32>
      tpu.vector_store %arg10[%swap3A, %swap3A_148], %swap3A_151 {strides = array<i32>} : memref<208x128xf32, #tpu.memory_space<vmem>>, vector<1x16xf32>,
      %get3A_152 = arith.index_cast %add3A_144 : i32 to index
      %get3A_153 = arith.constant 16 : index
      %get3A_154 = tpu.vector_load %arg11[%get3A_152, %get3A_153] {strides = array<i32>} : memref<208x128xf32, #tpu.memory_space<vmem>>, vector<1x16xf32>,
      %get3A_155 = vector.shape_cast %get3A_154 : vector<1x16xf32> to vector<16xf32>
      %swap3A_156 = arith.index_cast %add3A_144 : i32 to index
      %swap3A_157 = arith.constant 80 : index
      %swap3A_158 = tpu.vector_load %arg10[%swap3A_156, %swap3A_157] {strides = array<i32>} : memref<208x128xf32, #tpu.memory_space<vmem>>, vector<1x16xf32>,
      %swap3A_159 = vector.shape_cast %swap3A_158 : vector<1x16xf32> to vector<16xf32>
      %swap3A_160 = vector.shape_cast %get3A_155 : vector<16xf32> to vector<1x16xf32>
      tpu.vector_store %arg10[%swap3A_156, %swap3A_157], %swap3A_160 {strides = array<i32>} : memref<208x128xf32, #tpu.memory_space<vmem>>, vector<1x16xf32>,
      %get3A_161 = arith.index_cast %add3A_144 : i32 to index
      %get3A_162 = arith.constant 32 : index
      %get3A_163 = tpu.vector_load %arg11[%get3A_161, %get3A_162] {strides = array<i32>} : memref<208x128xf32, #tpu.memory_space<vmem>>, vector<1x16xf32>,
      %get3A_164 = vector.shape_cast %get3A_163 : vector<1x16xf32> to vector<16xf32>
      %swap3A_165 = arith.index_cast %add3A_144 : i32 to index
      %swap3A_166 = arith.constant 96 : index
      %swap3A_167 = tpu.vector_load %arg10[%swap3A_165, %swap3A_166] {strides = array<i32>} : memref<208x128xf32, #tpu.memory_space<vmem>>, vector<1x16xf32>,
      %swap3A_168 = vector.shape_cast %swap3A_167 : vector<1x16xf32> to vector<16xf32>
      %swap3A_169 = vector.shape_cast %get3A_164 : vector<16xf32> to vector<1x16xf32>
      tpu.vector_store %arg10[%swap3A_165, %swap3A_166], %swap3A_169 {strides = array<i32>} : memref<208x128xf32, #tpu.memory_space<vmem>>, vector<1x16xf32>,
      %get3A_170 = arith.index_cast %add3A_144 : i32 to index
      %get3A_171 = arith.constant 48 : index
      %get3A_172 = tpu.vector_load %arg11[%get3A_170, %get3A_171] {strides = array<i32>} : memref<208x128xf32, #tpu.memory_space<vmem>>, vector<1x16xf32>,
      %get3A_173 = vector.shape_cast %get3A_172 : vector<1x16xf32> to vector<16xf32>
      %swap3A_174 = arith.index_cast %add3A_144 : i32 to index
      %swap3A_175 = arith.constant 112 : index
      %swap3A_176 = tpu.vector_load %arg10[%swap3A_174, %swap3A_175] {strides = array<i32>} : memref<208x128xf32, #tpu.memory_space<vmem>>, vector<1x16xf32>,
      %swap3A_177 = vector.shape_cast %swap3A_176 : vector<1x16xf32> to vector<16xf32>
      %swap3A_178 = vector.shape_cast %get3A_173 : vector<16xf32> to vector<1x16xf32>
      tpu.vector_store %arg10[%swap3A_174, %swap3A_175], %swap3A_178 {strides = array<i32>} : memref<208x128xf32, #tpu.memory_space<vmem>>, vector<1x16xf32>,
      %scan3A_179 = arith.constant 1 : i32
      %scan3A_180 = arith.addi %scan3A_140, %scan3A_179 : i32
      %mul3A_181 = arith.constant 1 : i32
      %mul3A_182 = arith.muli %scan3A_180, %mul3A_181 : i32
      %add3A_183 = arith.constant 0 : i32
      %add3A_184 = arith.addi %add3A_183, %mul3A_182 : i32
      %get3A_185 = arith.index_cast %add3A_184 : i32 to index
      %get3A_186 = arith.constant 0 : index
      %get3A_187 = tpu.vector_load %arg11[%get3A_185, %get3A_186] {strides = array<i32>} : memref<208x128xf32, #tpu.memory_space<vmem>>, vector<1x16xf32>,
      %get3A_188 = vector.shape_cast %get3A_187 : vector<1x16xf32> to vector<16xf32>
      %swap3A_189 = arith.index_cast %add3A_184 : i32 to index
      %swap3A_190 = arith.constant 64 : index
      %swap3A_191 = tpu.vector_load %arg10[%swap3A_189, %swap3A_190] {strides = array<i32>} : memref<208x128xf32, #tpu.memory_space<vmem>>, vector<1x16xf32>,
      %swap3A_192 = vector.shape_cast %swap3A_191 : vector<1x16xf32> to vector<16xf32>
      %swap3A_193 = vector.shape_cast %get3A_188 : vector<16xf32> to vector<1x16xf32>
      tpu.vector_store %arg10[%swap3A_189, %swap3A_190], %swap3A_193 {strides = array<i32>} : memref<208x128xf32, #tpu.memory_space<vmem>>, vector<1x16xf32>,
      %get3A_194 = arith.index_cast %add3A_184 : i32 to index
      %get3A_195 = arith.constant 16 : index
      %get3A_196 = tpu.vector_load %arg11[%get3A_194, %get3A_195] {strides = array<i32>} : memref<208x128xf32, #tpu.memory_space<vmem>>, vector<1x16xf32>,
      %get3A_197 = vector.shape_cast %get3A_196 : vector<1x16xf32> to vector<16xf32>
      %swap3A_198 = arith.index_cast %add3A_184 : i32 to index
      %swap3A_199 = arith.constant 80 : index
      %swap3A_200 = tpu.vector_load %arg10[%swap3A_198, %swap3A_199] {strides = array<i32>} : memref<208x128xf32, #tpu.memory_space<vmem>>, vector<1x16xf32>,
      %swap3A_201 = vector.shape_cast %swap3A_200 : vector<1x16xf32> to vector<16xf32>
      %swap3A_202 = vector.shape_cast %get3A_197 : vector<16xf32> to vector<1x16xf32>
      tpu.vector_store %arg10[%swap3A_198, %swap3A_199], %swap3A_202 {strides = array<i32>} : memref<208x128xf32, #tpu.memory_space<vmem>>, vector<1x16xf32>,
      %get3A_203 = arith.index_cast %add3A_184 : i32 to index
      %get3A_204 = arith.constant 32 : index
      %get3A_205 = tpu.vector_load %arg11[%get3A_203, %get3A_204] {strides = array<i32>} : memref<208x128xf32, #tpu.memory_space<vmem>>, vector<1x16xf32>,
      %get3A_206 = vector.shape_cast %get3A_205 : vector<1x16xf32> to vector<16xf32>
      %swap3A_207 = arith.index_cast %add3A_184 : i32 to index
      %swap3A_208 = arith.constant 96 : index
      %swap3A_209 = tpu.vector_load %arg10[%swap3A_207, %swap3A_208] {strides = array<i32>} : memref<208x128xf32, #tpu.memory_space<vmem>>, vector<1x16xf32>,
      %swap3A_210 = vector.shape_cast %swap3A_209 : vector<1x16xf32> to vector<16xf32>
      %swap3A_211 = vector.shape_cast %get3A_206 : vector<16xf32> to vector<1x16xf32>
      tpu.vector_store %arg10[%swap3A_207, %swap3A_208], %swap3A_211 {strides = array<i32>} : memref<208x128xf32, #tpu.memory_space<vmem>>, vector<1x16xf32>,
      %get3A_212 = arith.index_cast %add3A_184 : i32 to index
      %get3A_213 = arith.constant 48 : index
      %get3A_214 = tpu.vector_load %arg11[%get3A_212, %get3A_213] {strides = array<i32>} : memref<208x128xf32, #tpu.memory_space<vmem>>, vector<1x16xf32>,
      %get3A_215 = vector.shape_cast %get3A_214 : vector<1x16xf32> to vector<16xf32>
      %swap3A_216 = arith.index_cast %add3A_184 : i32 to index
      %swap3A_217 = arith.constant 112 : index
      %swap3A_218 = tpu.vector_load %arg10[%swap3A_216, %swap3A_217] {strides = array<i32>} : memref<208x128xf32, #tpu.memory_space<vmem>>, vector<1x16xf32>,
      %swap3A_219 = vector.shape_cast %swap3A_218 : vector<1x16xf32> to vector<16xf32>
      %swap3A_220 = vector.shape_cast %get3A_215 : vector<16xf32> to vector<1x16xf32>
      tpu.vector_store %arg10[%swap3A_216, %swap3A_217], %swap3A_220 {strides = array<i32>} : memref<208x128xf32, #tpu.memory_space<vmem>>, vector<1x16xf32>,
      %scan3A_221 = arith.constant 2 : i32
      %scan3A_222 = arith.addi %scan3A_140, %scan3A_221 : i32
      %mul3A_223 = arith.constant 1 : i32
      %mul3A_224 = arith.muli %scan3A_222, %mul3A_223 : i32
      %add3A_225 = arith.constant 0 : i32
      %add3A_226 = arith.addi %add3A_225, %mul3A_224 : i32
      %get3A_227 = arith.index_cast %add3A_226 : i32 to index
      %get3A_228 = arith.constant 0 : index
      %get3A_229 = tpu.vector_load %arg11[%get3A_227, %get3A_228] {strides = array<i32>} : memref<208x128xf32, #tpu.memory_space<vmem>>, vector<1x16xf32>,
      %get3A_230 = vector.shape_cast %get3A_229 : vector<1x16xf32> to vector<16xf32>
      %swap3A_231 = arith.index_cast %add3A_226 : i32 to index
      %swap3A_232 = arith.constant 64 : index
      %swap3A_233 = tpu.vector_load %arg10[%swap3A_231, %swap3A_232] {strides = array<i32>} : memref<208x128xf32, #tpu.memory_space<vmem>>, vector<1x16xf32>,
      %swap3A_234 = vector.shape_cast %swap3A_233 : vector<1x16xf32> to vector<16xf32>
      %swap3A_235 = vector.shape_cast %get3A_230 : vector<16xf32> to vector<1x16xf32>
      tpu.vector_store %arg10[%swap3A_231, %swap3A_232], %swap3A_235 {strides = array<i32>} : memref<208x128xf32, #tpu.memory_space<vmem>>, vector<1x16xf32>,
      %get3A_236 = arith.index_cast %add3A_226 : i32 to index
      %get3A_237 = arith.constant 16 : index
      %get3A_238 = tpu.vector_load %arg11[%get3A_236, %get3A_237] {strides = array<i32>} : memref<208x128xf32, #tpu.memory_space<vmem>>, vector<1x16xf32>,
      %get3A_239 = vector.shape_cast %get3A_238 : vector<1x16xf32> to vector<16xf32>
      %swap3A_240 = arith.index_cast %add3A_226 : i32 to index
      %swap3A_241 = arith.constant 80 : index
      %swap3A_242 = tpu.vector_load %arg10[%swap3A_240, %swap3A_241] {strides = array<i32>} : memref<208x128xf32, #tpu.memory_space<vmem>>, vector<1x16xf32>,
      %swap3A_243 = vector.shape_cast %swap3A_242 : vector<1x16xf32> to vector<16xf32>
      %swap3A_244 = vector.shape_cast %get3A_239 : vector<16xf32> to vector<1x16xf32>
      tpu.vector_store %arg10[%swap3A_240, %swap3A_241], %swap3A_244 {strides = array<i32>} : memref<208x128xf32, #tpu.memory_space<vmem>>, vector<1x16xf32>,
      %get3A_245 = arith.index_cast %add3A_226 : i32 to index
      %get3A_246 = arith.constant 32 : index
      %get3A_247 = tpu.vector_load %arg11[%get3A_245, %get3A_246] {strides = array<i32>} : memref<208x128xf32, #tpu.memory_space<vmem>>, vector<1x16xf32>,
      %get3A_248 = vector.shape_cast %get3A_247 : vector<1x16xf32> to vector<16xf32>
      %swap3A_249 = arith.index_cast %add3A_226 : i32 to index
      %swap3A_250 = arith.constant 96 : index
      %swap3A_251 = tpu.vector_load %arg10[%swap3A_249, %swap3A_250] {strides = array<i32>} : memref<208x128xf32, #tpu.memory_space<vmem>>, vector<1x16xf32>,
      %swap3A_252 = vector.shape_cast %swap3A_251 : vector<1x16xf32> to vector<16xf32>
      %swap3A_253 = vector.shape_cast %get3A_248 : vector<16xf32> to vector<1x16xf32>
      tpu.vector_store %arg10[%swap3A_249, %swap3A_250], %swap3A_253 {strides = array<i32>} : memref<208x128xf32, #tpu.memory_space<vmem>>, vector<1x16xf32>,
      %get3A_254 = arith.index_cast %add3A_226 : i32 to index
      %get3A_255 = arith.constant 48 : index
      %get3A_256 = tpu.vector_load %arg11[%get3A_254, %get3A_255] {strides = array<i32>} : memref<208x128xf32, #tpu.memory_space<vmem>>, vector<1x16xf32>,
      %get3A_257 = vector.shape_cast %get3A_256 : vector<1x16xf32> to vector<16xf32>
      %swap3A_258 = arith.index_cast %add3A_226 : i32 to index
      %swap3A_259 = arith.constant 112 : index
      %swap3A_260 = tpu.vector_load %arg10[%swap3A_258, %swap3A_259] {strides = array<i32>} : memref<208x128xf32, #tpu.memory_space<vmem>>, vector<1x16xf32>,
      %swap3A_261 = vector.shape_cast %swap3A_260 : vector<1x16xf32> to vector<16xf32>
      %swap3A_262 = vector.shape_cast %get3A_257 : vector<16xf32> to vector<1x16xf32>
      tpu.vector_store %arg10[%swap3A_258, %swap3A_259], %swap3A_262 {strides = array<i32>} : memref<208x128xf32, #tpu.memory_space<vmem>>, vector<1x16xf32>,
      %scan3A_263 = arith.constant 3 : i32
      %scan3A_264 = arith.addi %scan3A_140, %scan3A_263 : i32
      %mul3A_265 = arith.constant 1 : i32
      %mul3A_266 = arith.muli %scan3A_264, %mul3A_265 : i32
      %add3A_267 = arith.constant 0 : i32
      %add3A_268 = arith.addi %add3A_267, %mul3A_266 : i32
      %get3A_269 = arith.index_cast %add3A_268 : i32 to index
      %get3A_270 = arith.constant 0 : index
      %get3A_271 = tpu.vector_load %arg11[%get3A_269, %get3A_270] {strides = array<i32>} : memref<208x128xf32, #tpu.memory_space<vmem>>, vector<1x16xf32>,
      %get3A_272 = vector.shape_cast %get3A_271 : vector<1x16xf32> to vector<16xf32>
      %swap3A_273 = arith.index_cast %add3A_268 : i32 to index
      %swap3A_274 = arith.constant 64 : index
      %swap3A_275 = tpu.vector_load %arg10[%swap3A_273, %swap3A_274] {strides = array<i32>} : memref<208x128xf32, #tpu.memory_space<vmem>>, vector<1x16xf32>,
      %swap3A_276 = vector.shape_cast %swap3A_275 : vector<1x16xf32> to vector<16xf32>
      %swap3A_277 = vector.shape_cast %get3A_272 : vector<16xf32> to vector<1x16xf32>
      tpu.vector_store %arg10[%swap3A_273, %swap3A_274], %swap3A_277 {strides = array<i32>} : memref<208x128xf32, #tpu.memory_space<vmem>>, vector<1x16xf32>,
      %get3A_278 = arith.index_cast %add3A_268 : i32 to index
      %get3A_279 = arith.constant 16 : index
      %get3A_280 = tpu.vector_load %arg11[%get3A_278, %get3A_279] {strides = array<i32>} : memref<208x128xf32, #tpu.memory_space<vmem>>, vector<1x16xf32>,
      %get3A_281 = vector.shape_cast %get3A_280 : vector<1x16xf32> to vector<16xf32>
      %swap3A_282 = arith.index_cast %add3A_268 : i32 to index
      %swap3A_283 = arith.constant 80 : index
      %swap3A_284 = tpu.vector_load %arg10[%swap3A_282, %swap3A_283] {strides = array<i32>} : memref<208x128xf32, #tpu.memory_space<vmem>>, vector<1x16xf32>,
      %swap3A_285 = vector.shape_cast %swap3A_284 : vector<1x16xf32> to vector<16xf32>
      %swap3A_286 = vector.shape_cast %get3A_281 : vector<16xf32> to vector<1x16xf32>
      tpu.vector_store %arg10[%swap3A_282, %swap3A_283], %swap3A_286 {strides = array<i32>} : memref<208x128xf32, #tpu.memory_space<vmem>>, vector<1x16xf32>,
      %get3A_287 = arith.index_cast %add3A_268 : i32 to index
      %get3A_288 = arith.constant 32 : index
      %get3A_289 = tpu.vector_load %arg11[%get3A_287, %get3A_288] {strides = array<i32>} : memref<208x128xf32, #tpu.memory_space<vmem>>, vector<1x16xf32>,
      %get3A_290 = vector.shape_cast %get3A_289 : vector<1x16xf32> to vector<16xf32>
      %swap3A_291 = arith.index_cast %add3A_268 : i32 to index
      %swap3A_292 = arith.constant 96 : index
      %swap3A_293 = tpu.vector_load %arg10[%swap3A_291, %swap3A_292] {strides = array<i32>} : memref<208x128xf32, #tpu.memory_space<vmem>>, vector<1x16xf32>,
      %swap3A_294 = vector.shape_cast %swap3A_293 : vector<1x16xf32> to vector<16xf32>
      %swap3A_295 = vector.shape_cast %get3A_290 : vector<16xf32> to vector<1x16xf32>
      tpu.vector_store %arg10[%swap3A_291, %swap3A_292], %swap3A_295 {strides = array<i32>} : memref<208x128xf32, #tpu.memory_space<vmem>>, vector<1x16xf32>,
      %get3A_296 = arith.index_cast %add3A_268 : i32 to index
      %get3A_297 = arith.constant 48 : index
      %get3A_298 = tpu.vector_load %arg11[%get3A_296, %get3A_297] {strides = array<i32>} : memref<208x128xf32, #tpu.memory_space<vmem>>, vector<1x16xf32>,
      %get3A_299 = vector.shape_cast %get3A_298 : vector<1x16xf32> to vector<16xf32>
      %swap3A_300 = arith.index_cast %add3A_268 : i32 to index
      %swap3A_301 = arith.constant 112 : index
      %swap3A_302 = tpu.vector_load %arg10[%swap3A_300, %swap3A_301] {strides = array<i32>} : memref<208x128xf32, #tpu.memory_space<vmem>>, vector<1x16xf32>,
      %swap3A_303 = vector.shape_cast %swap3A_302 : vector<1x16xf32> to vector<16xf32>
      %swap3A_304 = vector.shape_cast %get3A_299 : vector<16xf32> to vector<1x16xf32>
      tpu.vector_store %arg10[%swap3A_300, %swap3A_301], %swap3A_304 {strides = array<i32>} : memref<208x128xf32, #tpu.memory_space<vmem>>, vector<1x16xf32>,
      %scan3A_305 = arith.constant 4 : i32
      %scan3A_306 = arith.addi %scan3A_140, %scan3A_305 : i32
      %mul3A_307 = arith.constant 1 : i32
      %mul3A_308 = arith.muli %scan3A_306, %mul3A_307 : i32
      %add3A_309 = arith.constant 0 : i32
      %add3A_310 = arith.addi %add3A_309, %mul3A_308 : i32
      %get3A_311 = arith.index_cast %add3A_310 : i32 to index
      %get3A_312 = arith.constant 0 : index
      %get3A_313 = tpu.vector_load %arg11[%get3A_311, %get3A_312] {strides = array<i32>} : memref<208x128xf32, #tpu.memory_space<vmem>>, vector<1x16xf32>,
      %get3A_314 = vector.shape_cast %get3A_313 : vector<1x16xf32> to vector<16xf32>
      %swap3A_315 = arith.index_cast %add3A_310 : i32 to index
      %swap3A_316 = arith.constant 64 : index
      %swap3A_317 = tpu.vector_load %arg10[%swap3A_315, %swap3A_316] {strides = array<i32>} : memref<208x128xf32, #tpu.memory_space<vmem>>, vector<1x16xf32>,
      %swap3A_318 = vector.shape_cast %swap3A_317 : vector<1x16xf32> to vector<16xf32>
      %swap3A_319 = vector.shape_cast %get3A_314 : vector<16xf32> to vector<1x16xf32>
      tpu.vector_store %arg10[%swap3A_315, %swap3A_316], %swap3A_319 {strides = array<i32>} : memref<208x128xf32, #tpu.memory_space<vmem>>, vector<1x16xf32>,
      %get3A_320 = arith.index_cast %add3A_310 : i32 to index
      %get3A_321 = arith.constant 16 : index
      %get3A_322 = tpu.vector_load %arg11[%get3A_320, %get3A_321] {strides = array<i32>} : memref<208x128xf32, #tpu.memory_space<vmem>>, vector<1x16xf32>,
      %get3A_323 = vector.shape_cast %get3A_322 : vector<1x16xf32> to vector<16xf32>
      %swap3A_324 = arith.index_cast %add3A_310 : i32 to index
      %swap3A_325 = arith.constant 80 : index
      %swap3A_326 = tpu.vector_load %arg10[%swap3A_324, %swap3A_325] {strides = array<i32>} : memref<208x128xf32, #tpu.memory_space<vmem>>, vector<1x16xf32>,
      %swap3A_327 = vector.shape_cast %swap3A_326 : vector<1x16xf32> to vector<16xf32>
      %swap3A_328 = vector.shape_cast %get3A_323 : vector<16xf32> to vector<1x16xf32>
      tpu.vector_store %arg10[%swap3A_324, %swap3A_325], %swap3A_328 {strides = array<i32>} : memref<208x128xf32, #tpu.memory_space<vmem>>, vector<1x16xf32>,
      %get3A_329 = arith.index_cast %add3A_310 : i32 to index
      %get3A_330 = arith.constant 32 : index
      %get3A_331 = tpu.vector_load %arg11[%get3A_329, %get3A_330] {strides = array<i32>} : memref<208x128xf32, #tpu.memory_space<vmem>>, vector<1x16xf32>,
      %get3A_332 = vector.shape_cast %get3A_331 : vector<1x16xf32> to vector<16xf32>
      %swap3A_333 = arith.index_cast %add3A_310 : i32 to index
      %swap3A_334 = arith.constant 96 : index
      %swap3A_335 = tpu.vector_load %arg10[%swap3A_333, %swap3A_334] {strides = array<i32>} : memref<208x128xf32, #tpu.memory_space<vmem>>, vector<1x16xf32>,
      %swap3A_336 = vector.shape_cast %swap3A_335 : vector<1x16xf32> to vector<16xf32>
      %swap3A_337 = vector.shape_cast %get3A_332 : vector<16xf32> to vector<1x16xf32>
      tpu.vector_store %arg10[%swap3A_333, %swap3A_334], %swap3A_337 {strides = array<i32>} : memref<208x128xf32, #tpu.memory_space<vmem>>, vector<1x16xf32>,
      %get3A_338 = arith.index_cast %add3A_310 : i32 to index
      %get3A_339 = arith.constant 48 : index
      %get3A_340 = tpu.vector_load %arg11[%get3A_338, %get3A_339] {strides = array<i32>} : memref<208x128xf32, #tpu.memory_space<vmem>>, vector<1x16xf32>,
      %get3A_341 = vector.shape_cast %get3A_340 : vector<1x16xf32> to vector<16xf32>
      %swap3A_342 = arith.index_cast %add3A_310 : i32 to index
      %swap3A_343 = arith.constant 112 : index
      %swap3A_344 = tpu.vector_load %arg10[%swap3A_342, %swap3A_343] {strides = array<i32>} : memref<208x128xf32, #tpu.memory_space<vmem>>, vector<1x16xf32>,
      %swap3A_345 = vector.shape_cast %swap3A_344 : vector<1x16xf32> to vector<16xf32>
      %swap3A_346 = vector.shape_cast %get3A_341 : vector<16xf32> to vector<1x16xf32>
      tpu.vector_store %arg10[%swap3A_342, %swap3A_343], %swap3A_346 {strides = array<i32>} : memref<208x128xf32, #tpu.memory_space<vmem>>, vector<1x16xf32>,
      %scan3A_347 = arith.constant 5 : i32
      %scan3A_348 = arith.addi %scan3A_140, %scan3A_347 : i32
      %mul3A_349 = arith.constant 1 : i32
      %mul3A_350 = arith.muli %scan3A_348, %mul3A_349 : i32
      %add3A_351 = arith.constant 0 : i32
      %add3A_352 = arith.addi %add3A_351, %mul3A_350 : i32
      %get3A_353 = arith.index_cast %add3A_352 : i32 to index
      %get3A_354 = arith.constant 0 : index
      %get3A_355 = tpu.vector_load %arg11[%get3A_353, %get3A_354] {strides = array<i32>} : memref<208x128xf32, #tpu.memory_space<vmem>>, vector<1x16xf32>,
      %get3A_356 = vector.shape_cast %get3A_355 : vector<1x16xf32> to vector<16xf32>
      %swap3A_357 = arith.index_cast %add3A_352 : i32 to index
      %swap3A_358 = arith.constant 64 : index
      %swap3A_359 = tpu.vector_load %arg10[%swap3A_357, %swap3A_358] {strides = array<i32>} : memref<208x128xf32, #tpu.memory_space<vmem>>, vector<1x16xf32>,
      %swap3A_360 = vector.shape_cast %swap3A_359 : vector<1x16xf32> to vector<16xf32>
      %swap3A_361 = vector.shape_cast %get3A_356 : vector<16xf32> to vector<1x16xf32>
      tpu.vector_store %arg10[%swap3A_357, %swap3A_358], %swap3A_361 {strides = array<i32>} : memref<208x128xf32, #tpu.memory_space<vmem>>, vector<1x16xf32>,
      %get3A_362 = arith.index_cast %add3A_352 : i32 to index
      %get3A_363 = arith.constant 16 : index
      %get3A_364 = tpu.vector_load %arg11[%get3A_362, %get3A_363] {strides = array<i32>} : memref<208x128xf32, #tpu.memory_space<vmem>>, vector<1x16xf32>,
      %get3A_365 = vector.shape_cast %get3A_364 : vector<1x16xf32> to vector<16xf32>
      %swap3A_366 = arith.index_cast %add3A_352 : i32 to index
      %swap3A_367 = arith.constant 80 : index
      %swap3A_368 = tpu.vector_load %arg10[%swap3A_366, %swap3A_367] {strides = array<i32>} : memref<208x128xf32, #tpu.memory_space<vmem>>, vector<1x16xf32>,
      %swap3A_369 = vector.shape_cast %swap3A_368 : vector<1x16xf32> to vector<16xf32>
      %swap3A_370 = vector.shape_cast %get3A_365 : vector<16xf32> to vector<1x16xf32>
      tpu.vector_store %arg10[%swap3A_366, %swap3A_367], %swap3A_370 {strides = array<i32>} : memref<208x128xf32, #tpu.memory_space<vmem>>, vector<1x16xf32>,
      %get3A_371 = arith.index_cast %add3A_352 : i32 to index
      %get3A_372 = arith.constant 32 : index
      %get3A_373 = tpu.vector_load %arg11[%get3A_371, %get3A_372] {strides = array<i32>} : memref<208x128xf32, #tpu.memory_space<vmem>>, vector<1x16xf32>,
      %get3A_374 = vector.shape_cast %get3A_373 : vector<1x16xf32> to vector<16xf32>
      %swap3A_375 = arith.index_cast %add3A_352 : i32 to index
      %swap3A_376 = arith.constant 96 : index
      %swap3A_377 = tpu.vector_load %arg10[%swap3A_375, %swap3A_376] {strides = array<i32>} : memref<208x128xf32, #tpu.memory_space<vmem>>, vector<1x16xf32>,
      %swap3A_378 = vector.shape_cast %swap3A_377 : vector<1x16xf32> to vector<16xf32>
      %swap3A_379 = vector.shape_cast %get3A_374 : vector<16xf32> to vector<1x16xf32>
      tpu.vector_store %arg10[%swap3A_375, %swap3A_376], %swap3A_379 {strides = array<i32>} : memref<208x128xf32, #tpu.memory_space<vmem>>, vector<1x16xf32>,
      %get3A_380 = arith.index_cast %add3A_352 : i32 to index
      %get3A_381 = arith.constant 48 : index
      %get3A_382 = tpu.vector_load %arg11[%get3A_380, %get3A_381] {strides = array<i32>} : memref<208x128xf32, #tpu.memory_space<vmem>>, vector<1x16xf32>,
      %get3A_383 = vector.shape_cast %get3A_382 : vector<1x16xf32> to vector<16xf32>
      %swap3A_384 = arith.index_cast %add3A_352 : i32 to index
      %swap3A_385 = arith.constant 112 : index
      %swap3A_386 = tpu.vector_load %arg10[%swap3A_384, %swap3A_385] {strides = array<i32>} : memref<208x128xf32, #tpu.memory_space<vmem>>, vector<1x16xf32>,
      %swap3A_387 = vector.shape_cast %swap3A_386 : vector<1x16xf32> to vector<16xf32>
      %swap3A_388 = vector.shape_cast %get3A_383 : vector<16xf32> to vector<1x16xf32>
      tpu.vector_store %arg10[%swap3A_384, %swap3A_385], %swap3A_388 {strides = array<i32>} : memref<208x128xf32, #tpu.memory_space<vmem>>, vector<1x16xf32>,
      %scan3A_389 = arith.constant 6 : i32
      %scan3A_390 = arith.addi %scan3A_140, %scan3A_389 : i32
      %mul3A_391 = arith.constant 1 : i32
      %mul3A_392 = arith.muli %scan3A_390, %mul3A_391 : i32
      %add3A_393 = arith.constant 0 : i32
      %add3A_394 = arith.addi %add3A_393, %mul3A_392 : i32
      %get3A_395 = arith.index_cast %add3A_394 : i32 to index
      %get3A_396 = arith.constant 0 : index
      %get3A_397 = tpu.vector_load %arg11[%get3A_395, %get3A_396] {strides = array<i32>} : memref<208x128xf32, #tpu.memory_space<vmem>>, vector<1x16xf32>,
      %get3A_398 = vector.shape_cast %get3A_397 : vector<1x16xf32> to vector<16xf32>
      %swap3A_399 = arith.index_cast %add3A_394 : i32 to index
      %swap3A_400 = arith.constant 64 : index
      %swap3A_401 = tpu.vector_load %arg10[%swap3A_399, %swap3A_400] {strides = array<i32>} : memref<208x128xf32, #tpu.memory_space<vmem>>, vector<1x16xf32>,
      %swap3A_402 = vector.shape_cast %swap3A_401 : vector<1x16xf32> to vector<16xf32>
      %swap3A_403 = vector.shape_cast %get3A_398 : vector<16xf32> to vector<1x16xf32>
      tpu.vector_store %arg10[%swap3A_399, %swap3A_400], %swap3A_403 {strides = array<i32>} : memref<208x128xf32, #tpu.memory_space<vmem>>, vector<1x16xf32>,
      %get3A_404 = arith.index_cast %add3A_394 : i32 to index
      %get3A_405 = arith.constant 16 : index
      %get3A_406 = tpu.vector_load %arg11[%get3A_404, %get3A_405] {strides = array<i32>} : memref<208x128xf32, #tpu.memory_space<vmem>>, vector<1x16xf32>,
      %get3A_407 = vector.shape_cast %get3A_406 : vector<1x16xf32> to vector<16xf32>
      %swap3A_408 = arith.index_cast %add3A_394 : i32 to index
      %swap3A_409 = arith.constant 80 : index
      %swap3A_410 = tpu.vector_load %arg10[%swap3A_408, %swap3A_409] {strides = array<i32>} : memref<208x128xf32, #tpu.memory_space<vmem>>, vector<1x16xf32>,
      %swap3A_411 = vector.shape_cast %swap3A_410 : vector<1x16xf32> to vector<16xf32>
      %swap3A_412 = vector.shape_cast %get3A_407 : vector<16xf32> to vector<1x16xf32>
      tpu.vector_store %arg10[%swap3A_408, %swap3A_409], %swap3A_412 {strides = array<i32>} : memref<208x128xf32, #tpu.memory_space<vmem>>, vector<1x16xf32>,
      %get3A_413 = arith.index_cast %add3A_394 : i32 to index
      %get3A_414 = arith.constant 32 : index
      %get3A_415 = tpu.vector_load %arg11[%get3A_413, %get3A_414] {strides = array<i32>} : memref<208x128xf32, #tpu.memory_space<vmem>>, vector<1x16xf32>,
      %get3A_416 = vector.shape_cast %get3A_415 : vector<1x16xf32> to vector<16xf32>
      %swap3A_417 = arith.index_cast %add3A_394 : i32 to index
      %swap3A_418 = arith.constant 96 : index
      %swap3A_419 = tpu.vector_load %arg10[%swap3A_417, %swap3A_418] {strides = array<i32>} : memref<208x128xf32, #tpu.memory_space<vmem>>, vector<1x16xf32>,
      %swap3A_420 = vector.shape_cast %swap3A_419 : vector<1x16xf32> to vector<16xf32>
      %swap3A_421 = vector.shape_cast %get3A_416 : vector<16xf32> to vector<1x16xf32>
      tpu.vector_store %arg10[%swap3A_417, %swap3A_418], %swap3A_421 {strides = array<i32>} : memref<208x128xf32, #tpu.memory_space<vmem>>, vector<1x16xf32>,
      %get3A_422 = arith.index_cast %add3A_394 : i32 to index
      %get3A_423 = arith.constant 48 : index
      %get3A_424 = tpu.vector_load %arg11[%get3A_422, %get3A_423] {strides = array<i32>} : memref<208x128xf32, #tpu.memory_space<vmem>>, vector<1x16xf32>,
      %get3A_425 = vector.shape_cast %get3A_424 : vector<1x16xf32> to vector<16xf32>
      %swap3A_426 = arith.index_cast %add3A_394 : i32 to index
      %swap3A_427 = arith.constant 112 : index
      %swap3A_428 = tpu.vector_load %arg10[%swap3A_426, %swap3A_427] {strides = array<i32>} : memref<208x128xf32, #tpu.memory_space<vmem>>, vector<1x16xf32>,
      %swap3A_429 = vector.shape_cast %swap3A_428 : vector<1x16xf32> to vector<16xf32>
      %swap3A_430 = vector.shape_cast %get3A_425 : vector<16xf32> to vector<1x16xf32>
      tpu.vector_store %arg10[%swap3A_426, %swap3A_427], %swap3A_430 {strides = array<i32>} : memref<208x128xf32, #tpu.memory_space<vmem>>, vector<1x16xf32>,
      %scan3A_431 = arith.constant 7 : i32
      %scan3A_432 = arith.addi %scan3A_140, %scan3A_431 : i32
      %mul3A_433 = arith.constant 1 : i32
      %mul3A_434 = arith.muli %scan3A_432, %mul3A_433 : i32
      %add3A_435 = arith.constant 0 : i32
      %add3A_436 = arith.addi %add3A_435, %mul3A_434 : i32
      %get3A_437 = arith.index_cast %add3A_436 : i32 to index
      %get3A_438 = arith.constant 0 : index
      %get3A_439 = tpu.vector_load %arg11[%get3A_437, %get3A_438] {strides = array<i32>} : memref<208x128xf32, #tpu.memory_space<vmem>>, vector<1x16xf32>,
      %get3A_440 = vector.shape_cast %get3A_439 : vector<1x16xf32> to vector<16xf32>
      %swap3A_441 = arith.index_cast %add3A_436 : i32 to index
      %swap3A_442 = arith.constant 64 : index
      %swap3A_443 = tpu.vector_load %arg10[%swap3A_441, %swap3A_442] {strides = array<i32>} : memref<208x128xf32, #tpu.memory_space<vmem>>, vector<1x16xf32>,
      %swap3A_444 = vector.shape_cast %swap3A_443 : vector<1x16xf32> to vector<16xf32>
      %swap3A_445 = vector.shape_cast %get3A_440 : vector<16xf32> to vector<1x16xf32>
      tpu.vector_store %arg10[%swap3A_441, %swap3A_442], %swap3A_445 {strides = array<i32>} : memref<208x128xf32, #tpu.memory_space<vmem>>, vector<1x16xf32>,
      %get3A_446 = arith.index_cast %add3A_436 : i32 to index
      %get3A_447 = arith.constant 16 : index
      %get3A_448 = tpu.vector_load %arg11[%get3A_446, %get3A_447] {strides = array<i32>} : memref<208x128xf32, #tpu.memory_space<vmem>>, vector<1x16xf32>,
      %get3A_449 = vector.shape_cast %get3A_448 : vector<1x16xf32> to vector<16xf32>
      %swap3A_450 = arith.index_cast %add3A_436 : i32 to index
      %swap3A_451 = arith.constant 80 : index
      %swap3A_452 = tpu.vector_load %arg10[%swap3A_450, %swap3A_451] {strides = array<i32>} : memref<208x128xf32, #tpu.memory_space<vmem>>, vector<1x16xf32>,
      %swap3A_453 = vector.shape_cast %swap3A_452 : vector<1x16xf32> to vector<16xf32>
      %swap3A_454 = vector.shape_cast %get3A_449 : vector<16xf32> to vector<1x16xf32>
      tpu.vector_store %arg10[%swap3A_450, %swap3A_451], %swap3A_454 {strides = array<i32>} : memref<208x128xf32, #tpu.memory_space<vmem>>, vector<1x16xf32>,
      %get3A_455 = arith.index_cast %add3A_436 : i32 to index
      %get3A_456 = arith.constant 32 : index
      %get3A_457 = tpu.vector_load %arg11[%get3A_455, %get3A_456] {strides = array<i32>} : memref<208x128xf32, #tpu.memory_space<vmem>>, vector<1x16xf32>,
      %get3A_458 = vector.shape_cast %get3A_457 : vector<1x16xf32> to vector<16xf32>
      %swap3A_459 = arith.index_cast %add3A_436 : i32 to index
      %swap3A_460 = arith.constant 96 : index
      %swap3A_461 = tpu.vector_load %arg10[%swap3A_459, %swap3A_460] {strides = array<i32>} : memref<208x128xf32, #tpu.memory_space<vmem>>, vector<1x16xf32>,
      %swap3A_462 = vector.shape_cast %swap3A_461 : vector<1x16xf32> to vector<16xf32>
      %swap3A_463 = vector.shape_cast %get3A_458 : vector<16xf32> to vector<1x16xf32>
      tpu.vector_store %arg10[%swap3A_459, %swap3A_460], %swap3A_463 {strides = array<i32>} : memref<208x128xf32, #tpu.memory_space<vmem>>, vector<1x16xf32>,
      %get3A_464 = arith.index_cast %add3A_436 : i32 to index
      %get3A_465 = arith.constant 48 : index
      %get3A_466 = tpu.vector_load %arg11[%get3A_464, %get3A_465] {strides = array<i32>} : memref<208x128xf32, #tpu.memory_space<vmem>>, vector<1x16xf32>,
      %get3A_467 = vector.shape_cast %get3A_466 : vector<1x16xf32> to vector<16xf32>
      %swap3A_468 = arith.index_cast %add3A_436 : i32 to index
      %swap3A_469 = arith.constant 112 : index
      %swap3A_470 = tpu.vector_load %arg10[%swap3A_468, %swap3A_469] {strides = array<i32>} : memref<208x128xf32, #tpu.memory_space<vmem>>, vector<1x16xf32>,
      %swap3A_471 = vector.shape_cast %swap3A_470 : vector<1x16xf32> to vector<16xf32>
      %swap3A_472 = vector.shape_cast %get3A_467 : vector<16xf32> to vector<1x16xf32>
      tpu.vector_store %arg10[%swap3A_468, %swap3A_469], %swap3A_472 {strides = array<i32>} : memref<208x128xf32, #tpu.memory_space<vmem>>, vector<1x16xf32>,
    }
    %scan3A_125 = arith.constant 208 : i32
    %add3A_126 = arith.constant 624 : i32
    %add3A_127 = arith.addi %mul3A_2, %add3A_126 : i32
    %dma_start3A_128 = arith.constant 0 : i32
    %dma_start3A_129 = tpu.memref_slice %arg5[%add3A_127, %dma_start3A_128] : memref<26624x128xf32, #tpu.memory_space<hbm>> -> memref<208x128xf32, #tpu.memory_space<hbm>>
    %dma_start3A_130 = arith.constant 0 : i32
    %dma_start3A_131 = tpu.memref_slice %arg5[%add3A_127, %dma_start3A_130] : memref<26624x128xf32, #tpu.memory_space<hbm>> -> memref<208x128xf32, #tpu.memory_space<hbm>>
    tpu.enqueue_dma source(%arg10 : memref<208x128xf32, #tpu.memory_space<vmem>>) target(%dma_start3A_131 : memref<208x128xf32, #tpu.memory_space<hbm>>) target_semaphore(%arg15 : memref<!tpu.dma_semaphore, #tpu.memory_space<semaphore_mem>>)
    %dma_wait3A_132 = arith.constant 0 : i32
    %dma_wait3A_133 = tpu.memref_slice %arg5[%add3A_106, %dma_wait3A_132] : memref<26624x128xf32, #tpu.memory_space<hbm>> -> memref<208x128xf32, #tpu.memory_space<hbm>>
    %dma_wait3A_134 = arith.constant 0 : i32
    %dma_wait3A_135 = tpu.memref_slice %arg5[%add3A_106, %dma_wait3A_134] : memref<26624x128xf32, #tpu.memory_space<hbm>> -> memref<208x128xf32, #tpu.memory_space<hbm>>
    tpu.wait_dma2 semaphore(%arg14 : memref<!tpu.dma_semaphore, #tpu.memory_space<semaphore_mem>>) src(%arg8 : memref<208x128xf32, #tpu.memory_space<vmem>>) dst(%dma_wait3A_135 : memref<208x128xf32, #tpu.memory_space<hbm>>)
    %dma_wait3A_136 = arith.constant 0 : i32
    %dma_wait3A_137 = tpu.memref_slice %arg5[%add3A_127, %dma_wait3A_136] : memref<26624x128xf32, #tpu.memory_space<hbm>> -> memref<208x128xf32, #tpu.memory_space<hbm>>
    %dma_wait3A_138 = arith.constant 0 : i32
    %dma_wait3A_139 = tpu.memref_slice %arg5[%add3A_127, %dma_wait3A_138] : memref<26624x128xf32, #tpu.memory_space<hbm>> -> memref<208x128xf32, #tpu.memory_space<hbm>>
    tpu.wait_dma2 semaphore(%arg15 : memref<!tpu.dma_semaphore, #tpu.memory_space<semaphore_mem>>) src(%arg10 : memref<208x128xf32, #tpu.memory_space<vmem>>) dst(%dma_wait3A_139 : memref<208x128xf32, #tpu.memory_space<hbm>>)
    return
  }
}

module attributes {stable_mosaic.version = 14 : i64} {
  func.func @_dense_block(%arg0: i32, %arg1: memref<13x512x128xf32, #tpu.memory_space<vmem>>, %arg2: memref<512x128xf32, #tpu.memory_space<vmem>>, %arg3: memref<3x1792xf32, #tpu.memory_space<vmem>>, %arg4: memref<3x1792xf32, #tpu.memory_space<vmem>>, %arg5: memref<1792x1024xbf16, #tpu.memory_space<vmem>>, %arg6: memref<1x1024xf32, #tpu.memory_space<vmem>>, %arg7: memref<1024x512xbf16, #tpu.memory_space<vmem>>, %arg8: memref<1x512xf32, #tpu.memory_space<vmem>>, %arg9: memref<512x256xbf16, #tpu.memory_space<vmem>>, %arg10: memref<1x256xf32, #tpu.memory_space<vmem>>, %arg11: memref<1792x1xf32, #tpu.memory_space<vmem>>, %arg12: memref<256x1xf32, #tpu.memory_space<vmem>>, %arg13: memref<1x1xf32, #tpu.memory_space<vmem>>, %arg14: memref<512x1xf32, #tpu.memory_space<vmem>>) attributes {dimension_semantics = [#tpu.dimension_semantics<arbitrary>], iteration_bounds = array<i64: 4>, scalar_prefetch = 0 : i64, scratch_operands = 0 : i64, tpu.core_type = #tpu.core_type<tc>, window_params = [{transform_indices = @transform_0, window_bounds = array<i64: 13, 512, 128>}, {transform_indices = @transform_1, window_bounds = array<i64: 512, 128>}, {pipeline_mode = #tpu.pipeline_mode<synchronous>, transform_indices = @transform_2, window_bounds = array<i64: 3, 1792>}, {pipeline_mode = #tpu.pipeline_mode<synchronous>, transform_indices = @transform_3, window_bounds = array<i64: 3, 1792>}, {pipeline_mode = #tpu.pipeline_mode<synchronous>, transform_indices = @transform_4, window_bounds = array<i64: 1792, 1024>}, {pipeline_mode = #tpu.pipeline_mode<synchronous>, transform_indices = @transform_5, window_bounds = array<i64: 1, 1024>}, {pipeline_mode = #tpu.pipeline_mode<synchronous>, transform_indices = @transform_6, window_bounds = array<i64: 1024, 512>}, {pipeline_mode = #tpu.pipeline_mode<synchronous>, transform_indices = @transform_7, window_bounds = array<i64: 1, 512>}, {pipeline_mode = #tpu.pipeline_mode<synchronous>, transform_indices = @transform_8, window_bounds = array<i64: 512, 256>}, {pipeline_mode = #tpu.pipeline_mode<synchronous>, transform_indices = @transform_9, window_bounds = array<i64: 1, 256>}, {pipeline_mode = #tpu.pipeline_mode<synchronous>, transform_indices = @transform_10, window_bounds = array<i64: 1792, 1>}, {pipeline_mode = #tpu.pipeline_mode<synchronous>, transform_indices = @transform_11, window_bounds = array<i64: 256, 1>}, {pipeline_mode = #tpu.pipeline_mode<synchronous>, transform_indices = @transform_12, window_bounds = array<i64: 1, 1>}, {transform_indices = @transform_13, window_bounds = array<i64: 512, 1>}]} {
    %get3A = arith.constant 0 : index
    %get3A_0 = arith.constant 0 : index
    %get3A_1 = arith.constant 0 : index
    %get3A_2 = vector.load %arg1[%get3A, %get3A_0, %get3A_1] : memref<13x512x128xf32, #tpu.memory_space<vmem>>, vector<1x512x128xf32>
    %get3A_3 = vector.shape_cast %get3A_2 : vector<1x512x128xf32> to vector<512x128xf32>
    %get3A_4 = arith.constant 1 : index
    %get3A_5 = arith.constant 0 : index
    %get3A_6 = arith.constant 0 : index
    %get3A_7 = vector.load %arg1[%get3A_4, %get3A_5, %get3A_6] : memref<13x512x128xf32, #tpu.memory_space<vmem>>, vector<1x512x128xf32>
    %get3A_8 = vector.shape_cast %get3A_7 : vector<1x512x128xf32> to vector<512x128xf32>
    %get3A_9 = arith.constant 2 : index
    %get3A_10 = arith.constant 0 : index
    %get3A_11 = arith.constant 0 : index
    %get3A_12 = vector.load %arg1[%get3A_9, %get3A_10, %get3A_11] : memref<13x512x128xf32, #tpu.memory_space<vmem>>, vector<1x512x128xf32>
    %get3A_13 = vector.shape_cast %get3A_12 : vector<1x512x128xf32> to vector<512x128xf32>
    %get3A_14 = arith.constant 3 : index
    %get3A_15 = arith.constant 0 : index
    %get3A_16 = arith.constant 0 : index
    %get3A_17 = vector.load %arg1[%get3A_14, %get3A_15, %get3A_16] : memref<13x512x128xf32, #tpu.memory_space<vmem>>, vector<1x512x128xf32>
    %get3A_18 = vector.shape_cast %get3A_17 : vector<1x512x128xf32> to vector<512x128xf32>
    %get3A_19 = arith.constant 4 : index
    %get3A_20 = arith.constant 0 : index
    %get3A_21 = arith.constant 0 : index
    %get3A_22 = vector.load %arg1[%get3A_19, %get3A_20, %get3A_21] : memref<13x512x128xf32, #tpu.memory_space<vmem>>, vector<1x512x128xf32>
    %get3A_23 = vector.shape_cast %get3A_22 : vector<1x512x128xf32> to vector<512x128xf32>
    %get3A_24 = arith.constant 5 : index
    %get3A_25 = arith.constant 0 : index
    %get3A_26 = arith.constant 0 : index
    %get3A_27 = vector.load %arg1[%get3A_24, %get3A_25, %get3A_26] : memref<13x512x128xf32, #tpu.memory_space<vmem>>, vector<1x512x128xf32>
    %get3A_28 = vector.shape_cast %get3A_27 : vector<1x512x128xf32> to vector<512x128xf32>
    %get3A_29 = arith.constant 6 : index
    %get3A_30 = arith.constant 0 : index
    %get3A_31 = arith.constant 0 : index
    %get3A_32 = vector.load %arg1[%get3A_29, %get3A_30, %get3A_31] : memref<13x512x128xf32, #tpu.memory_space<vmem>>, vector<1x512x128xf32>
    %get3A_33 = vector.shape_cast %get3A_32 : vector<1x512x128xf32> to vector<512x128xf32>
    %get3A_34 = arith.constant 7 : index
    %get3A_35 = arith.constant 0 : index
    %get3A_36 = arith.constant 0 : index
    %get3A_37 = vector.load %arg1[%get3A_34, %get3A_35, %get3A_36] : memref<13x512x128xf32, #tpu.memory_space<vmem>>, vector<1x512x128xf32>
    %get3A_38 = vector.shape_cast %get3A_37 : vector<1x512x128xf32> to vector<512x128xf32>
    %get3A_39 = arith.constant 8 : index
    %get3A_40 = arith.constant 0 : index
    %get3A_41 = arith.constant 0 : index
    %get3A_42 = vector.load %arg1[%get3A_39, %get3A_40, %get3A_41] : memref<13x512x128xf32, #tpu.memory_space<vmem>>, vector<1x512x128xf32>
    %get3A_43 = vector.shape_cast %get3A_42 : vector<1x512x128xf32> to vector<512x128xf32>
    %get3A_44 = arith.constant 9 : index
    %get3A_45 = arith.constant 0 : index
    %get3A_46 = arith.constant 0 : index
    %get3A_47 = vector.load %arg1[%get3A_44, %get3A_45, %get3A_46] : memref<13x512x128xf32, #tpu.memory_space<vmem>>, vector<1x512x128xf32>
    %get3A_48 = vector.shape_cast %get3A_47 : vector<1x512x128xf32> to vector<512x128xf32>
    %get3A_49 = arith.constant 10 : index
    %get3A_50 = arith.constant 0 : index
    %get3A_51 = arith.constant 0 : index
    %get3A_52 = vector.load %arg1[%get3A_49, %get3A_50, %get3A_51] : memref<13x512x128xf32, #tpu.memory_space<vmem>>, vector<1x512x128xf32>
    %get3A_53 = vector.shape_cast %get3A_52 : vector<1x512x128xf32> to vector<512x128xf32>
    %get3A_54 = arith.constant 11 : index
    %get3A_55 = arith.constant 0 : index
    %get3A_56 = arith.constant 0 : index
    %get3A_57 = vector.load %arg1[%get3A_54, %get3A_55, %get3A_56] : memref<13x512x128xf32, #tpu.memory_space<vmem>>, vector<1x512x128xf32>
    %get3A_58 = vector.shape_cast %get3A_57 : vector<1x512x128xf32> to vector<512x128xf32>
    %get3A_59 = arith.constant 12 : index
    %get3A_60 = arith.constant 0 : index
    %get3A_61 = arith.constant 0 : index
    %get3A_62 = vector.load %arg1[%get3A_59, %get3A_60, %get3A_61] : memref<13x512x128xf32, #tpu.memory_space<vmem>>, vector<1x512x128xf32>
    %get3A_63 = vector.shape_cast %get3A_62 : vector<1x512x128xf32> to vector<512x128xf32>
    %get3A_64 = arith.constant 0 : index
    %get3A_65 = arith.constant 0 : index
    %get3A_66 = vector.load %arg2[%get3A_64, %get3A_65] : memref<512x128xf32, #tpu.memory_space<vmem>>, vector<512x128xf32>
    %concatenate3A = tpu.concatenate %get3A_3, %get3A_8, %get3A_13, %get3A_18, %get3A_23, %get3A_28, %get3A_33, %get3A_38, %get3A_43, %get3A_48, %get3A_53, %get3A_58, %get3A_63, %get3A_66 in 1 : vector<512x128xf32>, vector<512x128xf32>, vector<512x128xf32>, vector<512x128xf32>, vector<512x128xf32>, vector<512x128xf32>, vector<512x128xf32>, vector<512x128xf32>, vector<512x128xf32>, vector<512x128xf32>, vector<512x128xf32>, vector<512x128xf32>, vector<512x128xf32>, vector<512x128xf32> -> vector<512x1792xf32>
    %convert_element_type3A = arith.truncf %concatenate3A : vector<512x1792xf32> to vector<512x1792xbf16>
    %get3A_67 = arith.constant 0 : index
    %get3A_68 = arith.constant 0 : index
    %get3A_69 = vector.load %arg3[%get3A_67, %get3A_68] : memref<3x1792xf32, #tpu.memory_space<vmem>>, vector<1x1792xf32>
    %get3A_70 = vector.shape_cast %get3A_69 : vector<1x1792xf32> to vector<1792xf32>
    %broadcast_in_dim3A = vector.shape_cast %get3A_70 : vector<1792xf32> to vector<1x1792xf32>
    %mul3A = vector.broadcast %broadcast_in_dim3A : vector<1x1792xf32> to vector<512x1792xf32>
    %mul3A_71 = arith.mulf %concatenate3A, %mul3A : vector<512x1792xf32>
    %reduce_sum3A = arith.constant dense<0.000000e+00> : vector<512xf32>
    %reduce_sum3A_72 = vector.multi_reduction <add>, %mul3A_71, %reduce_sum3A [1] : vector<512x1792xf32> to vector<512xf32>
    %broadcast_in_dim3A_73 = vector.shape_cast %reduce_sum3A_72 : vector<512xf32> to vector<512x1xf32>
    %add3A = arith.constant 1.000000e+00 : f32
    %add3A_74 = vector.broadcast %add3A : f32 to vector<512x1xf32>
    %add3A_75 = arith.addf %add3A_74, %broadcast_in_dim3A_73 : vector<512x1xf32>
    %mul3A_76 = vector.broadcast %add3A_75 : vector<512x1xf32> to vector<512x1792xf32>
    %mul3A_77 = arith.mulf %concatenate3A, %mul3A_76 : vector<512x1792xf32>
    %get3A_78 = arith.constant 0 : index
    %get3A_79 = arith.constant 0 : index
    %get3A_80 = vector.load %arg4[%get3A_78, %get3A_79] : memref<3x1792xf32, #tpu.memory_space<vmem>>, vector<1x1792xf32>
    %get3A_81 = vector.shape_cast %get3A_80 : vector<1x1792xf32> to vector<1792xf32>
    %broadcast_in_dim3A_82 = vector.shape_cast %get3A_81 : vector<1792xf32> to vector<1x1792xf32>
    %add3A_83 = vector.broadcast %broadcast_in_dim3A_82 : vector<1x1792xf32> to vector<512x1792xf32>
    %add3A_84 = arith.addf %mul3A_77, %add3A_83 : vector<512x1792xf32>
    %get3A_85 = arith.constant 1 : index
    %get3A_86 = arith.constant 0 : index
    %get3A_87 = vector.load %arg3[%get3A_85, %get3A_86] : memref<3x1792xf32, #tpu.memory_space<vmem>>, vector<1x1792xf32>
    %get3A_88 = vector.shape_cast %get3A_87 : vector<1x1792xf32> to vector<1792xf32>
    %broadcast_in_dim3A_89 = vector.shape_cast %get3A_88 : vector<1792xf32> to vector<1x1792xf32>
    %mul3A_90 = vector.broadcast %broadcast_in_dim3A_89 : vector<1x1792xf32> to vector<512x1792xf32>
    %mul3A_91 = arith.mulf %add3A_84, %mul3A_90 : vector<512x1792xf32>
    %reduce_sum3A_92 = arith.constant dense<0.000000e+00> : vector<512xf32>
    %reduce_sum3A_93 = vector.multi_reduction <add>, %mul3A_91, %reduce_sum3A_92 [1] : vector<512x1792xf32> to vector<512xf32>
    %broadcast_in_dim3A_94 = vector.shape_cast %reduce_sum3A_93 : vector<512xf32> to vector<512x1xf32>
    %add3A_95 = arith.constant 1.000000e+00 : f32
    %add3A_96 = vector.broadcast %add3A_95 : f32 to vector<512x1xf32>
    %add3A_97 = arith.addf %add3A_96, %broadcast_in_dim3A_94 : vector<512x1xf32>
    %mul3A_98 = vector.broadcast %add3A_97 : vector<512x1xf32> to vector<512x1792xf32>
    %mul3A_99 = arith.mulf %add3A_84, %mul3A_98 : vector<512x1792xf32>
    %get3A_100 = arith.constant 1 : index
    %get3A_101 = arith.constant 0 : index
    %get3A_102 = vector.load %arg4[%get3A_100, %get3A_101] : memref<3x1792xf32, #tpu.memory_space<vmem>>, vector<1x1792xf32>
    %get3A_103 = vector.shape_cast %get3A_102 : vector<1x1792xf32> to vector<1792xf32>
    %broadcast_in_dim3A_104 = vector.shape_cast %get3A_103 : vector<1792xf32> to vector<1x1792xf32>
    %add3A_105 = vector.broadcast %broadcast_in_dim3A_104 : vector<1x1792xf32> to vector<512x1792xf32>
    %add3A_106 = arith.addf %mul3A_99, %add3A_105 : vector<512x1792xf32>
    %get3A_107 = arith.constant 2 : index
    %get3A_108 = arith.constant 0 : index
    %get3A_109 = vector.load %arg3[%get3A_107, %get3A_108] : memref<3x1792xf32, #tpu.memory_space<vmem>>, vector<1x1792xf32>
    %get3A_110 = vector.shape_cast %get3A_109 : vector<1x1792xf32> to vector<1792xf32>
    %broadcast_in_dim3A_111 = vector.shape_cast %get3A_110 : vector<1792xf32> to vector<1x1792xf32>
    %mul3A_112 = vector.broadcast %broadcast_in_dim3A_111 : vector<1x1792xf32> to vector<512x1792xf32>
    %mul3A_113 = arith.mulf %add3A_106, %mul3A_112 : vector<512x1792xf32>
    %reduce_sum3A_114 = arith.constant dense<0.000000e+00> : vector<512xf32>
    %reduce_sum3A_115 = vector.multi_reduction <add>, %mul3A_113, %reduce_sum3A_114 [1] : vector<512x1792xf32> to vector<512xf32>
    %broadcast_in_dim3A_116 = vector.shape_cast %reduce_sum3A_115 : vector<512xf32> to vector<512x1xf32>
    %add3A_117 = arith.constant 1.000000e+00 : f32
    %add3A_118 = vector.broadcast %add3A_117 : f32 to vector<512x1xf32>
    %add3A_119 = arith.addf %add3A_118, %broadcast_in_dim3A_116 : vector<512x1xf32>
    %mul3A_120 = vector.broadcast %add3A_119 : vector<512x1xf32> to vector<512x1792xf32>
    %mul3A_121 = arith.mulf %add3A_106, %mul3A_120 : vector<512x1792xf32>
    %get3A_122 = arith.constant 2 : index
    %get3A_123 = arith.constant 0 : index
    %get3A_124 = vector.load %arg4[%get3A_122, %get3A_123] : memref<3x1792xf32, #tpu.memory_space<vmem>>, vector<1x1792xf32>
    %get3A_125 = vector.shape_cast %get3A_124 : vector<1x1792xf32> to vector<1792xf32>
    %broadcast_in_dim3A_126 = vector.shape_cast %get3A_125 : vector<1792xf32> to vector<1x1792xf32>
    %add3A_127 = vector.broadcast %broadcast_in_dim3A_126 : vector<1x1792xf32> to vector<512x1792xf32>
    %add3A_128 = arith.addf %mul3A_121, %add3A_127 : vector<512x1792xf32>
    %get3A_129 = arith.constant 0 : index
    %get3A_130 = arith.constant 0 : index
    %get3A_131 = vector.load %arg5[%get3A_129, %get3A_130] : memref<1792x1024xbf16, #tpu.memory_space<vmem>>, vector<1792x1024xbf16>
    %dot_general3A = arith.constant dense<0.000000e+00> : vector<512x1024xf32>
    %dot_general3A_132 = tpu.matmul %convert_element_type3A, %get3A_131, %dot_general3A {dimension_numbers = #tpu.dot_dimension_numbers<[1], [0], [0], [1], [0, 0, 1, 1], [], []>, transpose_lhs_hint = false} : vector<512x1792xbf16>, vector<1792x1024xbf16>, vector<512x1024xf32> -> vector<512x1024xf32>
    %get3A_133 = arith.constant 0 : index
    %get3A_134 = arith.constant 0 : index
    %get3A_135 = vector.load %arg6[%get3A_133, %get3A_134] : memref<1x1024xf32, #tpu.memory_space<vmem>>, vector<1x1024xf32>
    %add3A_136 = vector.broadcast %get3A_135 : vector<1x1024xf32> to vector<512x1024xf32>
    %add3A_137 = arith.addf %dot_general3A_132, %add3A_136 : vector<512x1024xf32>
    %max3A = arith.constant 0.000000e+00 : f32
    %max3A_138 = vector.broadcast %max3A : f32 to vector<512x1024xf32>
    %max3A_139 = arith.maximumf %add3A_137, %max3A_138 : vector<512x1024xf32>
    %convert_element_type3A_140 = arith.truncf %max3A_139 : vector<512x1024xf32> to vector<512x1024xbf16>
    %get3A_141 = arith.constant 0 : index
    %get3A_142 = arith.constant 0 : index
    %get3A_143 = vector.load %arg7[%get3A_141, %get3A_142] : memref<1024x512xbf16, #tpu.memory_space<vmem>>, vector<1024x512xbf16>
    %dot_general3A_144 = arith.constant dense<0.000000e+00> : vector<512x512xf32>
    %dot_general3A_145 = tpu.matmul %convert_element_type3A_140, %get3A_143, %dot_general3A_144 {dimension_numbers = #tpu.dot_dimension_numbers<[1], [0], [0], [1], [0, 0, 1, 1], [], []>, transpose_lhs_hint = false} : vector<512x1024xbf16>, vector<1024x512xbf16>, vector<512x512xf32> -> vector<512x512xf32>
    %get3A_146 = arith.constant 0 : index
    %get3A_147 = arith.constant 0 : index
    %get3A_148 = vector.load %arg8[%get3A_146, %get3A_147] : memref<1x512xf32, #tpu.memory_space<vmem>>, vector<1x512xf32>
    %add3A_149 = vector.broadcast %get3A_148 : vector<1x512xf32> to vector<512x512xf32>
    %add3A_150 = arith.addf %dot_general3A_145, %add3A_149 : vector<512x512xf32>
    %max3A_151 = arith.constant 0.000000e+00 : f32
    %max3A_152 = vector.broadcast %max3A_151 : f32 to vector<512x512xf32>
    %max3A_153 = arith.maximumf %add3A_150, %max3A_152 : vector<512x512xf32>
    %convert_element_type3A_154 = arith.truncf %max3A_153 : vector<512x512xf32> to vector<512x512xbf16>
    %get3A_155 = arith.constant 0 : index
    %get3A_156 = arith.constant 0 : index
    %get3A_157 = vector.load %arg9[%get3A_155, %get3A_156] : memref<512x256xbf16, #tpu.memory_space<vmem>>, vector<512x256xbf16>
    %dot_general3A_158 = arith.constant dense<0.000000e+00> : vector<512x256xf32>
    %dot_general3A_159 = tpu.matmul %convert_element_type3A_154, %get3A_157, %dot_general3A_158 {dimension_numbers = #tpu.dot_dimension_numbers<[1], [0], [0], [1], [0, 0, 1, 1], [], []>, transpose_lhs_hint = false} : vector<512x512xbf16>, vector<512x256xbf16>, vector<512x256xf32> -> vector<512x256xf32>
    %get3A_160 = arith.constant 0 : index
    %get3A_161 = arith.constant 0 : index
    %get3A_162 = vector.load %arg10[%get3A_160, %get3A_161] : memref<1x256xf32, #tpu.memory_space<vmem>>, vector<1x256xf32>
    %add3A_163 = vector.broadcast %get3A_162 : vector<1x256xf32> to vector<512x256xf32>
    %add3A_164 = arith.addf %dot_general3A_159, %add3A_163 : vector<512x256xf32>
    %get3A_165 = arith.constant 0 : index
    %get3A_166 = arith.constant 0 : index
    %get3A_167 = vector.load %arg11[%get3A_165, %get3A_166] : memref<1792x1xf32, #tpu.memory_space<vmem>>, vector<1792x1xf32>
    %dot_general3A_168 = arith.constant dense<0.000000e+00> : vector<512x1xf32>
    %dot_general3A_169 = tpu.matmul %add3A_128, %get3A_167, %dot_general3A_168 {dimension_numbers = #tpu.dot_dimension_numbers<[1], [0], [0], [1], [0, 0, 1, 1], [], []>, transpose_lhs_hint = false} : vector<512x1792xf32>, vector<1792x1xf32>, vector<512x1xf32> -> vector<512x1xf32>
    %get3A_170 = arith.constant 0 : index
    %get3A_171 = arith.constant 0 : index
    %get3A_172 = vector.load %arg12[%get3A_170, %get3A_171] : memref<256x1xf32, #tpu.memory_space<vmem>>, vector<256x1xf32>
    %dot_general3A_173 = arith.constant dense<0.000000e+00> : vector<512x1xf32>
    %dot_general3A_174 = tpu.matmul %add3A_164, %get3A_172, %dot_general3A_173 {dimension_numbers = #tpu.dot_dimension_numbers<[1], [0], [0], [1], [0, 0, 1, 1], [], []>, transpose_lhs_hint = false} : vector<512x256xf32>, vector<256x1xf32>, vector<512x1xf32> -> vector<512x1xf32>
    %add3A_175 = arith.addf %dot_general3A_169, %dot_general3A_174 : vector<512x1xf32>
    %get3A_176 = arith.constant 0 : index
    %get3A_177 = arith.constant 0 : index
    %get3A_178 = vector.load %arg13[%get3A_176, %get3A_177] : memref<1x1xf32, #tpu.memory_space<vmem>>, vector<1x1xf32>
    %get3A_179 = vector.extract %get3A_178[0, 0] : f32 from vector<1x1xf32>
    %add3A_180 = vector.broadcast %get3A_179 : f32 to vector<512x1xf32>
    %add3A_181 = arith.addf %add3A_175, %add3A_180 : vector<512x1xf32>
    %logistic3A = arith.negf %add3A_181 : vector<512x1xf32>
    %logistic3A_182 = math.exp %logistic3A : vector<512x1xf32>
    %logistic3A_183 = arith.constant 1.000000e+00 : f32
    %logistic3A_184 = vector.broadcast %logistic3A_183 : f32 to vector<512x1xf32>
    %logistic3A_185 = arith.addf %logistic3A_184, %logistic3A_182 : vector<512x1xf32>
    %logistic3A_186 = arith.divf %logistic3A_184, %logistic3A_185 : vector<512x1xf32>
    %swap3A = arith.constant 0 : index
    %swap3A_187 = arith.constant 0 : index
    %swap3A_188 = vector.load %arg14[%swap3A, %swap3A_187] : memref<512x1xf32, #tpu.memory_space<vmem>>, vector<512x1xf32>
    tpu.vector_store %arg14[%swap3A, %swap3A_187], %logistic3A_186 {strides = array<i32>} : memref<512x1xf32, #tpu.memory_space<vmem>>, vector<512x1xf32>,
    return
  }
  func.func @transform_0(%arg0: i32) -> (i32, i32, i32) {
    %c0_i32 = arith.constant 0 : i32
    %c0_i32_0 = arith.constant 0 : i32
    %c0_i32_1 = arith.constant 0 : i32
    return %c0_i32, %arg0, %c0_i32_0 : i32, i32, i32
  }
  func.func @transform_1(%arg0: i32) -> (i32, i32) {
    %c0_i32 = arith.constant 0 : i32
    %c0_i32_0 = arith.constant 0 : i32
    return %arg0, %c0_i32 : i32, i32
  }
  func.func @transform_2(%arg0: i32) -> (i32, i32) {
    %c0_i32 = arith.constant 0 : i32
    %c0_i32_0 = arith.constant 0 : i32
    %c0_i32_1 = arith.constant 0 : i32
    return %c0_i32, %c0_i32_0 : i32, i32
  }
  func.func @transform_3(%arg0: i32) -> (i32, i32) {
    %c0_i32 = arith.constant 0 : i32
    %c0_i32_0 = arith.constant 0 : i32
    %c0_i32_1 = arith.constant 0 : i32
    return %c0_i32, %c0_i32_0 : i32, i32
  }
  func.func @transform_4(%arg0: i32) -> (i32, i32) {
    %c0_i32 = arith.constant 0 : i32
    %c0_i32_0 = arith.constant 0 : i32
    %c0_i32_1 = arith.constant 0 : i32
    return %c0_i32, %c0_i32_0 : i32, i32
  }
  func.func @transform_5(%arg0: i32) -> (i32, i32) {
    %c0_i32 = arith.constant 0 : i32
    %c0_i32_0 = arith.constant 0 : i32
    %c0_i32_1 = arith.constant 0 : i32
    return %c0_i32, %c0_i32_0 : i32, i32
  }
  func.func @transform_6(%arg0: i32) -> (i32, i32) {
    %c0_i32 = arith.constant 0 : i32
    %c0_i32_0 = arith.constant 0 : i32
    %c0_i32_1 = arith.constant 0 : i32
    return %c0_i32, %c0_i32_0 : i32, i32
  }
  func.func @transform_7(%arg0: i32) -> (i32, i32) {
    %c0_i32 = arith.constant 0 : i32
    %c0_i32_0 = arith.constant 0 : i32
    %c0_i32_1 = arith.constant 0 : i32
    return %c0_i32, %c0_i32_0 : i32, i32
  }
  func.func @transform_8(%arg0: i32) -> (i32, i32) {
    %c0_i32 = arith.constant 0 : i32
    %c0_i32_0 = arith.constant 0 : i32
    %c0_i32_1 = arith.constant 0 : i32
    return %c0_i32, %c0_i32_0 : i32, i32
  }
  func.func @transform_9(%arg0: i32) -> (i32, i32) {
    %c0_i32 = arith.constant 0 : i32
    %c0_i32_0 = arith.constant 0 : i32
    %c0_i32_1 = arith.constant 0 : i32
    return %c0_i32, %c0_i32_0 : i32, i32
  }
  func.func @transform_10(%arg0: i32) -> (i32, i32) {
    %c0_i32 = arith.constant 0 : i32
    %c0_i32_0 = arith.constant 0 : i32
    %c0_i32_1 = arith.constant 0 : i32
    return %c0_i32, %c0_i32_0 : i32, i32
  }
  func.func @transform_11(%arg0: i32) -> (i32, i32) {
    %c0_i32 = arith.constant 0 : i32
    %c0_i32_0 = arith.constant 0 : i32
    %c0_i32_1 = arith.constant 0 : i32
    return %c0_i32, %c0_i32_0 : i32, i32
  }
  func.func @transform_12(%arg0: i32) -> (i32, i32) {
    %c0_i32 = arith.constant 0 : i32
    %c0_i32_0 = arith.constant 0 : i32
    %c0_i32_1 = arith.constant 0 : i32
    return %c0_i32, %c0_i32_0 : i32, i32
  }
  func.func @transform_13(%arg0: i32) -> (i32, i32) {
    %c0_i32 = arith.constant 0 : i32
    %c0_i32_0 = arith.constant 0 : i32
    return %arg0, %c0_i32 : i32, i32
  }
}

</mosaic_0001>

<sc_bundles>
// kernel: kernel.6.cloned.1.call-start
scs
__scs_entry_jumppad:
0x0: {  	(pc) =	sbr.rel $0x88, $3  }
0x1: {  	(tag) =	ssettag $0x0;
	lr =	simm.s32 $0x1  }
0x2: {  	[smem:$0x3F94] =	sst lr;
	_ =	strace $0xD0000000  }
0x3: {  	_ = 	snop  }
0x4: {  	_ = 	snop  }
0x5: {  	_ = 	snop  }
0x6: {  	_ = 	snop  }
0x7: {  	_ = 	snop  }
__scs_overlays_trampoline_lowered:
0x8: {  	[smem:$0x3FA3] =	sst s0  }
0x9: {  	[smem:$0x3FA4] =	sst s1  }
0xa: {  	[smem:$0x3FA5] =	sst s2  }
0xb: {  	[smem:$0x3FA6] =	sst s3  }
0xc: {  	[smem:$0x3FA7] =	sst s4  }
0xd: {  	[smem:$0x3FA8] =	sst s5  }
0xe: {  	[smem:$0x3FA9] =	sst s6  }
0xf: {  	[smem:$0x3FAA] =	sst s7  }
0x10: {  	[smem:$0x3FAB] =	sst s8  }
0x11: {  	[smem:$0x3FAC] =	sst s9;
	s0 =	simm.s32 @!p0 $0x0  }
0x12: {  	s1 =	sld [smem:$0x3F92];
	s0 =	simm.s32 @p0 $0x1  }
0x13: {  	[smem:$0x3FAD] =	sst s0;
	s0 =	simm.s32 @!p1 $0x0  }
0x14: {  	s2 =	sld [smem:$0x3F91];
	s0 =	simm.s32 @p1 $0x1  }
0x15: {  	[smem:$0x3FAE] =	sst s0;
	s0 =	simm.s32 @!p2 $0x0  }
0x16: {  	s3 =	sld [smem:$0x3FDB];
	s0 =	simm.s32 @p2 $0x1  }
0x17: {  	s4 =	simm.s32 $0x1BF5;
	[smem:$0x3FB0] =	sst s0  }
0x18: {  	s0 =	sld [smem:$0x3F93];
	_ =	swait.ge [sflag:s4], $0x0  }
0x19: {  	s7 =	sld [smem:$0x3F94]  }
0x1a: {  	s8 =	sadd.s32 $0xFFFFE003, lr  }
0x1b: {  	s9 =	sadd.s32 $0xFFFFFEF7, lr;
	s5 =	simm.s32 $0xFFFFFFFF;
	p2 =	slt.u32 s8, $0xFFFFF086  }
0x1c: {  	p1 =	slt.u32 s9, $0xF7A;
	s5 =	simm.s32 @!p2 $0x0  }
0x1d: {  	s5 =	simm.s32 @p1 $0x1;
	p0 =	seq.s32 s7, s2  }
0x1e: {  	s7 =	smul.u32 @!p0 $0xF7A, s2;
	p2 =	seq.s32 @!p0 s5, $0x0  }
0x1f: {  	s9 =	smul.u32 $0xF7A, s1;
	s8 =	simm.s32 @!p0 $0x1BF5;
	p2 =	por !p2, p0  }
0x20: {  	[sflag:s8] =	ssyncset.s32 @!p0 $0xFFFFF086;
	s6 =	sadd.s32 @!p0 s3, s7;
	s7 =	simm.s32 @!p0 $0x108  }
0x21: {  	s3 =	sadd.s32 s3, s9;
	s6 =	sadd.s32 @!p0 $0x88, s6;
	s7 =	simm.s32 @p2 $0x1082  }
0x22: {  	[simem:s7], [sflag:s8] =	dma.local @!p0 [hbm:s6], $0xF7A  }
0x23: {  	s9 =	sor.u32 $0xD0000000, s2;
	s6 =	simm.s32 $0x108;
	_ =	swait.ge @!p0 [sflag:s8], $0x0  }
0x24: {  	s3 =	sadd.s32 $0x88, s3;
	s6 =	simm.s32 @!p1 $0x1082;
	[sflag:s4] =	ssyncset.s32 $0xFFFFF086  }
0x25: {  	[simem:s6], [sflag:s4] =	dma.local [hbm:s3], $0xF7A  }
0x26: {  	[smem:$0x3F94] =	sst s1;
	(tag) =	ssettag s2;
	_ =	strace s9  }
0x27: {  	s1 =	sld [smem:$0x3FA4]  }
0x28: {  	s2 =	sld [smem:$0x3FA5]  }
0x29: {  	s4 =	sld [smem:$0x3FA7]  }
0x2a: {  	p0 =	seq.s32 s5, $0x0;
	s5 =	sld [smem:$0x3FA8]  }
0x2b: {  	s6 =	sld [smem:$0x3FA9]  }
0x2c: {  	s7 =	sld [smem:$0x3FAA]  }
0x2d: {  	s3 =	simm.s32 $0x108;
	s8 =	sld [smem:$0x3FAB]  }
0x2e: {  	s3 =	simm.s32 @!p0 $0x1082;
	s9 =	sld [smem:$0x3FAC]  }
0x2f: {  	lr =	sadd.s32 s0, s3;
	s0 =	sld [smem:$0x3FA3]  }
0x30: {  	s3 =	sld [smem:$0x3FA6]  }
0x31: {  	[smem:$0x3FAF] =	sst s10  }
0x32: {  	s10 =	sld [smem:$0x3FAD];
	_ =	sdelay $0x3  }
0x33: {  	p0 =	seq.s32 s10, $0x1;
	s10 =	sld [smem:$0x3FAF];
	_ =	sdelay $0x3  }
0x34: {  	[smem:$0x3FAF] =	sst s10  }
0x35: {  	s10 =	sld [smem:$0x3FAE];
	_ =	sdelay $0x3  }
0x36: {  	p1 =	seq.s32 s10, $0x1;
	s10 =	sld [smem:$0x3FAF];
	_ =	sdelay $0x3  }
0x37: {  	[smem:$0x3FAF] =	sst s10  }
0x38: {  	s10 =	sld [smem:$0x3FB0]  }
0x39: {  	_ = 	snop;
	(pc) =	sbr.ind lr, $3  }
0x3a: {  	_ = 	snop  }
0x3b: {  	_ = 	snop  }
0x3c: {  	p2 =	seq.s32 s10, $0x1;
	s10 =	sld [smem:$0x3FAF]  }
0x3d: {  	_ =	shalt  }
0x3e: {  	_ =	shalt  }
0x3f: {  	_ =	shalt  }
0x40: {  	_ =	shalt  }
0x41: {  	_ =	shalt  }
0x42: {  	_ =	shalt  }
0x43: {  	_ =	shalt  }
0x44: {  	_ =	shalt  }
0x45: {  	_ =	shalt  }
0x46: {  	_ =	shalt  }
0x47: {  	_ =	shalt  }
0x48: {  	_ =	shalt  }
0x49: {  	_ =	shalt  }
0x4a: {  	_ =	shalt  }
0x4b: {  	_ =	shalt  }
0x4c: {  	_ =	shalt  }
0x4d: {  	_ =	shalt  }
0x4e: {  	_ =	shalt  }
0x4f: {  	_ =	shalt  }
0x50: {  	_ =	shalt  }
0x51: {  	_ =	shalt  }
0x52: {  	_ =	shalt  }
0x53: {  	_ =	shalt  }
0x54: {  	_ =	shalt  }
0x55: {  	_ =	shalt  }
0x56: {  	_ =	shalt  }
0x57: {  	_ =	shalt  }
0x58: {  	_ =	shalt  }
0x59: {  	_ =	shalt  }
0x5a: {  	_ =	shalt  }
0x5b: {  	_ =	shalt  }
0x5c: {  	_ =	shalt  }
0x5d: {  	_ =	shalt  }
0x5e: {  	_ =	shalt  }
0x5f: {  	_ =	shalt  }
0x60: {  	_ =	shalt  }
0x61: {  	_ =	shalt  }
0x62: {  	_ =	shalt  }
0x63: {  	_ =	shalt  }
0x64: {  	_ =	shalt  }
0x65: {  	_ =	shalt  }
0x66: {  	_ =	shalt  }
0x67: {  	_ =	shalt  }
0x68: {  	_ =	shalt  }
0x69: {  	_ =	shalt  }
0x6a: {  	_ =	shalt  }
0x6b: {  	_ =	shalt  }
0x6c: {  	_ =	shalt  }
0x6d: {  	_ =	shalt  }
0x6e: {  	_ =	shalt  }
0x6f: {  	_ =	shalt  }
0x70: {  	_ =	shalt  }
0x71: {  	_ =	shalt  }
0x72: {  	_ =	shalt  }
0x73: {  	_ =	shalt  }
0x74: {  	_ =	shalt  }
0x75: {  	_ =	shalt  }
0x76: {  	_ =	shalt  }
0x77: {  	_ =	shalt  }
0x78: {  	_ =	shalt  }
0x79: {  	_ =	shalt  }
0x7a: {  	_ =	shalt  }
0x7b: {  	_ =	shalt  }
0x7c: {  	_ =	shalt  }
0x7d: {  	_ =	shalt  }
0x7e: {  	_ =	shalt  }
0x7f: {  	_ =	shalt  }
0x80: {  	_ =	shalt  }
0x81: {  	_ =	shalt  }
0x82: {  	_ =	shalt  }
0x83: {  	_ =	shalt  }
0x84: {  	_ =	shalt  }
0x85: {  	_ =	shalt  }
0x86: {  	_ =	shalt  }
0x87: {  	_ =	shalt  }
.Lfunc_end0:
.L_simem_size_0:
called_computation_lowered:
.L_overlay_start_0:
0x88: {  	s2 =	sld [smem:$0x3FD9]  }
0x89: {  	s3 =	sld [smem:$0x3FFE];
	_ =	sdelay $0x1  }
0x8a: {  	s1 =	srdreg.scid  }
0x8b: {  	s0 =	sand.u32 $0x1, s1  }
0x8c: {  	s17 =	sshll.u32 s0, $0xA;
	s2 =	sadd.s32 s3, s2  }
0x8d: {  	s2 =	sadd.s32 s2, s17  }
0x8e: {  	[smem:$0x3FBB] =	sst s2  }
0x8f: {  	_ = 	snop  }
0x90: {  	(tm) =	ssettm $0x1  }
0x91: {  	s18 =	sld [smem:$0x3FFB];
	_ =	sdelay $0x3  }
0x92: {  	_ =	strace s18  }
0x93: {  	s2 =	sld [smem:$0x3FFC];
	_ =	sdelay $0x3  }
0x94: {  	_ =	strace s2  }
0x95: {  	s2 =	sld [smem:$0x3FFD];
	_ =	sdelay $0x3  }
0x96: {  	_ =	strace s2  }
0x97: {  	_ =	strace $0x8FFFFFFF  }
0x98: {  	s19 =	sld [smem:$0x3FDB];
	_ =	sdelay $0x1  }
0x99: {  	s20 =	simm.s32 $_scs_section_size  }
0x9a: {  	s4 =	simm.s32 $_size__tile_overlayer_lowered;
	s5 =	simm.s32 $_tile_overlayer_lowered  }
0x9b: {  	s6 =	simm.s32 $0x1BFF;
	s21 =	sshll.u32 s5, $0x1;
	s3 =	sadd.s32 s20, s19  }
0x9c: {  	s22 =	simm.s32 $0x0;
	s4 =	sshll.u32 s4, $0x1;
	s5 =	sadd.s32 s21, s3  }
0x9d: {  	[timem:s22], [sflag:s6] =	dma.local [hbm:s5], s4  }
0x9e: {  	_ =	swait.ge [sflag:s6], s4  }
0x9f: {  	s4 =	ssub.s32 $0x0, s4;
	[sflag:s6] =	ssyncset.done $0x0  }
0xa0: {  	[sflag:s6] =	ssyncadd.s32 s4;
	_ =	sdelay $0x1  }
0xa1: {  	s23 =	simm.s32 $0x1B8B  }
0xa2: {  	_ =	swait.ge [sflag:s23], $0x1  }
0xa3: {  	[sflag:s23] =	ssyncset.done $0x0  }
0xa4: {  	[sflag:s23] =	ssyncadd.s32 $0xFFFFFFFF  }
0xa5: {  	s4 =	sld [smem:$0x0]  }
0xa6: {  	s5 =	sand.u32 $0xFFFFFFFE, s1  }
0xa7: {  	p0 =	sne.s32 s1, s5  }
0xa8: {  	s5 =	sshll.u32 @p0 s5, $0xE  }
0xa9: {  	s5 =	sadd.s32 @p0 $0x11B8D, s5;
	s6 =	sshll.u32 @p0 s4, $0x11  }
0xaa: {  	s5 =	sor.u32 @p0 s6, s5  }
0xab: {  	[sflag:s5] =	ssyncadd.remote.s32 @p0 $0x1;
	_ =	sdelay $0x1  }
0xac: {  	s5 =	simm.s32 @p0 $0x1B8D  }
0xad: {  	_ =	swait.eq @p0 [sflag:s5], $0x1  }
0xae: {  	[sflag:s5] =	ssyncadd.s32 @p0 $0xFFFFFFFF  }
0xaf: {  	s6 =	sshll.u32 @!p0 s1, $0xE  }
0xb0: {  	s6 =	sor.u32 @!p0 $0x4000, s6;
	s5 =	simm.s32 @!p0 $0x1B8D  }
0xb1: {  	s4 =	sshll.u32 @!p0 s4, $0x11;
	s6 =	sadd.s32 @!p0 $0x11B8D, s6;
	_ =	swait.eq @!p0 [sflag:s5], $0x1  }
0xb2: {  	s4 =	sor.u32 @!p0 s4, s6;
	[sflag:s5] =	ssyncadd.s32 @!p0 $0xFFFFFFFF  }
0xb3: {  	s25 =	simm.s32 $0x1B8E;
	s24 =	sld [smem:$0x3FFE];
	[sflag:s4] =	ssyncadd.remote.s32 @!p0 $0x1  }
0xb4: {  	s26 =	simm.s32 $execute0_lowered;
	[smem:$0x3FD2] =	sst s25  }
0xb5: {  	s5 =	sshll.u32 s26, $0x1;
	_ =	strace $0x80000049;
	[dreg:$0x1] =	wrdreg $0xFFFFFFFF  }
0xb6: {  	s28 =	simm.s32 $_size_execute0_lowered;
	s3 =	sadd.s32 s3, s5;
	[dreg:$0x0] =	wrdreg $0x0  }
0xb7: {  	s5 =	sshll.u32 s28, $0x1;
	[dreg:$0x2] =	wrdreg s3  }
0xb8: {  	[dreg:$0x3] =	wrdreg s5  }
0xb9: {  	[dreg:$0x4] =	wrdreg $0xC0  }
0xba: {  	_ =	task [dreg:s22], $0x5FFFF  }
0xbb: {  	[dreg:$0x1] =	wrdreg $0xFFFFFFFF  }
0xbc: {  	[dreg:$0x0] =	wrdreg $0x60  }
0xbd: {  	[dreg:$0x2] =	wrdreg s24  }
0xbe: {  	[dreg:$0x3] =	wrdreg $0x9  }
0xbf: {  	_ =	task.clear_ibuf [dreg:s22], $0x4FFFF;
	_ =	strace $0x90000049  }
0xc0: {  	s29 =	simm.s32 $0x9;
	_ =	strace $0x8000004B  }
0xc1: {  	_ =	swait.ge [sflag:s29], $0x1  }
0xc2: {  	[sflag:s29] =	ssyncadd.s32 $0xFFFFFFFF  }
0xc3: {  	_ =	strace $0x9000004B  }
0xc4: {  	_ =	sfence  }
0xc5: {  	s30 =	sld [smem:$0x0];
	_ =	sdelay $0x2  }
0xc6: {  	s31 =	sshll.u32 s1, $0xD;
	s1 =	sshrl.u32 s1, $0x2  }
0xc7: {  	s4 =	sand.u32 $0x4000, s31;
	s1 =	sadd.s32 s1, s30  }
0xc8: {  	s0 =	sor.u32 s4, s0;
	s1 =	sshll.u32 s1, $0x11  }
0xc9: {  	s0 =	sor.u32 s1, s0  }
0xca: {  	s0 =	sadd.s32 $0x8F2B, s0  }
0xcb: {  	[sflag:s0] =	ssyncadd.remote.s32 $0x1  }
0xcc: {  	_ =	sfence.sel $0xFFFF  }
0xcd: {  	[dreg:$0x0] =	wrdreg $0xFFFFFFFF;
	(pc) =	sbr.abs _section_cstart, $3  }
0xce: {  	[dreg:$0x1] =	wrdreg $0xFFFFFFFF  }
0xcf: {  	_ =	task.clear_ibuf [dreg:s22], $0x2FFFF;
	_ =	strace $0x9FFFFFFF  }
0xd0: {  	(tm) =	ssettm $0x7FFFFFFF  }
0xd1: {  	_ =	shalt  }
tec
execute0_lowered:
.L_overlay_start_1:
0x0: {  	(tag) =	ssettag $0x1  }
0x1: {  	s1 =	srdreg.scid  }
0x2: {  	s0 =	stileid.u32;
	s4 =	rddreg [dreg:$0x0]  }
0x3: {  	s2 =	simm.s32 $0x0;
	s11 =	simm.s32 $0x5;
	s12 =	simm.s32 $0x380  }
0x4: {  	s13 =	simm.s32 $0xD0;
	s14 =	simm.s32 $0x700;
	s15 =	simm.s32 $0x6F00  }
0x5: {  	s16 =	simm.s32 $0xD700;
	s17 =	simm.s32 $0x450;
	s18 =	simm.s32 $0x13F00  }
0x6: {  	s19 =	simm.s32 $0x1;
	s20 =	simm.s32 $0x3;
	s21 =	simm.s32 $0x1A0  }
0x7: {  	s22 =	simm.s32 $0x520;
	s23 =	simm.s32 $0x2;
	s24 =	simm.s32 $0x4  }
0x8: {  	s25 =	simm.s32 $0x270;
	s5 =	sand.u32 $0x1, s1;
	s3 =	sshll.u32 s0, $0x1  }
0x9: {  	s26 =	simm.s32 $0x5F0;
	s1 =	rddreg [dreg:$0x1];
	s6 =	sor.u32 s5, s3  }
0xa: {  	s28 =	simm.s32 $0x0;
	[smem:$0x7FF] =	sst s2;
	s7 =	smul.u32 $0x68, s6  }
0xb: {  	s9 =	sadd.s32 $0xD4400, s4;
	s5 =	ssub.s32 $0x2, s5;
	s8 =	smul.u32 $0x1A000, s6  }
0xc: {  	_ =	strace $0x8000004A;
	s31 =	sshrl.u32 s5, $0x1;
	s6 =	smul.u32 $0x3400, s6  }
0xd: {  	s3 =	sadd.s32 $0x4E00, s4;
	s10 =	ssub.s32 s5, s31;
	s7 =	sadd.s32 s7, s4  }
0xe: {  	s8 =	sshrl.u32 s8, $0x3;
	s6 =	sadd.s32 s9, s6;
	s10 =	smax.u32 s10, $0x1  }
0xf: {  	s4 =	sadd.s32 $0xD2800, s7;
	s5 =	sadd.s32 $0xD3600, s7;
	s9 =	sadd.s32 s9, s8  }
0x10: {  	s7 =	sadd.s32 $0xD00, s9;
	s8 =	sadd.s32 $0x1A00, s9;
	s9 =	sadd.s32 $0x2700, s9  }
.LBB2_1:
0x11: {  	[tilespmem:s2], [sflag:$0x5] =	stream.linear.gather [hbm4b:s4+s2], $0x340, $0x38;
	[tilespmem:$0x1A700] =	vst v63  }
0x12: {  	_ =	swait.ge [sflag:s11], $0x340  }
0x13: {  	[sflag:s11] =	ssyncset.done $0x0  }
0x14: {  	[sflag:s11] =	ssyncadd.s32 $0xFFFFFCC0  }
0x15: {  	[tilespmem:s12], [sflag:$0x5] =	stream.linear.gather [hbm4b:s5+s2], $0x340, $0x38;
	[tilespmem:$0x1A700] =	vst v63  }
0x16: {  	_ =	swait.ge [sflag:s11], $0x340  }
0x17: {  	[sflag:s11] =	ssyncset.done $0x0  }
0x18: {  	[sflag:s11] =	ssyncadd.s32 $0xFFFFFCC0  }
0x19: {  	[tilespmem:s14], [sflag:$0x1] =	stream.indirect.gather [hbm4b:s3+s13], $0x80, s2, s13, $0xb8;
	[tilespmem:$0x1A700] =	vst v63  }
0x1a: {  	_ = 	snop  }
0x1b: {  	[tilespmem:s15], [sflag:$0x1] =	stream.indirect.gather [hbm4b:s3+s13], $0x80, s12, s13, $0xb8;
	[tilespmem:$0x1A700] =	vst v63  }
0x1c: {  	_ = 	snop  }
0x1d: {  	[tilespmem:s16], [sflag:$0x2] =	stream.indirect.gather [hbm4b:s3+s13], $0x80, s13, s13, $0xb8;
	[tilespmem:$0x1A700] =	vst v63  }
0x1e: {  	_ = 	snop  }
0x1f: {  	[tilespmem:s18], [sflag:$0x2] =	stream.indirect.gather [hbm4b:s3+s13], $0x80, s17, s13, $0xb8;
	[tilespmem:$0x1A700] =	vst v63  }
0x20: {  	_ =	swait.ge [sflag:s19], $0x6800  }
0x21: {  	[sflag:s19] =	ssyncset.done $0x0  }
0x22: {  	[sflag:s19] =	ssyncadd.s32 $0xFFFF9800  }
0x23: {  	_ =	swait.ge [sflag:s19], $0x6800  }
0x24: {  	[sflag:s19] =	ssyncset.done $0x0  }
0x25: {  	s30 =	simm.s32 $0x7100;
	[sflag:s19] =	ssyncadd.s32 $0xFFFF9800  }
0x26: {  	v0 =	vld [tilespmem:s30+$0xFFFFFE00];
	_ =	sdelay $0x3  }
0x27: {  	s29 =	simm.s32 $0x940  }
0x28: {  	[tilespmem:s29+$0xFFFFFE00] =	vst v0  }
0x29: {  	v0 =	vld [tilespmem:s30+$0xFFFFFE10];
	_ =	sdelay $0x4  }
0x2a: {  	[tilespmem:s29+$0xFFFFFE10] =	vst v0  }
0x2b: {  	v0 =	vld [tilespmem:s30+$0xFFFFFE20];
	_ =	sdelay $0x4  }
0x2c: {  	[tilespmem:s29+$0xFFFFFE20] =	vst v0  }
0x2d: {  	v0 =	vld [tilespmem:s30+$0xFFFFFE30];
	_ =	sdelay $0x4  }
0x2e: {  	[tilespmem:s29+$0xFFFFFE30] =	vst v0  }
0x2f: {  	v0 =	vld [tilespmem:s30+$0xFFFFFE80];
	_ =	sdelay $0x4  }
0x30: {  	[tilespmem:s29+$0xFFFFFE80] =	vst v0  }
0x31: {  	v0 =	vld [tilespmem:s30+$0xFFFFFE90];
	_ =	sdelay $0x4  }
0x32: {  	[tilespmem:s29+$0xFFFFFE90] =	vst v0  }
0x33: {  	v0 =	vld [tilespmem:s30+$0xFFFFFEA0];
	_ =	sdelay $0x4  }
0x34: {  	[tilespmem:s29+$0xFFFFFEA0] =	vst v0  }
0x35: {  	v0 =	vld [tilespmem:s30+$0xFFFFFEB0];
	_ =	sdelay $0x4  }
0x36: {  	[tilespmem:s29+$0xFFFFFEB0] =	vst v0  }
0x37: {  	v0 =	vld [tilespmem:s30+$0xFFFFFF00];
	_ =	sdelay $0x4  }
0x38: {  	[tilespmem:s29+$0xFFFFFF00] =	vst v0  }
0x39: {  	v0 =	vld [tilespmem:s30+$0xFFFFFF10];
	_ =	sdelay $0x4  }
0x3a: {  	[tilespmem:s29+$0xFFFFFF10] =	vst v0  }
0x3b: {  	v0 =	vld [tilespmem:s30+$0xFFFFFF20];
	_ =	sdelay $0x4  }
0x3c: {  	[tilespmem:s29+$0xFFFFFF20] =	vst v0  }
0x3d: {  	v0 =	vld [tilespmem:s30+$0xFFFFFF30];
	_ =	sdelay $0x4  }
0x3e: {  	[tilespmem:s29+$0xFFFFFF30] =	vst v0  }
0x3f: {  	v0 =	vld [tilespmem:s30+$0xFFFFFF80];
	_ =	sdelay $0x4  }
0x40: {  	[tilespmem:s29+$0xFFFFFF80] =	vst v0  }
0x41: {  	v0 =	vld [tilespmem:s30+$0xFFFFFF90];
	_ =	sdelay $0x4  }
0x42: {  	[tilespmem:s29+$0xFFFFFF90] =	vst v0  }
0x43: {  	v0 =	vld [tilespmem:s30+$0xFFFFFFA0];
	_ =	sdelay $0x4  }
0x44: {  	[tilespmem:s29+$0xFFFFFFA0] =	vst v0  }
0x45: {  	v0 =	vld [tilespmem:s30+$0xFFFFFFB0];
	_ =	sdelay $0x4  }
0x46: {  	[tilespmem:s29+$0xFFFFFFB0] =	vst v0  }
0x47: {  	v0 =	vld [tilespmem:s30+$0x0];
	_ =	sdelay $0x4  }
0x48: {  	[tilespmem:s29+$0x0] =	vst v0  }
0x49: {  	v0 =	vld [tilespmem:s30+$0x10];
	_ =	sdelay $0x4  }
0x4a: {  	[tilespmem:s29+$0x10] =	vst v0  }
0x4b: {  	v0 =	vld [tilespmem:s30+$0x20];
	_ =	sdelay $0x4  }
0x4c: {  	[tilespmem:s29+$0x20] =	vst v0  }
0x4d: {  	v0 =	vld [tilespmem:s30+$0x30];
	_ =	sdelay $0x4  }
0x4e: {  	[tilespmem:s29+$0x30] =	vst v0  }
0x4f: {  	v0 =	vld [tilespmem:s30+$0x80];
	_ =	sdelay $0x4  }
0x50: {  	[tilespmem:s29+$0x80] =	vst v0  }
0x51: {  	v0 =	vld [tilespmem:s30+$0x90];
	_ =	sdelay $0x4  }
0x52: {  	[tilespmem:s29+$0x90] =	vst v0  }
0x53: {  	v0 =	vld [tilespmem:s30+$0xA0];
	_ =	sdelay $0x4  }
0x54: {  	[tilespmem:s29+$0xA0] =	vst v0  }
0x55: {  	v0 =	vld [tilespmem:s30+$0xB0];
	_ =	sdelay $0x4  }
0x56: {  	[tilespmem:s29+$0xB0] =	vst v0  }
0x57: {  	v0 =	vld [tilespmem:s30+$0x100];
	_ =	sdelay $0x4  }
0x58: {  	[tilespmem:s29+$0x100] =	vst v0  }
0x59: {  	v0 =	vld [tilespmem:s30+$0x110];
	_ =	sdelay $0x4  }
0x5a: {  	[tilespmem:s29+$0x110] =	vst v0  }
0x5b: {  	v0 =	vld [tilespmem:s30+$0x120];
	_ =	sdelay $0x4  }
0x5c: {  	[tilespmem:s29+$0x120] =	vst v0  }
0x5d: {  	v0 =	vld [tilespmem:s30+$0x130];
	_ =	sdelay $0x4  }
0x5e: {  	[tilespmem:s29+$0x130] =	vst v0  }
0x5f: {  	v0 =	vld [tilespmem:s30+$0x180];
	_ =	sdelay $0x4  }
0x60: {  	[tilespmem:s29+$0x180] =	vst v0  }
0x61: {  	v0 =	vld [tilespmem:s30+$0x190];
	_ =	sdelay $0x4  }
0x62: {  	[tilespmem:s29+$0x190] =	vst v0  }
0x63: {  	v0 =	vld [tilespmem:s30+$0x1A0];
	_ =	sdelay $0x4  }
0x64: {  	[tilespmem:s29+$0x1A0] =	vst v0  }
0x65: {  	v0 =	vld [tilespmem:s30+$0x1B0];
	_ =	sdelay $0x4  }
0x66: {  	s31 =	simm.s32 $0x7500;
	s30 =	simm.s32 $0x0;
	[tilespmem:s29+$0x1B0] =	vst v0  }
.LBB2_2:
0x67: {  	v0 =	vld [tilespmem:s31+$0xFFFFFE00];
	s30 =	sadd.s32 $0x8, s30  }
0x68: {  	p0 =	slt.u32 s30, $0xC8;
	_ =	sdelay $0x2  }
0x69: {  	s29 =	sadd.s32 $0x400, s29  }
0x6a: {  	[tilespmem:s29+$0xFFFFFE00] =	vst v0  }
0x6b: {  	v0 =	vld [tilespmem:s31+$0xFFFFFE10];
	_ =	sdelay $0x4  }
0x6c: {  	[tilespmem:s29+$0xFFFFFE10] =	vst v0  }
0x6d: {  	v0 =	vld [tilespmem:s31+$0xFFFFFE20];
	_ =	sdelay $0x4  }
0x6e: {  	[tilespmem:s29+$0xFFFFFE20] =	vst v0  }
0x6f: {  	v0 =	vld [tilespmem:s31+$0xFFFFFE30];
	_ =	sdelay $0x4  }
0x70: {  	[tilespmem:s29+$0xFFFFFE30] =	vst v0  }
0x71: {  	v0 =	vld [tilespmem:s31+$0xFFFFFE80];
	_ =	sdelay $0x4  }
0x72: {  	[tilespmem:s29+$0xFFFFFE80] =	vst v0  }
0x73: {  	v0 =	vld [tilespmem:s31+$0xFFFFFE90];
	_ =	sdelay $0x4  }
0x74: {  	[tilespmem:s29+$0xFFFFFE90] =	vst v0  }
0x75: {  	v0 =	vld [tilespmem:s31+$0xFFFFFEA0];
	_ =	sdelay $0x4  }
0x76: {  	[tilespmem:s29+$0xFFFFFEA0] =	vst v0  }
0x77: {  	v0 =	vld [tilespmem:s31+$0xFFFFFEB0];
	_ =	sdelay $0x4  }
0x78: {  	[tilespmem:s29+$0xFFFFFEB0] =	vst v0  }
0x79: {  	v0 =	vld [tilespmem:s31+$0xFFFFFF00];
	_ =	sdelay $0x4  }
0x7a: {  	[tilespmem:s29+$0xFFFFFF00] =	vst v0  }
0x7b: {  	v0 =	vld [tilespmem:s31+$0xFFFFFF10];
	_ =	sdelay $0x4  }
0x7c: {  	[tilespmem:s29+$0xFFFFFF10] =	vst v0  }
0x7d: {  	v0 =	vld [tilespmem:s31+$0xFFFFFF20];
	_ =	sdelay $0x4  }
0x7e: {  	[tilespmem:s29+$0xFFFFFF20] =	vst v0  }
0x7f: {  	v0 =	vld [tilespmem:s31+$0xFFFFFF30];
	_ =	sdelay $0x4  }
0x80: {  	[tilespmem:s29+$0xFFFFFF30] =	vst v0  }
0x81: {  	v0 =	vld [tilespmem:s31+$0xFFFFFF80];
	_ =	sdelay $0x4  }
0x82: {  	[tilespmem:s29+$0xFFFFFF80] =	vst v0  }
0x83: {  	v0 =	vld [tilespmem:s31+$0xFFFFFF90];
	_ =	sdelay $0x4  }
0x84: {  	[tilespmem:s29+$0xFFFFFF90] =	vst v0  }
0x85: {  	v0 =	vld [tilespmem:s31+$0xFFFFFFA0];
	_ =	sdelay $0x4  }
0x86: {  	[tilespmem:s29+$0xFFFFFFA0] =	vst v0  }
0x87: {  	v0 =	vld [tilespmem:s31+$0xFFFFFFB0];
	_ =	sdelay $0x4  }
0x88: {  	[tilespmem:s29+$0xFFFFFFB0] =	vst v0  }
0x89: {  	v0 =	vld [tilespmem:s31+$0x0];
	_ =	sdelay $0x4  }
0x8a: {  	[tilespmem:s29+$0x0] =	vst v0  }
0x8b: {  	v0 =	vld [tilespmem:s31+$0x10];
	_ =	sdelay $0x4  }
0x8c: {  	[tilespmem:s29+$0x10] =	vst v0  }
0x8d: {  	v0 =	vld [tilespmem:s31+$0x20];
	_ =	sdelay $0x4  }
0x8e: {  	[tilespmem:s29+$0x20] =	vst v0  }
0x8f: {  	v0 =	vld [tilespmem:s31+$0x30];
	_ =	sdelay $0x4  }
0x90: {  	[tilespmem:s29+$0x30] =	vst v0  }
0x91: {  	v0 =	vld [tilespmem:s31+$0x80];
	_ =	sdelay $0x4  }
0x92: {  	[tilespmem:s29+$0x80] =	vst v0  }
0x93: {  	v0 =	vld [tilespmem:s31+$0x90];
	_ =	sdelay $0x4  }
0x94: {  	[tilespmem:s29+$0x90] =	vst v0  }
0x95: {  	v0 =	vld [tilespmem:s31+$0xA0];
	_ =	sdelay $0x4  }
0x96: {  	[tilespmem:s29+$0xA0] =	vst v0  }
0x97: {  	v0 =	vld [tilespmem:s31+$0xB0];
	_ =	sdelay $0x4  }
0x98: {  	[tilespmem:s29+$0xB0] =	vst v0  }
0x99: {  	v0 =	vld [tilespmem:s31+$0x100];
	_ =	sdelay $0x4  }
0x9a: {  	[tilespmem:s29+$0x100] =	vst v0  }
0x9b: {  	v0 =	vld [tilespmem:s31+$0x110];
	_ =	sdelay $0x4  }
0x9c: {  	[tilespmem:s29+$0x110] =	vst v0  }
0x9d: {  	v0 =	vld [tilespmem:s31+$0x120];
	_ =	sdelay $0x4  }
0x9e: {  	[tilespmem:s29+$0x120] =	vst v0  }
0x9f: {  	v0 =	vld [tilespmem:s31+$0x130];
	_ =	sdelay $0x4  }
0xa0: {  	[tilespmem:s29+$0x130] =	vst v0  }
0xa1: {  	v0 =	vld [tilespmem:s31+$0x180];
	_ =	sdelay $0x4  }
0xa2: {  	[tilespmem:s29+$0x180] =	vst v0  }
0xa3: {  	v0 =	vld [tilespmem:s31+$0x190];
	_ =	sdelay $0x4  }
0xa4: {  	[tilespmem:s29+$0x190] =	vst v0  }
0xa5: {  	v0 =	vld [tilespmem:s31+$0x1A0];
	_ =	sdelay $0x4  }
0xa6: {  	[tilespmem:s29+$0x1A0] =	vst v0  }
0xa7: {  	v0 =	vld [tilespmem:s31+$0x1B0]  }
.Ltmp0:
0xa8: {  	(pc) =	sbr.rel @p0 .LBB2_2-.Ltmp0, $2  }
0xa9: {  	_ =	sdelay $0x2  }
0xaa: {  	s31 =	sadd.s32 $0x400, s31;
	[tilespmem:s29+$0x1B0] =	vst v0  }
0xab: {  	[hbm4b:s6+s2] =	stream.linear.scatter [tilespmem:s14], [sflag:$0x3], $0x6800, $0x38;
	[tilespmem:$0x1A700] =	vst v63  }
0xac: {  	_ =	swait.ge [sflag:s20], $0x6800  }
0xad: {  	[sflag:s20] =	ssyncset.done $0x0  }
0xae: {  	[sflag:s20] =	ssyncadd.s32 $0xFFFF9800  }
0xaf: {  	[tilespmem:s14], [sflag:$0x1] =	stream.indirect.gather [hbm4b:s3+s13], $0x80, s21, s13, $0xb8;
	[tilespmem:$0x1A700] =	vst v63  }
0xb0: {  	_ = 	snop  }
0xb1: {  	[tilespmem:s15], [sflag:$0x1] =	stream.indirect.gather [hbm4b:s3+s13], $0x80, s22, s13, $0xb8;
	[tilespmem:$0x1A700] =	vst v63  }
0xb2: {  	_ =	swait.ge [sflag:s23], $0x6800  }
0xb3: {  	[sflag:s23] =	ssyncset.done $0x0  }
0xb4: {  	[sflag:s23] =	ssyncadd.s32 $0xFFFF9800  }
0xb5: {  	_ =	swait.ge [sflag:s23], $0x6800  }
0xb6: {  	[sflag:s23] =	ssyncset.done $0x0  }
0xb7: {  	s30 =	simm.s32 $0x14100;
	[sflag:s23] =	ssyncadd.s32 $0xFFFF9800  }
0xb8: {  	v0 =	vld [tilespmem:s30+$0xFFFFFE00];
	_ =	sdelay $0x3  }
0xb9: {  	s29 =	simm.s32 $0xD940  }
0xba: {  	[tilespmem:s29+$0xFFFFFE00] =	vst v0  }
0xbb: {  	v0 =	vld [tilespmem:s30+$0xFFFFFE10];
	_ =	sdelay $0x4  }
0xbc: {  	[tilespmem:s29+$0xFFFFFE10] =	vst v0  }
0xbd: {  	v0 =	vld [tilespmem:s30+$0xFFFFFE20];
	_ =	sdelay $0x4  }
0xbe: {  	[tilespmem:s29+$0xFFFFFE20] =	vst v0  }
0xbf: {  	v0 =	vld [tilespmem:s30+$0xFFFFFE30];
	_ =	sdelay $0x4  }
0xc0: {  	[tilespmem:s29+$0xFFFFFE30] =	vst v0  }
0xc1: {  	v0 =	vld [tilespmem:s30+$0xFFFFFE80];
	_ =	sdelay $0x4  }
0xc2: {  	[tilespmem:s29+$0xFFFFFE80] =	vst v0  }
0xc3: {  	v0 =	vld [tilespmem:s30+$0xFFFFFE90];
	_ =	sdelay $0x4  }
0xc4: {  	[tilespmem:s29+$0xFFFFFE90] =	vst v0  }
0xc5: {  	v0 =	vld [tilespmem:s30+$0xFFFFFEA0];
	_ =	sdelay $0x4  }
0xc6: {  	[tilespmem:s29+$0xFFFFFEA0] =	vst v0  }
0xc7: {  	v0 =	vld [tilespmem:s30+$0xFFFFFEB0];
	_ =	sdelay $0x4  }
0xc8: {  	[tilespmem:s29+$0xFFFFFEB0] =	vst v0  }
0xc9: {  	v0 =	vld [tilespmem:s30+$0xFFFFFF00];
	_ =	sdelay $0x4  }
0xca: {  	[tilespmem:s29+$0xFFFFFF00] =	vst v0  }
0xcb: {  	v0 =	vld [tilespmem:s30+$0xFFFFFF10];
	_ =	sdelay $0x4  }
0xcc: {  	[tilespmem:s29+$0xFFFFFF10] =	vst v0  }
0xcd: {  	v0 =	vld [tilespmem:s30+$0xFFFFFF20];
	_ =	sdelay $0x4  }
0xce: {  	[tilespmem:s29+$0xFFFFFF20] =	vst v0  }
0xcf: {  	v0 =	vld [tilespmem:s30+$0xFFFFFF30];
	_ =	sdelay $0x4  }
0xd0: {  	[tilespmem:s29+$0xFFFFFF30] =	vst v0  }
0xd1: {  	v0 =	vld [tilespmem:s30+$0xFFFFFF80];
	_ =	sdelay $0x4  }
0xd2: {  	[tilespmem:s29+$0xFFFFFF80] =	vst v0  }
0xd3: {  	v0 =	vld [tilespmem:s30+$0xFFFFFF90];
	_ =	sdelay $0x4  }
0xd4: {  	[tilespmem:s29+$0xFFFFFF90] =	vst v0  }
0xd5: {  	v0 =	vld [tilespmem:s30+$0xFFFFFFA0];
	_ =	sdelay $0x4  }
0xd6: {  	[tilespmem:s29+$0xFFFFFFA0] =	vst v0  }
0xd7: {  	v0 =	vld [tilespmem:s30+$0xFFFFFFB0];
	_ =	sdelay $0x4  }
0xd8: {  	[tilespmem:s29+$0xFFFFFFB0] =	vst v0  }
0xd9: {  	v0 =	vld [tilespmem:s30+$0x0];
	_ =	sdelay $0x4  }
0xda: {  	[tilespmem:s29+$0x0] =	vst v0  }
0xdb: {  	v0 =	vld [tilespmem:s30+$0x10];
	_ =	sdelay $0x4  }
0xdc: {  	[tilespmem:s29+$0x10] =	vst v0  }
0xdd: {  	v0 =	vld [tilespmem:s30+$0x20];
	_ =	sdelay $0x4  }
0xde: {  	[tilespmem:s29+$0x20] =	vst v0  }
0xdf: {  	v0 =	vld [tilespmem:s30+$0x30];
	_ =	sdelay $0x4  }
0xe0: {  	[tilespmem:s29+$0x30] =	vst v0  }
0xe1: {  	v0 =	vld [tilespmem:s30+$0x80];
	_ =	sdelay $0x4  }
0xe2: {  	[tilespmem:s29+$0x80] =	vst v0  }
0xe3: {  	v0 =	vld [tilespmem:s30+$0x90];
	_ =	sdelay $0x4  }
0xe4: {  	[tilespmem:s29+$0x90] =	vst v0  }
0xe5: {  	v0 =	vld [tilespmem:s30+$0xA0];
	_ =	sdelay $0x4  }
0xe6: {  	[tilespmem:s29+$0xA0] =	vst v0  }
0xe7: {  	v0 =	vld [tilespmem:s30+$0xB0];
	_ =	sdelay $0x4  }
0xe8: {  	[tilespmem:s29+$0xB0] =	vst v0  }
0xe9: {  	v0 =	vld [tilespmem:s30+$0x100];
	_ =	sdelay $0x4  }
0xea: {  	[tilespmem:s29+$0x100] =	vst v0  }
0xeb: {  	v0 =	vld [tilespmem:s30+$0x110];
	_ =	sdelay $0x4  }
0xec: {  	[tilespmem:s29+$0x110] =	vst v0  }
0xed: {  	v0 =	vld [tilespmem:s30+$0x120];
	_ =	sdelay $0x4  }
0xee: {  	[tilespmem:s29+$0x120] =	vst v0  }
0xef: {  	v0 =	vld [tilespmem:s30+$0x130];
	_ =	sdelay $0x4  }
0xf0: {  	[tilespmem:s29+$0x130] =	vst v0  }
0xf1: {  	v0 =	vld [tilespmem:s30+$0x180];
	_ =	sdelay $0x4  }
0xf2: {  	[tilespmem:s29+$0x180] =	vst v0  }
0xf3: {  	v0 =	vld [tilespmem:s30+$0x190];
	_ =	sdelay $0x4  }
0xf4: {  	[tilespmem:s29+$0x190] =	vst v0  }
0xf5: {  	v0 =	vld [tilespmem:s30+$0x1A0];
	_ =	sdelay $0x4  }
0xf6: {  	[tilespmem:s29+$0x1A0] =	vst v0  }
0xf7: {  	v0 =	vld [tilespmem:s30+$0x1B0];
	_ =	sdelay $0x4  }
0xf8: {  	s31 =	simm.s32 $0x14500;
	s30 =	simm.s32 $0x0;
	[tilespmem:s29+$0x1B0] =	vst v0  }
.LBB2_4:
0xf9: {  	v0 =	vld [tilespmem:s31+$0xFFFFFE00];
	s30 =	sadd.s32 $0x8, s30  }
0xfa: {  	p0 =	slt.u32 s30, $0xC8;
	_ =	sdelay $0x2  }
0xfb: {  	s29 =	sadd.s32 $0x400, s29  }
0xfc: {  	[tilespmem:s29+$0xFFFFFE00] =	vst v0  }
0xfd: {  	v0 =	vld [tilespmem:s31+$0xFFFFFE10];
	_ =	sdelay $0x4  }
0xfe: {  	[tilespmem:s29+$0xFFFFFE10] =	vst v0  }
0xff: {  	v0 =	vld [tilespmem:s31+$0xFFFFFE20];
	_ =	sdelay $0x4  }
0x100: {  	[tilespmem:s29+$0xFFFFFE20] =	vst v0  }
0x101: {  	v0 =	vld [tilespmem:s31+$0xFFFFFE30];
	_ =	sdelay $0x4  }
0x102: {  	[tilespmem:s29+$0xFFFFFE30] =	vst v0  }
0x103: {  	v0 =	vld [tilespmem:s31+$0xFFFFFE80];
	_ =	sdelay $0x4  }
0x104: {  	[tilespmem:s29+$0xFFFFFE80] =	vst v0  }
0x105: {  	v0 =	vld [tilespmem:s31+$0xFFFFFE90];
	_ =	sdelay $0x4  }
0x106: {  	[tilespmem:s29+$0xFFFFFE90] =	vst v0  }
0x107: {  	v0 =	vld [tilespmem:s31+$0xFFFFFEA0];
	_ =	sdelay $0x4  }
0x108: {  	[tilespmem:s29+$0xFFFFFEA0] =	vst v0  }
0x109: {  	v0 =	vld [tilespmem:s31+$0xFFFFFEB0];
	_ =	sdelay $0x4  }
0x10a: {  	[tilespmem:s29+$0xFFFFFEB0] =	vst v0  }
0x10b: {  	v0 =	vld [tilespmem:s31+$0xFFFFFF00];
	_ =	sdelay $0x4  }
0x10c: {  	[tilespmem:s29+$0xFFFFFF00] =	vst v0  }
0x10d: {  	v0 =	vld [tilespmem:s31+$0xFFFFFF10];
	_ =	sdelay $0x4  }
0x10e: {  	[tilespmem:s29+$0xFFFFFF10] =	vst v0  }
0x10f: {  	v0 =	vld [tilespmem:s31+$0xFFFFFF20];
	_ =	sdelay $0x4  }
0x110: {  	[tilespmem:s29+$0xFFFFFF20] =	vst v0  }
0x111: {  	v0 =	vld [tilespmem:s31+$0xFFFFFF30];
	_ =	sdelay $0x4  }
0x112: {  	[tilespmem:s29+$0xFFFFFF30] =	vst v0  }
0x113: {  	v0 =	vld [tilespmem:s31+$0xFFFFFF80];
	_ =	sdelay $0x4  }
0x114: {  	[tilespmem:s29+$0xFFFFFF80] =	vst v0  }
0x115: {  	v0 =	vld [tilespmem:s31+$0xFFFFFF90];
	_ =	sdelay $0x4  }
0x116: {  	[tilespmem:s29+$0xFFFFFF90] =	vst v0  }
0x117: {  	v0 =	vld [tilespmem:s31+$0xFFFFFFA0];
	_ =	sdelay $0x4  }
0x118: {  	[tilespmem:s29+$0xFFFFFFA0] =	vst v0  }
0x119: {  	v0 =	vld [tilespmem:s31+$0xFFFFFFB0];
	_ =	sdelay $0x4  }
0x11a: {  	[tilespmem:s29+$0xFFFFFFB0] =	vst v0  }
0x11b: {  	v0 =	vld [tilespmem:s31+$0x0];
	_ =	sdelay $0x4  }
0x11c: {  	[tilespmem:s29+$0x0] =	vst v0  }
0x11d: {  	v0 =	vld [tilespmem:s31+$0x10];
	_ =	sdelay $0x4  }
0x11e: {  	[tilespmem:s29+$0x10] =	vst v0  }
0x11f: {  	v0 =	vld [tilespmem:s31+$0x20];
	_ =	sdelay $0x4  }
0x120: {  	[tilespmem:s29+$0x20] =	vst v0  }
0x121: {  	v0 =	vld [tilespmem:s31+$0x30];
	_ =	sdelay $0x4  }
0x122: {  	[tilespmem:s29+$0x30] =	vst v0  }
0x123: {  	v0 =	vld [tilespmem:s31+$0x80];
	_ =	sdelay $0x4  }
0x124: {  	[tilespmem:s29+$0x80] =	vst v0  }
0x125: {  	v0 =	vld [tilespmem:s31+$0x90];
	_ =	sdelay $0x4  }
0x126: {  	[tilespmem:s29+$0x90] =	vst v0  }
0x127: {  	v0 =	vld [tilespmem:s31+$0xA0];
	_ =	sdelay $0x4  }
0x128: {  	[tilespmem:s29+$0xA0] =	vst v0  }
0x129: {  	v0 =	vld [tilespmem:s31+$0xB0];
	_ =	sdelay $0x4  }
0x12a: {  	[tilespmem:s29+$0xB0] =	vst v0  }
0x12b: {  	v0 =	vld [tilespmem:s31+$0x100];
	_ =	sdelay $0x4  }
0x12c: {  	[tilespmem:s29+$0x100] =	vst v0  }
0x12d: {  	v0 =	vld [tilespmem:s31+$0x110];
	_ =	sdelay $0x4  }
0x12e: {  	[tilespmem:s29+$0x110] =	vst v0  }
0x12f: {  	v0 =	vld [tilespmem:s31+$0x120];
	_ =	sdelay $0x4  }
0x130: {  	[tilespmem:s29+$0x120] =	vst v0  }
0x131: {  	v0 =	vld [tilespmem:s31+$0x130];
	_ =	sdelay $0x4  }
0x132: {  	[tilespmem:s29+$0x130] =	vst v0  }
0x133: {  	v0 =	vld [tilespmem:s31+$0x180];
	_ =	sdelay $0x4  }
0x134: {  	[tilespmem:s29+$0x180] =	vst v0  }
0x135: {  	v0 =	vld [tilespmem:s31+$0x190];
	_ =	sdelay $0x4  }
0x136: {  	[tilespmem:s29+$0x190] =	vst v0  }
0x137: {  	v0 =	vld [tilespmem:s31+$0x1A0];
	_ =	sdelay $0x4  }
0x138: {  	[tilespmem:s29+$0x1A0] =	vst v0  }
0x139: {  	v0 =	vld [tilespmem:s31+$0x1B0]  }
.Ltmp1:
0x13a: {  	(pc) =	sbr.rel @p0 .LBB2_4-.Ltmp1, $2  }
0x13b: {  	_ =	sdelay $0x2  }
0x13c: {  	s31 =	sadd.s32 $0x400, s31;
	[tilespmem:s29+$0x1B0] =	vst v0  }
0x13d: {  	[hbm4b:s7+s2] =	stream.linear.scatter [tilespmem:s16], [sflag:$0x4], $0x6800, $0x38;
	[tilespmem:$0x1A700] =	vst v63  }
0x13e: {  	_ =	swait.ge [sflag:s24], $0x6800  }
0x13f: {  	[sflag:s24] =	ssyncset.done $0x0  }
0x140: {  	[sflag:s24] =	ssyncadd.s32 $0xFFFF9800  }
0x141: {  	[tilespmem:s16], [sflag:$0x2] =	stream.indirect.gather [hbm4b:s3+s13], $0x80, s25, s13, $0xb8;
	[tilespmem:$0x1A700] =	vst v63  }
0x142: {  	_ = 	snop  }
0x143: {  	[tilespmem:s18], [sflag:$0x2] =	stream.indirect.gather [hbm4b:s3+s13], $0x80, s26, s13, $0xb8;
	[tilespmem:$0x1A700] =	vst v63  }
0x144: {  	_ =	swait.ge [sflag:s19], $0x6800  }
0x145: {  	[sflag:s19] =	ssyncset.done $0x0  }
0x146: {  	[sflag:s19] =	ssyncadd.s32 $0xFFFF9800  }
0x147: {  	_ =	swait.ge [sflag:s19], $0x6800  }
0x148: {  	[sflag:s19] =	ssyncset.done $0x0  }
0x149: {  	s30 =	simm.s32 $0x7100;
	[sflag:s19] =	ssyncadd.s32 $0xFFFF9800  }
0x14a: {  	v0 =	vld [tilespmem:s30+$0xFFFFFE00];
	_ =	sdelay $0x3  }
0x14b: {  	s29 =	simm.s32 $0x940  }
0x14c: {  	[tilespmem:s29+$0xFFFFFE00] =	vst v0  }
0x14d: {  	v0 =	vld [tilespmem:s30+$0xFFFFFE10];
	_ =	sdelay $0x4  }
0x14e: {  	[tilespmem:s29+$0xFFFFFE10] =	vst v0  }
0x14f: {  	v0 =	vld [tilespmem:s30+$0xFFFFFE20];
	_ =	sdelay $0x4  }
0x150: {  	[tilespmem:s29+$0xFFFFFE20] =	vst v0  }
0x151: {  	v0 =	vld [tilespmem:s30+$0xFFFFFE30];
	_ =	sdelay $0x4  }
0x152: {  	[tilespmem:s29+$0xFFFFFE30] =	vst v0  }
0x153: {  	v0 =	vld [tilespmem:s30+$0xFFFFFE80];
	_ =	sdelay $0x4  }
0x154: {  	[tilespmem:s29+$0xFFFFFE80] =	vst v0  }
0x155: {  	v0 =	vld [tilespmem:s30+$0xFFFFFE90];
	_ =	sdelay $0x4  }
0x156: {  	[tilespmem:s29+$0xFFFFFE90] =	vst v0  }
0x157: {  	v0 =	vld [tilespmem:s30+$0xFFFFFEA0];
	_ =	sdelay $0x4  }
0x158: {  	[tilespmem:s29+$0xFFFFFEA0] =	vst v0  }
0x159: {  	v0 =	vld [tilespmem:s30+$0xFFFFFEB0];
	_ =	sdelay $0x4  }
0x15a: {  	[tilespmem:s29+$0xFFFFFEB0] =	vst v0  }
0x15b: {  	v0 =	vld [tilespmem:s30+$0xFFFFFF00];
	_ =	sdelay $0x4  }
0x15c: {  	[tilespmem:s29+$0xFFFFFF00] =	vst v0  }
0x15d: {  	v0 =	vld [tilespmem:s30+$0xFFFFFF10];
	_ =	sdelay $0x4  }
0x15e: {  	[tilespmem:s29+$0xFFFFFF10] =	vst v0  }
0x15f: {  	v0 =	vld [tilespmem:s30+$0xFFFFFF20];
	_ =	sdelay $0x4  }
0x160: {  	[tilespmem:s29+$0xFFFFFF20] =	vst v0  }
0x161: {  	v0 =	vld [tilespmem:s30+$0xFFFFFF30];
	_ =	sdelay $0x4  }
0x162: {  	[tilespmem:s29+$0xFFFFFF30] =	vst v0  }
0x163: {  	v0 =	vld [tilespmem:s30+$0xFFFFFF80];
	_ =	sdelay $0x4  }
0x164: {  	[tilespmem:s29+$0xFFFFFF80] =	vst v0  }
0x165: {  	v0 =	vld [tilespmem:s30+$0xFFFFFF90];
	_ =	sdelay $0x4  }
0x166: {  	[tilespmem:s29+$0xFFFFFF90] =	vst v0  }
0x167: {  	v0 =	vld [tilespmem:s30+$0xFFFFFFA0];
	_ =	sdelay $0x4  }
0x168: {  	[tilespmem:s29+$0xFFFFFFA0] =	vst v0  }
0x169: {  	v0 =	vld [tilespmem:s30+$0xFFFFFFB0];
	_ =	sdelay $0x4  }
0x16a: {  	[tilespmem:s29+$0xFFFFFFB0] =	vst v0  }
0x16b: {  	v0 =	vld [tilespmem:s30+$0x0];
	_ =	sdelay $0x4  }
0x16c: {  	[tilespmem:s29+$0x0] =	vst v0  }
0x16d: {  	v0 =	vld [tilespmem:s30+$0x10];
	_ =	sdelay $0x4  }
0x16e: {  	[tilespmem:s29+$0x10] =	vst v0  }
0x16f: {  	v0 =	vld [tilespmem:s30+$0x20];
	_ =	sdelay $0x4  }
0x170: {  	[tilespmem:s29+$0x20] =	vst v0  }
0x171: {  	v0 =	vld [tilespmem:s30+$0x30];
	_ =	sdelay $0x4  }
0x172: {  	[tilespmem:s29+$0x30] =	vst v0  }
0x173: {  	v0 =	vld [tilespmem:s30+$0x80];
	_ =	sdelay $0x4  }
0x174: {  	[tilespmem:s29+$0x80] =	vst v0  }
0x175: {  	v0 =	vld [tilespmem:s30+$0x90];
	_ =	sdelay $0x4  }
0x176: {  	[tilespmem:s29+$0x90] =	vst v0  }
0x177: {  	v0 =	vld [tilespmem:s30+$0xA0];
	_ =	sdelay $0x4  }
0x178: {  	[tilespmem:s29+$0xA0] =	vst v0  }
0x179: {  	v0 =	vld [tilespmem:s30+$0xB0];
	_ =	sdelay $0x4  }
0x17a: {  	[tilespmem:s29+$0xB0] =	vst v0  }
0x17b: {  	v0 =	vld [tilespmem:s30+$0x100];
	_ =	sdelay $0x4  }
0x17c: {  	[tilespmem:s29+$0x100] =	vst v0  }
0x17d: {  	v0 =	vld [tilespmem:s30+$0x110];
	_ =	sdelay $0x4  }
0x17e: {  	[tilespmem:s29+$0x110] =	vst v0  }
0x17f: {  	v0 =	vld [tilespmem:s30+$0x120];
	_ =	sdelay $0x4  }
0x180: {  	[tilespmem:s29+$0x120] =	vst v0  }
0x181: {  	v0 =	vld [tilespmem:s30+$0x130];
	_ =	sdelay $0x4  }
0x182: {  	[tilespmem:s29+$0x130] =	vst v0  }
0x183: {  	v0 =	vld [tilespmem:s30+$0x180];
	_ =	sdelay $0x4  }
0x184: {  	[tilespmem:s29+$0x180] =	vst v0  }
0x185: {  	v0 =	vld [tilespmem:s30+$0x190];
	_ =	sdelay $0x4  }
0x186: {  	[tilespmem:s29+$0x190] =	vst v0  }
0x187: {  	v0 =	vld [tilespmem:s30+$0x1A0];
	_ =	sdelay $0x4  }
0x188: {  	[tilespmem:s29+$0x1A0] =	vst v0  }
0x189: {  	v0 =	vld [tilespmem:s30+$0x1B0];
	_ =	sdelay $0x4  }
0x18a: {  	s31 =	simm.s32 $0x7500;
	s30 =	simm.s32 $0x0;
	[tilespmem:s29+$0x1B0] =	vst v0  }
.LBB2_6:
0x18b: {  	v0 =	vld [tilespmem:s31+$0xFFFFFE00];
	s30 =	sadd.s32 $0x8, s30  }
0x18c: {  	p0 =	slt.u32 s30, $0xC8;
	_ =	sdelay $0x2  }
0x18d: {  	s29 =	sadd.s32 $0x400, s29  }
0x18e: {  	[tilespmem:s29+$0xFFFFFE00] =	vst v0  }
0x18f: {  	v0 =	vld [tilespmem:s31+$0xFFFFFE10];
	_ =	sdelay $0x4  }
0x190: {  	[tilespmem:s29+$0xFFFFFE10] =	vst v0  }
0x191: {  	v0 =	vld [tilespmem:s31+$0xFFFFFE20];
	_ =	sdelay $0x4  }
0x192: {  	[tilespmem:s29+$0xFFFFFE20] =	vst v0  }
0x193: {  	v0 =	vld [tilespmem:s31+$0xFFFFFE30];
	_ =	sdelay $0x4  }
0x194: {  	[tilespmem:s29+$0xFFFFFE30] =	vst v0  }
0x195: {  	v0 =	vld [tilespmem:s31+$0xFFFFFE80];
	_ =	sdelay $0x4  }
0x196: {  	[tilespmem:s29+$0xFFFFFE80] =	vst v0  }
0x197: {  	v0 =	vld [tilespmem:s31+$0xFFFFFE90];
	_ =	sdelay $0x4  }
0x198: {  	[tilespmem:s29+$0xFFFFFE90] =	vst v0  }
0x199: {  	v0 =	vld [tilespmem:s31+$0xFFFFFEA0];
	_ =	sdelay $0x4  }
0x19a: {  	[tilespmem:s29+$0xFFFFFEA0] =	vst v0  }
0x19b: {  	v0 =	vld [tilespmem:s31+$0xFFFFFEB0];
	_ =	sdelay $0x4  }
0x19c: {  	[tilespmem:s29+$0xFFFFFEB0] =	vst v0  }
0x19d: {  	v0 =	vld [tilespmem:s31+$0xFFFFFF00];
	_ =	sdelay $0x4  }
0x19e: {  	[tilespmem:s29+$0xFFFFFF00] =	vst v0  }
0x19f: {  	v0 =	vld [tilespmem:s31+$0xFFFFFF10];
	_ =	sdelay $0x4  }
0x1a0: {  	[tilespmem:s29+$0xFFFFFF10] =	vst v0  }
0x1a1: {  	v0 =	vld [tilespmem:s31+$0xFFFFFF20];
	_ =	sdelay $0x4  }
0x1a2: {  	[tilespmem:s29+$0xFFFFFF20] =	vst v0  }
0x1a3: {  	v0 =	vld [tilespmem:s31+$0xFFFFFF30];
	_ =	sdelay $0x4  }
0x1a4: {  	[tilespmem:s29+$0xFFFFFF30] =	vst v0  }
0x1a5: {  	v0 =	vld [tilespmem:s31+$0xFFFFFF80];
	_ =	sdelay $0x4  }
0x1a6: {  	[tilespmem:s29+$0xFFFFFF80] =	vst v0  }
0x1a7: {  	v0 =	vld [tilespmem:s31+$0xFFFFFF90];
	_ =	sdelay $0x4  }
0x1a8: {  	[tilespmem:s29+$0xFFFFFF90] =	vst v0  }
0x1a9: {  	v0 =	vld [tilespmem:s31+$0xFFFFFFA0];
	_ =	sdelay $0x4  }
0x1aa: {  	[tilespmem:s29+$0xFFFFFFA0] =	vst v0  }
0x1ab: {  	v0 =	vld [tilespmem:s31+$0xFFFFFFB0];
	_ =	sdelay $0x4  }
0x1ac: {  	[tilespmem:s29+$0xFFFFFFB0] =	vst v0  }
0x1ad: {  	v0 =	vld [tilespmem:s31+$0x0];
	_ =	sdelay $0x4  }
0x1ae: {  	[tilespmem:s29+$0x0] =	vst v0  }
0x1af: {  	v0 =	vld [tilespmem:s31+$0x10];
	_ =	sdelay $0x4  }
0x1b0: {  	[tilespmem:s29+$0x10] =	vst v0  }
0x1b1: {  	v0 =	vld [tilespmem:s31+$0x20];
	_ =	sdelay $0x4  }
0x1b2: {  	[tilespmem:s29+$0x20] =	vst v0  }
0x1b3: {  	v0 =	vld [tilespmem:s31+$0x30];
	_ =	sdelay $0x4  }
0x1b4: {  	[tilespmem:s29+$0x30] =	vst v0  }
0x1b5: {  	v0 =	vld [tilespmem:s31+$0x80];
	_ =	sdelay $0x4  }
0x1b6: {  	[tilespmem:s29+$0x80] =	vst v0  }
0x1b7: {  	v0 =	vld [tilespmem:s31+$0x90];
	_ =	sdelay $0x4  }
0x1b8: {  	[tilespmem:s29+$0x90] =	vst v0  }
0x1b9: {  	v0 =	vld [tilespmem:s31+$0xA0];
	_ =	sdelay $0x4  }
0x1ba: {  	[tilespmem:s29+$0xA0] =	vst v0  }
0x1bb: {  	v0 =	vld [tilespmem:s31+$0xB0];
	_ =	sdelay $0x4  }
0x1bc: {  	[tilespmem:s29+$0xB0] =	vst v0  }
0x1bd: {  	v0 =	vld [tilespmem:s31+$0x100];
	_ =	sdelay $0x4  }
0x1be: {  	[tilespmem:s29+$0x100] =	vst v0  }
0x1bf: {  	v0 =	vld [tilespmem:s31+$0x110];
	_ =	sdelay $0x4  }
0x1c0: {  	[tilespmem:s29+$0x110] =	vst v0  }
0x1c1: {  	v0 =	vld [tilespmem:s31+$0x120];
	_ =	sdelay $0x4  }
0x1c2: {  	[tilespmem:s29+$0x120] =	vst v0  }
0x1c3: {  	v0 =	vld [tilespmem:s31+$0x130];
	_ =	sdelay $0x4  }
0x1c4: {  	[tilespmem:s29+$0x130] =	vst v0  }
0x1c5: {  	v0 =	vld [tilespmem:s31+$0x180];
	_ =	sdelay $0x4  }
0x1c6: {  	[tilespmem:s29+$0x180] =	vst v0  }
0x1c7: {  	v0 =	vld [tilespmem:s31+$0x190];
	_ =	sdelay $0x4  }
0x1c8: {  	[tilespmem:s29+$0x190] =	vst v0  }
0x1c9: {  	v0 =	vld [tilespmem:s31+$0x1A0];
	_ =	sdelay $0x4  }
0x1ca: {  	[tilespmem:s29+$0x1A0] =	vst v0  }
0x1cb: {  	v0 =	vld [tilespmem:s31+$0x1B0]  }
.Ltmp2:
0x1cc: {  	(pc) =	sbr.rel @p0 .LBB2_6-.Ltmp2, $2  }
0x1cd: {  	_ =	sdelay $0x2  }
0x1ce: {  	s31 =	sadd.s32 $0x400, s31;
	[tilespmem:s29+$0x1B0] =	vst v0  }
0x1cf: {  	[hbm4b:s8+s2] =	stream.linear.scatter [tilespmem:s14], [sflag:$0x3], $0x6800, $0x38;
	[tilespmem:$0x1A700] =	vst v63  }
0x1d0: {  	_ =	swait.ge [sflag:s23], $0x6800  }
0x1d1: {  	[sflag:s23] =	ssyncset.done $0x0  }
0x1d2: {  	[sflag:s23] =	ssyncadd.s32 $0xFFFF9800  }
0x1d3: {  	_ =	swait.ge [sflag:s23], $0x6800  }
0x1d4: {  	[sflag:s23] =	ssyncset.done $0x0  }
0x1d5: {  	s30 =	simm.s32 $0x14100;
	[sflag:s23] =	ssyncadd.s32 $0xFFFF9800  }
0x1d6: {  	v0 =	vld [tilespmem:s30+$0xFFFFFE00];
	_ =	sdelay $0x3  }
0x1d7: {  	s29 =	simm.s32 $0xD940  }
0x1d8: {  	[tilespmem:s29+$0xFFFFFE00] =	vst v0  }
0x1d9: {  	v0 =	vld [tilespmem:s30+$0xFFFFFE10];
	_ =	sdelay $0x4  }
0x1da: {  	[tilespmem:s29+$0xFFFFFE10] =	vst v0  }
0x1db: {  	v0 =	vld [tilespmem:s30+$0xFFFFFE20];
	_ =	sdelay $0x4  }
0x1dc: {  	[tilespmem:s29+$0xFFFFFE20] =	vst v0  }
0x1dd: {  	v0 =	vld [tilespmem:s30+$0xFFFFFE30];
	_ =	sdelay $0x4  }
0x1de: {  	[tilespmem:s29+$0xFFFFFE30] =	vst v0  }
0x1df: {  	v0 =	vld [tilespmem:s30+$0xFFFFFE80];
	_ =	sdelay $0x4  }
0x1e0: {  	[tilespmem:s29+$0xFFFFFE80] =	vst v0  }
0x1e1: {  	v0 =	vld [tilespmem:s30+$0xFFFFFE90];
	_ =	sdelay $0x4  }
0x1e2: {  	[tilespmem:s29+$0xFFFFFE90] =	vst v0  }
0x1e3: {  	v0 =	vld [tilespmem:s30+$0xFFFFFEA0];
	_ =	sdelay $0x4  }
0x1e4: {  	[tilespmem:s29+$0xFFFFFEA0] =	vst v0  }
0x1e5: {  	v0 =	vld [tilespmem:s30+$0xFFFFFEB0];
	_ =	sdelay $0x4  }
0x1e6: {  	[tilespmem:s29+$0xFFFFFEB0] =	vst v0  }
0x1e7: {  	v0 =	vld [tilespmem:s30+$0xFFFFFF00];
	_ =	sdelay $0x4  }
0x1e8: {  	[tilespmem:s29+$0xFFFFFF00] =	vst v0  }
0x1e9: {  	v0 =	vld [tilespmem:s30+$0xFFFFFF10];
	_ =	sdelay $0x4  }
0x1ea: {  	[tilespmem:s29+$0xFFFFFF10] =	vst v0  }
0x1eb: {  	v0 =	vld [tilespmem:s30+$0xFFFFFF20];
	_ =	sdelay $0x4  }
0x1ec: {  	[tilespmem:s29+$0xFFFFFF20] =	vst v0  }
0x1ed: {  	v0 =	vld [tilespmem:s30+$0xFFFFFF30];
	_ =	sdelay $0x4  }
0x1ee: {  	[tilespmem:s29+$0xFFFFFF30] =	vst v0  }
0x1ef: {  	v0 =	vld [tilespmem:s30+$0xFFFFFF80];
	_ =	sdelay $0x4  }
0x1f0: {  	[tilespmem:s29+$0xFFFFFF80] =	vst v0  }
0x1f1: {  	v0 =	vld [tilespmem:s30+$0xFFFFFF90];
	_ =	sdelay $0x4  }
0x1f2: {  	[tilespmem:s29+$0xFFFFFF90] =	vst v0  }
0x1f3: {  	v0 =	vld [tilespmem:s30+$0xFFFFFFA0];
	_ =	sdelay $0x4  }
0x1f4: {  	[tilespmem:s29+$0xFFFFFFA0] =	vst v0  }
0x1f5: {  	v0 =	vld [tilespmem:s30+$0xFFFFFFB0];
	_ =	sdelay $0x4  }
0x1f6: {  	[tilespmem:s29+$0xFFFFFFB0] =	vst v0  }
0x1f7: {  	v0 =	vld [tilespmem:s30+$0x0];
	_ =	sdelay $0x4  }
0x1f8: {  	[tilespmem:s29+$0x0] =	vst v0  }
0x1f9: {  	v0 =	vld [tilespmem:s30+$0x10];
	_ =	sdelay $0x4  }
0x1fa: {  	[tilespmem:s29+$0x10] =	vst v0  }
0x1fb: {  	v0 =	vld [tilespmem:s30+$0x20];
	_ =	sdelay $0x4  }
0x1fc: {  	[tilespmem:s29+$0x20] =	vst v0  }
0x1fd: {  	v0 =	vld [tilespmem:s30+$0x30];
	_ =	sdelay $0x4  }
0x1fe: {  	[tilespmem:s29+$0x30] =	vst v0  }
0x1ff: {  	v0 =	vld [tilespmem:s30+$0x80];
	_ =	sdelay $0x4  }
0x200: {  	[tilespmem:s29+$0x80] =	vst v0  }
0x201: {  	v0 =	vld [tilespmem:s30+$0x90];
	_ =	sdelay $0x4  }
0x202: {  	[tilespmem:s29+$0x90] =	vst v0  }
0x203: {  	v0 =	vld [tilespmem:s30+$0xA0];
	_ =	sdelay $0x4  }
0x204: {  	[tilespmem:s29+$0xA0] =	vst v0  }
0x205: {  	v0 =	vld [tilespmem:s30+$0xB0];
	_ =	sdelay $0x4  }
0x206: {  	[tilespmem:s29+$0xB0] =	vst v0  }
0x207: {  	v0 =	vld [tilespmem:s30+$0x100];
	_ =	sdelay $0x4  }
0x208: {  	[tilespmem:s29+$0x100] =	vst v0  }
0x209: {  	v0 =	vld [tilespmem:s30+$0x110];
	_ =	sdelay $0x4  }
0x20a: {  	[tilespmem:s29+$0x110] =	vst v0  }
0x20b: {  	v0 =	vld [tilespmem:s30+$0x120];
	_ =	sdelay $0x4  }
0x20c: {  	[tilespmem:s29+$0x120] =	vst v0  }
0x20d: {  	v0 =	vld [tilespmem:s30+$0x130];
	_ =	sdelay $0x4  }
0x20e: {  	[tilespmem:s29+$0x130] =	vst v0  }
0x20f: {  	v0 =	vld [tilespmem:s30+$0x180];
	_ =	sdelay $0x4  }
0x210: {  	[tilespmem:s29+$0x180] =	vst v0  }
0x211: {  	v0 =	vld [tilespmem:s30+$0x190];
	_ =	sdelay $0x4  }
0x212: {  	[tilespmem:s29+$0x190] =	vst v0  }
0x213: {  	v0 =	vld [tilespmem:s30+$0x1A0];
	_ =	sdelay $0x4  }
0x214: {  	[tilespmem:s29+$0x1A0] =	vst v0  }
0x215: {  	v0 =	vld [tilespmem:s30+$0x1B0];
	_ =	sdelay $0x4  }
0x216: {  	s31 =	simm.s32 $0x14500;
	s30 =	simm.s32 $0x0;
	[tilespmem:s29+$0x1B0] =	vst v0  }
.LBB2_8:
0x217: {  	v0 =	vld [tilespmem:s31+$0xFFFFFE00];
	s30 =	sadd.s32 $0x8, s30  }
0x218: {  	p0 =	slt.u32 s30, $0xC8;
	_ =	sdelay $0x2  }
0x219: {  	s29 =	sadd.s32 $0x400, s29  }
0x21a: {  	[tilespmem:s29+$0xFFFFFE00] =	vst v0  }
0x21b: {  	v0 =	vld [tilespmem:s31+$0xFFFFFE10];
	_ =	sdelay $0x4  }
0x21c: {  	[tilespmem:s29+$0xFFFFFE10] =	vst v0  }
0x21d: {  	v0 =	vld [tilespmem:s31+$0xFFFFFE20];
	_ =	sdelay $0x4  }
0x21e: {  	[tilespmem:s29+$0xFFFFFE20] =	vst v0  }
0x21f: {  	v0 =	vld [tilespmem:s31+$0xFFFFFE30];
	_ =	sdelay $0x4  }
0x220: {  	[tilespmem:s29+$0xFFFFFE30] =	vst v0  }
0x221: {  	v0 =	vld [tilespmem:s31+$0xFFFFFE80];
	_ =	sdelay $0x4  }
0x222: {  	[tilespmem:s29+$0xFFFFFE80] =	vst v0  }
0x223: {  	v0 =	vld [tilespmem:s31+$0xFFFFFE90];
	_ =	sdelay $0x4  }
0x224: {  	[tilespmem:s29+$0xFFFFFE90] =	vst v0  }
0x225: {  	v0 =	vld [tilespmem:s31+$0xFFFFFEA0];
	_ =	sdelay $0x4  }
0x226: {  	[tilespmem:s29+$0xFFFFFEA0] =	vst v0  }
0x227: {  	v0 =	vld [tilespmem:s31+$0xFFFFFEB0];
	_ =	sdelay $0x4  }
0x228: {  	[tilespmem:s29+$0xFFFFFEB0] =	vst v0  }
0x229: {  	v0 =	vld [tilespmem:s31+$0xFFFFFF00];
	_ =	sdelay $0x4  }
0x22a: {  	[tilespmem:s29+$0xFFFFFF00] =	vst v0  }
0x22b: {  	v0 =	vld [tilespmem:s31+$0xFFFFFF10];
	_ =	sdelay $0x4  }
0x22c: {  	[tilespmem:s29+$0xFFFFFF10] =	vst v0  }
0x22d: {  	v0 =	vld [tilespmem:s31+$0xFFFFFF20];
	_ =	sdelay $0x4  }
0x22e: {  	[tilespmem:s29+$0xFFFFFF20] =	vst v0  }
0x22f: {  	v0 =	vld [tilespmem:s31+$0xFFFFFF30];
	_ =	sdelay $0x4  }
0x230: {  	[tilespmem:s29+$0xFFFFFF30] =	vst v0  }
0x231: {  	v0 =	vld [tilespmem:s31+$0xFFFFFF80];
	_ =	sdelay $0x4  }
0x232: {  	[tilespmem:s29+$0xFFFFFF80] =	vst v0  }
0x233: {  	v0 =	vld [tilespmem:s31+$0xFFFFFF90];
	_ =	sdelay $0x4  }
0x234: {  	[tilespmem:s29+$0xFFFFFF90] =	vst v0  }
0x235: {  	v0 =	vld [tilespmem:s31+$0xFFFFFFA0];
	_ =	sdelay $0x4  }
0x236: {  	[tilespmem:s29+$0xFFFFFFA0] =	vst v0  }
0x237: {  	v0 =	vld [tilespmem:s31+$0xFFFFFFB0];
	_ =	sdelay $0x4  }
0x238: {  	[tilespmem:s29+$0xFFFFFFB0] =	vst v0  }
0x239: {  	v0 =	vld [tilespmem:s31+$0x0];
	_ =	sdelay $0x4  }
0x23a: {  	[tilespmem:s29+$0x0] =	vst v0  }
0x23b: {  	v0 =	vld [tilespmem:s31+$0x10];
	_ =	sdelay $0x4  }
0x23c: {  	[tilespmem:s29+$0x10] =	vst v0  }
0x23d: {  	v0 =	vld [tilespmem:s31+$0x20];
	_ =	sdelay $0x4  }
0x23e: {  	[tilespmem:s29+$0x20] =	vst v0  }
0x23f: {  	v0 =	vld [tilespmem:s31+$0x30];
	_ =	sdelay $0x4  }
0x240: {  	[tilespmem:s29+$0x30] =	vst v0  }
0x241: {  	v0 =	vld [tilespmem:s31+$0x80];
	_ =	sdelay $0x4  }
0x242: {  	[tilespmem:s29+$0x80] =	vst v0  }
0x243: {  	v0 =	vld [tilespmem:s31+$0x90];
	_ =	sdelay $0x4  }
0x244: {  	[tilespmem:s29+$0x90] =	vst v0  }
0x245: {  	v0 =	vld [tilespmem:s31+$0xA0];
	_ =	sdelay $0x4  }
0x246: {  	[tilespmem:s29+$0xA0] =	vst v0  }
0x247: {  	v0 =	vld [tilespmem:s31+$0xB0];
	_ =	sdelay $0x4  }
0x248: {  	[tilespmem:s29+$0xB0] =	vst v0  }
0x249: {  	v0 =	vld [tilespmem:s31+$0x100];
	_ =	sdelay $0x4  }
0x24a: {  	[tilespmem:s29+$0x100] =	vst v0  }
0x24b: {  	v0 =	vld [tilespmem:s31+$0x110];
	_ =	sdelay $0x4  }
0x24c: {  	[tilespmem:s29+$0x110] =	vst v0  }
0x24d: {  	v0 =	vld [tilespmem:s31+$0x120];
	_ =	sdelay $0x4  }
0x24e: {  	[tilespmem:s29+$0x120] =	vst v0  }
0x24f: {  	v0 =	vld [tilespmem:s31+$0x130];
	_ =	sdelay $0x4  }
0x250: {  	[tilespmem:s29+$0x130] =	vst v0  }
0x251: {  	v0 =	vld [tilespmem:s31+$0x180];
	_ =	sdelay $0x4  }
0x252: {  	[tilespmem:s29+$0x180] =	vst v0  }
0x253: {  	v0 =	vld [tilespmem:s31+$0x190];
	_ =	sdelay $0x4  }
0x254: {  	[tilespmem:s29+$0x190] =	vst v0  }
0x255: {  	v0 =	vld [tilespmem:s31+$0x1A0];
	_ =	sdelay $0x4  }
0x256: {  	[tilespmem:s29+$0x1A0] =	vst v0  }
0x257: {  	v0 =	vld [tilespmem:s31+$0x1B0]  }
.Ltmp3:
0x258: {  	(pc) =	sbr.rel @p0 .LBB2_8-.Ltmp3, $2  }
0x259: {  	_ =	sdelay $0x2  }
0x25a: {  	s31 =	sadd.s32 $0x400, s31;
	[tilespmem:s29+$0x1B0] =	vst v0  }
0x25b: {  	[hbm4b:s9+s2] =	stream.linear.scatter [tilespmem:s16], [sflag:$0x4], $0x6800, $0x38;
	[tilespmem:$0x1A700] =	vst v63  }
0x25c: {  	s28 =	sadd.s32 $0x1, s28  }
0x25d: {  	_ =	swait.ge [sflag:s20], $0x6800;
	p0 =	sne.s32 s28, s10  }
.Ltmp4:
0x25e: {  	[sflag:s20] =	ssyncset.done $0x0;
	(pc) =	sbr.rel @p0 .LBB2_1-.Ltmp4, $4  }
0x25f: {  	[sflag:s20] =	ssyncadd.s32 $0xFFFF9800  }
0x260: {  	_ =	swait.ge [sflag:s24], $0x6800  }
0x261: {  	[sflag:s24] =	ssyncset.done $0x0  }
0x262: {  	[sflag:s24] =	ssyncadd.s32 $0xFFFF9800  }
0x263: {  	_ =	sfence.sel $0x180000  }
0x264: {  	[bflag:$0x0] =	sbarrier.arrive $0xFFFF  }
0x265: {  	p0 =	sne.s32 s0, $0x0;
	_ =	strace $0x9000004A  }
0x266: {  	s0 =	sadd.s32 @!p0 $0x100000, s1;
	[bflag:$0x2] =	sbarrier.arrive $0xFFFF  }
0x267: {  	[sflag:s0] =	ssyncadd.tile.s32 @!p0 $0x1;
	_ =	shalt  }
.Lfunc_end2:
_tile_overlayer_lowered:
.L_overlay_start_2:
0x268: {  	(tag) =	ssettag $0x2  }
0x269: {  	s0 =	rddreg [dreg:$0x0];
	s2 =	stileid.u32  }
0x26a: {  	s1 =	rddreg [dreg:$0x1];
	p0 =	sne.s32 s2, $0x0  }
0x26b: {  	s3 =	rddreg [dreg:$0x2];
	[bflag:$0x3] =	sbarrier.arrive $0xFFFF;
	s2 =	simm.s32 @!p0 $0x1C05  }
0x26c: {  	[timem:s3], [sflag:s2] =	dma.local @!p0 [hbm:s0], s1  }
0x26d: {  	s0 =	simm.s32 @!p0 $0x5  }
0x26e: {  	_ =	swait.ge @!p0 [sflag:s0], s1  }
0x26f: {  	s1 =	ssub.s32 @!p0 $0x0, s1;
	[sflag:s0] =	ssyncset.done @!p0 $0x0  }
0x270: {  	[sflag:s0] =	ssyncadd.s32 @!p0 s1  }
0x271: {  	[bflag:$0x3] =	sbarrier.arrive $0xFFFF  }
0x272: {  	_ =	shalt  }

// kernel: kernel.9.cloned.1.call-start
scs
__scs_entry_jumppad:
0x0: {  	(pc) =	sbr.rel $0x88, $3  }
0x1: {  	(tag) =	ssettag $0x0;
	lr =	simm.s32 $0x1  }
0x2: {  	[smem:$0x3F94] =	sst lr;
	_ =	strace $0xD0000000  }
0x3: {  	_ = 	snop  }
0x4: {  	_ = 	snop  }
0x5: {  	_ = 	snop  }
0x6: {  	_ = 	snop  }
0x7: {  	_ = 	snop  }
__scs_overlays_trampoline_lowered:
0x8: {  	[smem:$0x3FA3] =	sst s0  }
0x9: {  	[smem:$0x3FA4] =	sst s1  }
0xa: {  	[smem:$0x3FA5] =	sst s2  }
0xb: {  	[smem:$0x3FA6] =	sst s3  }
0xc: {  	[smem:$0x3FA7] =	sst s4  }
0xd: {  	[smem:$0x3FA8] =	sst s5  }
0xe: {  	[smem:$0x3FA9] =	sst s6  }
0xf: {  	[smem:$0x3FAA] =	sst s7  }
0x10: {  	[smem:$0x3FAB] =	sst s8  }
0x11: {  	[smem:$0x3FAC] =	sst s9;
	s0 =	simm.s32 @!p0 $0x0  }
0x12: {  	s1 =	sld [smem:$0x3F92];
	s0 =	simm.s32 @p0 $0x1  }
0x13: {  	[smem:$0x3FAD] =	sst s0;
	s0 =	simm.s32 @!p1 $0x0  }
0x14: {  	s2 =	sld [smem:$0x3F91];
	s0 =	simm.s32 @p1 $0x1  }
0x15: {  	[smem:$0x3FAE] =	sst s0;
	s0 =	simm.s32 @!p2 $0x0  }
0x16: {  	s3 =	sld [smem:$0x3FDB];
	s0 =	simm.s32 @p2 $0x1  }
0x17: {  	s4 =	simm.s32 $0x1BF5;
	[smem:$0x3FB0] =	sst s0  }
0x18: {  	s0 =	sld [smem:$0x3F93];
	_ =	swait.ge [sflag:s4], $0x0  }
0x19: {  	s7 =	sld [smem:$0x3F94]  }
0x1a: {  	s8 =	sadd.s32 $0xFFFFE003, lr  }
0x1b: {  	s9 =	sadd.s32 $0xFFFFFEF7, lr;
	s5 =	simm.s32 $0xFFFFFFFF;
	p2 =	slt.u32 s8, $0xFFFFF086  }
0x1c: {  	p1 =	slt.u32 s9, $0xF7A;
	s5 =	simm.s32 @!p2 $0x0  }
0x1d: {  	s5 =	simm.s32 @p1 $0x1;
	p0 =	seq.s32 s7, s2  }
0x1e: {  	s7 =	smul.u32 @!p0 $0xF7A, s2;
	p2 =	seq.s32 @!p0 s5, $0x0  }
0x1f: {  	s9 =	smul.u32 $0xF7A, s1;
	s8 =	simm.s32 @!p0 $0x1BF5;
	p2 =	por !p2, p0  }
0x20: {  	[sflag:s8] =	ssyncset.s32 @!p0 $0xFFFFF086;
	s6 =	sadd.s32 @!p0 s3, s7;
	s7 =	simm.s32 @!p0 $0x108  }
0x21: {  	s3 =	sadd.s32 s3, s9;
	s6 =	sadd.s32 @!p0 $0x88, s6;
	s7 =	simm.s32 @p2 $0x1082  }
0x22: {  	[simem:s7], [sflag:s8] =	dma.local @!p0 [hbm:s6], $0xF7A  }
0x23: {  	s9 =	sor.u32 $0xD0000000, s2;
	s6 =	simm.s32 $0x108;
	_ =	swait.ge @!p0 [sflag:s8], $0x0  }
0x24: {  	s3 =	sadd.s32 $0x88, s3;
	s6 =	simm.s32 @!p1 $0x1082;
	[sflag:s4] =	ssyncset.s32 $0xFFFFF086  }
0x25: {  	[simem:s6], [sflag:s4] =	dma.local [hbm:s3], $0xF7A  }
0x26: {  	[smem:$0x3F94] =	sst s1;
	(tag) =	ssettag s2;
	_ =	strace s9  }
0x27: {  	s1 =	sld [smem:$0x3FA4]  }
0x28: {  	s2 =	sld [smem:$0x3FA5]  }
0x29: {  	s4 =	sld [smem:$0x3FA7]  }
0x2a: {  	p0 =	seq.s32 s5, $0x0;
	s5 =	sld [smem:$0x3FA8]  }
0x2b: {  	s6 =	sld [smem:$0x3FA9]  }
0x2c: {  	s7 =	sld [smem:$0x3FAA]  }
0x2d: {  	s3 =	simm.s32 $0x108;
	s8 =	sld [smem:$0x3FAB]  }
0x2e: {  	s3 =	simm.s32 @!p0 $0x1082;
	s9 =	sld [smem:$0x3FAC]  }
0x2f: {  	lr =	sadd.s32 s0, s3;
	s0 =	sld [smem:$0x3FA3]  }
0x30: {  	s3 =	sld [smem:$0x3FA6]  }
0x31: {  	[smem:$0x3FAF] =	sst s10  }
0x32: {  	s10 =	sld [smem:$0x3FAD];
	_ =	sdelay $0x3  }
0x33: {  	p0 =	seq.s32 s10, $0x1;
	s10 =	sld [smem:$0x3FAF];
	_ =	sdelay $0x3  }
0x34: {  	[smem:$0x3FAF] =	sst s10  }
0x35: {  	s10 =	sld [smem:$0x3FAE];
	_ =	sdelay $0x3  }
0x36: {  	p1 =	seq.s32 s10, $0x1;
	s10 =	sld [smem:$0x3FAF];
	_ =	sdelay $0x3  }
0x37: {  	[smem:$0x3FAF] =	sst s10  }
0x38: {  	s10 =	sld [smem:$0x3FB0]  }
0x39: {  	_ = 	snop;
	(pc) =	sbr.ind lr, $3  }
0x3a: {  	_ = 	snop  }
0x3b: {  	_ = 	snop  }
0x3c: {  	p2 =	seq.s32 s10, $0x1;
	s10 =	sld [smem:$0x3FAF]  }
0x3d: {  	_ =	shalt  }
0x3e: {  	_ =	shalt  }
0x3f: {  	_ =	shalt  }
0x40: {  	_ =	shalt  }
0x41: {  	_ =	shalt  }
0x42: {  	_ =	shalt  }
0x43: {  	_ =	shalt  }
0x44: {  	_ =	shalt  }
0x45: {  	_ =	shalt  }
0x46: {  	_ =	shalt  }
0x47: {  	_ =	shalt  }
0x48: {  	_ =	shalt  }
0x49: {  	_ =	shalt  }
0x4a: {  	_ =	shalt  }
0x4b: {  	_ =	shalt  }
0x4c: {  	_ =	shalt  }
0x4d: {  	_ =	shalt  }
0x4e: {  	_ =	shalt  }
0x4f: {  	_ =	shalt  }
0x50: {  	_ =	shalt  }
0x51: {  	_ =	shalt  }
0x52: {  	_ =	shalt  }
0x53: {  	_ =	shalt  }
0x54: {  	_ =	shalt  }
0x55: {  	_ =	shalt  }
0x56: {  	_ =	shalt  }
0x57: {  	_ =	shalt  }
0x58: {  	_ =	shalt  }
0x59: {  	_ =	shalt  }
0x5a: {  	_ =	shalt  }
0x5b: {  	_ =	shalt  }
0x5c: {  	_ =	shalt  }
0x5d: {  	_ =	shalt  }
0x5e: {  	_ =	shalt  }
0x5f: {  	_ =	shalt  }
0x60: {  	_ =	shalt  }
0x61: {  	_ =	shalt  }
0x62: {  	_ =	shalt  }
0x63: {  	_ =	shalt  }
0x64: {  	_ =	shalt  }
0x65: {  	_ =	shalt  }
0x66: {  	_ =	shalt  }
0x67: {  	_ =	shalt  }
0x68: {  	_ =	shalt  }
0x69: {  	_ =	shalt  }
0x6a: {  	_ =	shalt  }
0x6b: {  	_ =	shalt  }
0x6c: {  	_ =	shalt  }
0x6d: {  	_ =	shalt  }
0x6e: {  	_ =	shalt  }
0x6f: {  	_ =	shalt  }
0x70: {  	_ =	shalt  }
0x71: {  	_ =	shalt  }
0x72: {  	_ =	shalt  }
0x73: {  	_ =	shalt  }
0x74: {  	_ =	shalt  }
0x75: {  	_ =	shalt  }
0x76: {  	_ =	shalt  }
0x77: {  	_ =	shalt  }
0x78: {  	_ =	shalt  }
0x79: {  	_ =	shalt  }
0x7a: {  	_ =	shalt  }
0x7b: {  	_ =	shalt  }
0x7c: {  	_ =	shalt  }
0x7d: {  	_ =	shalt  }
0x7e: {  	_ =	shalt  }
0x7f: {  	_ =	shalt  }
0x80: {  	_ =	shalt  }
0x81: {  	_ =	shalt  }
0x82: {  	_ =	shalt  }
0x83: {  	_ =	shalt  }
0x84: {  	_ =	shalt  }
0x85: {  	_ =	shalt  }
0x86: {  	_ =	shalt  }
0x87: {  	_ =	shalt  }
.Lfunc_end0:
.L_simem_size_0:
called_computation.1_lowered:
.L_overlay_start_0:
0x88: {  	s2 =	sld [smem:$0x3FD9]  }
0x89: {  	s3 =	sld [smem:$0x3FFE];
	_ =	sdelay $0x1  }
0x8a: {  	s1 =	srdreg.scid  }
0x8b: {  	s0 =	sand.u32 $0x1, s1  }
0x8c: {  	s16 =	sshll.u32 s0, $0xA;
	s2 =	sadd.s32 s3, s2  }
0x8d: {  	s2 =	sadd.s32 s2, s16  }
0x8e: {  	[smem:$0x3FBB] =	sst s2  }
0x8f: {  	_ = 	snop  }
0x90: {  	(tm) =	ssettm $0x1  }
0x91: {  	s17 =	sld [smem:$0x3FFB];
	_ =	sdelay $0x3  }
0x92: {  	_ =	strace s17  }
0x93: {  	s2 =	sld [smem:$0x3FFC];
	_ =	sdelay $0x3  }
0x94: {  	_ =	strace s2  }
0x95: {  	s2 =	sld [smem:$0x3FFD];
	_ =	sdelay $0x3  }
0x96: {  	_ =	strace s2  }
0x97: {  	_ =	strace $0x8FFFFFFF  }
0x98: {  	s18 =	sld [smem:$0x3FDB];
	_ =	sdelay $0x1  }
0x99: {  	s19 =	simm.s32 $_scs_section_size  }
0x9a: {  	s4 =	simm.s32 $_size__tile_overlayer_lowered;
	s5 =	simm.s32 $_tile_overlayer_lowered  }
0x9b: {  	s22 =	simm.s32 $0x1BFF;
	s21 =	sshll.u32 s5, $0x1;
	s2 =	sadd.s32 s19, s18  }
0x9c: {  	s6 =	simm.s32 $0x0;
	s20 =	sshll.u32 s4, $0x1;
	s4 =	sadd.s32 s21, s2  }
0x9d: {  	[timem:s6], [sflag:s22] =	dma.local [hbm:s4], s20  }
0x9e: {  	_ =	swait.ge [sflag:s22], s20  }
0x9f: {  	s3 =	ssub.s32 $0x0, s20;
	[sflag:s22] =	ssyncset.done $0x0  }
0xa0: {  	[sflag:s22] =	ssyncadd.s32 s3;
	_ =	sdelay $0x1  }
0xa1: {  	s23 =	simm.s32 $0x1B8B  }
0xa2: {  	_ =	swait.ge [sflag:s23], $0x1  }
0xa3: {  	[sflag:s23] =	ssyncset.done $0x0  }
0xa4: {  	s25 =	simm.s32 $0x1B8E;
	s24 =	sld [smem:$0x3FFE];
	[sflag:s23] =	ssyncadd.s32 $0xFFFFFFFF  }
0xa5: {  	s26 =	simm.s32 $execute0_lowered;
	[smem:$0x3FD2] =	sst s25  }
0xa6: {  	s4 =	sshll.u32 s26, $0x1;
	_ =	strace $0x80000046;
	[dreg:$0x1] =	wrdreg $0xFFFFFFFF  }
0xa7: {  	s28 =	simm.s32 $_size_execute0_lowered;
	s2 =	sadd.s32 s2, s4;
	[dreg:$0x0] =	wrdreg $0x0  }
0xa8: {  	s4 =	sshll.u32 s28, $0x1;
	[dreg:$0x2] =	wrdreg s2  }
0xa9: {  	[dreg:$0x3] =	wrdreg s4  }
0xaa: {  	[dreg:$0x4] =	wrdreg $0xC0  }
0xab: {  	_ =	task [dreg:s6], $0x5FFFF  }
0xac: {  	[dreg:$0x1] =	wrdreg $0xFFFFFFFF  }
0xad: {  	[dreg:$0x0] =	wrdreg $0x60  }
0xae: {  	[dreg:$0x2] =	wrdreg s24  }
0xaf: {  	[dreg:$0x3] =	wrdreg $0xA  }
0xb0: {  	_ =	task.clear_ibuf [dreg:s6], $0x4FFFF;
	_ =	strace $0x90000046  }
0xb1: {  	s29 =	simm.s32 $0xA;
	_ =	strace $0x80000048  }
0xb2: {  	_ =	swait.ge [sflag:s29], $0x1  }
0xb3: {  	[sflag:s29] =	ssyncadd.s32 $0xFFFFFFFF  }
0xb4: {  	_ =	strace $0x90000048  }
0xb5: {  	_ =	sfence  }
0xb6: {  	s30 =	sld [smem:$0x0];
	_ =	sdelay $0x2  }
0xb7: {  	s31 =	sshll.u32 s1, $0xD;
	s1 =	sshrl.u32 s1, $0x2  }
0xb8: {  	s3 =	sand.u32 $0x4000, s31;
	s1 =	sadd.s32 s1, s30  }
0xb9: {  	s0 =	sor.u32 s3, s0;
	s1 =	sshll.u32 s1, $0x11  }
0xba: {  	s0 =	sor.u32 s1, s0  }
0xbb: {  	s0 =	sadd.s32 $0x8F2B, s0  }
0xbc: {  	[sflag:s0] =	ssyncadd.remote.s32 $0x1  }
0xbd: {  	_ =	sfence.sel $0xFFFF  }
0xbe: {  	[dreg:$0x0] =	wrdreg $0xFFFFFFFF;
	(pc) =	sbr.abs _section_cstart, $3  }
0xbf: {  	[dreg:$0x1] =	wrdreg $0xFFFFFFFF  }
0xc0: {  	_ =	task.clear_ibuf [dreg:s6], $0x2FFFF;
	_ =	strace $0x9FFFFFFF  }
0xc1: {  	(tm) =	ssettm $0x7FFFFFFF  }
tec
execute0_lowered:
.L_overlay_start_1:
0x0: {  	(tag) =	ssettag $0x1  }
0x1: {  	s1 =	srdreg.scid  }
0x2: {  	s0 =	stileid.u32;
	s4 =	rddreg [dreg:$0x0]  }
0x3: {  	s2 =	simm.s32 $0x0;
	s11 =	simm.s32 $0x5;
	s12 =	simm.s32 $0x380  }
0x4: {  	s13 =	simm.s32 $0xD0;
	s14 =	simm.s32 $0x700;
	s15 =	simm.s32 $0x6F00  }
0x5: {  	s16 =	simm.s32 $0xD700;
	s17 =	simm.s32 $0x450;
	s18 =	simm.s32 $0x13F00  }
0x6: {  	s19 =	simm.s32 $0x1;
	s20 =	simm.s32 $0x3;
	s21 =	simm.s32 $0x1A0  }
0x7: {  	s22 =	simm.s32 $0x520;
	s23 =	simm.s32 $0x2;
	s24 =	simm.s32 $0x4  }
0x8: {  	s25 =	simm.s32 $0x270;
	s5 =	sand.u32 $0x1, s1;
	s3 =	sshll.u32 s0, $0x1  }
0x9: {  	s26 =	simm.s32 $0x5F0;
	s1 =	rddreg [dreg:$0x1];
	s6 =	sor.u32 s5, s3  }
0xa: {  	s28 =	simm.s32 $0x0;
	[smem:$0x7FF] =	sst s2;
	s7 =	smul.u32 $0x68, s6  }
0xb: {  	s9 =	sadd.s32 $0x6A800, s4;
	s5 =	ssub.s32 $0x2, s5;
	s8 =	smul.u32 $0x1A000, s6  }
0xc: {  	_ =	strace $0x80000047;
	s31 =	sshrl.u32 s5, $0x1;
	s6 =	smul.u32 $0x3400, s6  }
0xd: {  	s3 =	sadd.s32 $0x4E00, s4;
	s10 =	ssub.s32 s5, s31;
	s7 =	sadd.s32 s7, s4  }
0xe: {  	s8 =	sshrl.u32 s8, $0x3;
	s6 =	sadd.s32 s9, s6;
	s10 =	smax.u32 s10, $0x1  }
0xf: {  	s4 =	sadd.s32 $0x4000, s7;
	s5 =	sadd.s32 $0x3200, s7;
	s9 =	sadd.s32 s9, s8  }
0x10: {  	s7 =	sadd.s32 $0xD00, s9;
	s8 =	sadd.s32 $0x1A00, s9;
	s9 =	sadd.s32 $0x2700, s9  }
.LBB2_1:
0x11: {  	[tilespmem:s2], [sflag:$0x5] =	stream.linear.gather [hbm4b:s4+s2], $0x340, $0x38;
	[tilespmem:$0x1A700] =	vst v63  }
0x12: {  	_ =	swait.ge [sflag:s11], $0x340  }
0x13: {  	[sflag:s11] =	ssyncset.done $0x0  }
0x14: {  	[sflag:s11] =	ssyncadd.s32 $0xFFFFFCC0  }
0x15: {  	[tilespmem:s12], [sflag:$0x5] =	stream.linear.gather [hbm4b:s5+s2], $0x340, $0x38;
	[tilespmem:$0x1A700] =	vst v63  }
0x16: {  	_ =	swait.ge [sflag:s11], $0x340  }
0x17: {  	[sflag:s11] =	ssyncset.done $0x0  }
0x18: {  	[sflag:s11] =	ssyncadd.s32 $0xFFFFFCC0  }
0x19: {  	[tilespmem:s14], [sflag:$0x1] =	stream.indirect.gather [hbm4b:s3+s13], $0x80, s2, s13, $0xb8;
	[tilespmem:$0x1A700] =	vst v63  }
0x1a: {  	_ = 	snop  }
0x1b: {  	[tilespmem:s15], [sflag:$0x1] =	stream.indirect.gather [hbm4b:s3+s13], $0x80, s12, s13, $0xb8;
	[tilespmem:$0x1A700] =	vst v63  }
0x1c: {  	_ = 	snop  }
0x1d: {  	[tilespmem:s16], [sflag:$0x2] =	stream.indirect.gather [hbm4b:s3+s13], $0x80, s13, s13, $0xb8;
	[tilespmem:$0x1A700] =	vst v63  }
0x1e: {  	_ = 	snop  }
0x1f: {  	[tilespmem:s18], [sflag:$0x2] =	stream.indirect.gather [hbm4b:s3+s13], $0x80, s17, s13, $0xb8;
	[tilespmem:$0x1A700] =	vst v63  }
0x20: {  	_ =	swait.ge [sflag:s19], $0x6800  }
0x21: {  	[sflag:s19] =	ssyncset.done $0x0  }
0x22: {  	[sflag:s19] =	ssyncadd.s32 $0xFFFF9800  }
0x23: {  	_ =	swait.ge [sflag:s19], $0x6800  }
0x24: {  	[sflag:s19] =	ssyncset.done $0x0  }
0x25: {  	s30 =	simm.s32 $0x7100;
	[sflag:s19] =	ssyncadd.s32 $0xFFFF9800  }
0x26: {  	v0 =	vld [tilespmem:s30+$0xFFFFFE00];
	_ =	sdelay $0x3  }
0x27: {  	s29 =	simm.s32 $0x940  }
0x28: {  	[tilespmem:s29+$0xFFFFFE00] =	vst v0  }
0x29: {  	v0 =	vld [tilespmem:s30+$0xFFFFFE10];
	_ =	sdelay $0x4  }
0x2a: {  	[tilespmem:s29+$0xFFFFFE10] =	vst v0  }
0x2b: {  	v0 =	vld [tilespmem:s30+$0xFFFFFE20];
	_ =	sdelay $0x4  }
0x2c: {  	[tilespmem:s29+$0xFFFFFE20] =	vst v0  }
0x2d: {  	v0 =	vld [tilespmem:s30+$0xFFFFFE30];
	_ =	sdelay $0x4  }
0x2e: {  	[tilespmem:s29+$0xFFFFFE30] =	vst v0  }
0x2f: {  	v0 =	vld [tilespmem:s30+$0xFFFFFE80];
	_ =	sdelay $0x4  }
0x30: {  	[tilespmem:s29+$0xFFFFFE80] =	vst v0  }
0x31: {  	v0 =	vld [tilespmem:s30+$0xFFFFFE90];
	_ =	sdelay $0x4  }
0x32: {  	[tilespmem:s29+$0xFFFFFE90] =	vst v0  }
0x33: {  	v0 =	vld [tilespmem:s30+$0xFFFFFEA0];
	_ =	sdelay $0x4  }
0x34: {  	[tilespmem:s29+$0xFFFFFEA0] =	vst v0  }
0x35: {  	v0 =	vld [tilespmem:s30+$0xFFFFFEB0];
	_ =	sdelay $0x4  }
0x36: {  	[tilespmem:s29+$0xFFFFFEB0] =	vst v0  }
0x37: {  	v0 =	vld [tilespmem:s30+$0xFFFFFF00];
	_ =	sdelay $0x4  }
0x38: {  	[tilespmem:s29+$0xFFFFFF00] =	vst v0  }
0x39: {  	v0 =	vld [tilespmem:s30+$0xFFFFFF10];
	_ =	sdelay $0x4  }
0x3a: {  	[tilespmem:s29+$0xFFFFFF10] =	vst v0  }
0x3b: {  	v0 =	vld [tilespmem:s30+$0xFFFFFF20];
	_ =	sdelay $0x4  }
0x3c: {  	[tilespmem:s29+$0xFFFFFF20] =	vst v0  }
0x3d: {  	v0 =	vld [tilespmem:s30+$0xFFFFFF30];
	_ =	sdelay $0x4  }
0x3e: {  	[tilespmem:s29+$0xFFFFFF30] =	vst v0  }
0x3f: {  	v0 =	vld [tilespmem:s30+$0xFFFFFF80];
	_ =	sdelay $0x4  }
0x40: {  	[tilespmem:s29+$0xFFFFFF80] =	vst v0  }
0x41: {  	v0 =	vld [tilespmem:s30+$0xFFFFFF90];
	_ =	sdelay $0x4  }
0x42: {  	[tilespmem:s29+$0xFFFFFF90] =	vst v0  }
0x43: {  	v0 =	vld [tilespmem:s30+$0xFFFFFFA0];
	_ =	sdelay $0x4  }
0x44: {  	[tilespmem:s29+$0xFFFFFFA0] =	vst v0  }
0x45: {  	v0 =	vld [tilespmem:s30+$0xFFFFFFB0];
	_ =	sdelay $0x4  }
0x46: {  	[tilespmem:s29+$0xFFFFFFB0] =	vst v0  }
0x47: {  	v0 =	vld [tilespmem:s30+$0x0];
	_ =	sdelay $0x4  }
0x48: {  	[tilespmem:s29+$0x0] =	vst v0  }
0x49: {  	v0 =	vld [tilespmem:s30+$0x10];
	_ =	sdelay $0x4  }
0x4a: {  	[tilespmem:s29+$0x10] =	vst v0  }
0x4b: {  	v0 =	vld [tilespmem:s30+$0x20];
	_ =	sdelay $0x4  }
0x4c: {  	[tilespmem:s29+$0x20] =	vst v0  }
0x4d: {  	v0 =	vld [tilespmem:s30+$0x30];
	_ =	sdelay $0x4  }
0x4e: {  	[tilespmem:s29+$0x30] =	vst v0  }
0x4f: {  	v0 =	vld [tilespmem:s30+$0x80];
	_ =	sdelay $0x4  }
0x50: {  	[tilespmem:s29+$0x80] =	vst v0  }
0x51: {  	v0 =	vld [tilespmem:s30+$0x90];
	_ =	sdelay $0x4  }
0x52: {  	[tilespmem:s29+$0x90] =	vst v0  }
0x53: {  	v0 =	vld [tilespmem:s30+$0xA0];
	_ =	sdelay $0x4  }
0x54: {  	[tilespmem:s29+$0xA0] =	vst v0  }
0x55: {  	v0 =	vld [tilespmem:s30+$0xB0];
	_ =	sdelay $0x4  }
0x56: {  	[tilespmem:s29+$0xB0] =	vst v0  }
0x57: {  	v0 =	vld [tilespmem:s30+$0x100];
	_ =	sdelay $0x4  }
0x58: {  	[tilespmem:s29+$0x100] =	vst v0  }
0x59: {  	v0 =	vld [tilespmem:s30+$0x110];
	_ =	sdelay $0x4  }
0x5a: {  	[tilespmem:s29+$0x110] =	vst v0  }
0x5b: {  	v0 =	vld [tilespmem:s30+$0x120];
	_ =	sdelay $0x4  }
0x5c: {  	[tilespmem:s29+$0x120] =	vst v0  }
0x5d: {  	v0 =	vld [tilespmem:s30+$0x130];
	_ =	sdelay $0x4  }
0x5e: {  	[tilespmem:s29+$0x130] =	vst v0  }
0x5f: {  	v0 =	vld [tilespmem:s30+$0x180];
	_ =	sdelay $0x4  }
0x60: {  	[tilespmem:s29+$0x180] =	vst v0  }
0x61: {  	v0 =	vld [tilespmem:s30+$0x190];
	_ =	sdelay $0x4  }
0x62: {  	[tilespmem:s29+$0x190] =	vst v0  }
0x63: {  	v0 =	vld [tilespmem:s30+$0x1A0];
	_ =	sdelay $0x4  }
0x64: {  	[tilespmem:s29+$0x1A0] =	vst v0  }
0x65: {  	v0 =	vld [tilespmem:s30+$0x1B0];
	_ =	sdelay $0x4  }
0x66: {  	s31 =	simm.s32 $0x7500;
	s30 =	simm.s32 $0x0;
	[tilespmem:s29+$0x1B0] =	vst v0  }
.LBB2_2:
0x67: {  	v0 =	vld [tilespmem:s31+$0xFFFFFE00];
	s30 =	sadd.s32 $0x8, s30  }
0x68: {  	p0 =	slt.u32 s30, $0xC8;
	_ =	sdelay $0x2  }
0x69: {  	s29 =	sadd.s32 $0x400, s29  }
0x6a: {  	[tilespmem:s29+$0xFFFFFE00] =	vst v0  }
0x6b: {  	v0 =	vld [tilespmem:s31+$0xFFFFFE10];
	_ =	sdelay $0x4  }
0x6c: {  	[tilespmem:s29+$0xFFFFFE10] =	vst v0  }
0x6d: {  	v0 =	vld [tilespmem:s31+$0xFFFFFE20];
	_ =	sdelay $0x4  }
0x6e: {  	[tilespmem:s29+$0xFFFFFE20] =	vst v0  }
0x6f: {  	v0 =	vld [tilespmem:s31+$0xFFFFFE30];
	_ =	sdelay $0x4  }
0x70: {  	[tilespmem:s29+$0xFFFFFE30] =	vst v0  }
0x71: {  	v0 =	vld [tilespmem:s31+$0xFFFFFE80];
	_ =	sdelay $0x4  }
0x72: {  	[tilespmem:s29+$0xFFFFFE80] =	vst v0  }
0x73: {  	v0 =	vld [tilespmem:s31+$0xFFFFFE90];
	_ =	sdelay $0x4  }
0x74: {  	[tilespmem:s29+$0xFFFFFE90] =	vst v0  }
0x75: {  	v0 =	vld [tilespmem:s31+$0xFFFFFEA0];
	_ =	sdelay $0x4  }
0x76: {  	[tilespmem:s29+$0xFFFFFEA0] =	vst v0  }
0x77: {  	v0 =	vld [tilespmem:s31+$0xFFFFFEB0];
	_ =	sdelay $0x4  }
0x78: {  	[tilespmem:s29+$0xFFFFFEB0] =	vst v0  }
0x79: {  	v0 =	vld [tilespmem:s31+$0xFFFFFF00];
	_ =	sdelay $0x4  }
0x7a: {  	[tilespmem:s29+$0xFFFFFF00] =	vst v0  }
0x7b: {  	v0 =	vld [tilespmem:s31+$0xFFFFFF10];
	_ =	sdelay $0x4  }
0x7c: {  	[tilespmem:s29+$0xFFFFFF10] =	vst v0  }
0x7d: {  	v0 =	vld [tilespmem:s31+$0xFFFFFF20];
	_ =	sdelay $0x4  }
0x7e: {  	[tilespmem:s29+$0xFFFFFF20] =	vst v0  }
0x7f: {  	v0 =	vld [tilespmem:s31+$0xFFFFFF30];
	_ =	sdelay $0x4  }
0x80: {  	[tilespmem:s29+$0xFFFFFF30] =	vst v0  }
0x81: {  	v0 =	vld [tilespmem:s31+$0xFFFFFF80];
	_ =	sdelay $0x4  }
0x82: {  	[tilespmem:s29+$0xFFFFFF80] =	vst v0  }
0x83: {  	v0 =	vld [tilespmem:s31+$0xFFFFFF90];
	_ =	sdelay $0x4  }
0x84: {  	[tilespmem:s29+$0xFFFFFF90] =	vst v0  }
0x85: {  	v0 =	vld [tilespmem:s31+$0xFFFFFFA0];
	_ =	sdelay $0x4  }
0x86: {  	[tilespmem:s29+$0xFFFFFFA0] =	vst v0  }
0x87: {  	v0 =	vld [tilespmem:s31+$0xFFFFFFB0];
	_ =	sdelay $0x4  }
0x88: {  	[tilespmem:s29+$0xFFFFFFB0] =	vst v0  }
0x89: {  	v0 =	vld [tilespmem:s31+$0x0];
	_ =	sdelay $0x4  }
0x8a: {  	[tilespmem:s29+$0x0] =	vst v0  }
0x8b: {  	v0 =	vld [tilespmem:s31+$0x10];
	_ =	sdelay $0x4  }
0x8c: {  	[tilespmem:s29+$0x10] =	vst v0  }
0x8d: {  	v0 =	vld [tilespmem:s31+$0x20];
	_ =	sdelay $0x4  }
0x8e: {  	[tilespmem:s29+$0x20] =	vst v0  }
0x8f: {  	v0 =	vld [tilespmem:s31+$0x30];
	_ =	sdelay $0x4  }
0x90: {  	[tilespmem:s29+$0x30] =	vst v0  }
0x91: {  	v0 =	vld [tilespmem:s31+$0x80];
	_ =	sdelay $0x4  }
0x92: {  	[tilespmem:s29+$0x80] =	vst v0  }
0x93: {  	v0 =	vld [tilespmem:s31+$0x90];
	_ =	sdelay $0x4  }
0x94: {  	[tilespmem:s29+$0x90] =	vst v0  }
0x95: {  	v0 =	vld [tilespmem:s31+$0xA0];
	_ =	sdelay $0x4  }
0x96: {  	[tilespmem:s29+$0xA0] =	vst v0  }
0x97: {  	v0 =	vld [tilespmem:s31+$0xB0];
	_ =	sdelay $0x4  }
0x98: {  	[tilespmem:s29+$0xB0] =	vst v0  }
0x99: {  	v0 =	vld [tilespmem:s31+$0x100];
	_ =	sdelay $0x4  }
0x9a: {  	[tilespmem:s29+$0x100] =	vst v0  }
0x9b: {  	v0 =	vld [tilespmem:s31+$0x110];
	_ =	sdelay $0x4  }
0x9c: {  	[tilespmem:s29+$0x110] =	vst v0  }
0x9d: {  	v0 =	vld [tilespmem:s31+$0x120];
	_ =	sdelay $0x4  }
0x9e: {  	[tilespmem:s29+$0x120] =	vst v0  }
0x9f: {  	v0 =	vld [tilespmem:s31+$0x130];
	_ =	sdelay $0x4  }
0xa0: {  	[tilespmem:s29+$0x130] =	vst v0  }
0xa1: {  	v0 =	vld [tilespmem:s31+$0x180];
	_ =	sdelay $0x4  }
0xa2: {  	[tilespmem:s29+$0x180] =	vst v0  }
0xa3: {  	v0 =	vld [tilespmem:s31+$0x190];
	_ =	sdelay $0x4  }
0xa4: {  	[tilespmem:s29+$0x190] =	vst v0  }
0xa5: {  	v0 =	vld [tilespmem:s31+$0x1A0];
	_ =	sdelay $0x4  }
0xa6: {  	[tilespmem:s29+$0x1A0] =	vst v0  }
0xa7: {  	v0 =	vld [tilespmem:s31+$0x1B0]  }
.Ltmp0:
0xa8: {  	(pc) =	sbr.rel @p0 .LBB2_2-.Ltmp0, $2  }
0xa9: {  	_ =	sdelay $0x2  }
0xaa: {  	s31 =	sadd.s32 $0x400, s31;
	[tilespmem:s29+$0x1B0] =	vst v0  }
0xab: {  	[hbm4b:s6+s2] =	stream.linear.scatter [tilespmem:s14], [sflag:$0x3], $0x6800, $0x38;
	[tilespmem:$0x1A700] =	vst v63  }
0xac: {  	_ =	swait.ge [sflag:s20], $0x6800  }
0xad: {  	[sflag:s20] =	ssyncset.done $0x0  }
0xae: {  	[sflag:s20] =	ssyncadd.s32 $0xFFFF9800  }
0xaf: {  	[tilespmem:s14], [sflag:$0x1] =	stream.indirect.gather [hbm4b:s3+s13], $0x80, s21, s13, $0xb8;
	[tilespmem:$0x1A700] =	vst v63  }
0xb0: {  	_ = 	snop  }
0xb1: {  	[tilespmem:s15], [sflag:$0x1] =	stream.indirect.gather [hbm4b:s3+s13], $0x80, s22, s13, $0xb8;
	[tilespmem:$0x1A700] =	vst v63  }
0xb2: {  	_ =	swait.ge [sflag:s23], $0x6800  }
0xb3: {  	[sflag:s23] =	ssyncset.done $0x0  }
0xb4: {  	[sflag:s23] =	ssyncadd.s32 $0xFFFF9800  }
0xb5: {  	_ =	swait.ge [sflag:s23], $0x6800  }
0xb6: {  	[sflag:s23] =	ssyncset.done $0x0  }
0xb7: {  	s30 =	simm.s32 $0x14100;
	[sflag:s23] =	ssyncadd.s32 $0xFFFF9800  }
0xb8: {  	v0 =	vld [tilespmem:s30+$0xFFFFFE00];
	_ =	sdelay $0x3  }
0xb9: {  	s29 =	simm.s32 $0xD940  }
0xba: {  	[tilespmem:s29+$0xFFFFFE00] =	vst v0  }
0xbb: {  	v0 =	vld [tilespmem:s30+$0xFFFFFE10];
	_ =	sdelay $0x4  }
0xbc: {  	[tilespmem:s29+$0xFFFFFE10] =	vst v0  }
0xbd: {  	v0 =	vld [tilespmem:s30+$0xFFFFFE20];
	_ =	sdelay $0x4  }
0xbe: {  	[tilespmem:s29+$0xFFFFFE20] =	vst v0  }
0xbf: {  	v0 =	vld [tilespmem:s30+$0xFFFFFE30];
	_ =	sdelay $0x4  }
0xc0: {  	[tilespmem:s29+$0xFFFFFE30] =	vst v0  }
0xc1: {  	v0 =	vld [tilespmem:s30+$0xFFFFFE80];
	_ =	sdelay $0x4  }
0xc2: {  	[tilespmem:s29+$0xFFFFFE80] =	vst v0  }
0xc3: {  	v0 =	vld [tilespmem:s30+$0xFFFFFE90];
	_ =	sdelay $0x4  }
0xc4: {  	[tilespmem:s29+$0xFFFFFE90] =	vst v0  }
0xc5: {  	v0 =	vld [tilespmem:s30+$0xFFFFFEA0];
	_ =	sdelay $0x4  }
0xc6: {  	[tilespmem:s29+$0xFFFFFEA0] =	vst v0  }
0xc7: {  	v0 =	vld [tilespmem:s30+$0xFFFFFEB0];
	_ =	sdelay $0x4  }
0xc8: {  	[tilespmem:s29+$0xFFFFFEB0] =	vst v0  }
0xc9: {  	v0 =	vld [tilespmem:s30+$0xFFFFFF00];
	_ =	sdelay $0x4  }
0xca: {  	[tilespmem:s29+$0xFFFFFF00] =	vst v0  }
0xcb: {  	v0 =	vld [tilespmem:s30+$0xFFFFFF10];
	_ =	sdelay $0x4  }
0xcc: {  	[tilespmem:s29+$0xFFFFFF10] =	vst v0  }
0xcd: {  	v0 =	vld [tilespmem:s30+$0xFFFFFF20];
	_ =	sdelay $0x4  }
0xce: {  	[tilespmem:s29+$0xFFFFFF20] =	vst v0  }
0xcf: {  	v0 =	vld [tilespmem:s30+$0xFFFFFF30];
	_ =	sdelay $0x4  }
0xd0: {  	[tilespmem:s29+$0xFFFFFF30] =	vst v0  }
0xd1: {  	v0 =	vld [tilespmem:s30+$0xFFFFFF80];
	_ =	sdelay $0x4  }
0xd2: {  	[tilespmem:s29+$0xFFFFFF80] =	vst v0  }
0xd3: {  	v0 =	vld [tilespmem:s30+$0xFFFFFF90];
	_ =	sdelay $0x4  }
0xd4: {  	[tilespmem:s29+$0xFFFFFF90] =	vst v0  }
0xd5: {  	v0 =	vld [tilespmem:s30+$0xFFFFFFA0];
	_ =	sdelay $0x4  }
0xd6: {  	[tilespmem:s29+$0xFFFFFFA0] =	vst v0  }
0xd7: {  	v0 =	vld [tilespmem:s30+$0xFFFFFFB0];
	_ =	sdelay $0x4  }
0xd8: {  	[tilespmem:s29+$0xFFFFFFB0] =	vst v0  }
0xd9: {  	v0 =	vld [tilespmem:s30+$0x0];
	_ =	sdelay $0x4  }
0xda: {  	[tilespmem:s29+$0x0] =	vst v0  }
0xdb: {  	v0 =	vld [tilespmem:s30+$0x10];
	_ =	sdelay $0x4  }
0xdc: {  	[tilespmem:s29+$0x10] =	vst v0  }
0xdd: {  	v0 =	vld [tilespmem:s30+$0x20];
	_ =	sdelay $0x4  }
0xde: {  	[tilespmem:s29+$0x20] =	vst v0  }
0xdf: {  	v0 =	vld [tilespmem:s30+$0x30];
	_ =	sdelay $0x4  }
0xe0: {  	[tilespmem:s29+$0x30] =	vst v0  }
0xe1: {  	v0 =	vld [tilespmem:s30+$0x80];
	_ =	sdelay $0x4  }
0xe2: {  	[tilespmem:s29+$0x80] =	vst v0  }
0xe3: {  	v0 =	vld [tilespmem:s30+$0x90];
	_ =	sdelay $0x4  }
0xe4: {  	[tilespmem:s29+$0x90] =	vst v0  }
0xe5: {  	v0 =	vld [tilespmem:s30+$0xA0];
	_ =	sdelay $0x4  }
0xe6: {  	[tilespmem:s29+$0xA0] =	vst v0  }
0xe7: {  	v0 =	vld [tilespmem:s30+$0xB0];
	_ =	sdelay $0x4  }
0xe8: {  	[tilespmem:s29+$0xB0] =	vst v0  }
0xe9: {  	v0 =	vld [tilespmem:s30+$0x100];
	_ =	sdelay $0x4  }
0xea: {  	[tilespmem:s29+$0x100] =	vst v0  }
0xeb: {  	v0 =	vld [tilespmem:s30+$0x110];
	_ =	sdelay $0x4  }
0xec: {  	[tilespmem:s29+$0x110] =	vst v0  }
0xed: {  	v0 =	vld [tilespmem:s30+$0x120];
	_ =	sdelay $0x4  }
0xee: {  	[tilespmem:s29+$0x120] =	vst v0  }
0xef: {  	v0 =	vld [tilespmem:s30+$0x130];
	_ =	sdelay $0x4  }
0xf0: {  	[tilespmem:s29+$0x130] =	vst v0  }
0xf1: {  	v0 =	vld [tilespmem:s30+$0x180];
	_ =	sdelay $0x4  }
0xf2: {  	[tilespmem:s29+$0x180] =	vst v0  }
0xf3: {  	v0 =	vld [tilespmem:s30+$0x190];
	_ =	sdelay $0x4  }
0xf4: {  	[tilespmem:s29+$0x190] =	vst v0  }
0xf5: {  	v0 =	vld [tilespmem:s30+$0x1A0];
	_ =	sdelay $0x4  }
0xf6: {  	[tilespmem:s29+$0x1A0] =	vst v0  }
0xf7: {  	v0 =	vld [tilespmem:s30+$0x1B0];
	_ =	sdelay $0x4  }
0xf8: {  	s31 =	simm.s32 $0x14500;
	s30 =	simm.s32 $0x0;
	[tilespmem:s29+$0x1B0] =	vst v0  }
.LBB2_4:
0xf9: {  	v0 =	vld [tilespmem:s31+$0xFFFFFE00];
	s30 =	sadd.s32 $0x8, s30  }
0xfa: {  	p0 =	slt.u32 s30, $0xC8;
	_ =	sdelay $0x2  }
0xfb: {  	s29 =	sadd.s32 $0x400, s29  }
0xfc: {  	[tilespmem:s29+$0xFFFFFE00] =	vst v0  }
0xfd: {  	v0 =	vld [tilespmem:s31+$0xFFFFFE10];
	_ =	sdelay $0x4  }
0xfe: {  	[tilespmem:s29+$0xFFFFFE10] =	vst v0  }
0xff: {  	v0 =	vld [tilespmem:s31+$0xFFFFFE20];
	_ =	sdelay $0x4  }
0x100: {  	[tilespmem:s29+$0xFFFFFE20] =	vst v0  }
0x101: {  	v0 =	vld [tilespmem:s31+$0xFFFFFE30];
	_ =	sdelay $0x4  }
0x102: {  	[tilespmem:s29+$0xFFFFFE30] =	vst v0  }
0x103: {  	v0 =	vld [tilespmem:s31+$0xFFFFFE80];
	_ =	sdelay $0x4  }
0x104: {  	[tilespmem:s29+$0xFFFFFE80] =	vst v0  }
0x105: {  	v0 =	vld [tilespmem:s31+$0xFFFFFE90];
	_ =	sdelay $0x4  }
0x106: {  	[tilespmem:s29+$0xFFFFFE90] =	vst v0  }
0x107: {  	v0 =	vld [tilespmem:s31+$0xFFFFFEA0];
	_ =	sdelay $0x4  }
0x108: {  	[tilespmem:s29+$0xFFFFFEA0] =	vst v0  }
0x109: {  	v0 =	vld [tilespmem:s31+$0xFFFFFEB0];
	_ =	sdelay $0x4  }
0x10a: {  	[tilespmem:s29+$0xFFFFFEB0] =	vst v0  }
0x10b: {  	v0 =	vld [tilespmem:s31+$0xFFFFFF00];
	_ =	sdelay $0x4  }
0x10c: {  	[tilespmem:s29+$0xFFFFFF00] =	vst v0  }
0x10d: {  	v0 =	vld [tilespmem:s31+$0xFFFFFF10];
	_ =	sdelay $0x4  }
0x10e: {  	[tilespmem:s29+$0xFFFFFF10] =	vst v0  }
0x10f: {  	v0 =	vld [tilespmem:s31+$0xFFFFFF20];
	_ =	sdelay $0x4  }
0x110: {  	[tilespmem:s29+$0xFFFFFF20] =	vst v0  }
0x111: {  	v0 =	vld [tilespmem:s31+$0xFFFFFF30];
	_ =	sdelay $0x4  }
0x112: {  	[tilespmem:s29+$0xFFFFFF30] =	vst v0  }
0x113: {  	v0 =	vld [tilespmem:s31+$0xFFFFFF80];
	_ =	sdelay $0x4  }
0x114: {  	[tilespmem:s29+$0xFFFFFF80] =	vst v0  }
0x115: {  	v0 =	vld [tilespmem:s31+$0xFFFFFF90];
	_ =	sdelay $0x4  }
0x116: {  	[tilespmem:s29+$0xFFFFFF90] =	vst v0  }
0x117: {  	v0 =	vld [tilespmem:s31+$0xFFFFFFA0];
	_ =	sdelay $0x4  }
0x118: {  	[tilespmem:s29+$0xFFFFFFA0] =	vst v0  }
0x119: {  	v0 =	vld [tilespmem:s31+$0xFFFFFFB0];
	_ =	sdelay $0x4  }
0x11a: {  	[tilespmem:s29+$0xFFFFFFB0] =	vst v0  }
0x11b: {  	v0 =	vld [tilespmem:s31+$0x0];
	_ =	sdelay $0x4  }
0x11c: {  	[tilespmem:s29+$0x0] =	vst v0  }
0x11d: {  	v0 =	vld [tilespmem:s31+$0x10];
	_ =	sdelay $0x4  }
0x11e: {  	[tilespmem:s29+$0x10] =	vst v0  }
0x11f: {  	v0 =	vld [tilespmem:s31+$0x20];
	_ =	sdelay $0x4  }
0x120: {  	[tilespmem:s29+$0x20] =	vst v0  }
0x121: {  	v0 =	vld [tilespmem:s31+$0x30];
	_ =	sdelay $0x4  }
0x122: {  	[tilespmem:s29+$0x30] =	vst v0  }
0x123: {  	v0 =	vld [tilespmem:s31+$0x80];
	_ =	sdelay $0x4  }
0x124: {  	[tilespmem:s29+$0x80] =	vst v0  }
0x125: {  	v0 =	vld [tilespmem:s31+$0x90];
	_ =	sdelay $0x4  }
0x126: {  	[tilespmem:s29+$0x90] =	vst v0  }
0x127: {  	v0 =	vld [tilespmem:s31+$0xA0];
	_ =	sdelay $0x4  }
0x128: {  	[tilespmem:s29+$0xA0] =	vst v0  }
0x129: {  	v0 =	vld [tilespmem:s31+$0xB0];
	_ =	sdelay $0x4  }
0x12a: {  	[tilespmem:s29+$0xB0] =	vst v0  }
0x12b: {  	v0 =	vld [tilespmem:s31+$0x100];
	_ =	sdelay $0x4  }
0x12c: {  	[tilespmem:s29+$0x100] =	vst v0  }
0x12d: {  	v0 =	vld [tilespmem:s31+$0x110];
	_ =	sdelay $0x4  }
0x12e: {  	[tilespmem:s29+$0x110] =	vst v0  }
0x12f: {  	v0 =	vld [tilespmem:s31+$0x120];
	_ =	sdelay $0x4  }
0x130: {  	[tilespmem:s29+$0x120] =	vst v0  }
0x131: {  	v0 =	vld [tilespmem:s31+$0x130];
	_ =	sdelay $0x4  }
0x132: {  	[tilespmem:s29+$0x130] =	vst v0  }
0x133: {  	v0 =	vld [tilespmem:s31+$0x180];
	_ =	sdelay $0x4  }
0x134: {  	[tilespmem:s29+$0x180] =	vst v0  }
0x135: {  	v0 =	vld [tilespmem:s31+$0x190];
	_ =	sdelay $0x4  }
0x136: {  	[tilespmem:s29+$0x190] =	vst v0  }
0x137: {  	v0 =	vld [tilespmem:s31+$0x1A0];
	_ =	sdelay $0x4  }
0x138: {  	[tilespmem:s29+$0x1A0] =	vst v0  }
0x139: {  	v0 =	vld [tilespmem:s31+$0x1B0]  }
.Ltmp1:
0x13a: {  	(pc) =	sbr.rel @p0 .LBB2_4-.Ltmp1, $2  }
0x13b: {  	_ =	sdelay $0x2  }
0x13c: {  	s31 =	sadd.s32 $0x400, s31;
	[tilespmem:s29+$0x1B0] =	vst v0  }
0x13d: {  	[hbm4b:s7+s2] =	stream.linear.scatter [tilespmem:s16], [sflag:$0x4], $0x6800, $0x38;
	[tilespmem:$0x1A700] =	vst v63  }
0x13e: {  	_ =	swait.ge [sflag:s24], $0x6800  }
0x13f: {  	[sflag:s24] =	ssyncset.done $0x0  }
0x140: {  	[sflag:s24] =	ssyncadd.s32 $0xFFFF9800  }
0x141: {  	[tilespmem:s16], [sflag:$0x2] =	stream.indirect.gather [hbm4b:s3+s13], $0x80, s25, s13, $0xb8;
	[tilespmem:$0x1A700] =	vst v63  }
0x142: {  	_ = 	snop  }
0x143: {  	[tilespmem:s18], [sflag:$0x2] =	stream.indirect.gather [hbm4b:s3+s13], $0x80, s26, s13, $0xb8;
	[tilespmem:$0x1A700] =	vst v63  }
0x144: {  	_ =	swait.ge [sflag:s19], $0x6800  }
0x145: {  	[sflag:s19] =	ssyncset.done $0x0  }
0x146: {  	[sflag:s19] =	ssyncadd.s32 $0xFFFF9800  }
0x147: {  	_ =	swait.ge [sflag:s19], $0x6800  }
0x148: {  	[sflag:s19] =	ssyncset.done $0x0  }
0x149: {  	s30 =	simm.s32 $0x7100;
	[sflag:s19] =	ssyncadd.s32 $0xFFFF9800  }
0x14a: {  	v0 =	vld [tilespmem:s30+$0xFFFFFE00];
	_ =	sdelay $0x3  }
0x14b: {  	s29 =	simm.s32 $0x940  }
0x14c: {  	[tilespmem:s29+$0xFFFFFE00] =	vst v0  }
0x14d: {  	v0 =	vld [tilespmem:s30+$0xFFFFFE10];
	_ =	sdelay $0x4  }
0x14e: {  	[tilespmem:s29+$0xFFFFFE10] =	vst v0  }
0x14f: {  	v0 =	vld [tilespmem:s30+$0xFFFFFE20];
	_ =	sdelay $0x4  }
0x150: {  	[tilespmem:s29+$0xFFFFFE20] =	vst v0  }
0x151: {  	v0 =	vld [tilespmem:s30+$0xFFFFFE30];
	_ =	sdelay $0x4  }
0x152: {  	[tilespmem:s29+$0xFFFFFE30] =	vst v0  }
0x153: {  	v0 =	vld [tilespmem:s30+$0xFFFFFE80];
	_ =	sdelay $0x4  }
0x154: {  	[tilespmem:s29+$0xFFFFFE80] =	vst v0  }
0x155: {  	v0 =	vld [tilespmem:s30+$0xFFFFFE90];
	_ =	sdelay $0x4  }
0x156: {  	[tilespmem:s29+$0xFFFFFE90] =	vst v0  }
0x157: {  	v0 =	vld [tilespmem:s30+$0xFFFFFEA0];
	_ =	sdelay $0x4  }
0x158: {  	[tilespmem:s29+$0xFFFFFEA0] =	vst v0  }
0x159: {  	v0 =	vld [tilespmem:s30+$0xFFFFFEB0];
	_ =	sdelay $0x4  }
0x15a: {  	[tilespmem:s29+$0xFFFFFEB0] =	vst v0  }
0x15b: {  	v0 =	vld [tilespmem:s30+$0xFFFFFF00];
	_ =	sdelay $0x4  }
0x15c: {  	[tilespmem:s29+$0xFFFFFF00] =	vst v0  }
0x15d: {  	v0 =	vld [tilespmem:s30+$0xFFFFFF10];
	_ =	sdelay $0x4  }
0x15e: {  	[tilespmem:s29+$0xFFFFFF10] =	vst v0  }
0x15f: {  	v0 =	vld [tilespmem:s30+$0xFFFFFF20];
	_ =	sdelay $0x4  }
0x160: {  	[tilespmem:s29+$0xFFFFFF20] =	vst v0  }
0x161: {  	v0 =	vld [tilespmem:s30+$0xFFFFFF30];
	_ =	sdelay $0x4  }
0x162: {  	[tilespmem:s29+$0xFFFFFF30] =	vst v0  }
0x163: {  	v0 =	vld [tilespmem:s30+$0xFFFFFF80];
	_ =	sdelay $0x4  }
0x164: {  	[tilespmem:s29+$0xFFFFFF80] =	vst v0  }
0x165: {  	v0 =	vld [tilespmem:s30+$0xFFFFFF90];
	_ =	sdelay $0x4  }
0x166: {  	[tilespmem:s29+$0xFFFFFF90] =	vst v0  }
0x167: {  	v0 =	vld [tilespmem:s30+$0xFFFFFFA0];
	_ =	sdelay $0x4  }
0x168: {  	[tilespmem:s29+$0xFFFFFFA0] =	vst v0  }
0x169: {  	v0 =	vld [tilespmem:s30+$0xFFFFFFB0];
	_ =	sdelay $0x4  }
0x16a: {  	[tilespmem:s29+$0xFFFFFFB0] =	vst v0  }
0x16b: {  	v0 =	vld [tilespmem:s30+$0x0];
	_ =	sdelay $0x4  }
0x16c: {  	[tilespmem:s29+$0x0] =	vst v0  }
0x16d: {  	v0 =	vld [tilespmem:s30+$0x10];
	_ =	sdelay $0x4  }
0x16e: {  	[tilespmem:s29+$0x10] =	vst v0  }
0x16f: {  	v0 =	vld [tilespmem:s30+$0x20];
	_ =	sdelay $0x4  }
0x170: {  	[tilespmem:s29+$0x20] =	vst v0  }
0x171: {  	v0 =	vld [tilespmem:s30+$0x30];
	_ =	sdelay $0x4  }
0x172: {  	[tilespmem:s29+$0x30] =	vst v0  }
0x173: {  	v0 =	vld [tilespmem:s30+$0x80];
	_ =	sdelay $0x4  }
0x174: {  	[tilespmem:s29+$0x80] =	vst v0  }
0x175: {  	v0 =	vld [tilespmem:s30+$0x90];
	_ =	sdelay $0x4  }
0x176: {  	[tilespmem:s29+$0x90] =	vst v0  }
0x177: {  	v0 =	vld [tilespmem:s30+$0xA0];
	_ =	sdelay $0x4  }
0x178: {  	[tilespmem:s29+$0xA0] =	vst v0  }
0x179: {  	v0 =	vld [tilespmem:s30+$0xB0];
	_ =	sdelay $0x4  }
0x17a: {  	[tilespmem:s29+$0xB0] =	vst v0  }
0x17b: {  	v0 =	vld [tilespmem:s30+$0x100];
	_ =	sdelay $0x4  }
0x17c: {  	[tilespmem:s29+$0x100] =	vst v0  }
0x17d: {  	v0 =	vld [tilespmem:s30+$0x110];
	_ =	sdelay $0x4  }
0x17e: {  	[tilespmem:s29+$0x110] =	vst v0  }
0x17f: {  	v0 =	vld [tilespmem:s30+$0x120];
	_ =	sdelay $0x4  }
0x180: {  	[tilespmem:s29+$0x120] =	vst v0  }
0x181: {  	v0 =	vld [tilespmem:s30+$0x130];
	_ =	sdelay $0x4  }
0x182: {  	[tilespmem:s29+$0x130] =	vst v0  }
0x183: {  	v0 =	vld [tilespmem:s30+$0x180];
	_ =	sdelay $0x4  }
0x184: {  	[tilespmem:s29+$0x180] =	vst v0  }
0x185: {  	v0 =	vld [tilespmem:s30+$0x190];
	_ =	sdelay $0x4  }
0x186: {  	[tilespmem:s29+$0x190] =	vst v0  }
0x187: {  	v0 =	vld [tilespmem:s30+$0x1A0];
	_ =	sdelay $0x4  }
0x188: {  	[tilespmem:s29+$0x1A0] =	vst v0  }
0x189: {  	v0 =	vld [tilespmem:s30+$0x1B0];
	_ =	sdelay $0x4  }
0x18a: {  	s31 =	simm.s32 $0x7500;
	s30 =	simm.s32 $0x0;
	[tilespmem:s29+$0x1B0] =	vst v0  }
.LBB2_6:
0x18b: {  	v0 =	vld [tilespmem:s31+$0xFFFFFE00];
	s30 =	sadd.s32 $0x8, s30  }
0x18c: {  	p0 =	slt.u32 s30, $0xC8;
	_ =	sdelay $0x2  }
0x18d: {  	s29 =	sadd.s32 $0x400, s29  }
0x18e: {  	[tilespmem:s29+$0xFFFFFE00] =	vst v0  }
0x18f: {  	v0 =	vld [tilespmem:s31+$0xFFFFFE10];
	_ =	sdelay $0x4  }
0x190: {  	[tilespmem:s29+$0xFFFFFE10] =	vst v0  }
0x191: {  	v0 =	vld [tilespmem:s31+$0xFFFFFE20];
	_ =	sdelay $0x4  }
0x192: {  	[tilespmem:s29+$0xFFFFFE20] =	vst v0  }
0x193: {  	v0 =	vld [tilespmem:s31+$0xFFFFFE30];
	_ =	sdelay $0x4  }
0x194: {  	[tilespmem:s29+$0xFFFFFE30] =	vst v0  }
0x195: {  	v0 =	vld [tilespmem:s31+$0xFFFFFE80];
	_ =	sdelay $0x4  }
0x196: {  	[tilespmem:s29+$0xFFFFFE80] =	vst v0  }
0x197: {  	v0 =	vld [tilespmem:s31+$0xFFFFFE90];
	_ =	sdelay $0x4  }
0x198: {  	[tilespmem:s29+$0xFFFFFE90] =	vst v0  }
0x199: {  	v0 =	vld [tilespmem:s31+$0xFFFFFEA0];
	_ =	sdelay $0x4  }
0x19a: {  	[tilespmem:s29+$0xFFFFFEA0] =	vst v0  }
0x19b: {  	v0 =	vld [tilespmem:s31+$0xFFFFFEB0];
	_ =	sdelay $0x4  }
0x19c: {  	[tilespmem:s29+$0xFFFFFEB0] =	vst v0  }
0x19d: {  	v0 =	vld [tilespmem:s31+$0xFFFFFF00];
	_ =	sdelay $0x4  }
0x19e: {  	[tilespmem:s29+$0xFFFFFF00] =	vst v0  }
0x19f: {  	v0 =	vld [tilespmem:s31+$0xFFFFFF10];
	_ =	sdelay $0x4  }
0x1a0: {  	[tilespmem:s29+$0xFFFFFF10] =	vst v0  }
0x1a1: {  	v0 =	vld [tilespmem:s31+$0xFFFFFF20];
	_ =	sdelay $0x4  }
0x1a2: {  	[tilespmem:s29+$0xFFFFFF20] =	vst v0  }
0x1a3: {  	v0 =	vld [tilespmem:s31+$0xFFFFFF30];
	_ =	sdelay $0x4  }
0x1a4: {  	[tilespmem:s29+$0xFFFFFF30] =	vst v0  }
0x1a5: {  	v0 =	vld [tilespmem:s31+$0xFFFFFF80];
	_ =	sdelay $0x4  }
0x1a6: {  	[tilespmem:s29+$0xFFFFFF80] =	vst v0  }
0x1a7: {  	v0 =	vld [tilespmem:s31+$0xFFFFFF90];
	_ =	sdelay $0x4  }
0x1a8: {  	[tilespmem:s29+$0xFFFFFF90] =	vst v0  }
0x1a9: {  	v0 =	vld [tilespmem:s31+$0xFFFFFFA0];
	_ =	sdelay $0x4  }
0x1aa: {  	[tilespmem:s29+$0xFFFFFFA0] =	vst v0  }
0x1ab: {  	v0 =	vld [tilespmem:s31+$0xFFFFFFB0];
	_ =	sdelay $0x4  }
0x1ac: {  	[tilespmem:s29+$0xFFFFFFB0] =	vst v0  }
0x1ad: {  	v0 =	vld [tilespmem:s31+$0x0];
	_ =	sdelay $0x4  }
0x1ae: {  	[tilespmem:s29+$0x0] =	vst v0  }
0x1af: {  	v0 =	vld [tilespmem:s31+$0x10];
	_ =	sdelay $0x4  }
0x1b0: {  	[tilespmem:s29+$0x10] =	vst v0  }
0x1b1: {  	v0 =	vld [tilespmem:s31+$0x20];
	_ =	sdelay $0x4  }
0x1b2: {  	[tilespmem:s29+$0x20] =	vst v0  }
0x1b3: {  	v0 =	vld [tilespmem:s31+$0x30];
	_ =	sdelay $0x4  }
0x1b4: {  	[tilespmem:s29+$0x30] =	vst v0  }
0x1b5: {  	v0 =	vld [tilespmem:s31+$0x80];
	_ =	sdelay $0x4  }
0x1b6: {  	[tilespmem:s29+$0x80] =	vst v0  }
0x1b7: {  	v0 =	vld [tilespmem:s31+$0x90];
	_ =	sdelay $0x4  }
0x1b8: {  	[tilespmem:s29+$0x90] =	vst v0  }
0x1b9: {  	v0 =	vld [tilespmem:s31+$0xA0];
	_ =	sdelay $0x4  }
0x1ba: {  	[tilespmem:s29+$0xA0] =	vst v0  }
0x1bb: {  	v0 =	vld [tilespmem:s31+$0xB0];
	_ =	sdelay $0x4  }
0x1bc: {  	[tilespmem:s29+$0xB0] =	vst v0  }
0x1bd: {  	v0 =	vld [tilespmem:s31+$0x100];
	_ =	sdelay $0x4  }
0x1be: {  	[tilespmem:s29+$0x100] =	vst v0  }
0x1bf: {  	v0 =	vld [tilespmem:s31+$0x110];
	_ =	sdelay $0x4  }
0x1c0: {  	[tilespmem:s29+$0x110] =	vst v0  }
0x1c1: {  	v0 =	vld [tilespmem:s31+$0x120];
	_ =	sdelay $0x4  }
0x1c2: {  	[tilespmem:s29+$0x120] =	vst v0  }
0x1c3: {  	v0 =	vld [tilespmem:s31+$0x130];
	_ =	sdelay $0x4  }
0x1c4: {  	[tilespmem:s29+$0x130] =	vst v0  }
0x1c5: {  	v0 =	vld [tilespmem:s31+$0x180];
	_ =	sdelay $0x4  }
0x1c6: {  	[tilespmem:s29+$0x180] =	vst v0  }
0x1c7: {  	v0 =	vld [tilespmem:s31+$0x190];
	_ =	sdelay $0x4  }
0x1c8: {  	[tilespmem:s29+$0x190] =	vst v0  }
0x1c9: {  	v0 =	vld [tilespmem:s31+$0x1A0];
	_ =	sdelay $0x4  }
0x1ca: {  	[tilespmem:s29+$0x1A0] =	vst v0  }
0x1cb: {  	v0 =	vld [tilespmem:s31+$0x1B0]  }
.Ltmp2:
0x1cc: {  	(pc) =	sbr.rel @p0 .LBB2_6-.Ltmp2, $2  }
0x1cd: {  	_ =	sdelay $0x2  }
0x1ce: {  	s31 =	sadd.s32 $0x400, s31;
	[tilespmem:s29+$0x1B0] =	vst v0  }
0x1cf: {  	[hbm4b:s8+s2] =	stream.linear.scatter [tilespmem:s14], [sflag:$0x3], $0x6800, $0x38;
	[tilespmem:$0x1A700] =	vst v63  }
0x1d0: {  	_ =	swait.ge [sflag:s23], $0x6800  }
0x1d1: {  	[sflag:s23] =	ssyncset.done $0x0  }
0x1d2: {  	[sflag:s23] =	ssyncadd.s32 $0xFFFF9800  }
0x1d3: {  	_ =	swait.ge [sflag:s23], $0x6800  }
0x1d4: {  	[sflag:s23] =	ssyncset.done $0x0  }
0x1d5: {  	s30 =	simm.s32 $0x14100;
	[sflag:s23] =	ssyncadd.s32 $0xFFFF9800  }
0x1d6: {  	v0 =	vld [tilespmem:s30+$0xFFFFFE00];
	_ =	sdelay $0x3  }
0x1d7: {  	s29 =	simm.s32 $0xD940  }
0x1d8: {  	[tilespmem:s29+$0xFFFFFE00] =	vst v0  }
0x1d9: {  	v0 =	vld [tilespmem:s30+$0xFFFFFE10];
	_ =	sdelay $0x4  }
0x1da: {  	[tilespmem:s29+$0xFFFFFE10] =	vst v0  }
0x1db: {  	v0 =	vld [tilespmem:s30+$0xFFFFFE20];
	_ =	sdelay $0x4  }
0x1dc: {  	[tilespmem:s29+$0xFFFFFE20] =	vst v0  }
0x1dd: {  	v0 =	vld [tilespmem:s30+$0xFFFFFE30];
	_ =	sdelay $0x4  }
0x1de: {  	[tilespmem:s29+$0xFFFFFE30] =	vst v0  }
0x1df: {  	v0 =	vld [tilespmem:s30+$0xFFFFFE80];
	_ =	sdelay $0x4  }
0x1e0: {  	[tilespmem:s29+$0xFFFFFE80] =	vst v0  }
0x1e1: {  	v0 =	vld [tilespmem:s30+$0xFFFFFE90];
	_ =	sdelay $0x4  }
0x1e2: {  	[tilespmem:s29+$0xFFFFFE90] =	vst v0  }
0x1e3: {  	v0 =	vld [tilespmem:s30+$0xFFFFFEA0];
	_ =	sdelay $0x4  }
0x1e4: {  	[tilespmem:s29+$0xFFFFFEA0] =	vst v0  }
0x1e5: {  	v0 =	vld [tilespmem:s30+$0xFFFFFEB0];
	_ =	sdelay $0x4  }
0x1e6: {  	[tilespmem:s29+$0xFFFFFEB0] =	vst v0  }
0x1e7: {  	v0 =	vld [tilespmem:s30+$0xFFFFFF00];
	_ =	sdelay $0x4  }
0x1e8: {  	[tilespmem:s29+$0xFFFFFF00] =	vst v0  }
0x1e9: {  	v0 =	vld [tilespmem:s30+$0xFFFFFF10];
	_ =	sdelay $0x4  }
0x1ea: {  	[tilespmem:s29+$0xFFFFFF10] =	vst v0  }
0x1eb: {  	v0 =	vld [tilespmem:s30+$0xFFFFFF20];
	_ =	sdelay $0x4  }
0x1ec: {  	[tilespmem:s29+$0xFFFFFF20] =	vst v0  }
0x1ed: {  	v0 =	vld [tilespmem:s30+$0xFFFFFF30];
	_ =	sdelay $0x4  }
0x1ee: {  	[tilespmem:s29+$0xFFFFFF30] =	vst v0  }
0x1ef: {  	v0 =	vld [tilespmem:s30+$0xFFFFFF80];
	_ =	sdelay $0x4  }
0x1f0: {  	[tilespmem:s29+$0xFFFFFF80] =	vst v0  }
0x1f1: {  	v0 =	vld [tilespmem:s30+$0xFFFFFF90];
	_ =	sdelay $0x4  }
0x1f2: {  	[tilespmem:s29+$0xFFFFFF90] =	vst v0  }
0x1f3: {  	v0 =	vld [tilespmem:s30+$0xFFFFFFA0];
	_ =	sdelay $0x4  }
0x1f4: {  	[tilespmem:s29+$0xFFFFFFA0] =	vst v0  }
0x1f5: {  	v0 =	vld [tilespmem:s30+$0xFFFFFFB0];
	_ =	sdelay $0x4  }
0x1f6: {  	[tilespmem:s29+$0xFFFFFFB0] =	vst v0  }
0x1f7: {  	v0 =	vld [tilespmem:s30+$0x0];
	_ =	sdelay $0x4  }
0x1f8: {  	[tilespmem:s29+$0x0] =	vst v0  }
0x1f9: {  	v0 =	vld [tilespmem:s30+$0x10];
	_ =	sdelay $0x4  }
0x1fa: {  	[tilespmem:s29+$0x10] =	vst v0  }
0x1fb: {  	v0 =	vld [tilespmem:s30+$0x20];
	_ =	sdelay $0x4  }
0x1fc: {  	[tilespmem:s29+$0x20] =	vst v0  }
0x1fd: {  	v0 =	vld [tilespmem:s30+$0x30];
	_ =	sdelay $0x4  }
0x1fe: {  	[tilespmem:s29+$0x30] =	vst v0  }
0x1ff: {  	v0 =	vld [tilespmem:s30+$0x80];
	_ =	sdelay $0x4  }
0x200: {  	[tilespmem:s29+$0x80] =	vst v0  }
0x201: {  	v0 =	vld [tilespmem:s30+$0x90];
	_ =	sdelay $0x4  }
0x202: {  	[tilespmem:s29+$0x90] =	vst v0  }
0x203: {  	v0 =	vld [tilespmem:s30+$0xA0];
	_ =	sdelay $0x4  }
0x204: {  	[tilespmem:s29+$0xA0] =	vst v0  }
0x205: {  	v0 =	vld [tilespmem:s30+$0xB0];
	_ =	sdelay $0x4  }
0x206: {  	[tilespmem:s29+$0xB0] =	vst v0  }
0x207: {  	v0 =	vld [tilespmem:s30+$0x100];
	_ =	sdelay $0x4  }
0x208: {  	[tilespmem:s29+$0x100] =	vst v0  }
0x209: {  	v0 =	vld [tilespmem:s30+$0x110];
	_ =	sdelay $0x4  }
0x20a: {  	[tilespmem:s29+$0x110] =	vst v0  }
0x20b: {  	v0 =	vld [tilespmem:s30+$0x120];
	_ =	sdelay $0x4  }
0x20c: {  	[tilespmem:s29+$0x120] =	vst v0  }
0x20d: {  	v0 =	vld [tilespmem:s30+$0x130];
	_ =	sdelay $0x4  }
0x20e: {  	[tilespmem:s29+$0x130] =	vst v0  }
0x20f: {  	v0 =	vld [tilespmem:s30+$0x180];
	_ =	sdelay $0x4  }
0x210: {  	[tilespmem:s29+$0x180] =	vst v0  }
0x211: {  	v0 =	vld [tilespmem:s30+$0x190];
	_ =	sdelay $0x4  }
0x212: {  	[tilespmem:s29+$0x190] =	vst v0  }
0x213: {  	v0 =	vld [tilespmem:s30+$0x1A0];
	_ =	sdelay $0x4  }
0x214: {  	[tilespmem:s29+$0x1A0] =	vst v0  }
0x215: {  	v0 =	vld [tilespmem:s30+$0x1B0];
	_ =	sdelay $0x4  }
0x216: {  	s31 =	simm.s32 $0x14500;
	s30 =	simm.s32 $0x0;
	[tilespmem:s29+$0x1B0] =	vst v0  }
.LBB2_8:
0x217: {  	v0 =	vld [tilespmem:s31+$0xFFFFFE00];
	s30 =	sadd.s32 $0x8, s30  }
0x218: {  	p0 =	slt.u32 s30, $0xC8;
	_ =	sdelay $0x2  }
0x219: {  	s29 =	sadd.s32 $0x400, s29  }
0x21a: {  	[tilespmem:s29+$0xFFFFFE00] =	vst v0  }
0x21b: {  	v0 =	vld [tilespmem:s31+$0xFFFFFE10];
	_ =	sdelay $0x4  }
0x21c: {  	[tilespmem:s29+$0xFFFFFE10] =	vst v0  }
0x21d: {  	v0 =	vld [tilespmem:s31+$0xFFFFFE20];
	_ =	sdelay $0x4  }
0x21e: {  	[tilespmem:s29+$0xFFFFFE20] =	vst v0  }
0x21f: {  	v0 =	vld [tilespmem:s31+$0xFFFFFE30];
	_ =	sdelay $0x4  }
0x220: {  	[tilespmem:s29+$0xFFFFFE30] =	vst v0  }
0x221: {  	v0 =	vld [tilespmem:s31+$0xFFFFFE80];
	_ =	sdelay $0x4  }
0x222: {  	[tilespmem:s29+$0xFFFFFE80] =	vst v0  }
0x223: {  	v0 =	vld [tilespmem:s31+$0xFFFFFE90];
	_ =	sdelay $0x4  }
0x224: {  	[tilespmem:s29+$0xFFFFFE90] =	vst v0  }
0x225: {  	v0 =	vld [tilespmem:s31+$0xFFFFFEA0];
	_ =	sdelay $0x4  }
0x226: {  	[tilespmem:s29+$0xFFFFFEA0] =	vst v0  }
0x227: {  	v0 =	vld [tilespmem:s31+$0xFFFFFEB0];
	_ =	sdelay $0x4  }
0x228: {  	[tilespmem:s29+$0xFFFFFEB0] =	vst v0  }
0x229: {  	v0 =	vld [tilespmem:s31+$0xFFFFFF00];
	_ =	sdelay $0x4  }
0x22a: {  	[tilespmem:s29+$0xFFFFFF00] =	vst v0  }
0x22b: {  	v0 =	vld [tilespmem:s31+$0xFFFFFF10];
	_ =	sdelay $0x4  }
0x22c: {  	[tilespmem:s29+$0xFFFFFF10] =	vst v0  }
0x22d: {  	v0 =	vld [tilespmem:s31+$0xFFFFFF20];
	_ =	sdelay $0x4  }
0x22e: {  	[tilespmem:s29+$0xFFFFFF20] =	vst v0  }
0x22f: {  	v0 =	vld [tilespmem:s31+$0xFFFFFF30];
	_ =	sdelay $0x4  }
0x230: {  	[tilespmem:s29+$0xFFFFFF30] =	vst v0  }
0x231: {  	v0 =	vld [tilespmem:s31+$0xFFFFFF80];
	_ =	sdelay $0x4  }
0x232: {  	[tilespmem:s29+$0xFFFFFF80] =	vst v0  }
0x233: {  	v0 =	vld [tilespmem:s31+$0xFFFFFF90];
	_ =	sdelay $0x4  }
0x234: {  	[tilespmem:s29+$0xFFFFFF90] =	vst v0  }
0x235: {  	v0 =	vld [tilespmem:s31+$0xFFFFFFA0];
	_ =	sdelay $0x4  }
0x236: {  	[tilespmem:s29+$0xFFFFFFA0] =	vst v0  }
0x237: {  	v0 =	vld [tilespmem:s31+$0xFFFFFFB0];
	_ =	sdelay $0x4  }
0x238: {  	[tilespmem:s29+$0xFFFFFFB0] =	vst v0  }
0x239: {  	v0 =	vld [tilespmem:s31+$0x0];
	_ =	sdelay $0x4  }
0x23a: {  	[tilespmem:s29+$0x0] =	vst v0  }
0x23b: {  	v0 =	vld [tilespmem:s31+$0x10];
	_ =	sdelay $0x4  }
0x23c: {  	[tilespmem:s29+$0x10] =	vst v0  }
0x23d: {  	v0 =	vld [tilespmem:s31+$0x20];
	_ =	sdelay $0x4  }
0x23e: {  	[tilespmem:s29+$0x20] =	vst v0  }
0x23f: {  	v0 =	vld [tilespmem:s31+$0x30];
	_ =	sdelay $0x4  }
0x240: {  	[tilespmem:s29+$0x30] =	vst v0  }
0x241: {  	v0 =	vld [tilespmem:s31+$0x80];
	_ =	sdelay $0x4  }
0x242: {  	[tilespmem:s29+$0x80] =	vst v0  }
0x243: {  	v0 =	vld [tilespmem:s31+$0x90];
	_ =	sdelay $0x4  }
0x244: {  	[tilespmem:s29+$0x90] =	vst v0  }
0x245: {  	v0 =	vld [tilespmem:s31+$0xA0];
	_ =	sdelay $0x4  }
0x246: {  	[tilespmem:s29+$0xA0] =	vst v0  }
0x247: {  	v0 =	vld [tilespmem:s31+$0xB0];
	_ =	sdelay $0x4  }
0x248: {  	[tilespmem:s29+$0xB0] =	vst v0  }
0x249: {  	v0 =	vld [tilespmem:s31+$0x100];
	_ =	sdelay $0x4  }
0x24a: {  	[tilespmem:s29+$0x100] =	vst v0  }
0x24b: {  	v0 =	vld [tilespmem:s31+$0x110];
	_ =	sdelay $0x4  }
0x24c: {  	[tilespmem:s29+$0x110] =	vst v0  }
0x24d: {  	v0 =	vld [tilespmem:s31+$0x120];
	_ =	sdelay $0x4  }
0x24e: {  	[tilespmem:s29+$0x120] =	vst v0  }
0x24f: {  	v0 =	vld [tilespmem:s31+$0x130];
	_ =	sdelay $0x4  }
0x250: {  	[tilespmem:s29+$0x130] =	vst v0  }
0x251: {  	v0 =	vld [tilespmem:s31+$0x180];
	_ =	sdelay $0x4  }
0x252: {  	[tilespmem:s29+$0x180] =	vst v0  }
0x253: {  	v0 =	vld [tilespmem:s31+$0x190];
	_ =	sdelay $0x4  }
0x254: {  	[tilespmem:s29+$0x190] =	vst v0  }
0x255: {  	v0 =	vld [tilespmem:s31+$0x1A0];
	_ =	sdelay $0x4  }
0x256: {  	[tilespmem:s29+$0x1A0] =	vst v0  }
0x257: {  	v0 =	vld [tilespmem:s31+$0x1B0]  }
.Ltmp3:
0x258: {  	(pc) =	sbr.rel @p0 .LBB2_8-.Ltmp3, $2  }
0x259: {  	_ =	sdelay $0x2  }
0x25a: {  	s31 =	sadd.s32 $0x400, s31;
	[tilespmem:s29+$0x1B0] =	vst v0  }
0x25b: {  	[hbm4b:s9+s2] =	stream.linear.scatter [tilespmem:s16], [sflag:$0x4], $0x6800, $0x38;
	[tilespmem:$0x1A700] =	vst v63  }
0x25c: {  	s28 =	sadd.s32 $0x1, s28  }
0x25d: {  	_ =	swait.ge [sflag:s20], $0x6800;
	p0 =	sne.s32 s28, s10  }
.Ltmp4:
0x25e: {  	[sflag:s20] =	ssyncset.done $0x0;
	(pc) =	sbr.rel @p0 .LBB2_1-.Ltmp4, $4  }
0x25f: {  	[sflag:s20] =	ssyncadd.s32 $0xFFFF9800  }
0x260: {  	_ =	swait.ge [sflag:s24], $0x6800  }
0x261: {  	[sflag:s24] =	ssyncset.done $0x0  }
0x262: {  	[sflag:s24] =	ssyncadd.s32 $0xFFFF9800  }
0x263: {  	_ =	sfence.sel $0x180000  }
0x264: {  	[bflag:$0x0] =	sbarrier.arrive $0xFFFF  }
0x265: {  	p0 =	sne.s32 s0, $0x0;
	_ =	strace $0x90000047  }
0x266: {  	s0 =	sadd.s32 @!p0 $0x100000, s1;
	[bflag:$0x2] =	sbarrier.arrive $0xFFFF  }
0x267: {  	[sflag:s0] =	ssyncadd.tile.s32 @!p0 $0x1;
	_ =	shalt  }
.Lfunc_end2:
_tile_overlayer_lowered:
.L_overlay_start_2:
0x268: {  	(tag) =	ssettag $0x2  }
0x269: {  	s0 =	rddreg [dreg:$0x0];
	s2 =	stileid.u32  }
0x26a: {  	s1 =	rddreg [dreg:$0x1];
	p0 =	sne.s32 s2, $0x0  }
0x26b: {  	s3 =	rddreg [dreg:$0x2];
	[bflag:$0x3] =	sbarrier.arrive $0xFFFF;
	s2 =	simm.s32 @!p0 $0x1C05  }
0x26c: {  	[timem:s3], [sflag:s2] =	dma.local @!p0 [hbm:s0], s1  }
0x26d: {  	s0 =	simm.s32 @!p0 $0x5  }
0x26e: {  	_ =	swait.ge @!p0 [sflag:s0], s1  }
0x26f: {  	s1 =	ssub.s32 @!p0 $0x0, s1;
	[sflag:s0] =	ssyncset.done @!p0 $0x0  }
0x270: {  	[sflag:s0] =	ssyncadd.s32 @!p0 s1  }
0x271: {  	[bflag:$0x3] =	sbarrier.arrive $0xFFFF  }
0x272: {  	_ =	shalt  }

</sc_bundles>
